<compile_context>
chip_gen: v7x
topology: tpu7x:2x2x1
jax: 0.10.2.dev20260603
libtpu: 0.0.44.dev20260713+nightly
codegen_flags: <defaults>
</compile_context>

<pallas_src>
import functools

import jax
import jax.numpy as jnp
from jax import lax
from jax.experimental import pallas as pl
from jax.experimental.pallas import tpu as pltpu
from jax.experimental.pallas import tpu_sc as plsc

_NUM_CORES = 2
_NUM_SUBCORES = 16
_NUM_WORKERS = _NUM_CORES * _NUM_SUBCORES
_NBUF = 4
_LEAD = 3
_BLK = 128


def _gather_transposed(table2, idxT, batch, seq, depth):
    total = batch * seq
    n_blocks = total // _BLK
    blocks_per_worker = n_blocks // _NUM_WORKERS

    mesh = plsc.VectorSubcoreMesh(
        core_axis_name="c",
        subcore_axis_name="s",
        num_cores=_NUM_CORES,
        num_subcores=_NUM_SUBCORES,
    )

    @functools.partial(
        pl.kernel,
        out_type=jax.ShapeDtypeStruct((seq * 8, _BLK, 8, _BLK), jnp.float32),
        mesh=mesh,
        compiler_params=pltpu.CompilerParams(
            use_tc_tiling_on_sc=False, needs_layout_passes=False
        ),
        scratch_types=[
            pltpu.VMEM((blocks_per_worker * _BLK,), jnp.int32),
            [pltpu.VMEM((_BLK, depth), jnp.float32)] * _NBUF,
            [pltpu.VMEM((8, 8, _BLK + 1), jnp.float32)] * _NBUF,
            [pltpu.SemaphoreType.DMA] * _NBUF,
            [pltpu.SemaphoreType.DMA] * _NBUF,
        ],
    )
    def grab(table_hbm, idx_hbm, out_hbm, idx_all, rows, tbufs, gsems, wsems):
        c = lax.axis_index("c")
        s = lax.axis_index("s")
        wid = s * _NUM_CORES + c
        blk0 = wid * blocks_per_worker
        lane_iota = lax.iota(jnp.int32, 16)

        hi_dt = [lane_iota // 8 + 2 * d0 for d0 in range(depth // 16)]
        hi_ds = lane_iota % 8

        pltpu.sync_copy(
            idx_hbm.at[pl.ds(blk0 * _BLK, blocks_per_worker * _BLK)], idx_all
        )

        def gather_desc(slot, b):
            return pltpu.make_async_copy(
                table_hbm.at[idx_all.at[pl.ds(b * _BLK, _BLK)]],
                rows[slot],
                gsems[slot],
            )

        def write_desc(slot, blk):
            srow = (blk // _BLK) * 8
            bt = blk % _BLK
            return pltpu.make_async_copy(
                tbufs[slot].at[:, :, pl.ds(0, _BLK)],
                out_hbm.at[pl.ds(srow, 8), bt],
                wsems[slot],
            )

        for r in range(_LEAD):
            gather_desc(r, r).start()

        def transpose(slot):
            @plsc.parallel_loop(0, _BLK, unroll=16)
            def row(l):
                lo = jnp.full((16,), l, jnp.int32)
                for d0 in range(depth // 16):
                    v = rows[slot][l, pl.ds(d0 * 16, 16)]
                    plsc.store_scatter(tbufs[slot], [hi_dt[d0], hi_ds, lo], v)

        def body(i, _):
            b0 = i * _NBUF
            for r in range(_NBUF):
                b = b0 + r
                blk = blk0 + b

                @pl.when(b >= _NBUF)
                def _():
                    write_desc(r, blk).wait()

                gather_desc(r, b).wait()
                transpose(r)
                write_desc(r, blk).start()
                nxt = b + _LEAD

                @pl.when(nxt < blocks_per_worker)
                def _():
                    gather_desc((r + _LEAD) % _NBUF, nxt).start()
            return ()

        lax.fori_loop(0, blocks_per_worker // _NBUF, body, (), unroll=False)

        for r in range(_NBUF):
            write_desc(r, blk0).wait()

    return grab(table2, idxT)


@jax.jit
def _embed(x, W_embed):
    batch, seq = x.shape
    vocab, depth = W_embed.shape
    table2 = jnp.pad(W_embed, ((0, 0), (0, 128 - depth))).reshape(2 * vocab, depth)
    idxT = (x.T.astype(jnp.int32) * 2).reshape(batch * seq)
    out5 = _gather_transposed(table2, idxT, batch, seq, depth)
    out = (
        out5.reshape(seq, 8, 128, 8, 128)
        .transpose(2, 4, 0, 1, 3)
        .reshape(batch, seq, depth)
    )
    return out


def kernel(x, W_embed):
    return _embed(x, W_embed)

# --- scband reference (transcript-rebuilt; emitter-appended) ---
"""Pipeline reference for scband-word-embedding-63436666962430 (READ-ONLY COPY).

The authoritative reference and input builder live on the scoring server;
editing this copy changes nothing except your own understanding.
"""

import math
import jax, jax.numpy as jnp
import numpy as np

VOCAB_SIZE = 1000000
EMBED_SIZE = 64
BATCH = 16384
SEQ = 50

def setup_inputs(seed: int = 0) -> dict:
    key = jax.random.key(seed)
    k_x, k_w = jax.random.split(key)
    x = jax.random.randint(k_x, (BATCH, SEQ), 0, VOCAB_SIZE, dtype=jnp.int64 if jax.config.jax_enable_x64 else jnp.int32)
    W_embed = jax.random.normal(k_w, (VOCAB_SIZE, EMBED_SIZE), dtype=jnp.float32) / math.sqrt(VOCAB_SIZE)
    return {"x": x, "W_embed": W_embed}

def reference(x, W_embed):
    # out = W_embed[x]  -> gather rows from the embedding table
    out = jnp.take(W_embed, x, axis=0)
    return out

if __name__ == "__main__":
    import jax
    _d = setup_inputs()
    print(jax.jit(kernel)(*tuple(_d.values())))

</pallas_src>

<mosaic_0001>
#map = affine_map<(d0, d1) -> (0, 0)>
#map1 = affine_map<(d0, d1) -> (0)>
#map2 = affine_map<(d0, d1) -> (0, 0, 0, 0)>
module attributes {stable_mosaic.version = 14 : i64} {
  func.func @grab(%arg0: i32, %arg1: i32, %arg2: memref<2000000x64xf32, #tpu.memory_space<hbm>>, %arg3: memref<819200xi32, #tpu.memory_space<hbm>>, %arg4: memref<400x128x8x128xf32, #tpu.memory_space<hbm>>, %arg5: memref<25600xi32, #tpu.memory_space<vmem>>, %arg6: memref<128x64xf32, #tpu.memory_space<vmem>>, %arg7: memref<128x64xf32, #tpu.memory_space<vmem>>, %arg8: memref<128x64xf32, #tpu.memory_space<vmem>>, %arg9: memref<128x64xf32, #tpu.memory_space<vmem>>, %arg10: memref<8x8x129xf32, #tpu.memory_space<vmem>>, %arg11: memref<8x8x129xf32, #tpu.memory_space<vmem>>, %arg12: memref<8x8x129xf32, #tpu.memory_space<vmem>>, %arg13: memref<8x8x129xf32, #tpu.memory_space<vmem>>, %arg14: memref<!tpu.dma_semaphore, #tpu.memory_space<semaphore_mem>>, %arg15: memref<!tpu.dma_semaphore, #tpu.memory_space<semaphore_mem>>, %arg16: memref<!tpu.dma_semaphore, #tpu.memory_space<semaphore_mem>>, %arg17: memref<!tpu.dma_semaphore, #tpu.memory_space<semaphore_mem>>, %arg18: memref<!tpu.dma_semaphore, #tpu.memory_space<semaphore_mem>>, %arg19: memref<!tpu.dma_semaphore, #tpu.memory_space<semaphore_mem>>, %arg20: memref<!tpu.dma_semaphore, #tpu.memory_space<semaphore_mem>>, %arg21: memref<!tpu.dma_semaphore, #tpu.memory_space<semaphore_mem>>) attributes {dimension_semantics = [#tpu.dimension_semantics<core_parallel>, #tpu.dimension_semantics<subcore_parallel>], iteration_bounds = array<i64: 2, 16>, scalar_prefetch = 0 : i64, scratch_operands = 17 : i64, tpu.core_type = #tpu.core_type<sc_vector_subcore>, window_params = [{transform_indices = #map}, {transform_indices = #map1}, {transform_indices = #map2}]} {
    %mul3A = arith.constant 2 : i32
    %mul3A_0 = arith.muli %arg1, %mul3A : i32
    %add3A = arith.addi %mul3A_0, %arg0 : i32
    %mul3A_1 = arith.constant 200 : i32
    %mul3A_2 = arith.muli %add3A, %mul3A_1 : i32
    %iota3A = tpu.iota {dimensions = array<i32: 0>} : vector<16xi32>
    %jit3A = arith.constant 8 : i32
    %div3A = vector.broadcast %jit3A : i32 to vector<16xi32>
    %div3A_3 = arith.divsi %iota3A, %div3A : vector<16xi32>
    %sign3A = arith.constant 0 : i32
    %sign3A_4 = vector.broadcast %sign3A : i32 to vector<16xi32>
    %sign3A_5 = arith.cmpi sgt, %iota3A, %sign3A_4 : vector<16xi32>
    %sign3A_6 = arith.extui %sign3A_5 : vector<16xi1> to vector<16xi32>
    %sign3A_7 = arith.constant 0 : i32
    %sign3A_8 = vector.broadcast %sign3A_7 : i32 to vector<16xi32>
    %sign3A_9 = arith.cmpi slt, %iota3A, %sign3A_8 : vector<16xi32>
    %sign3A_10 = arith.extui %sign3A_9 : vector<16xi1> to vector<16xi32>
    %sign3A_11 = arith.subi %sign3A_6, %sign3A_10 : vector<16xi32>
    %sign3A_12 = arith.constant 0 : i32
    %sign3A_13 = arith.cmpi sgt, %jit3A, %sign3A_12 : i32
    %sign3A_14 = arith.extui %sign3A_13 : i1 to i32
    %sign3A_15 = arith.constant 0 : i32
    %sign3A_16 = arith.cmpi slt, %jit3A, %sign3A_15 : i32
    %sign3A_17 = arith.extui %sign3A_16 : i1 to i32
    %sign3A_18 = arith.subi %sign3A_14, %sign3A_17 : i32
    %ne3A = vector.broadcast %sign3A_18 : i32 to vector<16xi32>
    %ne3A_19 = arith.cmpi ne, %sign3A_11, %ne3A : vector<16xi32>
    %rem3A = vector.broadcast %jit3A : i32 to vector<16xi32>
    %rem3A_20 = arith.remsi %iota3A, %rem3A : vector<16xi32>
    %ne3A_21 = arith.constant 0 : i32
    %ne3A_22 = vector.broadcast %ne3A_21 : i32 to vector<16xi32>
    %ne3A_23 = arith.cmpi ne, %rem3A_20, %ne3A_22 : vector<16xi32>
    %and3A = arith.andi %ne3A_19, %ne3A_23 : vector<16xi1>
    %sub3A = arith.constant 1 : i32
    %sub3A_24 = vector.broadcast %sub3A : i32 to vector<16xi32>
    %sub3A_25 = arith.subi %div3A_3, %sub3A_24 : vector<16xi32>
    %select_n3A = arith.select %and3A, %sub3A_25, %div3A_3 : vector<16xi1>, vector<16xi32>
    %add3A_26 = arith.constant 0 : i32
    %add3A_27 = vector.broadcast %add3A_26 : i32 to vector<16xi32>
    %add3A_28 = arith.addi %select_n3A, %add3A_27 : vector<16xi32>
    %jit3A_29 = arith.constant 8 : i32
    %div3A_30 = vector.broadcast %jit3A_29 : i32 to vector<16xi32>
    %div3A_31 = arith.divsi %iota3A, %div3A_30 : vector<16xi32>
    %sign3A_32 = arith.constant 0 : i32
    %sign3A_33 = vector.broadcast %sign3A_32 : i32 to vector<16xi32>
    %sign3A_34 = arith.cmpi sgt, %iota3A, %sign3A_33 : vector<16xi32>
    %sign3A_35 = arith.extui %sign3A_34 : vector<16xi1> to vector<16xi32>
    %sign3A_36 = arith.constant 0 : i32
    %sign3A_37 = vector.broadcast %sign3A_36 : i32 to vector<16xi32>
    %sign3A_38 = arith.cmpi slt, %iota3A, %sign3A_37 : vector<16xi32>
    %sign3A_39 = arith.extui %sign3A_38 : vector<16xi1> to vector<16xi32>
    %sign3A_40 = arith.subi %sign3A_35, %sign3A_39 : vector<16xi32>
    %sign3A_41 = arith.constant 0 : i32
    %sign3A_42 = arith.cmpi sgt, %jit3A_29, %sign3A_41 : i32
    %sign3A_43 = arith.extui %sign3A_42 : i1 to i32
    %sign3A_44 = arith.constant 0 : i32
    %sign3A_45 = arith.cmpi slt, %jit3A_29, %sign3A_44 : i32
    %sign3A_46 = arith.extui %sign3A_45 : i1 to i32
    %sign3A_47 = arith.subi %sign3A_43, %sign3A_46 : i32
    %ne3A_48 = vector.broadcast %sign3A_47 : i32 to vector<16xi32>
    %ne3A_49 = arith.cmpi ne, %sign3A_40, %ne3A_48 : vector<16xi32>
    %rem3A_50 = vector.broadcast %jit3A_29 : i32 to vector<16xi32>
    %rem3A_51 = arith.remsi %iota3A, %rem3A_50 : vector<16xi32>
    %ne3A_52 = arith.constant 0 : i32
    %ne3A_53 = vector.broadcast %ne3A_52 : i32 to vector<16xi32>
    %ne3A_54 = arith.cmpi ne, %rem3A_51, %ne3A_53 : vector<16xi32>
    %and3A_55 = arith.andi %ne3A_49, %ne3A_54 : vector<16xi1>
    %sub3A_56 = arith.constant 1 : i32
    %sub3A_57 = vector.broadcast %sub3A_56 : i32 to vector<16xi32>
    %sub3A_58 = arith.subi %div3A_31, %sub3A_57 : vector<16xi32>
    %select_n3A_59 = arith.select %and3A_55, %sub3A_58, %div3A_31 : vector<16xi1>, vector<16xi32>
    %add3A_60 = arith.constant 2 : i32
    %add3A_61 = vector.broadcast %add3A_60 : i32 to vector<16xi32>
    %add3A_62 = arith.addi %select_n3A_59, %add3A_61 : vector<16xi32>
    %jit3A_63 = arith.constant 8 : i32
    %div3A_64 = vector.broadcast %jit3A_63 : i32 to vector<16xi32>
    %div3A_65 = arith.divsi %iota3A, %div3A_64 : vector<16xi32>
    %sign3A_66 = arith.constant 0 : i32
    %sign3A_67 = vector.broadcast %sign3A_66 : i32 to vector<16xi32>
    %sign3A_68 = arith.cmpi sgt, %iota3A, %sign3A_67 : vector<16xi32>
    %sign3A_69 = arith.extui %sign3A_68 : vector<16xi1> to vector<16xi32>
    %sign3A_70 = arith.constant 0 : i32
    %sign3A_71 = vector.broadcast %sign3A_70 : i32 to vector<16xi32>
    %sign3A_72 = arith.cmpi slt, %iota3A, %sign3A_71 : vector<16xi32>
    %sign3A_73 = arith.extui %sign3A_72 : vector<16xi1> to vector<16xi32>
    %sign3A_74 = arith.subi %sign3A_69, %sign3A_73 : vector<16xi32>
    %sign3A_75 = arith.constant 0 : i32
    %sign3A_76 = arith.cmpi sgt, %jit3A_63, %sign3A_75 : i32
    %sign3A_77 = arith.extui %sign3A_76 : i1 to i32
    %sign3A_78 = arith.constant 0 : i32
    %sign3A_79 = arith.cmpi slt, %jit3A_63, %sign3A_78 : i32
    %sign3A_80 = arith.extui %sign3A_79 : i1 to i32
    %sign3A_81 = arith.subi %sign3A_77, %sign3A_80 : i32
    %ne3A_82 = vector.broadcast %sign3A_81 : i32 to vector<16xi32>
    %ne3A_83 = arith.cmpi ne, %sign3A_74, %ne3A_82 : vector<16xi32>
    %rem3A_84 = vector.broadcast %jit3A_63 : i32 to vector<16xi32>
    %rem3A_85 = arith.remsi %iota3A, %rem3A_84 : vector<16xi32>
    %ne3A_86 = arith.constant 0 : i32
    %ne3A_87 = vector.broadcast %ne3A_86 : i32 to vector<16xi32>
    %ne3A_88 = arith.cmpi ne, %rem3A_85, %ne3A_87 : vector<16xi32>
    %and3A_89 = arith.andi %ne3A_83, %ne3A_88 : vector<16xi1>
    %sub3A_90 = arith.constant 1 : i32
    %sub3A_91 = vector.broadcast %sub3A_90 : i32 to vector<16xi32>
    %sub3A_92 = arith.subi %div3A_65, %sub3A_91 : vector<16xi32>
    %select_n3A_93 = arith.select %and3A_89, %sub3A_92, %div3A_65 : vector<16xi1>, vector<16xi32>
    %add3A_94 = arith.constant 4 : i32
    %add3A_95 = vector.broadcast %add3A_94 : i32 to vector<16xi32>
    %add3A_96 = arith.addi %select_n3A_93, %add3A_95 : vector<16xi32>
    %jit3A_97 = arith.constant 8 : i32
    %div3A_98 = vector.broadcast %jit3A_97 : i32 to vector<16xi32>
    %div3A_99 = arith.divsi %iota3A, %div3A_98 : vector<16xi32>
    %sign3A_100 = arith.constant 0 : i32
    %sign3A_101 = vector.broadcast %sign3A_100 : i32 to vector<16xi32>
    %sign3A_102 = arith.cmpi sgt, %iota3A, %sign3A_101 : vector<16xi32>
    %sign3A_103 = arith.extui %sign3A_102 : vector<16xi1> to vector<16xi32>
    %sign3A_104 = arith.constant 0 : i32
    %sign3A_105 = vector.broadcast %sign3A_104 : i32 to vector<16xi32>
    %sign3A_106 = arith.cmpi slt, %iota3A, %sign3A_105 : vector<16xi32>
    %sign3A_107 = arith.extui %sign3A_106 : vector<16xi1> to vector<16xi32>
    %sign3A_108 = arith.subi %sign3A_103, %sign3A_107 : vector<16xi32>
    %sign3A_109 = arith.constant 0 : i32
    %sign3A_110 = arith.cmpi sgt, %jit3A_97, %sign3A_109 : i32
    %sign3A_111 = arith.extui %sign3A_110 : i1 to i32
    %sign3A_112 = arith.constant 0 : i32
    %sign3A_113 = arith.cmpi slt, %jit3A_97, %sign3A_112 : i32
    %sign3A_114 = arith.extui %sign3A_113 : i1 to i32
    %sign3A_115 = arith.subi %sign3A_111, %sign3A_114 : i32
    %ne3A_116 = vector.broadcast %sign3A_115 : i32 to vector<16xi32>
    %ne3A_117 = arith.cmpi ne, %sign3A_108, %ne3A_116 : vector<16xi32>
    %rem3A_118 = vector.broadcast %jit3A_97 : i32 to vector<16xi32>
    %rem3A_119 = arith.remsi %iota3A, %rem3A_118 : vector<16xi32>
    %ne3A_120 = arith.constant 0 : i32
    %ne3A_121 = vector.broadcast %ne3A_120 : i32 to vector<16xi32>
    %ne3A_122 = arith.cmpi ne, %rem3A_119, %ne3A_121 : vector<16xi32>
    %and3A_123 = arith.andi %ne3A_117, %ne3A_122 : vector<16xi1>
    %sub3A_124 = arith.constant 1 : i32
    %sub3A_125 = vector.broadcast %sub3A_124 : i32 to vector<16xi32>
    %sub3A_126 = arith.subi %div3A_99, %sub3A_125 : vector<16xi32>
    %select_n3A_127 = arith.select %and3A_123, %sub3A_126, %div3A_99 : vector<16xi1>, vector<16xi32>
    %add3A_128 = arith.constant 6 : i32
    %add3A_129 = vector.broadcast %add3A_128 : i32 to vector<16xi32>
    %add3A_130 = arith.addi %select_n3A_127, %add3A_129 : vector<16xi32>
    %jit3A_131 = arith.constant 8 : i32
    %eq3A = arith.constant 0 : i32
    %eq3A_132 = arith.cmpi eq, %jit3A_131, %eq3A : i32
    %jit3A_133 = arith.constant 1 : i32
    %select_n3A_134 = arith.select %eq3A_132, %jit3A_133, %jit3A_131 : i32
    %rem3A_135 = vector.broadcast %select_n3A_134 : i32 to vector<16xi32>
    %rem3A_136 = arith.remsi %iota3A, %rem3A_135 : vector<16xi32>
    %ne3A_137 = arith.constant 0 : i32
    %ne3A_138 = vector.broadcast %ne3A_137 : i32 to vector<16xi32>
    %ne3A_139 = arith.cmpi ne, %rem3A_136, %ne3A_138 : vector<16xi32>
    %lt3A = arith.constant 0 : i32
    %lt3A_140 = vector.broadcast %lt3A : i32 to vector<16xi32>
    %lt3A_141 = arith.cmpi slt, %rem3A_136, %lt3A_140 : vector<16xi32>
    %lt3A_142 = arith.constant 0 : i32
    %lt3A_143 = arith.cmpi slt, %select_n3A_134, %lt3A_142 : i32
    %ne3A_144 = vector.broadcast %lt3A_143 : i1 to vector<16xi1>
    %ne3A_145 = vector.broadcast %ne3A_144 : vector<16xi1> to vector<16xi1>
    %ne3A_146 = arith.xori %lt3A_141, %ne3A_145 : vector<16xi1>
    %and3A_147 = arith.andi %ne3A_146, %ne3A_139 : vector<16xi1>
    %add3A_148 = vector.broadcast %select_n3A_134 : i32 to vector<16xi32>
    %add3A_149 = arith.addi %rem3A_136, %add3A_148 : vector<16xi32>
    %select_n3A_150 = arith.select %and3A_147, %add3A_149, %rem3A_136 : vector<16xi1>, vector<16xi32>
    %mul3A_151 = arith.constant 128 : i32
    %mul3A_152 = arith.muli %mul3A_2, %mul3A_151 : i32
    "tpu.region"() ({
      %run_scoped3A = tpu.sem_alloc : memref<!tpu.dma_semaphore, #tpu.memory_space<semaphore_mem>>
      %dma_start3A_402 = tpu.memref_slice %arg3[%mul3A_152] : memref<819200xi32, #tpu.memory_space<hbm>> -> memref<25600xi32, #tpu.memory_space<hbm>>
      %dma_start3A_403 = tpu.memref_slice %arg3[%mul3A_152] : memref<819200xi32, #tpu.memory_space<hbm>> -> memref<25600xi32, #tpu.memory_space<hbm>>
      tpu.enqueue_dma source(%dma_start3A_403 : memref<25600xi32, #tpu.memory_space<hbm>>) target(%arg5 : memref<25600xi32, #tpu.memory_space<vmem>>) target_semaphore(%run_scoped3A : memref<!tpu.dma_semaphore, #tpu.memory_space<semaphore_mem>>)
      %dma_wait3A_404 = tpu.memref_slice %arg3[%mul3A_152] : memref<819200xi32, #tpu.memory_space<hbm>> -> memref<25600xi32, #tpu.memory_space<hbm>>
      %dma_wait3A_405 = tpu.memref_slice %arg3[%mul3A_152] : memref<819200xi32, #tpu.memory_space<hbm>> -> memref<25600xi32, #tpu.memory_space<hbm>>
      tpu.wait_dma2 semaphore(%run_scoped3A : memref<!tpu.dma_semaphore, #tpu.memory_space<semaphore_mem>>) src(%dma_wait3A_405 : memref<25600xi32, #tpu.memory_space<hbm>>) dst(%arg5 : memref<25600xi32, #tpu.memory_space<vmem>>)
      tpu.yield
    }) : () -> ()
    %dma_start3A = arith.constant 0 : i32
    %dma_start3A_153 = tpu.memref_slice %arg5[%dma_start3A] : memref<25600xi32, #tpu.memory_space<vmem>> -> memref<128xi32, #tpu.memory_space<vmem>>
    %dma_start3A_154 = arith.constant 0 : i32
    %dma_start3A_155 = arith.constant 0 : i32
    %dma_start3A_156 = tpu.memref_slice %arg2[%dma_start3A_154, %dma_start3A_155] : memref<2000000x64xf32, #tpu.memory_space<hbm>> -> memref<2000000x64xf32, #tpu.memory_space<hbm>>
    tpu.enqueue_indirect_dma source(%dma_start3A_156 : memref<2000000x64xf32, #tpu.memory_space<hbm>>) target(%arg6 : memref<128x64xf32, #tpu.memory_space<vmem>>) offsets(%dma_start3A_153 : memref<128xi32, #tpu.memory_space<vmem>>) semaphore(%arg14 : memref<!tpu.dma_semaphore, #tpu.memory_space<semaphore_mem>>)
    %dma_start3A_157 = arith.constant 128 : i32
    %dma_start3A_158 = tpu.memref_slice %arg5[%dma_start3A_157] : memref<25600xi32, #tpu.memory_space<vmem>> -> memref<128xi32, #tpu.memory_space<vmem>>
    %dma_start3A_159 = arith.constant 0 : i32
    %dma_start3A_160 = arith.constant 0 : i32
    %dma_start3A_161 = tpu.memref_slice %arg2[%dma_start3A_159, %dma_start3A_160] : memref<2000000x64xf32, #tpu.memory_space<hbm>> -> memref<2000000x64xf32, #tpu.memory_space<hbm>>
    tpu.enqueue_indirect_dma source(%dma_start3A_161 : memref<2000000x64xf32, #tpu.memory_space<hbm>>) target(%arg7 : memref<128x64xf32, #tpu.memory_space<vmem>>) offsets(%dma_start3A_158 : memref<128xi32, #tpu.memory_space<vmem>>) semaphore(%arg15 : memref<!tpu.dma_semaphore, #tpu.memory_space<semaphore_mem>>)
    %dma_start3A_162 = arith.constant 256 : i32
    %dma_start3A_163 = tpu.memref_slice %arg5[%dma_start3A_162] : memref<25600xi32, #tpu.memory_space<vmem>> -> memref<128xi32, #tpu.memory_space<vmem>>
    %dma_start3A_164 = arith.constant 0 : i32
    %dma_start3A_165 = arith.constant 0 : i32
    %dma_start3A_166 = tpu.memref_slice %arg2[%dma_start3A_164, %dma_start3A_165] : memref<2000000x64xf32, #tpu.memory_space<hbm>> -> memref<2000000x64xf32, #tpu.memory_space<hbm>>
    tpu.enqueue_indirect_dma source(%dma_start3A_166 : memref<2000000x64xf32, #tpu.memory_space<hbm>>) target(%arg8 : memref<128x64xf32, #tpu.memory_space<vmem>>) offsets(%dma_start3A_163 : memref<128xi32, #tpu.memory_space<vmem>>) semaphore(%arg16 : memref<!tpu.dma_semaphore, #tpu.memory_space<semaphore_mem>>)
    %scan3A = arith.constant 0 : i32
    %scan3A_167 = arith.constant 50 : i32
    %scan3A_168 = arith.addi %scan3A, %scan3A_167 : i32
    %scan3A_169 = arith.constant 1 : i32
    scf.for %scan3A_402 = %scan3A to %scan3A_168 step %scan3A_169  : i32 {
      %mul3A_403 = arith.constant 4 : i32
      %mul3A_404 = arith.muli %scan3A_402, %mul3A_403 : i32
      %add3A_405 = arith.constant 0 : i32
      %add3A_406 = arith.addi %mul3A_404, %add3A_405 : i32
      %add3A_407 = arith.addi %mul3A_2, %add3A_406 : i32
      %ge3A = arith.constant 4 : i32
      %ge3A_408 = arith.cmpi sge, %add3A_406, %ge3A : i32
      %convert_element_type3A = arith.extui %ge3A_408 : i1 to i32
      %cond3A = arith.constant 0 : i32
      %cond3A_409 = arith.cmpi ne, %convert_element_type3A, %cond3A : i32
      scf.if %cond3A_409 {
        %jit3A_729 = arith.constant 128 : i32
        %div3A_730 = arith.divsi %add3A_407, %jit3A_729 : i32
        %sign3A_731 = arith.constant 0 : i32
        %sign3A_732 = arith.cmpi sgt, %add3A_407, %sign3A_731 : i32
        %sign3A_733 = arith.extui %sign3A_732 : i1 to i32
        %sign3A_734 = arith.constant 0 : i32
        %sign3A_735 = arith.cmpi slt, %add3A_407, %sign3A_734 : i32
        %sign3A_736 = arith.extui %sign3A_735 : i1 to i32
        %sign3A_737 = arith.subi %sign3A_733, %sign3A_736 : i32
        %sign3A_738 = arith.constant 0 : i32
        %sign3A_739 = arith.cmpi sgt, %jit3A_729, %sign3A_738 : i32
        %sign3A_740 = arith.extui %sign3A_739 : i1 to i32
        %sign3A_741 = arith.constant 0 : i32
        %sign3A_742 = arith.cmpi slt, %jit3A_729, %sign3A_741 : i32
        %sign3A_743 = arith.extui %sign3A_742 : i1 to i32
        %sign3A_744 = arith.subi %sign3A_740, %sign3A_743 : i32
        %ne3A_745 = arith.cmpi ne, %sign3A_737, %sign3A_744 : i32
        %rem3A_746 = arith.remsi %add3A_407, %jit3A_729 : i32
        %ne3A_747 = arith.constant 0 : i32
        %ne3A_748 = arith.cmpi ne, %rem3A_746, %ne3A_747 : i32
        %and3A_749 = arith.andi %ne3A_745, %ne3A_748 : i1
        %sub3A_750 = arith.constant 1 : i32
        %sub3A_751 = arith.subi %div3A_730, %sub3A_750 : i32
        %select_n3A_752 = arith.select %and3A_749, %sub3A_751, %div3A_730 : i32
        %mul3A_753 = arith.constant 8 : i32
        %mul3A_754 = arith.muli %select_n3A_752, %mul3A_753 : i32
        %jit3A_755 = arith.constant 128 : i32
        %eq3A_756 = arith.constant 0 : i32
        %eq3A_757 = arith.cmpi eq, %jit3A_755, %eq3A_756 : i32
        %jit3A_758 = arith.constant 1 : i32
        %select_n3A_759 = arith.select %eq3A_757, %jit3A_758, %jit3A_755 : i32
        %rem3A_760 = arith.remsi %add3A_407, %select_n3A_759 : i32
        %ne3A_761 = arith.constant 0 : i32
        %ne3A_762 = arith.cmpi ne, %rem3A_760, %ne3A_761 : i32
        %lt3A_763 = arith.constant 0 : i32
        %lt3A_764 = arith.cmpi slt, %rem3A_760, %lt3A_763 : i32
        %lt3A_765 = arith.constant 0 : i32
        %lt3A_766 = arith.cmpi slt, %select_n3A_759, %lt3A_765 : i32
        %ne3A_767 = arith.xori %lt3A_764, %lt3A_766 : i1
        %and3A_768 = arith.andi %ne3A_767, %ne3A_762 : i1
        %add3A_769 = arith.addi %rem3A_760, %select_n3A_759 : i32
        %select_n3A_770 = arith.select %and3A_768, %add3A_769, %rem3A_760 : i32
        %dma_wait3A_771 = arith.constant 0 : i32
        %dma_wait3A_772 = arith.constant 0 : i32
        %dma_wait3A_773 = arith.constant 0 : i32
        %dma_wait3A_774 = tpu.memref_slice %arg10[%dma_wait3A_771, %dma_wait3A_772, %dma_wait3A_773] : memref<8x8x129xf32, #tpu.memory_space<vmem>> -> memref<8x8x128xf32, #tpu.memory_space<vmem>>
        %dma_wait3A_775 = arith.constant 0 : i32
        %dma_wait3A_776 = arith.constant 0 : i32
        %dma_wait3A_777 = tpu.memref_slice %arg4[%mul3A_754, %select_n3A_770, %dma_wait3A_775, %dma_wait3A_776] : memref<400x128x8x128xf32, #tpu.memory_space<hbm>> -> memref<8x1x8x128xf32, #tpu.memory_space<hbm>>
        %dma_wait3A_778 = tpu.memref_squeeze %dma_wait3A_777 : memref<8x1x8x128xf32, #tpu.memory_space<hbm>> -> memref<8x8x128xf32, #tpu.memory_space<hbm>>
        %dma_wait3A_779 = arith.constant 0 : i32
        %dma_wait3A_780 = arith.constant 0 : i32
        %dma_wait3A_781 = tpu.memref_slice %arg4[%mul3A_754, %select_n3A_770, %dma_wait3A_779, %dma_wait3A_780] : memref<400x128x8x128xf32, #tpu.memory_space<hbm>> -> memref<8x1x8x128xf32, #tpu.memory_space<hbm>>
        %dma_wait3A_782 = tpu.memref_squeeze %dma_wait3A_781 : memref<8x1x8x128xf32, #tpu.memory_space<hbm>> -> memref<8x8x128xf32, #tpu.memory_space<hbm>>
        %dma_wait3A_783 = arith.constant 0 : i32
        %dma_wait3A_784 = arith.constant 0 : i32
        %dma_wait3A_785 = arith.constant 0 : i32
        %dma_wait3A_786 = tpu.memref_slice %arg10[%dma_wait3A_783, %dma_wait3A_784, %dma_wait3A_785] : memref<8x8x129xf32, #tpu.memory_space<vmem>> -> memref<8x8x128xf32, #tpu.memory_space<vmem>>
        tpu.wait_dma2 semaphore(%arg18 : memref<!tpu.dma_semaphore, #tpu.memory_space<semaphore_mem>>) src(%dma_wait3A_786 : memref<8x8x128xf32, #tpu.memory_space<vmem>>) dst(%dma_wait3A_782 : memref<8x8x128xf32, #tpu.memory_space<hbm>>)
      } else {
      }
      %mul3A_410 = arith.constant 128 : i32
      %mul3A_411 = arith.muli %add3A_406, %mul3A_410 : i32
      %dma_wait3A_412 = tpu.memref_slice %arg5[%mul3A_411] : memref<25600xi32, #tpu.memory_space<vmem>> -> memref<128xi32, #tpu.memory_space<vmem>>
      %dma_wait3A_413 = arith.constant 0 : i32
      %dma_wait3A_414 = arith.constant 0 : i32
      %dma_wait3A_415 = tpu.memref_slice %arg2[%dma_wait3A_413, %dma_wait3A_414] : memref<2000000x64xf32, #tpu.memory_space<hbm>> -> memref<2000000x64xf32, #tpu.memory_space<hbm>>
      tpu.wait_indirect_dma semaphore(%arg14 : memref<!tpu.dma_semaphore, #tpu.memory_space<semaphore_mem>>) src(%dma_wait3A_415 : memref<2000000x64xf32, #tpu.memory_space<hbm>>) dst(%arg6 : memref<128x64xf32, #tpu.memory_space<vmem>>)
      %parallel_loop3A = arith.constant 0 : i32
      %parallel_loop3A_416 = arith.constant 128 : i32
      %parallel_loop3A_417 = arith.constant 1 : i32
      scf.for %parallel_loop3A_729 = %parallel_loop3A to %parallel_loop3A_416 step %parallel_loop3A_417  : i32 {
        %parallel_loop3A_730 = vector.broadcast %parallel_loop3A_729 : i32 to vector<16xi32>
        %parallel_loop3A_731 = arith.index_cast %parallel_loop3A_729 : i32 to index
        %parallel_loop3A_732 = arith.constant 0 : index
        %parallel_loop3A_733 = tpu.vector_load %arg6[%parallel_loop3A_731, %parallel_loop3A_732] {strides = array<i32>} : memref<128x64xf32, #tpu.memory_space<vmem>>, vector<16xf32>,
        tpu.vector_store_idx %arg10[%add3A_28, %select_n3A_150, %parallel_loop3A_730], %parallel_loop3A_733 : memref<8x8x129xf32, #tpu.memory_space<vmem>>[vector<16xi32>, vector<16xi32>, vector<16xi32>], vector<16xf32>,
        %parallel_loop3A_734 = arith.index_cast %parallel_loop3A_729 : i32 to index
        %parallel_loop3A_735 = arith.constant 16 : index
        %parallel_loop3A_736 = tpu.vector_load %arg6[%parallel_loop3A_734, %parallel_loop3A_735] {strides = array<i32>} : memref<128x64xf32, #tpu.memory_space<vmem>>, vector<16xf32>,
        tpu.vector_store_idx %arg10[%add3A_62, %select_n3A_150, %parallel_loop3A_730], %parallel_loop3A_736 : memref<8x8x129xf32, #tpu.memory_space<vmem>>[vector<16xi32>, vector<16xi32>, vector<16xi32>], vector<16xf32>,
        %parallel_loop3A_737 = arith.index_cast %parallel_loop3A_729 : i32 to index
        %parallel_loop3A_738 = arith.constant 32 : index
        %parallel_loop3A_739 = tpu.vector_load %arg6[%parallel_loop3A_737, %parallel_loop3A_738] {strides = array<i32>} : memref<128x64xf32, #tpu.memory_space<vmem>>, vector<16xf32>,
        tpu.vector_store_idx %arg10[%add3A_96, %select_n3A_150, %parallel_loop3A_730], %parallel_loop3A_739 : memref<8x8x129xf32, #tpu.memory_space<vmem>>[vector<16xi32>, vector<16xi32>, vector<16xi32>], vector<16xf32>,
        %parallel_loop3A_740 = arith.index_cast %parallel_loop3A_729 : i32 to index
        %parallel_loop3A_741 = arith.constant 48 : index
        %parallel_loop3A_742 = tpu.vector_load %arg6[%parallel_loop3A_740, %parallel_loop3A_741] {strides = array<i32>} : memref<128x64xf32, #tpu.memory_space<vmem>>, vector<16xf32>,
        tpu.vector_store_idx %arg10[%add3A_130, %select_n3A_150, %parallel_loop3A_730], %parallel_loop3A_742 : memref<8x8x129xf32, #tpu.memory_space<vmem>>[vector<16xi32>, vector<16xi32>, vector<16xi32>], vector<16xf32>,
      } {sc.loop_unroll_factor = 16 : i64, sc.parallel_access}
      %jit3A_418 = arith.constant 128 : i32
      %div3A_419 = arith.divsi %add3A_407, %jit3A_418 : i32
      %sign3A_420 = arith.constant 0 : i32
      %sign3A_421 = arith.cmpi sgt, %add3A_407, %sign3A_420 : i32
      %sign3A_422 = arith.extui %sign3A_421 : i1 to i32
      %sign3A_423 = arith.constant 0 : i32
      %sign3A_424 = arith.cmpi slt, %add3A_407, %sign3A_423 : i32
      %sign3A_425 = arith.extui %sign3A_424 : i1 to i32
      %sign3A_426 = arith.subi %sign3A_422, %sign3A_425 : i32
      %sign3A_427 = arith.constant 0 : i32
      %sign3A_428 = arith.cmpi sgt, %jit3A_418, %sign3A_427 : i32
      %sign3A_429 = arith.extui %sign3A_428 : i1 to i32
      %sign3A_430 = arith.constant 0 : i32
      %sign3A_431 = arith.cmpi slt, %jit3A_418, %sign3A_430 : i32
      %sign3A_432 = arith.extui %sign3A_431 : i1 to i32
      %sign3A_433 = arith.subi %sign3A_429, %sign3A_432 : i32
      %ne3A_434 = arith.cmpi ne, %sign3A_426, %sign3A_433 : i32
      %rem3A_435 = arith.remsi %add3A_407, %jit3A_418 : i32
      %ne3A_436 = arith.constant 0 : i32
      %ne3A_437 = arith.cmpi ne, %rem3A_435, %ne3A_436 : i32
      %and3A_438 = arith.andi %ne3A_434, %ne3A_437 : i1
      %sub3A_439 = arith.constant 1 : i32
      %sub3A_440 = arith.subi %div3A_419, %sub3A_439 : i32
      %select_n3A_441 = arith.select %and3A_438, %sub3A_440, %div3A_419 : i32
      %mul3A_442 = arith.constant 8 : i32
      %mul3A_443 = arith.muli %select_n3A_441, %mul3A_442 : i32
      %jit3A_444 = arith.constant 128 : i32
      %eq3A_445 = arith.constant 0 : i32
      %eq3A_446 = arith.cmpi eq, %jit3A_444, %eq3A_445 : i32
      %jit3A_447 = arith.constant 1 : i32
      %select_n3A_448 = arith.select %eq3A_446, %jit3A_447, %jit3A_444 : i32
      %rem3A_449 = arith.remsi %add3A_407, %select_n3A_448 : i32
      %ne3A_450 = arith.constant 0 : i32
      %ne3A_451 = arith.cmpi ne, %rem3A_449, %ne3A_450 : i32
      %lt3A_452 = arith.constant 0 : i32
      %lt3A_453 = arith.cmpi slt, %rem3A_449, %lt3A_452 : i32
      %lt3A_454 = arith.constant 0 : i32
      %lt3A_455 = arith.cmpi slt, %select_n3A_448, %lt3A_454 : i32
      %ne3A_456 = arith.xori %lt3A_453, %lt3A_455 : i1
      %and3A_457 = arith.andi %ne3A_456, %ne3A_451 : i1
      %add3A_458 = arith.addi %rem3A_449, %select_n3A_448 : i32
      %select_n3A_459 = arith.select %and3A_457, %add3A_458, %rem3A_449 : i32
      %dma_start3A_460 = arith.constant 0 : i32
      %dma_start3A_461 = arith.constant 0 : i32
      %dma_start3A_462 = arith.constant 0 : i32
      %dma_start3A_463 = tpu.memref_slice %arg10[%dma_start3A_460, %dma_start3A_461, %dma_start3A_462] : memref<8x8x129xf32, #tpu.memory_space<vmem>> -> memref<8x8x128xf32, #tpu.memory_space<vmem>>
      %dma_start3A_464 = arith.constant 0 : i32
      %dma_start3A_465 = arith.constant 0 : i32
      %dma_start3A_466 = tpu.memref_slice %arg4[%mul3A_443, %select_n3A_459, %dma_start3A_464, %dma_start3A_465] : memref<400x128x8x128xf32, #tpu.memory_space<hbm>> -> memref<8x1x8x128xf32, #tpu.memory_space<hbm>>
      %dma_start3A_467 = tpu.memref_squeeze %dma_start3A_466 : memref<8x1x8x128xf32, #tpu.memory_space<hbm>> -> memref<8x8x128xf32, #tpu.memory_space<hbm>>
      %dma_start3A_468 = arith.constant 0 : i32
      %dma_start3A_469 = arith.constant 0 : i32
      %dma_start3A_470 = tpu.memref_slice %arg4[%mul3A_443, %select_n3A_459, %dma_start3A_468, %dma_start3A_469] : memref<400x128x8x128xf32, #tpu.memory_space<hbm>> -> memref<8x1x8x128xf32, #tpu.memory_space<hbm>>
      %dma_start3A_471 = tpu.memref_squeeze %dma_start3A_470 : memref<8x1x8x128xf32, #tpu.memory_space<hbm>> -> memref<8x8x128xf32, #tpu.memory_space<hbm>>
      %dma_start3A_472 = arith.constant 0 : i32
      %dma_start3A_473 = arith.constant 0 : i32
      %dma_start3A_474 = arith.constant 0 : i32
      %dma_start3A_475 = tpu.memref_slice %arg10[%dma_start3A_472, %dma_start3A_473, %dma_start3A_474] : memref<8x8x129xf32, #tpu.memory_space<vmem>> -> memref<8x8x128xf32, #tpu.memory_space<vmem>>
      tpu.enqueue_dma source(%dma_start3A_475 : memref<8x8x128xf32, #tpu.memory_space<vmem>>) target(%dma_start3A_471 : memref<8x8x128xf32, #tpu.memory_space<hbm>>) target_semaphore(%arg18 : memref<!tpu.dma_semaphore, #tpu.memory_space<semaphore_mem>>)
      %add3A_476 = arith.constant 3 : i32
      %add3A_477 = arith.addi %add3A_406, %add3A_476 : i32
      %lt3A_478 = arith.constant 200 : i32
      %lt3A_479 = arith.cmpi slt, %add3A_477, %lt3A_478 : i32
      %convert_element_type3A_480 = arith.extui %lt3A_479 : i1 to i32
      %cond3A_481 = arith.constant 0 : i32
      %cond3A_482 = arith.cmpi ne, %convert_element_type3A_480, %cond3A_481 : i32
      scf.if %cond3A_482 {
        %mul3A_729 = arith.constant 128 : i32
        %mul3A_730 = arith.muli %add3A_477, %mul3A_729 : i32
        %dma_start3A_731 = tpu.memref_slice %arg5[%mul3A_730] : memref<25600xi32, #tpu.memory_space<vmem>> -> memref<128xi32, #tpu.memory_space<vmem>>
        %dma_start3A_732 = arith.constant 0 : i32
        %dma_start3A_733 = arith.constant 0 : i32
        %dma_start3A_734 = tpu.memref_slice %arg2[%dma_start3A_732, %dma_start3A_733] : memref<2000000x64xf32, #tpu.memory_space<hbm>> -> memref<2000000x64xf32, #tpu.memory_space<hbm>>
        tpu.enqueue_indirect_dma source(%dma_start3A_734 : memref<2000000x64xf32, #tpu.memory_space<hbm>>) target(%arg9 : memref<128x64xf32, #tpu.memory_space<vmem>>) offsets(%dma_start3A_731 : memref<128xi32, #tpu.memory_space<vmem>>) semaphore(%arg17 : memref<!tpu.dma_semaphore, #tpu.memory_space<semaphore_mem>>)
      } else {
      }
      %add3A_483 = arith.constant 1 : i32
      %add3A_484 = arith.addi %mul3A_404, %add3A_483 : i32
      %add3A_485 = arith.addi %mul3A_2, %add3A_484 : i32
      %ge3A_486 = arith.constant 4 : i32
      %ge3A_487 = arith.cmpi sge, %add3A_484, %ge3A_486 : i32
      %convert_element_type3A_488 = arith.extui %ge3A_487 : i1 to i32
      %cond3A_489 = arith.constant 0 : i32
      %cond3A_490 = arith.cmpi ne, %convert_element_type3A_488, %cond3A_489 : i32
      scf.if %cond3A_490 {
        %jit3A_729 = arith.constant 128 : i32
        %div3A_730 = arith.divsi %add3A_485, %jit3A_729 : i32
        %sign3A_731 = arith.constant 0 : i32
        %sign3A_732 = arith.cmpi sgt, %add3A_485, %sign3A_731 : i32
        %sign3A_733 = arith.extui %sign3A_732 : i1 to i32
        %sign3A_734 = arith.constant 0 : i32
        %sign3A_735 = arith.cmpi slt, %add3A_485, %sign3A_734 : i32
        %sign3A_736 = arith.extui %sign3A_735 : i1 to i32
        %sign3A_737 = arith.subi %sign3A_733, %sign3A_736 : i32
        %sign3A_738 = arith.constant 0 : i32
        %sign3A_739 = arith.cmpi sgt, %jit3A_729, %sign3A_738 : i32
        %sign3A_740 = arith.extui %sign3A_739 : i1 to i32
        %sign3A_741 = arith.constant 0 : i32
        %sign3A_742 = arith.cmpi slt, %jit3A_729, %sign3A_741 : i32
        %sign3A_743 = arith.extui %sign3A_742 : i1 to i32
        %sign3A_744 = arith.subi %sign3A_740, %sign3A_743 : i32
        %ne3A_745 = arith.cmpi ne, %sign3A_737, %sign3A_744 : i32
        %rem3A_746 = arith.remsi %add3A_485, %jit3A_729 : i32
        %ne3A_747 = arith.constant 0 : i32
        %ne3A_748 = arith.cmpi ne, %rem3A_746, %ne3A_747 : i32
        %and3A_749 = arith.andi %ne3A_745, %ne3A_748 : i1
        %sub3A_750 = arith.constant 1 : i32
        %sub3A_751 = arith.subi %div3A_730, %sub3A_750 : i32
        %select_n3A_752 = arith.select %and3A_749, %sub3A_751, %div3A_730 : i32
        %mul3A_753 = arith.constant 8 : i32
        %mul3A_754 = arith.muli %select_n3A_752, %mul3A_753 : i32
        %jit3A_755 = arith.constant 128 : i32
        %eq3A_756 = arith.constant 0 : i32
        %eq3A_757 = arith.cmpi eq, %jit3A_755, %eq3A_756 : i32
        %jit3A_758 = arith.constant 1 : i32
        %select_n3A_759 = arith.select %eq3A_757, %jit3A_758, %jit3A_755 : i32
        %rem3A_760 = arith.remsi %add3A_485, %select_n3A_759 : i32
        %ne3A_761 = arith.constant 0 : i32
        %ne3A_762 = arith.cmpi ne, %rem3A_760, %ne3A_761 : i32
        %lt3A_763 = arith.constant 0 : i32
        %lt3A_764 = arith.cmpi slt, %rem3A_760, %lt3A_763 : i32
        %lt3A_765 = arith.constant 0 : i32
        %lt3A_766 = arith.cmpi slt, %select_n3A_759, %lt3A_765 : i32
        %ne3A_767 = arith.xori %lt3A_764, %lt3A_766 : i1
        %and3A_768 = arith.andi %ne3A_767, %ne3A_762 : i1
        %add3A_769 = arith.addi %rem3A_760, %select_n3A_759 : i32
        %select_n3A_770 = arith.select %and3A_768, %add3A_769, %rem3A_760 : i32
        %dma_wait3A_771 = arith.constant 0 : i32
        %dma_wait3A_772 = arith.constant 0 : i32
        %dma_wait3A_773 = arith.constant 0 : i32
        %dma_wait3A_774 = tpu.memref_slice %arg11[%dma_wait3A_771, %dma_wait3A_772, %dma_wait3A_773] : memref<8x8x129xf32, #tpu.memory_space<vmem>> -> memref<8x8x128xf32, #tpu.memory_space<vmem>>
        %dma_wait3A_775 = arith.constant 0 : i32
        %dma_wait3A_776 = arith.constant 0 : i32
        %dma_wait3A_777 = tpu.memref_slice %arg4[%mul3A_754, %select_n3A_770, %dma_wait3A_775, %dma_wait3A_776] : memref<400x128x8x128xf32, #tpu.memory_space<hbm>> -> memref<8x1x8x128xf32, #tpu.memory_space<hbm>>
        %dma_wait3A_778 = tpu.memref_squeeze %dma_wait3A_777 : memref<8x1x8x128xf32, #tpu.memory_space<hbm>> -> memref<8x8x128xf32, #tpu.memory_space<hbm>>
        %dma_wait3A_779 = arith.constant 0 : i32
        %dma_wait3A_780 = arith.constant 0 : i32
        %dma_wait3A_781 = tpu.memref_slice %arg4[%mul3A_754, %select_n3A_770, %dma_wait3A_779, %dma_wait3A_780] : memref<400x128x8x128xf32, #tpu.memory_space<hbm>> -> memref<8x1x8x128xf32, #tpu.memory_space<hbm>>
        %dma_wait3A_782 = tpu.memref_squeeze %dma_wait3A_781 : memref<8x1x8x128xf32, #tpu.memory_space<hbm>> -> memref<8x8x128xf32, #tpu.memory_space<hbm>>
        %dma_wait3A_783 = arith.constant 0 : i32
        %dma_wait3A_784 = arith.constant 0 : i32
        %dma_wait3A_785 = arith.constant 0 : i32
        %dma_wait3A_786 = tpu.memref_slice %arg11[%dma_wait3A_783, %dma_wait3A_784, %dma_wait3A_785] : memref<8x8x129xf32, #tpu.memory_space<vmem>> -> memref<8x8x128xf32, #tpu.memory_space<vmem>>
        tpu.wait_dma2 semaphore(%arg19 : memref<!tpu.dma_semaphore, #tpu.memory_space<semaphore_mem>>) src(%dma_wait3A_786 : memref<8x8x128xf32, #tpu.memory_space<vmem>>) dst(%dma_wait3A_782 : memref<8x8x128xf32, #tpu.memory_space<hbm>>)
      } else {
      }
      %mul3A_491 = arith.constant 128 : i32
      %mul3A_492 = arith.muli %add3A_484, %mul3A_491 : i32
      %dma_wait3A_493 = tpu.memref_slice %arg5[%mul3A_492] : memref<25600xi32, #tpu.memory_space<vmem>> -> memref<128xi32, #tpu.memory_space<vmem>>
      %dma_wait3A_494 = arith.constant 0 : i32
      %dma_wait3A_495 = arith.constant 0 : i32
      %dma_wait3A_496 = tpu.memref_slice %arg2[%dma_wait3A_494, %dma_wait3A_495] : memref<2000000x64xf32, #tpu.memory_space<hbm>> -> memref<2000000x64xf32, #tpu.memory_space<hbm>>
      tpu.wait_indirect_dma semaphore(%arg15 : memref<!tpu.dma_semaphore, #tpu.memory_space<semaphore_mem>>) src(%dma_wait3A_496 : memref<2000000x64xf32, #tpu.memory_space<hbm>>) dst(%arg7 : memref<128x64xf32, #tpu.memory_space<vmem>>)
      %parallel_loop3A_497 = arith.constant 0 : i32
      %parallel_loop3A_498 = arith.constant 128 : i32
      %parallel_loop3A_499 = arith.constant 1 : i32
      scf.for %parallel_loop3A_729 = %parallel_loop3A_497 to %parallel_loop3A_498 step %parallel_loop3A_499  : i32 {
        %parallel_loop3A_730 = vector.broadcast %parallel_loop3A_729 : i32 to vector<16xi32>
        %parallel_loop3A_731 = arith.index_cast %parallel_loop3A_729 : i32 to index
        %parallel_loop3A_732 = arith.constant 0 : index
        %parallel_loop3A_733 = tpu.vector_load %arg7[%parallel_loop3A_731, %parallel_loop3A_732] {strides = array<i32>} : memref<128x64xf32, #tpu.memory_space<vmem>>, vector<16xf32>,
        tpu.vector_store_idx %arg11[%add3A_28, %select_n3A_150, %parallel_loop3A_730], %parallel_loop3A_733 : memref<8x8x129xf32, #tpu.memory_space<vmem>>[vector<16xi32>, vector<16xi32>, vector<16xi32>], vector<16xf32>,
        %parallel_loop3A_734 = arith.index_cast %parallel_loop3A_729 : i32 to index
        %parallel_loop3A_735 = arith.constant 16 : index
        %parallel_loop3A_736 = tpu.vector_load %arg7[%parallel_loop3A_734, %parallel_loop3A_735] {strides = array<i32>} : memref<128x64xf32, #tpu.memory_space<vmem>>, vector<16xf32>,
        tpu.vector_store_idx %arg11[%add3A_62, %select_n3A_150, %parallel_loop3A_730], %parallel_loop3A_736 : memref<8x8x129xf32, #tpu.memory_space<vmem>>[vector<16xi32>, vector<16xi32>, vector<16xi32>], vector<16xf32>,
        %parallel_loop3A_737 = arith.index_cast %parallel_loop3A_729 : i32 to index
        %parallel_loop3A_738 = arith.constant 32 : index
        %parallel_loop3A_739 = tpu.vector_load %arg7[%parallel_loop3A_737, %parallel_loop3A_738] {strides = array<i32>} : memref<128x64xf32, #tpu.memory_space<vmem>>, vector<16xf32>,
        tpu.vector_store_idx %arg11[%add3A_96, %select_n3A_150, %parallel_loop3A_730], %parallel_loop3A_739 : memref<8x8x129xf32, #tpu.memory_space<vmem>>[vector<16xi32>, vector<16xi32>, vector<16xi32>], vector<16xf32>,
        %parallel_loop3A_740 = arith.index_cast %parallel_loop3A_729 : i32 to index
        %parallel_loop3A_741 = arith.constant 48 : index
        %parallel_loop3A_742 = tpu.vector_load %arg7[%parallel_loop3A_740, %parallel_loop3A_741] {strides = array<i32>} : memref<128x64xf32, #tpu.memory_space<vmem>>, vector<16xf32>,
        tpu.vector_store_idx %arg11[%add3A_130, %select_n3A_150, %parallel_loop3A_730], %parallel_loop3A_742 : memref<8x8x129xf32, #tpu.memory_space<vmem>>[vector<16xi32>, vector<16xi32>, vector<16xi32>], vector<16xf32>,
      } {sc.loop_unroll_factor = 16 : i64, sc.parallel_access}
      %jit3A_500 = arith.constant 128 : i32
      %div3A_501 = arith.divsi %add3A_485, %jit3A_500 : i32
      %sign3A_502 = arith.constant 0 : i32
      %sign3A_503 = arith.cmpi sgt, %add3A_485, %sign3A_502 : i32
      %sign3A_504 = arith.extui %sign3A_503 : i1 to i32
      %sign3A_505 = arith.constant 0 : i32
      %sign3A_506 = arith.cmpi slt, %add3A_485, %sign3A_505 : i32
      %sign3A_507 = arith.extui %sign3A_506 : i1 to i32
      %sign3A_508 = arith.subi %sign3A_504, %sign3A_507 : i32
      %sign3A_509 = arith.constant 0 : i32
      %sign3A_510 = arith.cmpi sgt, %jit3A_500, %sign3A_509 : i32
      %sign3A_511 = arith.extui %sign3A_510 : i1 to i32
      %sign3A_512 = arith.constant 0 : i32
      %sign3A_513 = arith.cmpi slt, %jit3A_500, %sign3A_512 : i32
      %sign3A_514 = arith.extui %sign3A_513 : i1 to i32
      %sign3A_515 = arith.subi %sign3A_511, %sign3A_514 : i32
      %ne3A_516 = arith.cmpi ne, %sign3A_508, %sign3A_515 : i32
      %rem3A_517 = arith.remsi %add3A_485, %jit3A_500 : i32
      %ne3A_518 = arith.constant 0 : i32
      %ne3A_519 = arith.cmpi ne, %rem3A_517, %ne3A_518 : i32
      %and3A_520 = arith.andi %ne3A_516, %ne3A_519 : i1
      %sub3A_521 = arith.constant 1 : i32
      %sub3A_522 = arith.subi %div3A_501, %sub3A_521 : i32
      %select_n3A_523 = arith.select %and3A_520, %sub3A_522, %div3A_501 : i32
      %mul3A_524 = arith.constant 8 : i32
      %mul3A_525 = arith.muli %select_n3A_523, %mul3A_524 : i32
      %jit3A_526 = arith.constant 128 : i32
      %eq3A_527 = arith.constant 0 : i32
      %eq3A_528 = arith.cmpi eq, %jit3A_526, %eq3A_527 : i32
      %jit3A_529 = arith.constant 1 : i32
      %select_n3A_530 = arith.select %eq3A_528, %jit3A_529, %jit3A_526 : i32
      %rem3A_531 = arith.remsi %add3A_485, %select_n3A_530 : i32
      %ne3A_532 = arith.constant 0 : i32
      %ne3A_533 = arith.cmpi ne, %rem3A_531, %ne3A_532 : i32
      %lt3A_534 = arith.constant 0 : i32
      %lt3A_535 = arith.cmpi slt, %rem3A_531, %lt3A_534 : i32
      %lt3A_536 = arith.constant 0 : i32
      %lt3A_537 = arith.cmpi slt, %select_n3A_530, %lt3A_536 : i32
      %ne3A_538 = arith.xori %lt3A_535, %lt3A_537 : i1
      %and3A_539 = arith.andi %ne3A_538, %ne3A_533 : i1
      %add3A_540 = arith.addi %rem3A_531, %select_n3A_530 : i32
      %select_n3A_541 = arith.select %and3A_539, %add3A_540, %rem3A_531 : i32
      %dma_start3A_542 = arith.constant 0 : i32
      %dma_start3A_543 = arith.constant 0 : i32
      %dma_start3A_544 = arith.constant 0 : i32
      %dma_start3A_545 = tpu.memref_slice %arg11[%dma_start3A_542, %dma_start3A_543, %dma_start3A_544] : memref<8x8x129xf32, #tpu.memory_space<vmem>> -> memref<8x8x128xf32, #tpu.memory_space<vmem>>
      %dma_start3A_546 = arith.constant 0 : i32
      %dma_start3A_547 = arith.constant 0 : i32
      %dma_start3A_548 = tpu.memref_slice %arg4[%mul3A_525, %select_n3A_541, %dma_start3A_546, %dma_start3A_547] : memref<400x128x8x128xf32, #tpu.memory_space<hbm>> -> memref<8x1x8x128xf32, #tpu.memory_space<hbm>>
      %dma_start3A_549 = tpu.memref_squeeze %dma_start3A_548 : memref<8x1x8x128xf32, #tpu.memory_space<hbm>> -> memref<8x8x128xf32, #tpu.memory_space<hbm>>
      %dma_start3A_550 = arith.constant 0 : i32
      %dma_start3A_551 = arith.constant 0 : i32
      %dma_start3A_552 = tpu.memref_slice %arg4[%mul3A_525, %select_n3A_541, %dma_start3A_550, %dma_start3A_551] : memref<400x128x8x128xf32, #tpu.memory_space<hbm>> -> memref<8x1x8x128xf32, #tpu.memory_space<hbm>>
      %dma_start3A_553 = tpu.memref_squeeze %dma_start3A_552 : memref<8x1x8x128xf32, #tpu.memory_space<hbm>> -> memref<8x8x128xf32, #tpu.memory_space<hbm>>
      %dma_start3A_554 = arith.constant 0 : i32
      %dma_start3A_555 = arith.constant 0 : i32
      %dma_start3A_556 = arith.constant 0 : i32
      %dma_start3A_557 = tpu.memref_slice %arg11[%dma_start3A_554, %dma_start3A_555, %dma_start3A_556] : memref<8x8x129xf32, #tpu.memory_space<vmem>> -> memref<8x8x128xf32, #tpu.memory_space<vmem>>
      tpu.enqueue_dma source(%dma_start3A_557 : memref<8x8x128xf32, #tpu.memory_space<vmem>>) target(%dma_start3A_553 : memref<8x8x128xf32, #tpu.memory_space<hbm>>) target_semaphore(%arg19 : memref<!tpu.dma_semaphore, #tpu.memory_space<semaphore_mem>>)
      %add3A_558 = arith.constant 3 : i32
      %add3A_559 = arith.addi %add3A_484, %add3A_558 : i32
      %lt3A_560 = arith.constant 200 : i32
      %lt3A_561 = arith.cmpi slt, %add3A_559, %lt3A_560 : i32
      %convert_element_type3A_562 = arith.extui %lt3A_561 : i1 to i32
      %cond3A_563 = arith.constant 0 : i32
      %cond3A_564 = arith.cmpi ne, %convert_element_type3A_562, %cond3A_563 : i32
      scf.if %cond3A_564 {
        %mul3A_729 = arith.constant 128 : i32
        %mul3A_730 = arith.muli %add3A_559, %mul3A_729 : i32
        %dma_start3A_731 = tpu.memref_slice %arg5[%mul3A_730] : memref<25600xi32, #tpu.memory_space<vmem>> -> memref<128xi32, #tpu.memory_space<vmem>>
        %dma_start3A_732 = arith.constant 0 : i32
        %dma_start3A_733 = arith.constant 0 : i32
        %dma_start3A_734 = tpu.memref_slice %arg2[%dma_start3A_732, %dma_start3A_733] : memref<2000000x64xf32, #tpu.memory_space<hbm>> -> memref<2000000x64xf32, #tpu.memory_space<hbm>>
        tpu.enqueue_indirect_dma source(%dma_start3A_734 : memref<2000000x64xf32, #tpu.memory_space<hbm>>) target(%arg6 : memref<128x64xf32, #tpu.memory_space<vmem>>) offsets(%dma_start3A_731 : memref<128xi32, #tpu.memory_space<vmem>>) semaphore(%arg14 : memref<!tpu.dma_semaphore, #tpu.memory_space<semaphore_mem>>)
      } else {
      }
      %add3A_565 = arith.constant 2 : i32
      %add3A_566 = arith.addi %mul3A_404, %add3A_565 : i32
      %add3A_567 = arith.addi %mul3A_2, %add3A_566 : i32
      %ge3A_568 = arith.constant 4 : i32
      %ge3A_569 = arith.cmpi sge, %add3A_566, %ge3A_568 : i32
      %convert_element_type3A_570 = arith.extui %ge3A_569 : i1 to i32
      %cond3A_571 = arith.constant 0 : i32
      %cond3A_572 = arith.cmpi ne, %convert_element_type3A_570, %cond3A_571 : i32
      scf.if %cond3A_572 {
        %jit3A_729 = arith.constant 128 : i32
        %div3A_730 = arith.divsi %add3A_567, %jit3A_729 : i32
        %sign3A_731 = arith.constant 0 : i32
        %sign3A_732 = arith.cmpi sgt, %add3A_567, %sign3A_731 : i32
        %sign3A_733 = arith.extui %sign3A_732 : i1 to i32
        %sign3A_734 = arith.constant 0 : i32
        %sign3A_735 = arith.cmpi slt, %add3A_567, %sign3A_734 : i32
        %sign3A_736 = arith.extui %sign3A_735 : i1 to i32
        %sign3A_737 = arith.subi %sign3A_733, %sign3A_736 : i32
        %sign3A_738 = arith.constant 0 : i32
        %sign3A_739 = arith.cmpi sgt, %jit3A_729, %sign3A_738 : i32
        %sign3A_740 = arith.extui %sign3A_739 : i1 to i32
        %sign3A_741 = arith.constant 0 : i32
        %sign3A_742 = arith.cmpi slt, %jit3A_729, %sign3A_741 : i32
        %sign3A_743 = arith.extui %sign3A_742 : i1 to i32
        %sign3A_744 = arith.subi %sign3A_740, %sign3A_743 : i32
        %ne3A_745 = arith.cmpi ne, %sign3A_737, %sign3A_744 : i32
        %rem3A_746 = arith.remsi %add3A_567, %jit3A_729 : i32
        %ne3A_747 = arith.constant 0 : i32
        %ne3A_748 = arith.cmpi ne, %rem3A_746, %ne3A_747 : i32
        %and3A_749 = arith.andi %ne3A_745, %ne3A_748 : i1
        %sub3A_750 = arith.constant 1 : i32
        %sub3A_751 = arith.subi %div3A_730, %sub3A_750 : i32
        %select_n3A_752 = arith.select %and3A_749, %sub3A_751, %div3A_730 : i32
        %mul3A_753 = arith.constant 8 : i32
        %mul3A_754 = arith.muli %select_n3A_752, %mul3A_753 : i32
        %jit3A_755 = arith.constant 128 : i32
        %eq3A_756 = arith.constant 0 : i32
        %eq3A_757 = arith.cmpi eq, %jit3A_755, %eq3A_756 : i32
        %jit3A_758 = arith.constant 1 : i32
        %select_n3A_759 = arith.select %eq3A_757, %jit3A_758, %jit3A_755 : i32
        %rem3A_760 = arith.remsi %add3A_567, %select_n3A_759 : i32
        %ne3A_761 = arith.constant 0 : i32
        %ne3A_762 = arith.cmpi ne, %rem3A_760, %ne3A_761 : i32
        %lt3A_763 = arith.constant 0 : i32
        %lt3A_764 = arith.cmpi slt, %rem3A_760, %lt3A_763 : i32
        %lt3A_765 = arith.constant 0 : i32
        %lt3A_766 = arith.cmpi slt, %select_n3A_759, %lt3A_765 : i32
        %ne3A_767 = arith.xori %lt3A_764, %lt3A_766 : i1
        %and3A_768 = arith.andi %ne3A_767, %ne3A_762 : i1
        %add3A_769 = arith.addi %rem3A_760, %select_n3A_759 : i32
        %select_n3A_770 = arith.select %and3A_768, %add3A_769, %rem3A_760 : i32
        %dma_wait3A_771 = arith.constant 0 : i32
        %dma_wait3A_772 = arith.constant 0 : i32
        %dma_wait3A_773 = arith.constant 0 : i32
        %dma_wait3A_774 = tpu.memref_slice %arg12[%dma_wait3A_771, %dma_wait3A_772, %dma_wait3A_773] : memref<8x8x129xf32, #tpu.memory_space<vmem>> -> memref<8x8x128xf32, #tpu.memory_space<vmem>>
        %dma_wait3A_775 = arith.constant 0 : i32
        %dma_wait3A_776 = arith.constant 0 : i32
        %dma_wait3A_777 = tpu.memref_slice %arg4[%mul3A_754, %select_n3A_770, %dma_wait3A_775, %dma_wait3A_776] : memref<400x128x8x128xf32, #tpu.memory_space<hbm>> -> memref<8x1x8x128xf32, #tpu.memory_space<hbm>>
        %dma_wait3A_778 = tpu.memref_squeeze %dma_wait3A_777 : memref<8x1x8x128xf32, #tpu.memory_space<hbm>> -> memref<8x8x128xf32, #tpu.memory_space<hbm>>
        %dma_wait3A_779 = arith.constant 0 : i32
        %dma_wait3A_780 = arith.constant 0 : i32
        %dma_wait3A_781 = tpu.memref_slice %arg4[%mul3A_754, %select_n3A_770, %dma_wait3A_779, %dma_wait3A_780] : memref<400x128x8x128xf32, #tpu.memory_space<hbm>> -> memref<8x1x8x128xf32, #tpu.memory_space<hbm>>
        %dma_wait3A_782 = tpu.memref_squeeze %dma_wait3A_781 : memref<8x1x8x128xf32, #tpu.memory_space<hbm>> -> memref<8x8x128xf32, #tpu.memory_space<hbm>>
        %dma_wait3A_783 = arith.constant 0 : i32
        %dma_wait3A_784 = arith.constant 0 : i32
        %dma_wait3A_785 = arith.constant 0 : i32
        %dma_wait3A_786 = tpu.memref_slice %arg12[%dma_wait3A_783, %dma_wait3A_784, %dma_wait3A_785] : memref<8x8x129xf32, #tpu.memory_space<vmem>> -> memref<8x8x128xf32, #tpu.memory_space<vmem>>
        tpu.wait_dma2 semaphore(%arg20 : memref<!tpu.dma_semaphore, #tpu.memory_space<semaphore_mem>>) src(%dma_wait3A_786 : memref<8x8x128xf32, #tpu.memory_space<vmem>>) dst(%dma_wait3A_782 : memref<8x8x128xf32, #tpu.memory_space<hbm>>)
      } else {
      }
      %mul3A_573 = arith.constant 128 : i32
      %mul3A_574 = arith.muli %add3A_566, %mul3A_573 : i32
      %dma_wait3A_575 = tpu.memref_slice %arg5[%mul3A_574] : memref<25600xi32, #tpu.memory_space<vmem>> -> memref<128xi32, #tpu.memory_space<vmem>>
      %dma_wait3A_576 = arith.constant 0 : i32
      %dma_wait3A_577 = arith.constant 0 : i32
      %dma_wait3A_578 = tpu.memref_slice %arg2[%dma_wait3A_576, %dma_wait3A_577] : memref<2000000x64xf32, #tpu.memory_space<hbm>> -> memref<2000000x64xf32, #tpu.memory_space<hbm>>
      tpu.wait_indirect_dma semaphore(%arg16 : memref<!tpu.dma_semaphore, #tpu.memory_space<semaphore_mem>>) src(%dma_wait3A_578 : memref<2000000x64xf32, #tpu.memory_space<hbm>>) dst(%arg8 : memref<128x64xf32, #tpu.memory_space<vmem>>)
      %parallel_loop3A_579 = arith.constant 0 : i32
      %parallel_loop3A_580 = arith.constant 128 : i32
      %parallel_loop3A_581 = arith.constant 1 : i32
      scf.for %parallel_loop3A_729 = %parallel_loop3A_579 to %parallel_loop3A_580 step %parallel_loop3A_581  : i32 {
        %parallel_loop3A_730 = vector.broadcast %parallel_loop3A_729 : i32 to vector<16xi32>
        %parallel_loop3A_731 = arith.index_cast %parallel_loop3A_729 : i32 to index
        %parallel_loop3A_732 = arith.constant 0 : index
        %parallel_loop3A_733 = tpu.vector_load %arg8[%parallel_loop3A_731, %parallel_loop3A_732] {strides = array<i32>} : memref<128x64xf32, #tpu.memory_space<vmem>>, vector<16xf32>,
        tpu.vector_store_idx %arg12[%add3A_28, %select_n3A_150, %parallel_loop3A_730], %parallel_loop3A_733 : memref<8x8x129xf32, #tpu.memory_space<vmem>>[vector<16xi32>, vector<16xi32>, vector<16xi32>], vector<16xf32>,
        %parallel_loop3A_734 = arith.index_cast %parallel_loop3A_729 : i32 to index
        %parallel_loop3A_735 = arith.constant 16 : index
        %parallel_loop3A_736 = tpu.vector_load %arg8[%parallel_loop3A_734, %parallel_loop3A_735] {strides = array<i32>} : memref<128x64xf32, #tpu.memory_space<vmem>>, vector<16xf32>,
        tpu.vector_store_idx %arg12[%add3A_62, %select_n3A_150, %parallel_loop3A_730], %parallel_loop3A_736 : memref<8x8x129xf32, #tpu.memory_space<vmem>>[vector<16xi32>, vector<16xi32>, vector<16xi32>], vector<16xf32>,
        %parallel_loop3A_737 = arith.index_cast %parallel_loop3A_729 : i32 to index
        %parallel_loop3A_738 = arith.constant 32 : index
        %parallel_loop3A_739 = tpu.vector_load %arg8[%parallel_loop3A_737, %parallel_loop3A_738] {strides = array<i32>} : memref<128x64xf32, #tpu.memory_space<vmem>>, vector<16xf32>,
        tpu.vector_store_idx %arg12[%add3A_96, %select_n3A_150, %parallel_loop3A_730], %parallel_loop3A_739 : memref<8x8x129xf32, #tpu.memory_space<vmem>>[vector<16xi32>, vector<16xi32>, vector<16xi32>], vector<16xf32>,
        %parallel_loop3A_740 = arith.index_cast %parallel_loop3A_729 : i32 to index
        %parallel_loop3A_741 = arith.constant 48 : index
        %parallel_loop3A_742 = tpu.vector_load %arg8[%parallel_loop3A_740, %parallel_loop3A_741] {strides = array<i32>} : memref<128x64xf32, #tpu.memory_space<vmem>>, vector<16xf32>,
        tpu.vector_store_idx %arg12[%add3A_130, %select_n3A_150, %parallel_loop3A_730], %parallel_loop3A_742 : memref<8x8x129xf32, #tpu.memory_space<vmem>>[vector<16xi32>, vector<16xi32>, vector<16xi32>], vector<16xf32>,
      } {sc.loop_unroll_factor = 16 : i64, sc.parallel_access}
      %jit3A_582 = arith.constant 128 : i32
      %div3A_583 = arith.divsi %add3A_567, %jit3A_582 : i32
      %sign3A_584 = arith.constant 0 : i32
      %sign3A_585 = arith.cmpi sgt, %add3A_567, %sign3A_584 : i32
      %sign3A_586 = arith.extui %sign3A_585 : i1 to i32
      %sign3A_587 = arith.constant 0 : i32
      %sign3A_588 = arith.cmpi slt, %add3A_567, %sign3A_587 : i32
      %sign3A_589 = arith.extui %sign3A_588 : i1 to i32
      %sign3A_590 = arith.subi %sign3A_586, %sign3A_589 : i32
      %sign3A_591 = arith.constant 0 : i32
      %sign3A_592 = arith.cmpi sgt, %jit3A_582, %sign3A_591 : i32
      %sign3A_593 = arith.extui %sign3A_592 : i1 to i32
      %sign3A_594 = arith.constant 0 : i32
      %sign3A_595 = arith.cmpi slt, %jit3A_582, %sign3A_594 : i32
      %sign3A_596 = arith.extui %sign3A_595 : i1 to i32
      %sign3A_597 = arith.subi %sign3A_593, %sign3A_596 : i32
      %ne3A_598 = arith.cmpi ne, %sign3A_590, %sign3A_597 : i32
      %rem3A_599 = arith.remsi %add3A_567, %jit3A_582 : i32
      %ne3A_600 = arith.constant 0 : i32
      %ne3A_601 = arith.cmpi ne, %rem3A_599, %ne3A_600 : i32
      %and3A_602 = arith.andi %ne3A_598, %ne3A_601 : i1
      %sub3A_603 = arith.constant 1 : i32
      %sub3A_604 = arith.subi %div3A_583, %sub3A_603 : i32
      %select_n3A_605 = arith.select %and3A_602, %sub3A_604, %div3A_583 : i32
      %mul3A_606 = arith.constant 8 : i32
      %mul3A_607 = arith.muli %select_n3A_605, %mul3A_606 : i32
      %jit3A_608 = arith.constant 128 : i32
      %eq3A_609 = arith.constant 0 : i32
      %eq3A_610 = arith.cmpi eq, %jit3A_608, %eq3A_609 : i32
      %jit3A_611 = arith.constant 1 : i32
      %select_n3A_612 = arith.select %eq3A_610, %jit3A_611, %jit3A_608 : i32
      %rem3A_613 = arith.remsi %add3A_567, %select_n3A_612 : i32
      %ne3A_614 = arith.constant 0 : i32
      %ne3A_615 = arith.cmpi ne, %rem3A_613, %ne3A_614 : i32
      %lt3A_616 = arith.constant 0 : i32
      %lt3A_617 = arith.cmpi slt, %rem3A_613, %lt3A_616 : i32
      %lt3A_618 = arith.constant 0 : i32
      %lt3A_619 = arith.cmpi slt, %select_n3A_612, %lt3A_618 : i32
      %ne3A_620 = arith.xori %lt3A_617, %lt3A_619 : i1
      %and3A_621 = arith.andi %ne3A_620, %ne3A_615 : i1
      %add3A_622 = arith.addi %rem3A_613, %select_n3A_612 : i32
      %select_n3A_623 = arith.select %and3A_621, %add3A_622, %rem3A_613 : i32
      %dma_start3A_624 = arith.constant 0 : i32
      %dma_start3A_625 = arith.constant 0 : i32
      %dma_start3A_626 = arith.constant 0 : i32
      %dma_start3A_627 = tpu.memref_slice %arg12[%dma_start3A_624, %dma_start3A_625, %dma_start3A_626] : memref<8x8x129xf32, #tpu.memory_space<vmem>> -> memref<8x8x128xf32, #tpu.memory_space<vmem>>
      %dma_start3A_628 = arith.constant 0 : i32
      %dma_start3A_629 = arith.constant 0 : i32
      %dma_start3A_630 = tpu.memref_slice %arg4[%mul3A_607, %select_n3A_623, %dma_start3A_628, %dma_start3A_629] : memref<400x128x8x128xf32, #tpu.memory_space<hbm>> -> memref<8x1x8x128xf32, #tpu.memory_space<hbm>>
      %dma_start3A_631 = tpu.memref_squeeze %dma_start3A_630 : memref<8x1x8x128xf32, #tpu.memory_space<hbm>> -> memref<8x8x128xf32, #tpu.memory_space<hbm>>
      %dma_start3A_632 = arith.constant 0 : i32
      %dma_start3A_633 = arith.constant 0 : i32
      %dma_start3A_634 = tpu.memref_slice %arg4[%mul3A_607, %select_n3A_623, %dma_start3A_632, %dma_start3A_633] : memref<400x128x8x128xf32, #tpu.memory_space<hbm>> -> memref<8x1x8x128xf32, #tpu.memory_space<hbm>>
      %dma_start3A_635 = tpu.memref_squeeze %dma_start3A_634 : memref<8x1x8x128xf32, #tpu.memory_space<hbm>> -> memref<8x8x128xf32, #tpu.memory_space<hbm>>
      %dma_start3A_636 = arith.constant 0 : i32
      %dma_start3A_637 = arith.constant 0 : i32
      %dma_start3A_638 = arith.constant 0 : i32
      %dma_start3A_639 = tpu.memref_slice %arg12[%dma_start3A_636, %dma_start3A_637, %dma_start3A_638] : memref<8x8x129xf32, #tpu.memory_space<vmem>> -> memref<8x8x128xf32, #tpu.memory_space<vmem>>
      tpu.enqueue_dma source(%dma_start3A_639 : memref<8x8x128xf32, #tpu.memory_space<vmem>>) target(%dma_start3A_635 : memref<8x8x128xf32, #tpu.memory_space<hbm>>) target_semaphore(%arg20 : memref<!tpu.dma_semaphore, #tpu.memory_space<semaphore_mem>>)
      %add3A_640 = arith.constant 3 : i32
      %add3A_641 = arith.addi %add3A_566, %add3A_640 : i32
      %lt3A_642 = arith.constant 200 : i32
      %lt3A_643 = arith.cmpi slt, %add3A_641, %lt3A_642 : i32
      %convert_element_type3A_644 = arith.extui %lt3A_643 : i1 to i32
      %cond3A_645 = arith.constant 0 : i32
      %cond3A_646 = arith.cmpi ne, %convert_element_type3A_644, %cond3A_645 : i32
      scf.if %cond3A_646 {
        %mul3A_729 = arith.constant 128 : i32
        %mul3A_730 = arith.muli %add3A_641, %mul3A_729 : i32
        %dma_start3A_731 = tpu.memref_slice %arg5[%mul3A_730] : memref<25600xi32, #tpu.memory_space<vmem>> -> memref<128xi32, #tpu.memory_space<vmem>>
        %dma_start3A_732 = arith.constant 0 : i32
        %dma_start3A_733 = arith.constant 0 : i32
        %dma_start3A_734 = tpu.memref_slice %arg2[%dma_start3A_732, %dma_start3A_733] : memref<2000000x64xf32, #tpu.memory_space<hbm>> -> memref<2000000x64xf32, #tpu.memory_space<hbm>>
        tpu.enqueue_indirect_dma source(%dma_start3A_734 : memref<2000000x64xf32, #tpu.memory_space<hbm>>) target(%arg7 : memref<128x64xf32, #tpu.memory_space<vmem>>) offsets(%dma_start3A_731 : memref<128xi32, #tpu.memory_space<vmem>>) semaphore(%arg15 : memref<!tpu.dma_semaphore, #tpu.memory_space<semaphore_mem>>)
      } else {
      }
      %add3A_647 = arith.constant 3 : i32
      %add3A_648 = arith.addi %mul3A_404, %add3A_647 : i32
      %add3A_649 = arith.addi %mul3A_2, %add3A_648 : i32
      %ge3A_650 = arith.constant 4 : i32
      %ge3A_651 = arith.cmpi sge, %add3A_648, %ge3A_650 : i32
      %convert_element_type3A_652 = arith.extui %ge3A_651 : i1 to i32
      %cond3A_653 = arith.constant 0 : i32
      %cond3A_654 = arith.cmpi ne, %convert_element_type3A_652, %cond3A_653 : i32
      scf.if %cond3A_654 {
        %jit3A_729 = arith.constant 128 : i32
        %div3A_730 = arith.divsi %add3A_649, %jit3A_729 : i32
        %sign3A_731 = arith.constant 0 : i32
        %sign3A_732 = arith.cmpi sgt, %add3A_649, %sign3A_731 : i32
        %sign3A_733 = arith.extui %sign3A_732 : i1 to i32
        %sign3A_734 = arith.constant 0 : i32
        %sign3A_735 = arith.cmpi slt, %add3A_649, %sign3A_734 : i32
        %sign3A_736 = arith.extui %sign3A_735 : i1 to i32
        %sign3A_737 = arith.subi %sign3A_733, %sign3A_736 : i32
        %sign3A_738 = arith.constant 0 : i32
        %sign3A_739 = arith.cmpi sgt, %jit3A_729, %sign3A_738 : i32
        %sign3A_740 = arith.extui %sign3A_739 : i1 to i32
        %sign3A_741 = arith.constant 0 : i32
        %sign3A_742 = arith.cmpi slt, %jit3A_729, %sign3A_741 : i32
        %sign3A_743 = arith.extui %sign3A_742 : i1 to i32
        %sign3A_744 = arith.subi %sign3A_740, %sign3A_743 : i32
        %ne3A_745 = arith.cmpi ne, %sign3A_737, %sign3A_744 : i32
        %rem3A_746 = arith.remsi %add3A_649, %jit3A_729 : i32
        %ne3A_747 = arith.constant 0 : i32
        %ne3A_748 = arith.cmpi ne, %rem3A_746, %ne3A_747 : i32
        %and3A_749 = arith.andi %ne3A_745, %ne3A_748 : i1
        %sub3A_750 = arith.constant 1 : i32
        %sub3A_751 = arith.subi %div3A_730, %sub3A_750 : i32
        %select_n3A_752 = arith.select %and3A_749, %sub3A_751, %div3A_730 : i32
        %mul3A_753 = arith.constant 8 : i32
        %mul3A_754 = arith.muli %select_n3A_752, %mul3A_753 : i32
        %jit3A_755 = arith.constant 128 : i32
        %eq3A_756 = arith.constant 0 : i32
        %eq3A_757 = arith.cmpi eq, %jit3A_755, %eq3A_756 : i32
        %jit3A_758 = arith.constant 1 : i32
        %select_n3A_759 = arith.select %eq3A_757, %jit3A_758, %jit3A_755 : i32
        %rem3A_760 = arith.remsi %add3A_649, %select_n3A_759 : i32
        %ne3A_761 = arith.constant 0 : i32
        %ne3A_762 = arith.cmpi ne, %rem3A_760, %ne3A_761 : i32
        %lt3A_763 = arith.constant 0 : i32
        %lt3A_764 = arith.cmpi slt, %rem3A_760, %lt3A_763 : i32
        %lt3A_765 = arith.constant 0 : i32
        %lt3A_766 = arith.cmpi slt, %select_n3A_759, %lt3A_765 : i32
        %ne3A_767 = arith.xori %lt3A_764, %lt3A_766 : i1
        %and3A_768 = arith.andi %ne3A_767, %ne3A_762 : i1
        %add3A_769 = arith.addi %rem3A_760, %select_n3A_759 : i32
        %select_n3A_770 = arith.select %and3A_768, %add3A_769, %rem3A_760 : i32
        %dma_wait3A_771 = arith.constant 0 : i32
        %dma_wait3A_772 = arith.constant 0 : i32
        %dma_wait3A_773 = arith.constant 0 : i32
        %dma_wait3A_774 = tpu.memref_slice %arg13[%dma_wait3A_771, %dma_wait3A_772, %dma_wait3A_773] : memref<8x8x129xf32, #tpu.memory_space<vmem>> -> memref<8x8x128xf32, #tpu.memory_space<vmem>>
        %dma_wait3A_775 = arith.constant 0 : i32
        %dma_wait3A_776 = arith.constant 0 : i32
        %dma_wait3A_777 = tpu.memref_slice %arg4[%mul3A_754, %select_n3A_770, %dma_wait3A_775, %dma_wait3A_776] : memref<400x128x8x128xf32, #tpu.memory_space<hbm>> -> memref<8x1x8x128xf32, #tpu.memory_space<hbm>>
        %dma_wait3A_778 = tpu.memref_squeeze %dma_wait3A_777 : memref<8x1x8x128xf32, #tpu.memory_space<hbm>> -> memref<8x8x128xf32, #tpu.memory_space<hbm>>
        %dma_wait3A_779 = arith.constant 0 : i32
        %dma_wait3A_780 = arith.constant 0 : i32
        %dma_wait3A_781 = tpu.memref_slice %arg4[%mul3A_754, %select_n3A_770, %dma_wait3A_779, %dma_wait3A_780] : memref<400x128x8x128xf32, #tpu.memory_space<hbm>> -> memref<8x1x8x128xf32, #tpu.memory_space<hbm>>
        %dma_wait3A_782 = tpu.memref_squeeze %dma_wait3A_781 : memref<8x1x8x128xf32, #tpu.memory_space<hbm>> -> memref<8x8x128xf32, #tpu.memory_space<hbm>>
        %dma_wait3A_783 = arith.constant 0 : i32
        %dma_wait3A_784 = arith.constant 0 : i32
        %dma_wait3A_785 = arith.constant 0 : i32
        %dma_wait3A_786 = tpu.memref_slice %arg13[%dma_wait3A_783, %dma_wait3A_784, %dma_wait3A_785] : memref<8x8x129xf32, #tpu.memory_space<vmem>> -> memref<8x8x128xf32, #tpu.memory_space<vmem>>
        tpu.wait_dma2 semaphore(%arg21 : memref<!tpu.dma_semaphore, #tpu.memory_space<semaphore_mem>>) src(%dma_wait3A_786 : memref<8x8x128xf32, #tpu.memory_space<vmem>>) dst(%dma_wait3A_782 : memref<8x8x128xf32, #tpu.memory_space<hbm>>)
      } else {
      }
      %mul3A_655 = arith.constant 128 : i32
      %mul3A_656 = arith.muli %add3A_648, %mul3A_655 : i32
      %dma_wait3A_657 = tpu.memref_slice %arg5[%mul3A_656] : memref<25600xi32, #tpu.memory_space<vmem>> -> memref<128xi32, #tpu.memory_space<vmem>>
      %dma_wait3A_658 = arith.constant 0 : i32
      %dma_wait3A_659 = arith.constant 0 : i32
      %dma_wait3A_660 = tpu.memref_slice %arg2[%dma_wait3A_658, %dma_wait3A_659] : memref<2000000x64xf32, #tpu.memory_space<hbm>> -> memref<2000000x64xf32, #tpu.memory_space<hbm>>
      tpu.wait_indirect_dma semaphore(%arg17 : memref<!tpu.dma_semaphore, #tpu.memory_space<semaphore_mem>>) src(%dma_wait3A_660 : memref<2000000x64xf32, #tpu.memory_space<hbm>>) dst(%arg9 : memref<128x64xf32, #tpu.memory_space<vmem>>)
      %parallel_loop3A_661 = arith.constant 0 : i32
      %parallel_loop3A_662 = arith.constant 128 : i32
      %parallel_loop3A_663 = arith.constant 1 : i32
      scf.for %parallel_loop3A_729 = %parallel_loop3A_661 to %parallel_loop3A_662 step %parallel_loop3A_663  : i32 {
        %parallel_loop3A_730 = vector.broadcast %parallel_loop3A_729 : i32 to vector<16xi32>
        %parallel_loop3A_731 = arith.index_cast %parallel_loop3A_729 : i32 to index
        %parallel_loop3A_732 = arith.constant 0 : index
        %parallel_loop3A_733 = tpu.vector_load %arg9[%parallel_loop3A_731, %parallel_loop3A_732] {strides = array<i32>} : memref<128x64xf32, #tpu.memory_space<vmem>>, vector<16xf32>,
        tpu.vector_store_idx %arg13[%add3A_28, %select_n3A_150, %parallel_loop3A_730], %parallel_loop3A_733 : memref<8x8x129xf32, #tpu.memory_space<vmem>>[vector<16xi32>, vector<16xi32>, vector<16xi32>], vector<16xf32>,
        %parallel_loop3A_734 = arith.index_cast %parallel_loop3A_729 : i32 to index
        %parallel_loop3A_735 = arith.constant 16 : index
        %parallel_loop3A_736 = tpu.vector_load %arg9[%parallel_loop3A_734, %parallel_loop3A_735] {strides = array<i32>} : memref<128x64xf32, #tpu.memory_space<vmem>>, vector<16xf32>,
        tpu.vector_store_idx %arg13[%add3A_62, %select_n3A_150, %parallel_loop3A_730], %parallel_loop3A_736 : memref<8x8x129xf32, #tpu.memory_space<vmem>>[vector<16xi32>, vector<16xi32>, vector<16xi32>], vector<16xf32>,
        %parallel_loop3A_737 = arith.index_cast %parallel_loop3A_729 : i32 to index
        %parallel_loop3A_738 = arith.constant 32 : index
        %parallel_loop3A_739 = tpu.vector_load %arg9[%parallel_loop3A_737, %parallel_loop3A_738] {strides = array<i32>} : memref<128x64xf32, #tpu.memory_space<vmem>>, vector<16xf32>,
        tpu.vector_store_idx %arg13[%add3A_96, %select_n3A_150, %parallel_loop3A_730], %parallel_loop3A_739 : memref<8x8x129xf32, #tpu.memory_space<vmem>>[vector<16xi32>, vector<16xi32>, vector<16xi32>], vector<16xf32>,
        %parallel_loop3A_740 = arith.index_cast %parallel_loop3A_729 : i32 to index
        %parallel_loop3A_741 = arith.constant 48 : index
        %parallel_loop3A_742 = tpu.vector_load %arg9[%parallel_loop3A_740, %parallel_loop3A_741] {strides = array<i32>} : memref<128x64xf32, #tpu.memory_space<vmem>>, vector<16xf32>,
        tpu.vector_store_idx %arg13[%add3A_130, %select_n3A_150, %parallel_loop3A_730], %parallel_loop3A_742 : memref<8x8x129xf32, #tpu.memory_space<vmem>>[vector<16xi32>, vector<16xi32>, vector<16xi32>], vector<16xf32>,
      } {sc.loop_unroll_factor = 16 : i64, sc.parallel_access}
      %jit3A_664 = arith.constant 128 : i32
      %div3A_665 = arith.divsi %add3A_649, %jit3A_664 : i32
      %sign3A_666 = arith.constant 0 : i32
      %sign3A_667 = arith.cmpi sgt, %add3A_649, %sign3A_666 : i32
      %sign3A_668 = arith.extui %sign3A_667 : i1 to i32
      %sign3A_669 = arith.constant 0 : i32
      %sign3A_670 = arith.cmpi slt, %add3A_649, %sign3A_669 : i32
      %sign3A_671 = arith.extui %sign3A_670 : i1 to i32
      %sign3A_672 = arith.subi %sign3A_668, %sign3A_671 : i32
      %sign3A_673 = arith.constant 0 : i32
      %sign3A_674 = arith.cmpi sgt, %jit3A_664, %sign3A_673 : i32
      %sign3A_675 = arith.extui %sign3A_674 : i1 to i32
      %sign3A_676 = arith.constant 0 : i32
      %sign3A_677 = arith.cmpi slt, %jit3A_664, %sign3A_676 : i32
      %sign3A_678 = arith.extui %sign3A_677 : i1 to i32
      %sign3A_679 = arith.subi %sign3A_675, %sign3A_678 : i32
      %ne3A_680 = arith.cmpi ne, %sign3A_672, %sign3A_679 : i32
      %rem3A_681 = arith.remsi %add3A_649, %jit3A_664 : i32
      %ne3A_682 = arith.constant 0 : i32
      %ne3A_683 = arith.cmpi ne, %rem3A_681, %ne3A_682 : i32
      %and3A_684 = arith.andi %ne3A_680, %ne3A_683 : i1
      %sub3A_685 = arith.constant 1 : i32
      %sub3A_686 = arith.subi %div3A_665, %sub3A_685 : i32
      %select_n3A_687 = arith.select %and3A_684, %sub3A_686, %div3A_665 : i32
      %mul3A_688 = arith.constant 8 : i32
      %mul3A_689 = arith.muli %select_n3A_687, %mul3A_688 : i32
      %jit3A_690 = arith.constant 128 : i32
      %eq3A_691 = arith.constant 0 : i32
      %eq3A_692 = arith.cmpi eq, %jit3A_690, %eq3A_691 : i32
      %jit3A_693 = arith.constant 1 : i32
      %select_n3A_694 = arith.select %eq3A_692, %jit3A_693, %jit3A_690 : i32
      %rem3A_695 = arith.remsi %add3A_649, %select_n3A_694 : i32
      %ne3A_696 = arith.constant 0 : i32
      %ne3A_697 = arith.cmpi ne, %rem3A_695, %ne3A_696 : i32
      %lt3A_698 = arith.constant 0 : i32
      %lt3A_699 = arith.cmpi slt, %rem3A_695, %lt3A_698 : i32
      %lt3A_700 = arith.constant 0 : i32
      %lt3A_701 = arith.cmpi slt, %select_n3A_694, %lt3A_700 : i32
      %ne3A_702 = arith.xori %lt3A_699, %lt3A_701 : i1
      %and3A_703 = arith.andi %ne3A_702, %ne3A_697 : i1
      %add3A_704 = arith.addi %rem3A_695, %select_n3A_694 : i32
      %select_n3A_705 = arith.select %and3A_703, %add3A_704, %rem3A_695 : i32
      %dma_start3A_706 = arith.constant 0 : i32
      %dma_start3A_707 = arith.constant 0 : i32
      %dma_start3A_708 = arith.constant 0 : i32
      %dma_start3A_709 = tpu.memref_slice %arg13[%dma_start3A_706, %dma_start3A_707, %dma_start3A_708] : memref<8x8x129xf32, #tpu.memory_space<vmem>> -> memref<8x8x128xf32, #tpu.memory_space<vmem>>
      %dma_start3A_710 = arith.constant 0 : i32
      %dma_start3A_711 = arith.constant 0 : i32
      %dma_start3A_712 = tpu.memref_slice %arg4[%mul3A_689, %select_n3A_705, %dma_start3A_710, %dma_start3A_711] : memref<400x128x8x128xf32, #tpu.memory_space<hbm>> -> memref<8x1x8x128xf32, #tpu.memory_space<hbm>>
      %dma_start3A_713 = tpu.memref_squeeze %dma_start3A_712 : memref<8x1x8x128xf32, #tpu.memory_space<hbm>> -> memref<8x8x128xf32, #tpu.memory_space<hbm>>
      %dma_start3A_714 = arith.constant 0 : i32
      %dma_start3A_715 = arith.constant 0 : i32
      %dma_start3A_716 = tpu.memref_slice %arg4[%mul3A_689, %select_n3A_705, %dma_start3A_714, %dma_start3A_715] : memref<400x128x8x128xf32, #tpu.memory_space<hbm>> -> memref<8x1x8x128xf32, #tpu.memory_space<hbm>>
      %dma_start3A_717 = tpu.memref_squeeze %dma_start3A_716 : memref<8x1x8x128xf32, #tpu.memory_space<hbm>> -> memref<8x8x128xf32, #tpu.memory_space<hbm>>
      %dma_start3A_718 = arith.constant 0 : i32
      %dma_start3A_719 = arith.constant 0 : i32
      %dma_start3A_720 = arith.constant 0 : i32
      %dma_start3A_721 = tpu.memref_slice %arg13[%dma_start3A_718, %dma_start3A_719, %dma_start3A_720] : memref<8x8x129xf32, #tpu.memory_space<vmem>> -> memref<8x8x128xf32, #tpu.memory_space<vmem>>
      tpu.enqueue_dma source(%dma_start3A_721 : memref<8x8x128xf32, #tpu.memory_space<vmem>>) target(%dma_start3A_717 : memref<8x8x128xf32, #tpu.memory_space<hbm>>) target_semaphore(%arg21 : memref<!tpu.dma_semaphore, #tpu.memory_space<semaphore_mem>>)
      %add3A_722 = arith.constant 3 : i32
      %add3A_723 = arith.addi %add3A_648, %add3A_722 : i32
      %lt3A_724 = arith.constant 200 : i32
      %lt3A_725 = arith.cmpi slt, %add3A_723, %lt3A_724 : i32
      %convert_element_type3A_726 = arith.extui %lt3A_725 : i1 to i32
      %cond3A_727 = arith.constant 0 : i32
      %cond3A_728 = arith.cmpi ne, %convert_element_type3A_726, %cond3A_727 : i32
      scf.if %cond3A_728 {
        %mul3A_729 = arith.constant 128 : i32
        %mul3A_730 = arith.muli %add3A_723, %mul3A_729 : i32
        %dma_start3A_731 = tpu.memref_slice %arg5[%mul3A_730] : memref<25600xi32, #tpu.memory_space<vmem>> -> memref<128xi32, #tpu.memory_space<vmem>>
        %dma_start3A_732 = arith.constant 0 : i32
        %dma_start3A_733 = arith.constant 0 : i32
        %dma_start3A_734 = tpu.memref_slice %arg2[%dma_start3A_732, %dma_start3A_733] : memref<2000000x64xf32, #tpu.memory_space<hbm>> -> memref<2000000x64xf32, #tpu.memory_space<hbm>>
        tpu.enqueue_indirect_dma source(%dma_start3A_734 : memref<2000000x64xf32, #tpu.memory_space<hbm>>) target(%arg8 : memref<128x64xf32, #tpu.memory_space<vmem>>) offsets(%dma_start3A_731 : memref<128xi32, #tpu.memory_space<vmem>>) semaphore(%arg16 : memref<!tpu.dma_semaphore, #tpu.memory_space<semaphore_mem>>)
      } else {
      }
    }
    %scan3A_170 = arith.constant 50 : i32
    %jit3A_171 = arith.constant 128 : i32
    %div3A_172 = arith.divsi %mul3A_2, %jit3A_171 : i32
    %sign3A_173 = arith.constant 0 : i32
    %sign3A_174 = arith.cmpi sgt, %mul3A_2, %sign3A_173 : i32
    %sign3A_175 = arith.extui %sign3A_174 : i1 to i32
    %sign3A_176 = arith.constant 0 : i32
    %sign3A_177 = arith.cmpi slt, %mul3A_2, %sign3A_176 : i32
    %sign3A_178 = arith.extui %sign3A_177 : i1 to i32
    %sign3A_179 = arith.subi %sign3A_175, %sign3A_178 : i32
    %sign3A_180 = arith.constant 0 : i32
    %sign3A_181 = arith.cmpi sgt, %jit3A_171, %sign3A_180 : i32
    %sign3A_182 = arith.extui %sign3A_181 : i1 to i32
    %sign3A_183 = arith.constant 0 : i32
    %sign3A_184 = arith.cmpi slt, %jit3A_171, %sign3A_183 : i32
    %sign3A_185 = arith.extui %sign3A_184 : i1 to i32
    %sign3A_186 = arith.subi %sign3A_182, %sign3A_185 : i32
    %ne3A_187 = arith.cmpi ne, %sign3A_179, %sign3A_186 : i32
    %rem3A_188 = arith.remsi %mul3A_2, %jit3A_171 : i32
    %ne3A_189 = arith.constant 0 : i32
    %ne3A_190 = arith.cmpi ne, %rem3A_188, %ne3A_189 : i32
    %and3A_191 = arith.andi %ne3A_187, %ne3A_190 : i1
    %sub3A_192 = arith.constant 1 : i32
    %sub3A_193 = arith.subi %div3A_172, %sub3A_192 : i32
    %select_n3A_194 = arith.select %and3A_191, %sub3A_193, %div3A_172 : i32
    %mul3A_195 = arith.constant 8 : i32
    %mul3A_196 = arith.muli %select_n3A_194, %mul3A_195 : i32
    %jit3A_197 = arith.constant 128 : i32
    %eq3A_198 = arith.constant 0 : i32
    %eq3A_199 = arith.cmpi eq, %jit3A_197, %eq3A_198 : i32
    %jit3A_200 = arith.constant 1 : i32
    %select_n3A_201 = arith.select %eq3A_199, %jit3A_200, %jit3A_197 : i32
    %rem3A_202 = arith.remsi %mul3A_2, %select_n3A_201 : i32
    %ne3A_203 = arith.constant 0 : i32
    %ne3A_204 = arith.cmpi ne, %rem3A_202, %ne3A_203 : i32
    %lt3A_205 = arith.constant 0 : i32
    %lt3A_206 = arith.cmpi slt, %rem3A_202, %lt3A_205 : i32
    %lt3A_207 = arith.constant 0 : i32
    %lt3A_208 = arith.cmpi slt, %select_n3A_201, %lt3A_207 : i32
    %ne3A_209 = arith.xori %lt3A_206, %lt3A_208 : i1
    %and3A_210 = arith.andi %ne3A_209, %ne3A_204 : i1
    %add3A_211 = arith.addi %rem3A_202, %select_n3A_201 : i32
    %select_n3A_212 = arith.select %and3A_210, %add3A_211, %rem3A_202 : i32
    %dma_wait3A = arith.constant 0 : i32
    %dma_wait3A_213 = arith.constant 0 : i32
    %dma_wait3A_214 = arith.constant 0 : i32
    %dma_wait3A_215 = tpu.memref_slice %arg10[%dma_wait3A, %dma_wait3A_213, %dma_wait3A_214] : memref<8x8x129xf32, #tpu.memory_space<vmem>> -> memref<8x8x128xf32, #tpu.memory_space<vmem>>
    %dma_wait3A_216 = arith.constant 0 : i32
    %dma_wait3A_217 = arith.constant 0 : i32
    %dma_wait3A_218 = tpu.memref_slice %arg4[%mul3A_196, %select_n3A_212, %dma_wait3A_216, %dma_wait3A_217] : memref<400x128x8x128xf32, #tpu.memory_space<hbm>> -> memref<8x1x8x128xf32, #tpu.memory_space<hbm>>
    %dma_wait3A_219 = tpu.memref_squeeze %dma_wait3A_218 : memref<8x1x8x128xf32, #tpu.memory_space<hbm>> -> memref<8x8x128xf32, #tpu.memory_space<hbm>>
    %dma_wait3A_220 = arith.constant 0 : i32
    %dma_wait3A_221 = arith.constant 0 : i32
    %dma_wait3A_222 = tpu.memref_slice %arg4[%mul3A_196, %select_n3A_212, %dma_wait3A_220, %dma_wait3A_221] : memref<400x128x8x128xf32, #tpu.memory_space<hbm>> -> memref<8x1x8x128xf32, #tpu.memory_space<hbm>>
    %dma_wait3A_223 = tpu.memref_squeeze %dma_wait3A_222 : memref<8x1x8x128xf32, #tpu.memory_space<hbm>> -> memref<8x8x128xf32, #tpu.memory_space<hbm>>
    %dma_wait3A_224 = arith.constant 0 : i32
    %dma_wait3A_225 = arith.constant 0 : i32
    %dma_wait3A_226 = arith.constant 0 : i32
    %dma_wait3A_227 = tpu.memref_slice %arg10[%dma_wait3A_224, %dma_wait3A_225, %dma_wait3A_226] : memref<8x8x129xf32, #tpu.memory_space<vmem>> -> memref<8x8x128xf32, #tpu.memory_space<vmem>>
    tpu.wait_dma2 semaphore(%arg18 : memref<!tpu.dma_semaphore, #tpu.memory_space<semaphore_mem>>) src(%dma_wait3A_227 : memref<8x8x128xf32, #tpu.memory_space<vmem>>) dst(%dma_wait3A_223 : memref<8x8x128xf32, #tpu.memory_space<hbm>>)
    %jit3A_228 = arith.constant 128 : i32
    %div3A_229 = arith.divsi %mul3A_2, %jit3A_228 : i32
    %sign3A_230 = arith.constant 0 : i32
    %sign3A_231 = arith.cmpi sgt, %mul3A_2, %sign3A_230 : i32
    %sign3A_232 = arith.extui %sign3A_231 : i1 to i32
    %sign3A_233 = arith.constant 0 : i32
    %sign3A_234 = arith.cmpi slt, %mul3A_2, %sign3A_233 : i32
    %sign3A_235 = arith.extui %sign3A_234 : i1 to i32
    %sign3A_236 = arith.subi %sign3A_232, %sign3A_235 : i32
    %sign3A_237 = arith.constant 0 : i32
    %sign3A_238 = arith.cmpi sgt, %jit3A_228, %sign3A_237 : i32
    %sign3A_239 = arith.extui %sign3A_238 : i1 to i32
    %sign3A_240 = arith.constant 0 : i32
    %sign3A_241 = arith.cmpi slt, %jit3A_228, %sign3A_240 : i32
    %sign3A_242 = arith.extui %sign3A_241 : i1 to i32
    %sign3A_243 = arith.subi %sign3A_239, %sign3A_242 : i32
    %ne3A_244 = arith.cmpi ne, %sign3A_236, %sign3A_243 : i32
    %rem3A_245 = arith.remsi %mul3A_2, %jit3A_228 : i32
    %ne3A_246 = arith.constant 0 : i32
    %ne3A_247 = arith.cmpi ne, %rem3A_245, %ne3A_246 : i32
    %and3A_248 = arith.andi %ne3A_244, %ne3A_247 : i1
    %sub3A_249 = arith.constant 1 : i32
    %sub3A_250 = arith.subi %div3A_229, %sub3A_249 : i32
    %select_n3A_251 = arith.select %and3A_248, %sub3A_250, %div3A_229 : i32
    %mul3A_252 = arith.constant 8 : i32
    %mul3A_253 = arith.muli %select_n3A_251, %mul3A_252 : i32
    %jit3A_254 = arith.constant 128 : i32
    %eq3A_255 = arith.constant 0 : i32
    %eq3A_256 = arith.cmpi eq, %jit3A_254, %eq3A_255 : i32
    %jit3A_257 = arith.constant 1 : i32
    %select_n3A_258 = arith.select %eq3A_256, %jit3A_257, %jit3A_254 : i32
    %rem3A_259 = arith.remsi %mul3A_2, %select_n3A_258 : i32
    %ne3A_260 = arith.constant 0 : i32
    %ne3A_261 = arith.cmpi ne, %rem3A_259, %ne3A_260 : i32
    %lt3A_262 = arith.constant 0 : i32
    %lt3A_263 = arith.cmpi slt, %rem3A_259, %lt3A_262 : i32
    %lt3A_264 = arith.constant 0 : i32
    %lt3A_265 = arith.cmpi slt, %select_n3A_258, %lt3A_264 : i32
    %ne3A_266 = arith.xori %lt3A_263, %lt3A_265 : i1
    %and3A_267 = arith.andi %ne3A_266, %ne3A_261 : i1
    %add3A_268 = arith.addi %rem3A_259, %select_n3A_258 : i32
    %select_n3A_269 = arith.select %and3A_267, %add3A_268, %rem3A_259 : i32
    %dma_wait3A_270 = arith.constant 0 : i32
    %dma_wait3A_271 = arith.constant 0 : i32
    %dma_wait3A_272 = arith.constant 0 : i32
    %dma_wait3A_273 = tpu.memref_slice %arg11[%dma_wait3A_270, %dma_wait3A_271, %dma_wait3A_272] : memref<8x8x129xf32, #tpu.memory_space<vmem>> -> memref<8x8x128xf32, #tpu.memory_space<vmem>>
    %dma_wait3A_274 = arith.constant 0 : i32
    %dma_wait3A_275 = arith.constant 0 : i32
    %dma_wait3A_276 = tpu.memref_slice %arg4[%mul3A_253, %select_n3A_269, %dma_wait3A_274, %dma_wait3A_275] : memref<400x128x8x128xf32, #tpu.memory_space<hbm>> -> memref<8x1x8x128xf32, #tpu.memory_space<hbm>>
    %dma_wait3A_277 = tpu.memref_squeeze %dma_wait3A_276 : memref<8x1x8x128xf32, #tpu.memory_space<hbm>> -> memref<8x8x128xf32, #tpu.memory_space<hbm>>
    %dma_wait3A_278 = arith.constant 0 : i32
    %dma_wait3A_279 = arith.constant 0 : i32
    %dma_wait3A_280 = tpu.memref_slice %arg4[%mul3A_253, %select_n3A_269, %dma_wait3A_278, %dma_wait3A_279] : memref<400x128x8x128xf32, #tpu.memory_space<hbm>> -> memref<8x1x8x128xf32, #tpu.memory_space<hbm>>
    %dma_wait3A_281 = tpu.memref_squeeze %dma_wait3A_280 : memref<8x1x8x128xf32, #tpu.memory_space<hbm>> -> memref<8x8x128xf32, #tpu.memory_space<hbm>>
    %dma_wait3A_282 = arith.constant 0 : i32
    %dma_wait3A_283 = arith.constant 0 : i32
    %dma_wait3A_284 = arith.constant 0 : i32
    %dma_wait3A_285 = tpu.memref_slice %arg11[%dma_wait3A_282, %dma_wait3A_283, %dma_wait3A_284] : memref<8x8x129xf32, #tpu.memory_space<vmem>> -> memref<8x8x128xf32, #tpu.memory_space<vmem>>
    tpu.wait_dma2 semaphore(%arg19 : memref<!tpu.dma_semaphore, #tpu.memory_space<semaphore_mem>>) src(%dma_wait3A_285 : memref<8x8x128xf32, #tpu.memory_space<vmem>>) dst(%dma_wait3A_281 : memref<8x8x128xf32, #tpu.memory_space<hbm>>)
    %jit3A_286 = arith.constant 128 : i32
    %div3A_287 = arith.divsi %mul3A_2, %jit3A_286 : i32
    %sign3A_288 = arith.constant 0 : i32
    %sign3A_289 = arith.cmpi sgt, %mul3A_2, %sign3A_288 : i32
    %sign3A_290 = arith.extui %sign3A_289 : i1 to i32
    %sign3A_291 = arith.constant 0 : i32
    %sign3A_292 = arith.cmpi slt, %mul3A_2, %sign3A_291 : i32
    %sign3A_293 = arith.extui %sign3A_292 : i1 to i32
    %sign3A_294 = arith.subi %sign3A_290, %sign3A_293 : i32
    %sign3A_295 = arith.constant 0 : i32
    %sign3A_296 = arith.cmpi sgt, %jit3A_286, %sign3A_295 : i32
    %sign3A_297 = arith.extui %sign3A_296 : i1 to i32
    %sign3A_298 = arith.constant 0 : i32
    %sign3A_299 = arith.cmpi slt, %jit3A_286, %sign3A_298 : i32
    %sign3A_300 = arith.extui %sign3A_299 : i1 to i32
    %sign3A_301 = arith.subi %sign3A_297, %sign3A_300 : i32
    %ne3A_302 = arith.cmpi ne, %sign3A_294, %sign3A_301 : i32
    %rem3A_303 = arith.remsi %mul3A_2, %jit3A_286 : i32
    %ne3A_304 = arith.constant 0 : i32
    %ne3A_305 = arith.cmpi ne, %rem3A_303, %ne3A_304 : i32
    %and3A_306 = arith.andi %ne3A_302, %ne3A_305 : i1
    %sub3A_307 = arith.constant 1 : i32
    %sub3A_308 = arith.subi %div3A_287, %sub3A_307 : i32
    %select_n3A_309 = arith.select %and3A_306, %sub3A_308, %div3A_287 : i32
    %mul3A_310 = arith.constant 8 : i32
    %mul3A_311 = arith.muli %select_n3A_309, %mul3A_310 : i32
    %jit3A_312 = arith.constant 128 : i32
    %eq3A_313 = arith.constant 0 : i32
    %eq3A_314 = arith.cmpi eq, %jit3A_312, %eq3A_313 : i32
    %jit3A_315 = arith.constant 1 : i32
    %select_n3A_316 = arith.select %eq3A_314, %jit3A_315, %jit3A_312 : i32
    %rem3A_317 = arith.remsi %mul3A_2, %select_n3A_316 : i32
    %ne3A_318 = arith.constant 0 : i32
    %ne3A_319 = arith.cmpi ne, %rem3A_317, %ne3A_318 : i32
    %lt3A_320 = arith.constant 0 : i32
    %lt3A_321 = arith.cmpi slt, %rem3A_317, %lt3A_320 : i32
    %lt3A_322 = arith.constant 0 : i32
    %lt3A_323 = arith.cmpi slt, %select_n3A_316, %lt3A_322 : i32
    %ne3A_324 = arith.xori %lt3A_321, %lt3A_323 : i1
    %and3A_325 = arith.andi %ne3A_324, %ne3A_319 : i1
    %add3A_326 = arith.addi %rem3A_317, %select_n3A_316 : i32
    %select_n3A_327 = arith.select %and3A_325, %add3A_326, %rem3A_317 : i32
    %dma_wait3A_328 = arith.constant 0 : i32
    %dma_wait3A_329 = arith.constant 0 : i32
    %dma_wait3A_330 = arith.constant 0 : i32
    %dma_wait3A_331 = tpu.memref_slice %arg12[%dma_wait3A_328, %dma_wait3A_329, %dma_wait3A_330] : memref<8x8x129xf32, #tpu.memory_space<vmem>> -> memref<8x8x128xf32, #tpu.memory_space<vmem>>
    %dma_wait3A_332 = arith.constant 0 : i32
    %dma_wait3A_333 = arith.constant 0 : i32
    %dma_wait3A_334 = tpu.memref_slice %arg4[%mul3A_311, %select_n3A_327, %dma_wait3A_332, %dma_wait3A_333] : memref<400x128x8x128xf32, #tpu.memory_space<hbm>> -> memref<8x1x8x128xf32, #tpu.memory_space<hbm>>
    %dma_wait3A_335 = tpu.memref_squeeze %dma_wait3A_334 : memref<8x1x8x128xf32, #tpu.memory_space<hbm>> -> memref<8x8x128xf32, #tpu.memory_space<hbm>>
    %dma_wait3A_336 = arith.constant 0 : i32
    %dma_wait3A_337 = arith.constant 0 : i32
    %dma_wait3A_338 = tpu.memref_slice %arg4[%mul3A_311, %select_n3A_327, %dma_wait3A_336, %dma_wait3A_337] : memref<400x128x8x128xf32, #tpu.memory_space<hbm>> -> memref<8x1x8x128xf32, #tpu.memory_space<hbm>>
    %dma_wait3A_339 = tpu.memref_squeeze %dma_wait3A_338 : memref<8x1x8x128xf32, #tpu.memory_space<hbm>> -> memref<8x8x128xf32, #tpu.memory_space<hbm>>
    %dma_wait3A_340 = arith.constant 0 : i32
    %dma_wait3A_341 = arith.constant 0 : i32
    %dma_wait3A_342 = arith.constant 0 : i32
    %dma_wait3A_343 = tpu.memref_slice %arg12[%dma_wait3A_340, %dma_wait3A_341, %dma_wait3A_342] : memref<8x8x129xf32, #tpu.memory_space<vmem>> -> memref<8x8x128xf32, #tpu.memory_space<vmem>>
    tpu.wait_dma2 semaphore(%arg20 : memref<!tpu.dma_semaphore, #tpu.memory_space<semaphore_mem>>) src(%dma_wait3A_343 : memref<8x8x128xf32, #tpu.memory_space<vmem>>) dst(%dma_wait3A_339 : memref<8x8x128xf32, #tpu.memory_space<hbm>>)
    %jit3A_344 = arith.constant 128 : i32
    %div3A_345 = arith.divsi %mul3A_2, %jit3A_344 : i32
    %sign3A_346 = arith.constant 0 : i32
    %sign3A_347 = arith.cmpi sgt, %mul3A_2, %sign3A_346 : i32
    %sign3A_348 = arith.extui %sign3A_347 : i1 to i32
    %sign3A_349 = arith.constant 0 : i32
    %sign3A_350 = arith.cmpi slt, %mul3A_2, %sign3A_349 : i32
    %sign3A_351 = arith.extui %sign3A_350 : i1 to i32
    %sign3A_352 = arith.subi %sign3A_348, %sign3A_351 : i32
    %sign3A_353 = arith.constant 0 : i32
    %sign3A_354 = arith.cmpi sgt, %jit3A_344, %sign3A_353 : i32
    %sign3A_355 = arith.extui %sign3A_354 : i1 to i32
    %sign3A_356 = arith.constant 0 : i32
    %sign3A_357 = arith.cmpi slt, %jit3A_344, %sign3A_356 : i32
    %sign3A_358 = arith.extui %sign3A_357 : i1 to i32
    %sign3A_359 = arith.subi %sign3A_355, %sign3A_358 : i32
    %ne3A_360 = arith.cmpi ne, %sign3A_352, %sign3A_359 : i32
    %rem3A_361 = arith.remsi %mul3A_2, %jit3A_344 : i32
    %ne3A_362 = arith.constant 0 : i32
    %ne3A_363 = arith.cmpi ne, %rem3A_361, %ne3A_362 : i32
    %and3A_364 = arith.andi %ne3A_360, %ne3A_363 : i1
    %sub3A_365 = arith.constant 1 : i32
    %sub3A_366 = arith.subi %div3A_345, %sub3A_365 : i32
    %select_n3A_367 = arith.select %and3A_364, %sub3A_366, %div3A_345 : i32
    %mul3A_368 = arith.constant 8 : i32
    %mul3A_369 = arith.muli %select_n3A_367, %mul3A_368 : i32
    %jit3A_370 = arith.constant 128 : i32
    %eq3A_371 = arith.constant 0 : i32
    %eq3A_372 = arith.cmpi eq, %jit3A_370, %eq3A_371 : i32
    %jit3A_373 = arith.constant 1 : i32
    %select_n3A_374 = arith.select %eq3A_372, %jit3A_373, %jit3A_370 : i32
    %rem3A_375 = arith.remsi %mul3A_2, %select_n3A_374 : i32
    %ne3A_376 = arith.constant 0 : i32
    %ne3A_377 = arith.cmpi ne, %rem3A_375, %ne3A_376 : i32
    %lt3A_378 = arith.constant 0 : i32
    %lt3A_379 = arith.cmpi slt, %rem3A_375, %lt3A_378 : i32
    %lt3A_380 = arith.constant 0 : i32
    %lt3A_381 = arith.cmpi slt, %select_n3A_374, %lt3A_380 : i32
    %ne3A_382 = arith.xori %lt3A_379, %lt3A_381 : i1
    %and3A_383 = arith.andi %ne3A_382, %ne3A_377 : i1
    %add3A_384 = arith.addi %rem3A_375, %select_n3A_374 : i32
    %select_n3A_385 = arith.select %and3A_383, %add3A_384, %rem3A_375 : i32
    %dma_wait3A_386 = arith.constant 0 : i32
    %dma_wait3A_387 = arith.constant 0 : i32
    %dma_wait3A_388 = arith.constant 0 : i32
    %dma_wait3A_389 = tpu.memref_slice %arg13[%dma_wait3A_386, %dma_wait3A_387, %dma_wait3A_388] : memref<8x8x129xf32, #tpu.memory_space<vmem>> -> memref<8x8x128xf32, #tpu.memory_space<vmem>>
    %dma_wait3A_390 = arith.constant 0 : i32
    %dma_wait3A_391 = arith.constant 0 : i32
    %dma_wait3A_392 = tpu.memref_slice %arg4[%mul3A_369, %select_n3A_385, %dma_wait3A_390, %dma_wait3A_391] : memref<400x128x8x128xf32, #tpu.memory_space<hbm>> -> memref<8x1x8x128xf32, #tpu.memory_space<hbm>>
    %dma_wait3A_393 = tpu.memref_squeeze %dma_wait3A_392 : memref<8x1x8x128xf32, #tpu.memory_space<hbm>> -> memref<8x8x128xf32, #tpu.memory_space<hbm>>
    %dma_wait3A_394 = arith.constant 0 : i32
    %dma_wait3A_395 = arith.constant 0 : i32
    %dma_wait3A_396 = tpu.memref_slice %arg4[%mul3A_369, %select_n3A_385, %dma_wait3A_394, %dma_wait3A_395] : memref<400x128x8x128xf32, #tpu.memory_space<hbm>> -> memref<8x1x8x128xf32, #tpu.memory_space<hbm>>
    %dma_wait3A_397 = tpu.memref_squeeze %dma_wait3A_396 : memref<8x1x8x128xf32, #tpu.memory_space<hbm>> -> memref<8x8x128xf32, #tpu.memory_space<hbm>>
    %dma_wait3A_398 = arith.constant 0 : i32
    %dma_wait3A_399 = arith.constant 0 : i32
    %dma_wait3A_400 = arith.constant 0 : i32
    %dma_wait3A_401 = tpu.memref_slice %arg13[%dma_wait3A_398, %dma_wait3A_399, %dma_wait3A_400] : memref<8x8x129xf32, #tpu.memory_space<vmem>> -> memref<8x8x128xf32, #tpu.memory_space<vmem>>
    tpu.wait_dma2 semaphore(%arg21 : memref<!tpu.dma_semaphore, #tpu.memory_space<semaphore_mem>>) src(%dma_wait3A_401 : memref<8x8x128xf32, #tpu.memory_space<vmem>>) dst(%dma_wait3A_397 : memref<8x8x128xf32, #tpu.memory_space<hbm>>)
    return
  }
}

</mosaic_0001>

<sc_bundles>
// kernel: _embed.3.cloned.1.call-start
scs
__scs_entry_jumppad:
0x0: {  	(pc) =	sbr.rel $0x88, $3  }
0x1: {  	(tag) =	ssettag $0x0;
	lr =	simm.s32 $0x1  }
0x2: {  	[smem:$0x3F9F] =	sst lr;
	_ =	strace $0xD0000000  }
0x3: {  	_ = 	snop  }
0x4: {  	_ = 	snop  }
0x5: {  	_ = 	snop  }
0x6: {  	_ = 	snop  }
0x7: {  	_ = 	snop  }
__scs_overlays_trampoline_lowered:
0x8: {  	[smem:$0x3FAE] =	sst s0  }
0x9: {  	[smem:$0x3FAF] =	sst s1  }
0xa: {  	[smem:$0x3FB0] =	sst s2  }
0xb: {  	[smem:$0x3FB1] =	sst s3  }
0xc: {  	[smem:$0x3FB2] =	sst s4  }
0xd: {  	[smem:$0x3FB3] =	sst s5  }
0xe: {  	[smem:$0x3FB4] =	sst s6  }
0xf: {  	[smem:$0x3FB5] =	sst s7  }
0x10: {  	[smem:$0x3FB6] =	sst s8  }
0x11: {  	[smem:$0x3FB7] =	sst s9;
	s0 =	simm.s32 @!p0 $0x0  }
0x12: {  	s1 =	sld [smem:$0x3F9D];
	s0 =	simm.s32 @p0 $0x1  }
0x13: {  	[smem:$0x3FB8] =	sst s0;
	s0 =	simm.s32 @!p1 $0x0  }
0x14: {  	s2 =	sld [smem:$0x3F9C];
	s0 =	simm.s32 @p1 $0x1  }
0x15: {  	[smem:$0x3FB9] =	sst s0;
	s0 =	simm.s32 @!p2 $0x0  }
0x16: {  	s3 =	sld [smem:$0x3FDB];
	s0 =	simm.s32 @p2 $0x1  }
0x17: {  	s4 =	simm.s32 $0x1BF5;
	[smem:$0x3FBB] =	sst s0  }
0x18: {  	s0 =	sld [smem:$0x3F9E];
	_ =	swait.ge [sflag:s4], $0x0  }
0x19: {  	s7 =	sld [smem:$0x3F9F]  }
0x1a: {  	s8 =	sadd.s32 $0xFFFFE003, lr  }
0x1b: {  	s9 =	sadd.s32 $0xFFFFFEF7, lr;
	s5 =	simm.s32 $0xFFFFFFFF;
	p2 =	slt.u32 s8, $0xFFFFF086  }
0x1c: {  	p1 =	slt.u32 s9, $0xF7A;
	s5 =	simm.s32 @!p2 $0x0  }
0x1d: {  	s5 =	simm.s32 @p1 $0x1;
	p0 =	seq.s32 s7, s2  }
0x1e: {  	s7 =	smul.u32 @!p0 $0xF7A, s2;
	p2 =	seq.s32 @!p0 s5, $0x0  }
0x1f: {  	s9 =	smul.u32 $0xF7A, s1;
	s8 =	simm.s32 @!p0 $0x1BF5;
	p2 =	por !p2, p0  }
0x20: {  	[sflag:s8] =	ssyncset.s32 @!p0 $0xFFFFF086;
	s6 =	sadd.s32 @!p0 s3, s7;
	s7 =	simm.s32 @!p0 $0x108  }
0x21: {  	s3 =	sadd.s32 s3, s9;
	s6 =	sadd.s32 @!p0 $0x88, s6;
	s7 =	simm.s32 @p2 $0x1082  }
0x22: {  	[simem:s7], [sflag:s8] =	dma.local @!p0 [hbm:s6], $0xF7A  }
0x23: {  	s9 =	sor.u32 $0xD0000000, s2;
	s6 =	simm.s32 $0x108;
	_ =	swait.ge @!p0 [sflag:s8], $0x0  }
0x24: {  	s3 =	sadd.s32 $0x88, s3;
	s6 =	simm.s32 @!p1 $0x1082;
	[sflag:s4] =	ssyncset.s32 $0xFFFFF086  }
0x25: {  	[simem:s6], [sflag:s4] =	dma.local [hbm:s3], $0xF7A  }
0x26: {  	[smem:$0x3F9F] =	sst s1;
	(tag) =	ssettag s2;
	_ =	strace s9  }
0x27: {  	s1 =	sld [smem:$0x3FAF]  }
0x28: {  	s2 =	sld [smem:$0x3FB0]  }
0x29: {  	s4 =	sld [smem:$0x3FB2]  }
0x2a: {  	p0 =	seq.s32 s5, $0x0;
	s5 =	sld [smem:$0x3FB3]  }
0x2b: {  	s6 =	sld [smem:$0x3FB4]  }
0x2c: {  	s7 =	sld [smem:$0x3FB5]  }
0x2d: {  	s3 =	simm.s32 $0x108;
	s8 =	sld [smem:$0x3FB6]  }
0x2e: {  	s3 =	simm.s32 @!p0 $0x1082;
	s9 =	sld [smem:$0x3FB7]  }
0x2f: {  	lr =	sadd.s32 s0, s3;
	s0 =	sld [smem:$0x3FAE]  }
0x30: {  	s3 =	sld [smem:$0x3FB1]  }
0x31: {  	[smem:$0x3FBA] =	sst s10  }
0x32: {  	s10 =	sld [smem:$0x3FB8];
	_ =	sdelay $0x3  }
0x33: {  	p0 =	seq.s32 s10, $0x1;
	s10 =	sld [smem:$0x3FBA];
	_ =	sdelay $0x3  }
0x34: {  	[smem:$0x3FBA] =	sst s10  }
0x35: {  	s10 =	sld [smem:$0x3FB9];
	_ =	sdelay $0x3  }
0x36: {  	p1 =	seq.s32 s10, $0x1;
	s10 =	sld [smem:$0x3FBA];
	_ =	sdelay $0x3  }
0x37: {  	[smem:$0x3FBA] =	sst s10  }
0x38: {  	s10 =	sld [smem:$0x3FBB]  }
0x39: {  	_ = 	snop;
	(pc) =	sbr.ind lr, $3  }
0x3a: {  	_ = 	snop  }
0x3b: {  	_ = 	snop  }
0x3c: {  	p2 =	seq.s32 s10, $0x1;
	s10 =	sld [smem:$0x3FBA]  }
0x3d: {  	_ =	shalt  }
0x3e: {  	_ =	shalt  }
0x3f: {  	_ =	shalt  }
0x40: {  	_ =	shalt  }
0x41: {  	_ =	shalt  }
0x42: {  	_ =	shalt  }
0x43: {  	_ =	shalt  }
0x44: {  	_ =	shalt  }
0x45: {  	_ =	shalt  }
0x46: {  	_ =	shalt  }
0x47: {  	_ =	shalt  }
0x48: {  	_ =	shalt  }
0x49: {  	_ =	shalt  }
0x4a: {  	_ =	shalt  }
0x4b: {  	_ =	shalt  }
0x4c: {  	_ =	shalt  }
0x4d: {  	_ =	shalt  }
0x4e: {  	_ =	shalt  }
0x4f: {  	_ =	shalt  }
0x50: {  	_ =	shalt  }
0x51: {  	_ =	shalt  }
0x52: {  	_ =	shalt  }
0x53: {  	_ =	shalt  }
0x54: {  	_ =	shalt  }
0x55: {  	_ =	shalt  }
0x56: {  	_ =	shalt  }
0x57: {  	_ =	shalt  }
0x58: {  	_ =	shalt  }
0x59: {  	_ =	shalt  }
0x5a: {  	_ =	shalt  }
0x5b: {  	_ =	shalt  }
0x5c: {  	_ =	shalt  }
0x5d: {  	_ =	shalt  }
0x5e: {  	_ =	shalt  }
0x5f: {  	_ =	shalt  }
0x60: {  	_ =	shalt  }
0x61: {  	_ =	shalt  }
0x62: {  	_ =	shalt  }
0x63: {  	_ =	shalt  }
0x64: {  	_ =	shalt  }
0x65: {  	_ =	shalt  }
0x66: {  	_ =	shalt  }
0x67: {  	_ =	shalt  }
0x68: {  	_ =	shalt  }
0x69: {  	_ =	shalt  }
0x6a: {  	_ =	shalt  }
0x6b: {  	_ =	shalt  }
0x6c: {  	_ =	shalt  }
0x6d: {  	_ =	shalt  }
0x6e: {  	_ =	shalt  }
0x6f: {  	_ =	shalt  }
0x70: {  	_ =	shalt  }
0x71: {  	_ =	shalt  }
0x72: {  	_ =	shalt  }
0x73: {  	_ =	shalt  }
0x74: {  	_ =	shalt  }
0x75: {  	_ =	shalt  }
0x76: {  	_ =	shalt  }
0x77: {  	_ =	shalt  }
0x78: {  	_ =	shalt  }
0x79: {  	_ =	shalt  }
0x7a: {  	_ =	shalt  }
0x7b: {  	_ =	shalt  }
0x7c: {  	_ =	shalt  }
0x7d: {  	_ =	shalt  }
0x7e: {  	_ =	shalt  }
0x7f: {  	_ =	shalt  }
0x80: {  	_ =	shalt  }
0x81: {  	_ =	shalt  }
0x82: {  	_ =	shalt  }
0x83: {  	_ =	shalt  }
0x84: {  	_ =	shalt  }
0x85: {  	_ =	shalt  }
0x86: {  	_ =	shalt  }
0x87: {  	_ =	shalt  }
.Lfunc_end0:
.L_simem_size_0:
called_computation.1_lowered:
.L_overlay_start_0:
0x88: {  	s2 =	sld [smem:$0x3FD9]  }
0x89: {  	s3 =	sld [smem:$0x3FFE];
	_ =	sdelay $0x1  }
0x8a: {  	s1 =	srdreg.scid  }
0x8b: {  	s0 =	sand.u32 $0x1, s1  }
0x8c: {  	s17 =	sshll.u32 s0, $0xA;
	s2 =	sadd.s32 s3, s2  }
0x8d: {  	s2 =	sadd.s32 s2, s17  }
0x8e: {  	[smem:$0x3FC6] =	sst s2  }
0x8f: {  	_ = 	snop  }
0x90: {  	s2 =	sld [smem:$0x3FD0];
	(tm) =	ssettm $0x1  }
0x91: {  	s18 =	sld [smem:$0x3FFB];
	_ =	sdelay $0x3  }
0x92: {  	_ =	strace s18  }
0x93: {  	s3 =	sld [smem:$0x3FFC];
	_ =	sdelay $0x3  }
0x94: {  	_ =	strace s3  }
0x95: {  	s3 =	sld [smem:$0x3FFD];
	_ =	sdelay $0x3  }
0x96: {  	_ =	strace s3  }
0x97: {  	_ =	strace $0x8FFFFFFF  }
0x98: {  	s19 =	sld [smem:$0x3FDB];
	_ =	sdelay $0x1  }
0x99: {  	s4 =	simm.s32 $_scs_section_size  }
0x9a: {  	s5 =	simm.s32 $_size__tile_overlayer_lowered;
	s6 =	simm.s32 $_tile_overlayer_lowered  }
0x9b: {  	s22 =	simm.s32 $0x1BFF;
	s21 =	sshll.u32 s6, $0x1;
	s3 =	sadd.s32 s4, s19  }
0x9c: {  	s7 =	simm.s32 $0x0;
	s20 =	sshll.u32 s5, $0x1;
	s5 =	sadd.s32 s21, s3  }
0x9d: {  	[timem:s7], [sflag:s22] =	dma.local [hbm:s5], s20  }
0x9e: {  	_ =	swait.ge [sflag:s22], s20  }
0x9f: {  	s4 =	ssub.s32 $0x0, s20;
	[sflag:s22] =	ssyncset.done $0x0  }
0xa0: {  	[sflag:s22] =	ssyncadd.s32 s4;
	_ =	sdelay $0x1  }
0xa1: {  	s23 =	simm.s32 $0x1B8B  }
0xa2: {  	_ =	swait.ge [sflag:s23], $0x1  }
0xa3: {  	[sflag:s23] =	ssyncset.done $0x0  }
0xa4: {  	s25 =	simm.s32 $0x1B8E;
	s24 =	sld [smem:$0x3FFE];
	[sflag:s23] =	ssyncadd.s32 $0xFFFFFFFF  }
0xa5: {  	s26 =	simm.s32 $execute0_lowered;
	[smem:$0x3FD2] =	sst s25  }
0xa6: {  	s5 =	sshll.u32 s26, $0x1;
	_ =	strace $0x80000049;
	[dreg:$0x1] =	wrdreg $0xFFFFFFFF  }
0xa7: {  	s28 =	simm.s32 $_size_execute0_lowered;
	s3 =	sadd.s32 s3, s5;
	[dreg:$0x0] =	wrdreg $0x0  }
0xa8: {  	s5 =	sshll.u32 s28, $0x1;
	[dreg:$0x2] =	wrdreg s3  }
0xa9: {  	[dreg:$0x3] =	wrdreg s5  }
0xaa: {  	[dreg:$0x4] =	wrdreg $0xC0  }
0xab: {  	_ =	task [dreg:s7], $0x5FFFF  }
0xac: {  	[dreg:$0x1] =	wrdreg $0xFFFFFFFF  }
0xad: {  	[dreg:$0x0] =	wrdreg $0x60  }
0xae: {  	[dreg:$0x2] =	wrdreg s24  }
0xaf: {  	[dreg:$0x3] =	wrdreg s2  }
0xb0: {  	[dreg:$0x4] =	wrdreg $0x9  }
0xb1: {  	_ =	task.clear_ibuf [dreg:s7], $0x5FFFF;
	_ =	strace $0x90000049  }
0xb2: {  	s29 =	simm.s32 $0x9;
	_ =	strace $0x8000004B  }
0xb3: {  	_ =	swait.ge [sflag:s29], $0x1  }
0xb4: {  	[sflag:s29] =	ssyncadd.s32 $0xFFFFFFFF  }
0xb5: {  	_ =	strace $0x9000004B  }
0xb6: {  	_ =	sfence  }
0xb7: {  	s30 =	sld [smem:$0x0];
	_ =	sdelay $0x2  }
0xb8: {  	s31 =	sshll.u32 s1, $0xD;
	s1 =	sshrl.u32 s1, $0x2  }
0xb9: {  	s3 =	sand.u32 $0x4000, s31;
	s1 =	sadd.s32 s1, s30  }
0xba: {  	s0 =	sor.u32 s3, s0;
	s1 =	sshll.u32 s1, $0x11  }
0xbb: {  	s0 =	sor.u32 s1, s0  }
0xbc: {  	s0 =	sadd.s32 $0x8F2B, s0  }
0xbd: {  	[sflag:s0] =	ssyncadd.remote.s32 $0x1  }
0xbe: {  	_ =	sfence.sel $0xFFFF  }
0xbf: {  	[dreg:$0x0] =	wrdreg $0xFFFFFFFF;
	(pc) =	sbr.abs _section_cstart, $3  }
0xc0: {  	[dreg:$0x1] =	wrdreg $0xFFFFFFFF  }
0xc1: {  	_ =	task.clear_ibuf [dreg:s7], $0x2FFFF;
	_ =	strace $0x9FFFFFFF  }
0xc2: {  	(tm) =	ssettm $0x7FFFFFFF  }
0xc3: {  	_ =	shalt  }
tec
execute0_lowered:
.L_overlay_start_1:
0x0: {  	(tag) =	ssettag $0x1  }
0x1: {  	s3 =	stileid.u32;
	v0 =	vlaneseq.u32  }
0x2: {  	s0 =	rddreg [dreg:$0x0];
	s4 =	sshll.u32 s3, $0x1;
	v28 =	vmul.u32 $0x88, v0;
	s3 =	simm.s32 $0x0  }
0x3: {  	[smem:$0x7FF] =	sst s3  }
0x4: {  	s2 =	rddreg [dreg:$0x1];
	v29 =	vadd.s32 $0x880, v28;
	_ =	strace $0x8000004A;
	[tilespmem:$0x1FE70] =	vst v28  }
0x5: {  	v30 =	vadd.s32 $0x1100, v28;
	[tilespmem:$0x1FE00] =	vst v29  }
0x6: {  	v7 =	vadd.s32 $0x1980, v28;
	[tilespmem:$0x1FE10] =	vst v30  }
0x7: {  	v12 =	vadd.s32 $0x1981, v28;
	[tilespmem:$0x1FE20] =	vst v7  }
0x8: {  	v8 =	vadd.s32 $0x1982, v28;
	[tilespmem:$0x1FE30] =	vst v12  }
0x9: {  	v11 =	vadd.s32 $0x1983, v28;
	[tilespmem:$0x1FE40] =	vst v8  }
0xa: {  	v19 =	vadd.s32 $0x1984, v28;
	[tilespmem:$0x1FE50] =	vst v11  }
0xb: {  	v32 =	vor.u32 $0x1, v28;
	[tilespmem:$0x1FE60] =	vst v19  }
0xc: {  	v23 =	vadd.s32 $0x1101, v28;
	[tilespmem:$0x1FE80] =	vst v32  }
0xd: {  	v20 =	vor.u32 $0x2, v28;
	[tilespmem:$0x1FE90] =	vst v23  }
0xe: {  	v25 =	vadd.s32 $0x1102, v28;
	[tilespmem:$0x1FEA0] =	vst v20  }
0xf: {  	v27 =	vor.u32 $0x3, v28;
	[tilespmem:$0x1FEB0] =	vst v25  }
0x10: {  	v17 =	vadd.s32 $0x1103, v28;
	[tilespmem:$0x1FEC0] =	vst v27  }
0x11: {  	v16 =	vor.u32 $0x4, v28;
	[tilespmem:$0x1FED0] =	vst v17  }
0x12: {  	v24 =	vadd.s32 $0x1104, v28;
	[tilespmem:$0x1FEE0] =	vst v16  }
0x13: {  	v18 =	vor.u32 $0x5, v28;
	[tilespmem:$0x1FEF0] =	vst v24  }
0x14: {  	v31 =	vadd.s32 $0x1105, v28;
	[tilespmem:$0x1FF00] =	vst v18  }
0x15: {  	v0 =	vadd.s32 $0x1985, v28;
	[tilespmem:$0x1FF10] =	vst v31  }
0x16: {  	v2 =	vadd.s32 $0x1106, v28;
	[tilespmem:$0x1FF20] =	vst v0  }
0x17: {  	v3 =	vadd.s32 $0x1986, v28;
	[tilespmem:$0x1FF30] =	vst v2  }
0x18: {  	v4 =	vadd.s32 $0x887, v28;
	[tilespmem:$0x1FF40] =	vst v3  }
0x19: {  	s1 =	srdreg.scid;
	s10 =	simm.s32 $0x80;
	s12 =	simm.s32 $0x8400;
	v5 =	vadd.s32 $0x1107, v28;
	[tilespmem:$0x1FF50] =	vst v4  }
0x1a: {  	s14 =	simm.s32 $0xA400;
	s15 =	simm.s32 $0x1;
	s16 =	simm.s32 $0xE400;
	v6 =	vadd.s32 $0x1987, v28;
	[tilespmem:$0x1FF60] =	vst v5  }
0x1b: {  	s17 =	simm.s32 $0xC400;
	s18 =	simm.s32 $0x2;
	s19 =	simm.s32 $0x10600;
	v21 =	vor.u32 $0x7, v28;
	[tilespmem:$0x1FF70] =	vst v6  }
0x1c: {  	s20 =	simm.s32 $0x3;
	s21 =	simm.s32 $0x12800;
	s1 =	sand.u32 $0x1, s1;
	v10 =	vadd.s32 $0x881, v28;
	[tilespmem:$0x1FF80] =	vst v21  }
0x1d: {  	s22 =	simm.s32 $0x8;
	s23 =	simm.s32 $0x4;
	s4 =	sor.u32 s1, s4;
	v14 =	vadd.s32 $0x882, v28;
	[tilespmem:$0x1FF90] =	vst v10  }
0x1e: {  	s24 =	simm.s32 $0x14A00;
	s1 =	ssub.s32 $0x2, s1;
	s6 =	smul.u32 $0xC80, s4;
	v62 =	vadd.s32 $0x883, v28;
	[tilespmem:$0x1FFA0] =	vst v14  }
.Ltmp0:
0x1f: {  	s25 =	simm.s32 $0x5;
	s30 =	sshrl.u32 s1, $0x1;
	v22 =	vadd.s32 $0x884, v28;
	[tilespmem:$0x1FFB0] =	vst v62;
	(pc) =	sbr.rel .LBB2_1-.Ltmp0, $4  }
0x20: {  	s26 =	simm.s32 $0x6;
	s5 =	sadd.s32 $0xF5BE00, s0;
	v26 =	vadd.s32 $0x885, v28;
	s1 =	ssub.s32 s1, s30;
	[tilespmem:$0x1FFC0] =	vst v22  }
0x21: {  	s4 =	smul.u32 $0xC8, s4;
	v63 =	vadd.s32 $0x886, v28;
	[tilespmem:$0x1FFD0] =	vst v26;
	s0 =	sadd.s32 s6, s0;
	s31 =	smax.u32 s1, $0x1  }
0x22: {  	v1 =	vimm.s32 $0x0;
	vm0 =	vcmask $0x300;
	s28 =	simm.s32 $0x7;
	v13 =	vor.u32 $0x6, v28;
	[tilespmem:$0x1FFE0] =	vst v63;
	s0 =	sadd.s32 $0xF42E00, s0;
	[dreg:$0x4] =	wrdreg s31  }
0x23: {  	s29 =	simm.s32 $0x0;
	v1 =	vsel vm0, $0x3, v1;
	[tilespmem:$0x1FFF0] =	vst v13;
	s7 =	sadd.s32 $0xC6, s4;
	[dreg:$0x3] =	wrdreg s0  }
.LBB2_26:
0x24: {  	_ =	swait.ge [sflag:s25], $0x2000  }
0x25: {  	[sflag:s25] =	ssyncset.done $0x0  }
0x26: {  	[sflag:s25] =	ssyncadd.s32 $0xFFFFE000  }
0x27: {  	_ =	swait.ge [sflag:s26], $0x2000  }
0x28: {  	[sflag:s26] =	ssyncset.done $0x0  }
0x29: {  	[sflag:s26] =	ssyncadd.s32 $0xFFFFE000  }
0x2a: {  	_ =	swait.ge [sflag:s28], $0x2000  }
0x2b: {  	[sflag:s28] =	ssyncset.done $0x0  }
0x2c: {  	[sflag:s28] =	ssyncadd.s32 $0xFFFFE000  }
0x2d: {  	_ =	swait.ge [sflag:s22], $0x2000  }
0x2e: {  	v28 =	vld [tilespmem:$0x1FE70]  }
0x2f: {  	v30 =	vld [tilespmem:$0x1FE10]  }
0x30: {  	v32 =	vld [tilespmem:$0x1FE80]  }
0x31: {  	v23 =	vld [tilespmem:$0x1FE90]  }
0x32: {  	v20 =	vld [tilespmem:$0x1FEA0]  }
0x33: {  	s29 =	sadd.s32 $0x1, s29;
	s0 =	rddreg [dreg:$0x4];
	v25 =	vld [tilespmem:$0x1FEB0]  }
0x34: {  	v27 =	vld [tilespmem:$0x1FEC0];
	p0 =	sne.s32 s29, s0  }
.Ltmp1:
0x35: {  	v17 =	vld [tilespmem:$0x1FED0];
	(pc) =	sbr.rel @!p0 .LBB2_27-.Ltmp1, $4  }
0x36: {  	v16 =	vld [tilespmem:$0x1FEE0]  }
0x37: {  	v24 =	vld [tilespmem:$0x1FEF0]  }
0x38: {  	[sflag:s22] =	ssyncset.done $0x0;
	v18 =	vld [tilespmem:$0x1FF00]  }
0x39: {  	v31 =	vld [tilespmem:$0x1FF10];
	[sflag:s22] =	ssyncadd.s32 $0xFFFFE000  }
.LBB2_1:
0x3a: {  	s0 =	rddreg [dreg:$0x3];
	s11 =	simm.s32 $0x9  }
0x3b: {  	[tilespmem:s3], [sflag:$0x9] =	stream.linear.gather [hbm4b:s0+s3], $0x6400, $0x38;
	[tilespmem:$0x16C00] =	vst v63  }
0x3c: {  	_ =	swait.ge [sflag:s11], $0x6400  }
0x3d: {  	[sflag:s11] =	ssyncset.done $0x0  }
0x3e: {  	s13 =	simm.s32 $0x6400;
	[sflag:s11] =	ssyncadd.s32 $0xFFFF9C00  }
0x3f: {  	[tilespmem:s13], [sflag:$0x1] =	stream.indirect.gather [hbm4b:s5+s10], $0x40, s3, s10, $0xb8;
	[tilespmem:$0x16C00] =	vst v63  }
0x40: {  	_ = 	snop  }
0x41: {  	[tilespmem:s12], [sflag:$0x2] =	stream.indirect.gather [hbm4b:s5+s10], $0x40, s10, s10, $0xb8;
	[tilespmem:$0x16C00] =	vst v63  }
0x42: {  	s31 =	simm.s32 $0x100;
	s30 =	simm.s32 $0x0  }
0x43: {  	[tilespmem:s14], [sflag:$0x3] =	stream.indirect.gather [hbm4b:s5+s10], $0x40, s31, s10, $0xb8;
	[tilespmem:$0x16C00] =	vst v63  }
.LBB2_2:
0x44: {  	s6 =	simm.s32 $0x1;
	s8 =	simm.s32 $0x2  }
0x45: {  	p0 =	seq.s32 s30, $0x0;
	v34 =	vmov s6;
	s6 =	simm.s32 $0x4;
	v35 =	vmov s8;
	s8 =	simm.s32 $0xA  }
0x46: {  	v37 =	vmov s6;
	s6 =	simm.s32 $0x9;
	v43 =	vmov s8;
	s8 =	simm.s32 @!p0 $0x5  }
0x47: {  	v42 =	vmov s6;
	_ =	swait.ge @!p0 [sflag:s8], $0x2000;
	s6 =	simm.s32 $0xF  }
0x48: {  	s0 =	simm.s32 $0x0;
	[sflag:s8] =	ssyncset.done @!p0 $0x0;
	v45 =	vmov s6  }
0x49: {  	v33 =	vmov s0;
	[sflag:s8] =	ssyncadd.s32 @!p0 $0xFFFFE000;
	v45 =	vshrl.u32 v45, $0x3  }
0x4a: {  	v33 =	vshrl.u32 v33, $0x3;
	_ =	swait.ge [sflag:s15], $0x2000;
	v60 =	vshll.u32 v45, v1  }
0x4b: {  	v33 =	vshll.u32 v33, v1;
	[sflag:s15] =	ssyncset.done $0x0;
	v54 =	vbroadcast v60, $0x0  }
0x4c: {  	s31 =	simm.s32 $0x6600;
	v35 =	vshrl.u32 v35, $0x3;
	v33 =	vbroadcast v33, $0x0;
	[sflag:s15] =	ssyncadd.s32 $0xFFFFE000  }
0x4d: {  	v61 =	vshll.u32 v35, v1;
	v53 =	vshrl.u32 v42, $0x3;
	v35 =	vld [tilespmem:s31+$0x1C0];
	v42 =	vadd.s32 v21, v54  }
0x4e: {  	s1 =	simm.s32 $0x3;
	s9 =	simm.s32 $0x5;
	v55 =	vshrl.u32 v43, $0x3;
	v56 =	vadd.s32 v28, v33;
	v43 =	vld [tilespmem:s31+$0xFFFFFE00]  }
0x4f: {  	s13 =	simm.s32 $0x7;
	v36 =	vmov s1;
	v38 =	vmov s9;
	s1 =	simm.s32 $0x8;
	v34 =	vshrl.u32 v34, $0x3  }
0x50: {  	v40 =	vmov s13;
	s9 =	simm.s32 $0xB;
	v41 =	vmov s1;
	v34 =	vshll.u32 v34, v1  }
0x51: {  	v44 =	vmov s9;
	v36 =	vshrl.u32 v36, $0x3;
	v47 =	vbroadcast v34, $0x0  }
0x52: {  	v38 =	vshrl.u32 v38, $0x3;
	v51 =	vshrl.u32 v40, $0x3;
	v37 =	vshrl.u32 v37, $0x3;
	[tilespmem:v42+s16+$0x0] =	vst.idx.msk $0xffff, v35  }
0x53: {  	v4 =	vshll.u32 v36, v1;
	v46 =	vbroadcast v61, $0x0;
	v57 =	vadd.s32 v32, v47;
	v36 =	vld [tilespmem:s31+$0xFFFFFE40];
	[tilespmem:v56+s16+$0x0] =	vst.idx.msk $0xffff, v43  }
0x54: {  	v52 =	vshrl.u32 v41, $0x3;
	v5 =	vshll.u32 v37, v1;
	v45 =	vbroadcast v4, $0x0;
	v0 =	vld [tilespmem:$0x1FF50]  }
0x55: {  	v38 =	vshll.u32 v38, v1;
	v40 =	vbroadcast v5, $0x0;
	v58 =	vadd.s32 v20, v46;
	v37 =	vld [tilespmem:s31+$0xFFFFFE80]  }
0x56: {  	v34 =	vshrl.u32 v44, $0x3;
	v41 =	vbroadcast v38, $0x0;
	v59 =	vadd.s32 v27, v45;
	v44 =	vld [tilespmem:s31+$0xFFFFFEC0]  }
0x57: {  	v61 =	vadd.s32 v16, v40;
	v60 =	vld [tilespmem:s31+$0xFFFFFF00]  }
0x58: {  	[tilespmem:v57+s16+$0x0] =	vst.idx.msk $0xffff, v36;
	v36 =	vld [tilespmem:s31+$0xFFFFFF40];
	v57 =	vadd.s32 v18, v41  }
0x59: {  	s11 =	simm.s32 $0x6;
	v43 =	vshll.u32 v51, v1;
	v51 =	vld [tilespmem:s31+$0x1D0];
	v56 =	vadd.s32 v0, v54  }
0x5a: {  	v39 =	vmov s11;
	[tilespmem:v58+s16+$0x0] =	vst.idx.msk $0xffff, v37  }
0x5b: {  	s11 =	simm.s32 $0xC;
	v39 =	vshrl.u32 v39, $0x3;
	[tilespmem:v59+s16+$0x0] =	vst.idx.msk $0xffff, v44  }
0x5c: {  	s13 =	simm.s32 $0xD;
	v48 =	vmov s11;
	v6 =	vshll.u32 v39, v1;
	[tilespmem:v61+s16+$0x0] =	vst.idx.msk $0xffff, v60  }
0x5d: {  	v49 =	vmov s13;
	s1 =	simm.s32 $0xE;
	v5 =	vshll.u32 v52, v1;
	v4 =	vbroadcast v6, $0x0;
	v52 =	vld [tilespmem:s31+$0x80];
	[tilespmem:v57+s16+$0x0] =	vst.idx.msk $0xffff, v36  }
0x5e: {  	v50 =	vmov s1;
	v42 =	vshll.u32 v53, v1;
	v6 =	vbroadcast v43, $0x0;
	v37 =	vld [tilespmem:s31+$0xFFFFFF80];
	[tilespmem:v56+s16+$0x0] =	vst.idx.msk $0xffff, v51  }
0x5f: {  	v9 =	vbroadcast v5, $0x0;
	v38 =	vadd.s32 v13, v4;
	v5 =	vbroadcast v42, $0x0;
	v2 =	vld [tilespmem:$0x1FF60]  }
0x60: {  	v48 =	vshrl.u32 v48, $0x3;
	v53 =	vld [tilespmem:s31+$0xFFFFFFC0];
	v43 =	vshll.u32 v55, v1;
	v58 =	vadd.s32 v21, v6  }
0x61: {  	v49 =	vshrl.u32 v49, $0x3;
	v55 =	vld [tilespmem:s31+$0x40];
	v15 =	vbroadcast v43, $0x0;
	v44 =	vadd.s32 v32, v5  }
0x62: {  	v39 =	vshll.u32 v48, v1;
	v34 =	vshll.u32 v34, v1;
	v59 =	vld [tilespmem:s31+$0x0];
	v60 =	vadd.s32 v28, v9  }
0x63: {  	v34 =	vbroadcast v34, $0x0;
	v42 =	vshll.u32 v49, v1;
	v49 =	vld [tilespmem:s31+$0xC0];
	v56 =	vadd.s32 v20, v15  }
0x64: {  	v50 =	vshrl.u32 v50, $0x3;
	v35 =	vbroadcast v39, $0x0;
	v48 =	vld [tilespmem:s31+$0x1E0];
	[tilespmem:v38+s16+$0x0] =	vst.idx.msk $0xffff, v37;
	v51 =	vadd.s32 v2, v54  }
0x65: {  	v43 =	vshll.u32 v50, v1;
	v50 =	vld [tilespmem:s31+$0x100];
	v36 =	vbroadcast v42, $0x0;
	[tilespmem:v58+s16+$0x0] =	vst.idx.msk $0xffff, v53;
	v53 =	vadd.s32 v27, v34  }
0x66: {  	v57 =	vadd.s32 v16, v35;
	v37 =	vbroadcast v43, $0x0;
	[tilespmem:v44+s16+$0x0] =	vst.idx.msk $0xffff, v55;
	v55 =	vld [tilespmem:s31+$0x140]  }
0x67: {  	[tilespmem:v60+s16+$0x0] =	vst.idx.msk $0xffff, v59;
	v44 =	vadd.s32 v18, v36;
	v59 =	vld [tilespmem:s31+$0x180]  }
0x68: {  	v38 =	vld [tilespmem:s31+$0xFFFFFE90];
	v42 =	vadd.s32 v13, v37;
	[tilespmem:v56+s16+$0x0] =	vst.idx.msk $0xffff, v52  }
0x69: {  	v39 =	vadd.s32 v14, v46;
	v52 =	vld [tilespmem:s31+$0xFFFFFE50];
	[tilespmem:v51+s16+$0x0] =	vst.idx.msk $0xffff, v48  }
0x6a: {  	v43 =	vadd.s32 v10, v47;
	v3 =	vld [tilespmem:$0x1FF70];
	[tilespmem:v53+s16+$0x0] =	vst.idx.msk $0xffff, v49  }
0x6b: {  	v61 =	vadd.s32 v62, v45;
	[tilespmem:v57+s16+$0x0] =	vst.idx.msk $0xffff, v50;
	v50 =	vld [tilespmem:s31+$0xFFFFFED0]  }
0x6c: {  	[tilespmem:v44+s16+$0x0] =	vst.idx.msk $0xffff, v55;
	v55 =	vld [tilespmem:s31+$0xFFFFFF10];
	v44 =	vadd.s32 v22, v40  }
0x6d: {  	v58 =	vld [tilespmem:s31+$0xFFFFFF50];
	[tilespmem:v42+s16+$0x0] =	vst.idx.msk $0xffff, v59;
	v42 =	vadd.s32 v26, v41  }
0x6e: {  	[tilespmem:v39+s16+$0x0] =	vst.idx.msk $0xffff, v38;
	v38 =	vld [tilespmem:s31+$0xFFFFFFD0];
	v39 =	vadd.s32 v0, v6  }
0x6f: {  	v48 =	vld [tilespmem:s31+$0x1F0];
	[tilespmem:v43+s16+$0x0] =	vst.idx.msk $0xffff, v52;
	v51 =	vadd.s32 v3, v54  }
0x70: {  	v60 =	vld [tilespmem:s31+$0x10];
	[tilespmem:v61+s16+$0x0] =	vst.idx.msk $0xffff, v50;
	v61 =	vadd.s32 v29, v9  }
0x71: {  	[tilespmem:v44+s16+$0x0] =	vst.idx.msk $0xffff, v55;
	v54 =	vld [tilespmem:s31+$0x50];
	v44 =	vadd.s32 v10, v5  }
0x72: {  	v56 =	vld [tilespmem:s31+$0x90];
	[tilespmem:v42+s16+$0x0] =	vst.idx.msk $0xffff, v58;
	v42 =	vadd.s32 v14, v15  }
0x73: {  	[tilespmem:v39+s16+$0x0] =	vst.idx.msk $0xffff, v38;
	v38 =	vld [tilespmem:s31+$0x110];
	v39 =	vadd.s32 v22, v35  }
0x74: {  	v43 =	vadd.s32 v63, v4;
	[tilespmem:v51+s16+$0x0] =	vst.idx.msk $0xffff, v48;
	v48 =	vld [tilespmem:s31+$0xFFFFFF90]  }
0x75: {  	[tilespmem:v61+s16+$0x0] =	vst.idx.msk $0xffff, v60;
	v60 =	vld [tilespmem:s31+$0x150];
	v61 =	vadd.s32 v26, v36  }
0x76: {  	v55 =	vadd.s32 v63, v37;
	[tilespmem:v44+s16+$0x0] =	vst.idx.msk $0xffff, v54;
	v54 =	vld [tilespmem:s31+$0x190]  }
0x77: {  	v58 =	vld [tilespmem:s31+$0xFFFFFE10];
	v44 =	vadd.s32 v29, v33;
	[tilespmem:v42+s16+$0x0] =	vst.idx.msk $0xffff, v56  }
0x78: {  	v56 =	vld [tilespmem:s31+$0xFFFFFE60];
	v42 =	vadd.s32 v23, v47;
	[tilespmem:v39+s16+$0x0] =	vst.idx.msk $0xffff, v38  }
0x79: {  	[tilespmem:v43+s16+$0x0] =	vst.idx.msk $0xffff, v48;
	v48 =	vld [tilespmem:s31+$0xD0];
	v43 =	vadd.s32 v62, v34  }
0x7a: {  	[tilespmem:v61+s16+$0x0] =	vst.idx.msk $0xffff, v60  }
0x7b: {  	[tilespmem:v55+s16+$0x0] =	vst.idx.msk $0xffff, v54  }
0x7c: {  	v38 =	vld [tilespmem:s31+$0xFFFFFEE0];
	v39 =	vadd.s32 v17, v45;
	[tilespmem:v44+s16+$0x0] =	vst.idx.msk $0xffff, v58  }
0x7d: {  	v60 =	vld [tilespmem:s31+$0xFFFFFF20];
	v61 =	vadd.s32 v24, v40;
	[tilespmem:v42+s16+$0x0] =	vst.idx.msk $0xffff, v56  }
0x7e: {  	v54 =	vld [tilespmem:s31+$0xFFFFFF60];
	v44 =	vadd.s32 v31, v41;
	[tilespmem:v43+s16+$0x0] =	vst.idx.msk $0xffff, v48  }
0x7f: {  	v0 =	vld [tilespmem:$0x1FF30]  }
0x80: {  	v63 =	vadd.s32 v25, v46;
	v43 =	vld [tilespmem:s31+$0xFFFFFEA0]  }
0x81: {  	[tilespmem:v39+s16+$0x0] =	vst.idx.msk $0xffff, v38;
	v38 =	vld [tilespmem:s31+$0x20];
	v39 =	vadd.s32 v30, v9  }
0x82: {  	[tilespmem:v61+s16+$0x0] =	vst.idx.msk $0xffff, v60;
	v60 =	vld [tilespmem:s31+$0x60];
	v61 =	vadd.s32 v23, v5  }
0x83: {  	[tilespmem:v44+s16+$0x0] =	vst.idx.msk $0xffff, v54;
	v54 =	vld [tilespmem:s31+$0xA0];
	v44 =	vadd.s32 v25, v15  }
0x84: {  	v56 =	vld [tilespmem:s31+$0xFFFFFFA0];
	v42 =	vadd.s32 v0, v4  }
0x85: {  	[tilespmem:v63+s16+$0x0] =	vst.idx.msk $0xffff, v43;
	v43 =	vld [tilespmem:s31+$0xFFFFFFE0];
	v63 =	vadd.s32 v2, v6  }
0x86: {  	[tilespmem:v39+s16+$0x0] =	vst.idx.msk $0xffff, v38;
	v38 =	vld [tilespmem:s31+$0x160];
	v39 =	vadd.s32 v31, v36  }
0x87: {  	v50 =	vld [tilespmem:s31+$0x1A0];
	[tilespmem:v61+s16+$0x0] =	vst.idx.msk $0xffff, v60;
	v53 =	vadd.s32 v0, v37  }
0x88: {  	v59 =	vld [tilespmem:s31+$0xFFFFFE20];
	v60 =	vadd.s32 v30, v33;
	[tilespmem:v44+s16+$0x0] =	vst.idx.msk $0xffff, v54  }
0x89: {  	v57 =	vadd.s32 v17, v34;
	[tilespmem:v42+s16+$0x0] =	vst.idx.msk $0xffff, v56;
	v56 =	vld [tilespmem:s31+$0xE0]  }
0x8a: {  	[tilespmem:v63+s16+$0x0] =	vst.idx.msk $0xffff, v43;
	v43 =	vadd.s32 v24, v35;
	v42 =	vld [tilespmem:s31+$0x120]  }
0x8b: {  	[tilespmem:v39+s16+$0x0] =	vst.idx.msk $0xffff, v38  }
0x8c: {  	[tilespmem:v53+s16+$0x0] =	vst.idx.msk $0xffff, v50  }
0x8d: {  	[tilespmem:v60+s16+$0x0] =	vst.idx.msk $0xffff, v59  }
0x8e: {  	[tilespmem:v57+s16+$0x0] =	vst.idx.msk $0xffff, v56  }
0x8f: {  	s6 =	simm.s32 $0x15;
	v47 =	vadd.s32 v12, v47;
	v55 =	vld [tilespmem:s31+$0xFFFFFE70];
	[tilespmem:v43+s16+$0x0] =	vst.idx.msk $0xffff, v42  }
0x90: {  	s9 =	simm.s32 $0x11;
	s13 =	simm.s32 $0x13;
	s1 =	simm.s32 $0x14;
	v21 =	vmovc v20;
	v16 =	vmov s6;
	v20 =	vmov v11;
	v54 =	vadd.s32 v11, v45;
	v11 =	vld [tilespmem:$0x1FF20]  }
0x91: {  	s8 =	simm.s32 $0x10;
	v58 =	vmov s1;
	v2 =	vmov s13;
	s13 =	simm.s32 $0x19;
	v0 =	vmov s9;
	v44 =	vld [tilespmem:s31+$0xFFFFFEF0]  }
0x92: {  	s11 =	simm.s32 $0x12;
	v45 =	vmov s13;
	s13 =	simm.s32 $0x1E;
	v63 =	vmov s8;
	v56 =	vld [tilespmem:s31+$0xFFFFFEB0];
	v57 =	vadd.s32 v8, v46  }
0x93: {  	s6 =	simm.s32 $0x1A;
	v49 =	vmov s13;
	s8 =	simm.s32 $0x16;
	v61 =	vshrl.u32 v63, $0x3;
	v63 =	vmov s11;
	v43 =	vld [tilespmem:s31+$0xFFFFFF30]  }
0x94: {  	v18 =	vmovc v62;
	v62 =	vmov s8;
	s11 =	simm.s32 $0x18;
	v38 =	vadd.s32 v19, v40;
	v40 =	vmov s6;
	v42 =	vld [tilespmem:s31+$0xFFFFFF70];
	[tilespmem:v47+s16+$0x0] =	vst.idx.msk $0xffff, v55  }
0x95: {  	v24 =	vmovc v19;
	s8 =	simm.s32 $0x1B;
	v60 =	vadd.s32 v3, v6;
	v51 =	vmov s11;
	v19 =	vld [tilespmem:$0x1FF40];
	v39 =	vadd.s32 v11, v41  }
0x96: {  	v50 =	vmov s8;
	s11 =	simm.s32 $0x1D;
	v52 =	vshll.u32 v61, v1;
	v53 =	vshrl.u32 v63, $0x3;
	v55 =	vld [tilespmem:s31+$0xFFFFFFB0]  }
0x97: {  	s9 =	simm.s32 $0x17;
	v61 =	vadd.s32 v7, v9;
	v63 =	vadd.s32 v12, v5;
	v48 =	vmov s11;
	[tilespmem:v57+s16+$0x0] =	vst.idx.msk $0xffff, v56;
	v56 =	vld [tilespmem:s31+$0xFFFFFFF0]  }
0x98: {  	v46 =	vmov s9;
	s9 =	simm.s32 $0x1C;
	[tilespmem:v54+s16+$0x0] =	vst.idx.msk $0xffff, v44;
	v54 =	vshrl.u32 v0, $0x3;
	v44 =	vadd.s32 v8, v15;
	v57 =	vld [tilespmem:s31+$0x30]  }
0x99: {  	s1 =	sshll.u32 s30, $0x2;
	[tilespmem:v38+s16+$0x0] =	vst.idx.msk $0xffff, v43;
	v43 =	vshrl.u32 v2, $0x3;
	v38 =	vshrl.u32 v58, $0x3;
	v58 =	vld [tilespmem:s31+$0x70];
	v41 =	vmov s9  }
0x9a: {  	s0 =	sadd.s32 s4, s1;
	v31 =	vmovc v7;
	s13 =	simm.s32 $0x1F;
	s11 =	simm.s32 $0x20;
	v59 =	vadd.s32 v19, v4;
	[tilespmem:v39+s16+$0x0] =	vst.idx.msk $0xffff, v42;
	v42 =	vshrl.u32 v16, $0x3;
	v39 =	vshrl.u32 v62, $0x3;
	v62 =	vld [tilespmem:s31+$0xB0]  }
.LBB2_3:
0x9b: {  	v5 =	vld [tilespmem:s31+$0xF0]  }
0x9c: {  	v6 =	vld [tilespmem:s31+$0x130]  }
0x9d: {  	v0 =	vld [tilespmem:$0x1FF80]  }
0x9e: {  	v3 =	vld [tilespmem:$0x1FEE0]  }
0x9f: {  	v2 =	vld [tilespmem:$0x1FF50]  }
0xa0: {  	v47 =	vshrl.u32 v46, $0x3;
	v4 =	vmov s13;
	v15 =	vld [tilespmem:$0x1FF70]  }
0xa1: {  	v34 =	vadd.s32 v20, v34;
	v35 =	vadd.s32 v24, v35;
	v16 =	vld [tilespmem:$0x1FE40];
	v46 =	vshrl.u32 v4, $0x3  }
0xa2: {  	v7 =	vshll.u32 v46, v1;
	v46 =	vshll.u32 v54, v1;
	v54 =	vld [tilespmem:s31+$0xFFFFFE30];
	[tilespmem:v59+s16+$0x0] =	vst.idx.msk $0xffff, v55  }
0xa3: {  	[tilespmem:v61+s16+$0x0] =	vst.idx.msk $0xffff, v57;
	v57 =	vld [tilespmem:s31+$0x170]  }
0xa4: {  	v4 =	vadd.s32 v31, v33;
	[tilespmem:v63+s16+$0x0] =	vst.idx.msk $0xffff, v58;
	v58 =	vld [tilespmem:s31+$0x1B0];
	s31 =	sadd.s32 $0x400, s31  }
0xa5: {  	v36 =	vadd.s32 v11, v36;
	v61 =	vbroadcast v7, $0x0;
	[tilespmem:v44+s16+$0x0] =	vst.idx.msk $0xffff, v62;
	v44 =	vld [tilespmem:s31+$0x1C0]  }
0xa6: {  	v37 =	vadd.s32 v19, v37;
	v59 =	vshrl.u32 v45, $0x3;
	v45 =	vbroadcast v46, $0x0;
	[tilespmem:v34+s16+$0x0] =	vst.idx.msk $0xffff, v5;
	v34 =	vld [tilespmem:s31+$0xFFFFFE00]  }
0xa7: {  	v33 =	vbroadcast v52, $0x0;
	v7 =	vshll.u32 v53, v1;
	[tilespmem:v35+s16+$0x0] =	vst.idx.msk $0xffff, v6;
	v6 =	vld [tilespmem:s31+$0xFFFFFE40];
	v52 =	vadd.s32 v0, v61  }
0xa8: {  	v38 =	vshll.u32 v38, v1;
	[tilespmem:v60+s16+$0x0] =	vst.idx.msk $0xffff, v56;
	v46 =	vbroadcast v7, $0x0;
	v35 =	vld [tilespmem:s31+$0xFFFFFF40];
	v7 =	vadd.s32 v32, v45  }
0xa9: {  	v62 =	vadd.s32 v28, v33;
	v5 =	vshll.u32 v43, v1;
	[tilespmem:v4+s16+$0x0] =	vst.idx.msk $0xffff, v54;
	v4 =	vld [tilespmem:$0x1FF00]  }
0xaa: {  	v60 =	vshrl.u32 v40, $0x3;
	v40 =	vbroadcast v5, $0x0;
	v55 =	vadd.s32 v21, v46;
	[tilespmem:v36+s16+$0x0] =	vst.idx.msk $0xffff, v57;
	v36 =	vld [tilespmem:s31+$0xFFFFFE80]  }
0xab: {  	v51 =	vshrl.u32 v51, $0x3;
	v42 =	vshll.u32 v42, v1;
	v38 =	vbroadcast v38, $0x0;
	v54 =	vld [tilespmem:s31+$0xFFFFFF00];
	[tilespmem:v37+s16+$0x0] =	vst.idx.msk $0xffff, v58  }
0xac: {  	v39 =	vshll.u32 v39, v1;
	v56 =	vadd.s32 v27, v40;
	v37 =	vld [tilespmem:s31+$0xFFFFFEC0];
	v57 =	vshrl.u32 v41, $0x3;
	[tilespmem:v52+s16+$0x0] =	vst.idx.msk $0xffff, v44  }
0xad: {  	v58 =	vadd.s32 v3, v38;
	v41 =	vbroadcast v42, $0x0;
	v44 =	vshll.u32 v47, v1;
	[tilespmem:v7+s16+$0x0] =	vst.idx.msk $0xffff, v6;
	v6 =	vld [tilespmem:s31+$0x40]  }
0xae: {  	v39 =	vbroadcast v39, $0x0;
	v53 =	vadd.s32 v2, v61;
	[tilespmem:v62+s16+$0x0] =	vst.idx.msk $0xffff, v34;
	v52 =	vld [tilespmem:s31+$0x1D0];
	v42 =	vbroadcast v44, $0x0  }
0xaf: {  	v47 =	vshll.u32 v51, v1;
	v62 =	vadd.s32 v4, v41;
	[tilespmem:v55+s16+$0x0] =	vst.idx.msk $0xffff, v36;
	v36 =	vld [tilespmem:s31+$0xFFFFFF80]  }
0xb0: {  	v51 =	vadd.s32 v13, v39;
	v43 =	vbroadcast v47, $0x0;
	v63 =	vadd.s32 v0, v42;
	v0 =	vld [tilespmem:$0x1FF60]  }
0xb1: {  	v50 =	vshrl.u32 v50, $0x3;
	v49 =	vshrl.u32 v49, $0x3;
	v59 =	vshll.u32 v59, v1;
	[tilespmem:v56+s16+$0x0] =	vst.idx.msk $0xffff, v37;
	v37 =	vld [tilespmem:s31+$0xFFFFFFC0]  }
0xb2: {  	v5 =	vshll.u32 v60, v1;
	v44 =	vbroadcast v59, $0x0;
	[tilespmem:v58+s16+$0x0] =	vst.idx.msk $0xffff, v54;
	v54 =	vld [tilespmem:s31+$0x0];
	v56 =	vadd.s32 v28, v43  }
0xb3: {  	v50 =	vshll.u32 v50, v1;
	v47 =	vbroadcast v5, $0x0;
	v5 =	vshll.u32 v49, v1;
	v49 =	vld [tilespmem:s31+$0x100];
	[tilespmem:v53+s16+$0x0] =	vst.idx.msk $0xffff, v52  }
0xb4: {  	v34 =	vbroadcast v50, $0x0;
	v57 =	vshll.u32 v57, v1;
	v7 =	vadd.s32 v32, v44;
	v58 =	vld [tilespmem:s31+$0x180];
	[tilespmem:v62+s16+$0x0] =	vst.idx.msk $0xffff, v35  }
0xb5: {  	v48 =	vshrl.u32 v48, $0x3;
	v35 =	vbroadcast v57, $0x0;
	v50 =	vld [tilespmem:s31+$0x1E0];
	v52 =	vadd.s32 v0, v61;
	[tilespmem:v51+s16+$0x0] =	vst.idx.msk $0xffff, v36  }
0xb6: {  	v60 =	vshll.u32 v48, v1;
	v62 =	vld [tilespmem:s31+$0xC0];
	[tilespmem:v63+s16+$0x0] =	vst.idx.msk $0xffff, v37;
	v63 =	vadd.s32 v27, v34  }
0xb7: {  	v51 =	vld [tilespmem:s31+$0x80];
	v36 =	vbroadcast v60, $0x0;
	[tilespmem:v56+s16+$0x0] =	vst.idx.msk $0xffff, v54;
	v54 =	vadd.s32 v3, v35  }
0xb8: {  	v37 =	vbroadcast v5, $0x0;
	v5 =	vadd.s32 v15, v61;
	v60 =	vld [tilespmem:s31+$0xFFFFFE50];
	v61 =	vadd.s32 v10, v45  }
0xb9: {  	[tilespmem:v7+s16+$0x0] =	vst.idx.msk $0xffff, v6;
	v3 =	vld [tilespmem:$0x1FFE0]  }
0xba: {  	v53 =	vadd.s32 v21, v47;
	v6 =	vld [tilespmem:s31+$0x140];
	[tilespmem:v52+s16+$0x0] =	vst.idx.msk $0xffff, v50  }
0xbb: {  	[tilespmem:v63+s16+$0x0] =	vst.idx.msk $0xffff, v62;
	v62 =	vld [tilespmem:s31+$0xFFFFFE90]  }
0xbc: {  	v7 =	vadd.s32 v4, v36;
	[tilespmem:v54+s16+$0x0] =	vst.idx.msk $0xffff, v49;
	v49 =	vld [tilespmem:s31+$0xFFFFFED0]  }
0xbd: {  	v4 =	vadd.s32 v13, v37;
	[tilespmem:v61+s16+$0x0] =	vst.idx.msk $0xffff, v60;
	v60 =	vld [tilespmem:s31+$0xFFFFFF90]  }
0xbe: {  	v63 =	vadd.s32 v14, v46;
	v61 =	vadd.s32 v3, v39;
	v55 =	vadd.s32 v3, v37;
	v3 =	vld [tilespmem:$0x1FEF0]  }
0xbf: {  	[tilespmem:v53+s16+$0x0] =	vst.idx.msk $0xffff, v51;
	v54 =	vadd.s32 v18, v40;
	v50 =	vld [tilespmem:s31+$0x1F0]  }
0xc0: {  	v56 =	vld [tilespmem:s31+$0x90]  }
0xc1: {  	[tilespmem:v7+s16+$0x0] =	vst.idx.msk $0xffff, v6;
	v6 =	vld [tilespmem:s31+$0xFFFFFF10]  }
0xc2: {  	v57 =	vadd.s32 v14, v47;
	[tilespmem:v4+s16+$0x0] =	vst.idx.msk $0xffff, v58;
	v58 =	vld [tilespmem:s31+$0xFFFFFF50]  }
0xc3: {  	v7 =	vadd.s32 v22, v38;
	v4 =	vld [tilespmem:s31+$0x10];
	[tilespmem:v63+s16+$0x0] =	vst.idx.msk $0xffff, v62  }
0xc4: {  	v59 =	vadd.s32 v26, v41;
	v62 =	vld [tilespmem:s31+$0xFFFFFFD0];
	[tilespmem:v54+s16+$0x0] =	vst.idx.msk $0xffff, v49  }
0xc5: {  	v63 =	vadd.s32 v2, v42;
	[tilespmem:v61+s16+$0x0] =	vst.idx.msk $0xffff, v60;
	v60 =	vld [tilespmem:s31+$0xD0]  }
0xc6: {  	v54 =	vld [tilespmem:s31+$0x190];
	[tilespmem:v5+s16+$0x0] =	vst.idx.msk $0xffff, v50;
	v5 =	vadd.s32 v29, v43  }
0xc7: {  	v2 =	vld [tilespmem:$0x1FF30];
	[tilespmem:v57+s16+$0x0] =	vst.idx.msk $0xffff, v56  }
0xc8: {  	v61 =	vadd.s32 v18, v34;
	v56 =	vld [tilespmem:s31+$0xFFFFFE60];
	[tilespmem:v7+s16+$0x0] =	vst.idx.msk $0xffff, v6  }
0xc9: {  	v6 =	vld [tilespmem:s31+$0x50];
	v7 =	vadd.s32 v10, v44;
	[tilespmem:v59+s16+$0x0] =	vst.idx.msk $0xffff, v58  }
0xca: {  	[tilespmem:v63+s16+$0x0] =	vst.idx.msk $0xffff, v62;
	v62 =	vld [tilespmem:s31+$0x110];
	v63 =	vadd.s32 v22, v35  }
0xcb: {  	[tilespmem:v5+s16+$0x0] =	vst.idx.msk $0xffff, v4;
	v4 =	vld [tilespmem:s31+$0x150];
	v5 =	vadd.s32 v26, v36  }
0xcc: {  	v57 =	vadd.s32 v23, v45;
	v50 =	vld [tilespmem:s31+$0xFFFFFEA0];
	[tilespmem:v55+s16+$0x0] =	vst.idx.msk $0xffff, v54  }
0xcd: {  	v51 =	vadd.s32 v25, v46;
	[tilespmem:v61+s16+$0x0] =	vst.idx.msk $0xffff, v60;
	v49 =	vld [tilespmem:s31+$0x1A0]  }
0xce: {  	[tilespmem:v7+s16+$0x0] =	vst.idx.msk $0xffff, v6;
	v6 =	vld [tilespmem:s31+$0xFFFFFE10];
	v7 =	vadd.s32 v29, v33  }
0xcf: {  	v60 =	vadd.s32 v17, v40;
	[tilespmem:v63+s16+$0x0] =	vst.idx.msk $0xffff, v62;
	v63 =	vld [tilespmem:s31+$0xFFFFFEE0]  }
0xd0: {  	v53 =	vadd.s32 v2, v37;
	[tilespmem:v5+s16+$0x0] =	vst.idx.msk $0xffff, v4;
	v4 =	vld [tilespmem:$0x1FF10]  }
0xd1: {  	v61 =	vld [tilespmem:s31+$0xFFFFFF20];
	[tilespmem:v57+s16+$0x0] =	vst.idx.msk $0xffff, v56;
	v62 =	vadd.s32 v3, v38  }
0xd2: {  	v56 =	vld [tilespmem:s31+$0xFFFFFFA0];
	[tilespmem:v51+s16+$0x0] =	vst.idx.msk $0xffff, v50;
	v5 =	vadd.s32 v2, v39  }
0xd3: {  	[tilespmem:v7+s16+$0x0] =	vst.idx.msk $0xffff, v6;
	v6 =	vld [tilespmem:s31+$0xFFFFFFE0];
	v7 =	vadd.s32 v0, v42  }
0xd4: {  	[tilespmem:v60+s16+$0x0] =	vst.idx.msk $0xffff, v63;
	v63 =	vld [tilespmem:s31+$0x20];
	v60 =	vadd.s32 v30, v43  }
0xd5: {  	v54 =	vld [tilespmem:s31+$0xFFFFFF60];
	[tilespmem:v53+s16+$0x0] =	vst.idx.msk $0xffff, v49;
	v55 =	vadd.s32 v4, v41  }
0xd6: {  	[tilespmem:v62+s16+$0x0] =	vst.idx.msk $0xffff, v61;
	v61 =	vld [tilespmem:s31+$0x60];
	v62 =	vadd.s32 v23, v44  }
0xd7: {  	[tilespmem:v5+s16+$0x0] =	vst.idx.msk $0xffff, v56;
	v56 =	vld [tilespmem:s31+$0xE0];
	v5 =	vadd.s32 v17, v34  }
0xd8: {  	v48 =	vld [tilespmem:s31+$0x160];
	v52 =	vadd.s32 v4, v36;
	[tilespmem:v7+s16+$0x0] =	vst.idx.msk $0xffff, v6  }
0xd9: {  	s9 =	sadd.s32 $0x4, s11;
	v6 =	vld [tilespmem:s31+$0x120];
	v7 =	vadd.s32 v3, v35;
	[tilespmem:v60+s16+$0x0] =	vst.idx.msk $0xffff, v63  }
0xda: {  	v0 =	vmov s9;
	s9 =	sadd.s32 $0x6, s11;
	[tilespmem:v55+s16+$0x0] =	vst.idx.msk $0xffff, v54;
	v54 =	vld [tilespmem:s31+$0xA0];
	v55 =	vadd.s32 v25, v47  }
0xdb: {  	v9 =	vadd.s32 v11, v41;
	v59 =	vld [tilespmem:s31+$0xFFFFFE20];
	v3 =	vmov s9;
	s9 =	sadd.s32 $0x8, s11;
	[tilespmem:v62+s16+$0x0] =	vst.idx.msk $0xffff, v61;
	v60 =	vadd.s32 v30, v33  }
0xdc: {  	s6 =	sadd.s32 $0x1, s11;
	s13 =	sadd.s32 $0x2, s11;
	v57 =	vadd.s32 v16, v46;
	v51 =	vmov s9;
	v63 =	vmov s11;
	[tilespmem:v5+s16+$0x0] =	vst.idx.msk $0xffff, v56;
	v56 =	vld [tilespmem:s31+$0xFFFFFEB0]  }
0xdd: {  	s8 =	sadd.s32 $0x3, s11;
	v4 =	vld [tilespmem:s31+$0xFFFFFEF0];
	v61 =	vmov s6;
	v62 =	vmov s13;
	v5 =	vadd.s32 v20, v40;
	[tilespmem:v52+s16+$0x0] =	vst.idx.msk $0xffff, v48  }
0xde: {  	s9 =	sadd.s32 $0xA, s11;
	s13 =	sadd.s32 $0x5, s11;
	v58 =	vshrl.u32 v63, $0x3;
	v63 =	vmov s8;
	[tilespmem:v7+s16+$0x0] =	vst.idx.msk $0xffff, v6;
	v6 =	vld [tilespmem:s31+$0xFFFFFF30];
	v7 =	vadd.s32 v24, v38  }
0xdf: {  	v2 =	vmov s13;
	s13 =	sadd.s32 $0x7, s11;
	v40 =	vmov s9;
	s8 =	sadd.s32 $0xC, s11;
	[tilespmem:v55+s16+$0x0] =	vst.idx.msk $0xffff, v54;
	v54 =	vld [tilespmem:s31+$0xFFFFFE70];
	v55 =	vadd.s32 v12, v45  }
0xe0: {  	p1 =	slt.u32 s11, $0x70;
	s9 =	sadd.s32 $0xD, s11;
	v53 =	vshrl.u32 v62, $0x3;
	v46 =	vmov s13;
	v8 =	vld [tilespmem:s31+$0xFFFFFF70];
	v41 =	vmov s8;
	[tilespmem:v60+s16+$0x0] =	vst.idx.msk $0xffff, v59  }
.Ltmp2:
0xe1: {  	s13 =	sadd.s32 $0x9, s11;
	v48 =	vmov s9;
	v52 =	vshll.u32 v58, v1;
	v38 =	vshrl.u32 v0, $0x3;
	v58 =	vld [tilespmem:s31+$0x70];
	[tilespmem:v57+s16+$0x0] =	vst.idx.msk $0xffff, v56;
	(pc) =	sbr.rel @p1 .LBB2_3-.Ltmp2, $4  }
0xe2: {  	v59 =	vadd.s32 v19, v39;
	v60 =	vadd.s32 v15, v42;
	v45 =	vmov s13;
	s13 =	sadd.s32 $0xB, s11;
	v56 =	vld [tilespmem:s31+$0xFFFFFFF0];
	[tilespmem:v5+s16+$0x0] =	vst.idx.msk $0xffff, v4  }
0xe3: {  	v42 =	vshrl.u32 v2, $0x3;
	v39 =	vshrl.u32 v3, $0x3;
	v57 =	vld [tilespmem:s31+$0x30];
	v50 =	vmov s13;
	s13 =	sadd.s32 $0xE, s11;
	[tilespmem:v7+s16+$0x0] =	vst.idx.msk $0xffff, v6  }
0xe4: {  	v62 =	vld [tilespmem:s31+$0xB0];
	v49 =	vmov s13;
	[tilespmem:v55+s16+$0x0] =	vst.idx.msk $0xffff, v54;
	v54 =	vshrl.u32 v61, $0x3;
	v61 =	vadd.s32 v31, v43  }
0xe5: {  	[tilespmem:v9+s16+$0x0] =	vst.idx.msk $0xffff, v8;
	s13 =	sadd.s32 $0xF, s11;
	s11 =	sadd.s32 $0x10, s11;
	v55 =	vld [tilespmem:s31+$0xFFFFFFB0];
	v43 =	vshrl.u32 v63, $0x3;
	v63 =	vadd.s32 v12, v44;
	v44 =	vadd.s32 v16, v47  }
0xe6: {  	_ =	sdelay $0x3  }
0xe7: {  	[tilespmem:v63+s16+$0x0] =	vst.idx.msk $0xffff, v58  }
0xe8: {  	[tilespmem:v60+s16+$0x0] =	vst.idx.msk $0xffff, v56  }
0xe9: {  	[tilespmem:v61+s16+$0x0] =	vst.idx.msk $0xffff, v57  }
0xea: {  	v3 =	vld [tilespmem:s31+$0xF0];
	[tilespmem:v44+s16+$0x0] =	vst.idx.msk $0xffff, v62  }
0xeb: {  	v0 =	vshrl.u32 v46, $0x3;
	v2 =	vmov s13;
	v4 =	vadd.s32 v20, v34;
	v6 =	vld [tilespmem:s31+$0x130];
	[tilespmem:v59+s16+$0x0] =	vst.idx.msk $0xffff, v55  }
0xec: {  	v5 =	vshrl.u32 v51, $0x3;
	v7 =	vadd.s32 v24, v35;
	v8 =	vshrl.u32 v45, $0x3;
	v56 =	vld [tilespmem:$0x1FF80]  }
0xed: {  	v9 =	vld [tilespmem:s31+$0x170];
	v45 =	vadd.s32 v11, v36;
	v46 =	vshrl.u32 v40, $0x3;
	v2 =	vshrl.u32 v2, $0x3  }
0xee: {  	v40 =	vld [tilespmem:s31+$0x1B0];
	v47 =	vadd.s32 v19, v37;
	v34 =	vbroadcast v52, $0x0;
	v2 =	vshll.u32 v2, v1  }
0xef: {  	v51 =	vld [tilespmem:s31+$0xFFFFFE30];
	s11 =	sadd.s32 $0x400, s31;
	v60 =	vadd.s32 v31, v33;
	v2 =	vbroadcast v2, $0x0;
	v59 =	vshll.u32 v54, v1  }
0xf0: {  	v33 =	vbroadcast v59, $0x0;
	[tilespmem:v4+s16+$0x0] =	vst.idx.msk $0xffff, v3;
	v3 =	vld [tilespmem:s11+$0xFFFFFE00];
	v4 =	vadd.s32 v28, v34  }
0xf1: {  	v37 =	vshll.u32 v53, v1;
	v44 =	vld [tilespmem:s11+$0x1C0];
	[tilespmem:v7+s16+$0x0] =	vst.idx.msk $0xffff, v6;
	v53 =	vadd.s32 v56, v2  }
0xf2: {  	v58 =	vld [tilespmem:s11+$0xFFFFFE40];
	[tilespmem:v45+s16+$0x0] =	vst.idx.msk $0xffff, v9;
	v61 =	vadd.s32 v32, v33  }
0xf3: {  	[tilespmem:v47+s16+$0x0] =	vst.idx.msk $0xffff, v40  }
0xf4: {  	[tilespmem:v60+s16+$0x0] =	vst.idx.msk $0xffff, v51  }
0xf5: {  	v15 =	vld [tilespmem:$0x1FEE0];
	[tilespmem:v4+s16+$0x0] =	vst.idx.msk $0xffff, v3  }
0xf6: {  	[tilespmem:v53+s16+$0x0] =	vst.idx.msk $0xffff, v44  }
0xf7: {  	v35 =	vbroadcast v37, $0x0;
	v57 =	vshll.u32 v43, v1;
	v53 =	vld [tilespmem:$0x1FF50];
	[tilespmem:v61+s16+$0x0] =	vst.idx.msk $0xffff, v58  }
0xf8: {  	v36 =	vbroadcast v57, $0x0;
	v62 =	vshll.u32 v38, v1;
	v58 =	vld [tilespmem:$0x1FF00]  }
0xf9: {  	v63 =	vadd.s32 v21, v35;
	v37 =	vbroadcast v62, $0x0;
	v9 =	vld [tilespmem:s11+$0xFFFFFE80]  }
0xfa: {  	v45 =	vshrl.u32 v50, $0x3;
	v47 =	vld [tilespmem:s11+$0xFFFFFEC0];
	v50 =	vadd.s32 v27, v36;
	v59 =	vshll.u32 v42, v1  }
0xfb: {  	v51 =	vld [tilespmem:s11+$0xFFFFFF00];
	v38 =	vbroadcast v59, $0x0;
	v60 =	vadd.s32 v15, v37  }
0xfc: {  	v3 =	vld [tilespmem:s11+$0x1D0];
	v4 =	vadd.s32 v53, v2  }
0xfd: {  	v61 =	vld [tilespmem:s11+$0xFFFFFF40];
	v62 =	vadd.s32 v58, v38  }
0xfe: {  	[tilespmem:v63+s16+$0x0] =	vst.idx.msk $0xffff, v9  }
0xff: {  	v39 =	vshll.u32 v39, v1;
	[tilespmem:v50+s16+$0x0] =	vst.idx.msk $0xffff, v47  }
0x100: {  	v39 =	vbroadcast v39, $0x0;
	[tilespmem:v60+s16+$0x0] =	vst.idx.msk $0xffff, v51  }
0x101: {  	v0 =	vshll.u32 v0, v1;
	v54 =	vshrl.u32 v41, $0x3;
	[tilespmem:v4+s16+$0x0] =	vst.idx.msk $0xffff, v3  }
0x102: {  	v40 =	vbroadcast v0, $0x0;
	v0 =	vshll.u32 v5, v1;
	v63 =	vld [tilespmem:s11+$0xFFFFFF80];
	v9 =	vadd.s32 v13, v39;
	[tilespmem:v62+s16+$0x0] =	vst.idx.msk $0xffff, v61  }
0x103: {  	v41 =	vbroadcast v0, $0x0;
	v0 =	vshll.u32 v8, v1;
	v3 =	vshll.u32 v54, v1;
	v54 =	vld [tilespmem:$0x1FF60]  }
0x104: {  	v46 =	vshll.u32 v46, v1;
	v8 =	vld [tilespmem:s11+$0xFFFFFFC0];
	v42 =	vbroadcast v0, $0x0;
	v47 =	vadd.s32 v56, v40  }
0x105: {  	v43 =	vbroadcast v46, $0x0;
	v0 =	vshrl.u32 v48, $0x3;
	v48 =	vld [tilespmem:s11+$0x0];
	v50 =	vadd.s32 v28, v41  }
0x106: {  	v57 =	vld [tilespmem:s11+$0x40];
	v59 =	vadd.s32 v32, v42  }
0x107: {  	v62 =	vld [tilespmem:s11+$0x80];
	[tilespmem:v9+s16+$0x0] =	vst.idx.msk $0xffff, v63;
	v63 =	vadd.s32 v21, v43  }
0x108: {  	v4 =	vld [tilespmem:s11+$0x1E0];
	v61 =	vadd.s32 v54, v2  }
0x109: {  	[tilespmem:v47+s16+$0x0] =	vst.idx.msk $0xffff, v8  }
0x10a: {  	[tilespmem:v50+s16+$0x0] =	vst.idx.msk $0xffff, v48  }
0x10b: {  	v60 =	vshll.u32 v45, v1;
	[tilespmem:v59+s16+$0x0] =	vst.idx.msk $0xffff, v57  }
0x10c: {  	v44 =	vbroadcast v60, $0x0;
	[tilespmem:v63+s16+$0x0] =	vst.idx.msk $0xffff, v62  }
0x10d: {  	v49 =	vshrl.u32 v49, $0x3;
	v0 =	vshll.u32 v0, v1;
	v45 =	vbroadcast v3, $0x0;
	v3 =	vld [tilespmem:s11+$0xC0];
	[tilespmem:v61+s16+$0x0] =	vst.idx.msk $0xffff, v4  }
0x10e: {  	v46 =	vbroadcast v0, $0x0;
	v0 =	vshll.u32 v49, v1;
	v8 =	vadd.s32 v27, v44;
	v61 =	vld [tilespmem:$0x1FF70]  }
0x10f: {  	v9 =	vld [tilespmem:s11+$0x100];
	v47 =	vbroadcast v0, $0x0;
	v48 =	vadd.s32 v15, v45  }
0x110: {  	v49 =	vadd.s32 v58, v46;
	v0 =	vld [tilespmem:s11+$0x140]  }
0x111: {  	v50 =	vld [tilespmem:s11+$0x180];
	v51 =	vadd.s32 v13, v47  }
0x112: {  	v55 =	vld [tilespmem:s11+$0xFFFFFE50];
	v57 =	vadd.s32 v10, v33  }
0x113: {  	v4 =	vld [tilespmem:s11+$0x1F0];
	[tilespmem:v8+s16+$0x0] =	vst.idx.msk $0xffff, v3;
	v2 =	vadd.s32 v61, v2  }
0x114: {  	[tilespmem:v48+s16+$0x0] =	vst.idx.msk $0xffff, v9  }
0x115: {  	[tilespmem:v49+s16+$0x0] =	vst.idx.msk $0xffff, v0  }
0x116: {  	[tilespmem:v51+s16+$0x0] =	vst.idx.msk $0xffff, v50  }
0x117: {  	v59 =	vadd.s32 v14, v35;
	v3 =	vld [tilespmem:s11+$0xFFFFFE90];
	[tilespmem:v57+s16+$0x0] =	vst.idx.msk $0xffff, v55  }
0x118: {  	v8 =	vld [tilespmem:s11+$0xFFFFFED0];
	[tilespmem:v2+s16+$0x0] =	vst.idx.msk $0xffff, v4  }
0x119: {  	v9 =	vadd.s32 v18, v36;
	v63 =	vld [tilespmem:$0x1FFE0]  }
0x11a: {  	v0 =	vld [tilespmem:s11+$0xFFFFFF10];
	v48 =	vadd.s32 v22, v37  }
0x11b: {  	v49 =	vld [tilespmem:s11+$0xFFFFFF50];
	v50 =	vadd.s32 v26, v38  }
0x11c: {  	v55 =	vadd.s32 v53, v40;
	[tilespmem:v59+s16+$0x0] =	vst.idx.msk $0xffff, v3;
	v3 =	vld [tilespmem:s11+$0xFFFFFFD0]  }
0x11d: {  	v57 =	vld [tilespmem:s11+$0x10];
	v59 =	vadd.s32 v29, v41  }
0x11e: {  	v2 =	vld [tilespmem:s11+$0xFFFFFF90];
	[tilespmem:v9+s16+$0x0] =	vst.idx.msk $0xffff, v8;
	v52 =	vadd.s32 v63, v39  }
0x11f: {  	[tilespmem:v48+s16+$0x0] =	vst.idx.msk $0xffff, v0;
	v0 =	vld [tilespmem:s11+$0x50];
	v8 =	vadd.s32 v10, v42  }
0x120: {  	v60 =	vadd.s32 v14, v43;
	[tilespmem:v50+s16+$0x0] =	vst.idx.msk $0xffff, v49;
	v9 =	vld [tilespmem:s11+$0x90]  }
0x121: {  	v5 =	vadd.s32 v22, v45;
	[tilespmem:v55+s16+$0x0] =	vst.idx.msk $0xffff, v3;
	v3 =	vld [tilespmem:s11+$0x110]  }
0x122: {  	[tilespmem:v59+s16+$0x0] =	vst.idx.msk $0xffff, v57;
	v57 =	vld [tilespmem:s11+$0x150];
	v59 =	vadd.s32 v26, v46  }
0x123: {  	v62 =	vadd.s32 v18, v44;
	[tilespmem:v52+s16+$0x0] =	vst.idx.msk $0xffff, v2;
	v2 =	vld [tilespmem:s11+$0xD0]  }
0x124: {  	[tilespmem:v8+s16+$0x0] =	vst.idx.msk $0xffff, v0;
	v0 =	vld [tilespmem:s11+$0x190];
	v8 =	vadd.s32 v63, v47  }
0x125: {  	v55 =	vadd.s32 v29, v34;
	[tilespmem:v60+s16+$0x0] =	vst.idx.msk $0xffff, v9;
	v52 =	vld [tilespmem:s11+$0xFFFFFE10]  }
0x126: {  	v9 =	vld [tilespmem:s11+$0xFFFFFE60];
	v60 =	vadd.s32 v23, v33;
	[tilespmem:v5+s16+$0x0] =	vst.idx.msk $0xffff, v3  }
0x127: {  	[tilespmem:v59+s16+$0x0] =	vst.idx.msk $0xffff, v57  }
0x128: {  	[tilespmem:v62+s16+$0x0] =	vst.idx.msk $0xffff, v2  }
0x129: {  	v16 =	vld [tilespmem:$0x1FEF0];
	[tilespmem:v8+s16+$0x0] =	vst.idx.msk $0xffff, v0  }
0x12a: {  	[tilespmem:v55+s16+$0x0] =	vst.idx.msk $0xffff, v52  }
0x12b: {  	v51 =	vld [tilespmem:$0x1FF10];
	[tilespmem:v60+s16+$0x0] =	vst.idx.msk $0xffff, v9  }
0x12c: {  	v55 =	vld [tilespmem:$0x1FF30]  }
0x12d: {  	v3 =	vld [tilespmem:s11+$0xFFFFFEE0];
	v5 =	vadd.s32 v17, v36  }
0x12e: {  	v2 =	vld [tilespmem:s11+$0xFFFFFEA0];
	v62 =	vadd.s32 v25, v35  }
0x12f: {  	v57 =	vld [tilespmem:s11+$0xFFFFFF20];
	v59 =	vadd.s32 v16, v37  }
0x130: {  	v0 =	vld [tilespmem:s11+$0xFFFFFF60];
	v8 =	vadd.s32 v51, v38  }
0x131: {  	v9 =	vld [tilespmem:s11+$0xFFFFFFA0];
	v60 =	vadd.s32 v55, v39  }
0x132: {  	v52 =	vadd.s32 v30, v41;
	[tilespmem:v5+s16+$0x0] =	vst.idx.msk $0xffff, v3;
	v3 =	vld [tilespmem:s11+$0x20]  }
0x133: {  	[tilespmem:v62+s16+$0x0] =	vst.idx.msk $0xffff, v2;
	v2 =	vld [tilespmem:s11+$0xFFFFFFE0];
	v62 =	vadd.s32 v54, v40  }
0x134: {  	[tilespmem:v59+s16+$0x0] =	vst.idx.msk $0xffff, v57;
	v57 =	vld [tilespmem:s11+$0x60];
	v59 =	vadd.s32 v23, v42  }
0x135: {  	[tilespmem:v8+s16+$0x0] =	vst.idx.msk $0xffff, v0;
	v0 =	vld [tilespmem:s11+$0xA0];
	v8 =	vadd.s32 v25, v43  }
0x136: {  	[tilespmem:v60+s16+$0x0] =	vst.idx.msk $0xffff, v9;
	v9 =	vld [tilespmem:s11+$0xE0];
	v60 =	vadd.s32 v17, v44  }
0x137: {  	[tilespmem:v52+s16+$0x0] =	vst.idx.msk $0xffff, v3  }
0x138: {  	v6 =	vld [tilespmem:s11+$0x1A0];
	[tilespmem:v62+s16+$0x0] =	vst.idx.msk $0xffff, v2  }
0x139: {  	v2 =	vld [tilespmem:s11+$0x120];
	v62 =	vadd.s32 v16, v45;
	[tilespmem:v59+s16+$0x0] =	vst.idx.msk $0xffff, v57  }
0x13a: {  	v5 =	vadd.s32 v51, v46;
	v3 =	vld [tilespmem:s11+$0x160];
	[tilespmem:v8+s16+$0x0] =	vst.idx.msk $0xffff, v0  }
0x13b: {  	v49 =	vld [tilespmem:s11+$0xFFFFFE20];
	v7 =	vadd.s32 v55, v47;
	[tilespmem:v60+s16+$0x0] =	vst.idx.msk $0xffff, v9  }
0x13c: {  	v52 =	vadd.s32 v30, v34;
	v59 =	vld [tilespmem:$0x1FE40]  }
0x13d: {  	v0 =	vld [tilespmem:s11+$0xFFFFFE70];
	v8 =	vadd.s32 v12, v33  }
0x13e: {  	[tilespmem:v62+s16+$0x0] =	vst.idx.msk $0xffff, v2;
	v2 =	vld [tilespmem:s11+$0xFFFFFEF0];
	v62 =	vadd.s32 v20, v36  }
0x13f: {  	[tilespmem:v5+s16+$0x0] =	vst.idx.msk $0xffff, v3;
	v3 =	vld [tilespmem:s11+$0xFFFFFF30];
	v36 =	vadd.s32 v24, v37  }
0x140: {  	v38 =	vadd.s32 v11, v38;
	[tilespmem:v7+s16+$0x0] =	vst.idx.msk $0xffff, v6;
	v37 =	vld [tilespmem:s11+$0xFFFFFF70]  }
0x141: {  	v9 =	vld [tilespmem:s11+$0xFFFFFEB0];
	[tilespmem:v52+s16+$0x0] =	vst.idx.msk $0xffff, v49;
	v60 =	vadd.s32 v59, v35  }
0x142: {  	[tilespmem:v8+s16+$0x0] =	vst.idx.msk $0xffff, v0;
	v0 =	vld [tilespmem:s11+$0xFFFFFFB0];
	v8 =	vadd.s32 v19, v39  }
0x143: {  	v41 =	vadd.s32 v31, v41;
	[tilespmem:v62+s16+$0x0] =	vst.idx.msk $0xffff, v2;
	v2 =	vld [tilespmem:s11+$0x30]  }
0x144: {  	v48 =	vadd.s32 v12, v42;
	[tilespmem:v36+s16+$0x0] =	vst.idx.msk $0xffff, v3;
	v3 =	vld [tilespmem:s11+$0x70]  }
0x145: {  	v49 =	vld [tilespmem:s11+$0xB0];
	[tilespmem:v38+s16+$0x0] =	vst.idx.msk $0xffff, v37;
	v50 =	vadd.s32 v59, v43  }
0x146: {  	v40 =	vadd.s32 v61, v40;
	[tilespmem:v60+s16+$0x0] =	vst.idx.msk $0xffff, v9;
	v9 =	vld [tilespmem:s11+$0xFFFFFFF0]  }
0x147: {  	v34 =	vadd.s32 v31, v34;
	v62 =	vld [tilespmem:s11+$0xFFFFFE30];
	[tilespmem:v8+s16+$0x0] =	vst.idx.msk $0xffff, v0  }
0x148: {  	v0 =	vld [tilespmem:s11+$0xF0];
	v8 =	vadd.s32 v20, v44;
	[tilespmem:v41+s16+$0x0] =	vst.idx.msk $0xffff, v2  }
0x149: {  	v57 =	vadd.s32 v11, v46;
	v2 =	vld [tilespmem:s11+$0x170];
	[tilespmem:v48+s16+$0x0] =	vst.idx.msk $0xffff, v3  }
0x14a: {  	v3 =	vld [tilespmem:s11+$0x1B0];
	v60 =	vadd.s32 v19, v47;
	[tilespmem:v50+s16+$0x0] =	vst.idx.msk $0xffff, v49  }
0x14b: {  	v52 =	vadd.s32 v24, v45;
	[tilespmem:v40+s16+$0x0] =	vst.idx.msk $0xffff, v9;
	v9 =	vld [tilespmem:s11+$0x130]  }
0x14c: {  	[tilespmem:v34+s16+$0x0] =	vst.idx.msk $0xffff, v62  }
0x14d: {  	s6 =	sshll.u32 s0, $0x7;
	[tilespmem:v8+s16+$0x0] =	vst.idx.msk $0xffff, v0  }
0x14e: {  	s13 =	sshll.u32 s0, $0xA;
	s6 =	sand.u32 $0x3E00, s6;
	[tilespmem:v57+s16+$0x0] =	vst.idx.msk $0xffff, v2  }
0x14f: {  	s0 =	sand.u32 $0xFFE0000, s13;
	s6 =	sadd.s32 s2, s6;
	[tilespmem:v60+s16+$0x0] =	vst.idx.msk $0xffff, v3  }
0x150: {  	s8 =	sadd.s32 s0, s6;
	s6 =	simm.s32 $0xE400;
	[tilespmem:v52+s16+$0x0] =	vst.idx.msk $0xffff, v9  }
0x151: {  	[hbm4b:s8+s3] =	stream.linear.scatter [tilespmem:s6], [sflag:$0x5], $0x80, $0x38;
	[tilespmem:$0x16C00] =	vst v63  }
0x152: {  	s9 =	simm.s32 $0xE488;
	s6 =	sadd.s32 $0x10, s8  }
0x153: {  	[hbm4b:s6+s3] =	stream.linear.scatter [tilespmem:s9], [sflag:$0x5], $0x80, $0x38;
	[tilespmem:$0x16C00] =	vst v63  }
0x154: {  	s13 =	sadd.s32 $0x20, s8;
	s11 =	simm.s32 $0xE510  }
0x155: {  	[hbm4b:s13+s3] =	stream.linear.scatter [tilespmem:s11], [sflag:$0x5], $0x80, $0x38;
	[tilespmem:$0x16C00] =	vst v63  }
0x156: {  	s6 =	simm.s32 $0xE598;
	s9 =	sadd.s32 $0x30, s8  }
0x157: {  	[hbm4b:s9+s3] =	stream.linear.scatter [tilespmem:s6], [sflag:$0x5], $0x80, $0x38;
	[tilespmem:$0x16C00] =	vst v63  }
0x158: {  	s11 =	simm.s32 $0xE620;
	s13 =	sadd.s32 $0x40, s8  }
0x159: {  	[hbm4b:s13+s3] =	stream.linear.scatter [tilespmem:s11], [sflag:$0x5], $0x80, $0x38;
	[tilespmem:$0x16C00] =	vst v63  }
0x15a: {  	s0 =	simm.s32 $0x440;
	s6 =	simm.s32 $0xE6A8;
	s9 =	sadd.s32 $0x50, s8  }
0x15b: {  	[hbm4b:s9+s3] =	stream.linear.scatter [tilespmem:s6], [sflag:$0x5], $0x80, $0x38;
	[tilespmem:$0x16C00] =	vst v63  }
0x15c: {  	s31 =	sadd.s32 $0x70, s8;
	s11 =	simm.s32 $0xE730;
	s13 =	sadd.s32 $0x60, s8  }
0x15d: {  	v24 =	vmov v53;
	v20 =	vmov v56;
	[hbm4b:s13+s3] =	stream.linear.scatter [tilespmem:s11], [sflag:$0x5], $0x80, $0x38;
	[tilespmem:$0x16C00] =	vst v63  }
0x15e: {  	v56 =	vmovc v25;
	v25 =	vmovc v58;
	v57 =	vmov v17;
	v17 =	vmov v15;
	v15 =	vmov v51;
	s6 =	simm.s32 $0xE7B8;
	s13 =	simm.s32 $0x2200;
	s11 =	sadd.s32 $0x4000, s8  }
.LBB2_5:
0x15f: {  	[hbm4b:s31+s3] =	stream.linear.scatter [tilespmem:s6], [sflag:$0x5], $0x80, $0x38;
	[tilespmem:$0x16C00] =	vst v63  }
0x160: {  	s6 =	smov.u32 s0;
	s0 =	smov.u32 s13  }
0x161: {  	s8 =	sadd.s32 $0x1100, s13;
	s0 =	sshra.s32 s0, $0x2;
	s31 =	sadd.s32 $0xE400, s6  }
0x162: {  	[hbm4b:s11+s3] =	stream.linear.scatter [tilespmem:s31], [sflag:$0x5], $0x80, $0x38;
	[tilespmem:$0x16C00] =	vst v63  }
0x163: {  	p1 =	sne.s32 s13, $0x7700;
	s13 =	sadd.s32 $0xE488, s6;
	s31 =	sadd.s32 $0x10, s11  }
0x164: {  	[hbm4b:s31+s3] =	stream.linear.scatter [tilespmem:s13], [sflag:$0x5], $0x80, $0x38;
	[tilespmem:$0x16C00] =	vst v63  }
0x165: {  	s13 =	sadd.s32 $0xE510, s6;
	s31 =	sadd.s32 $0x20, s11  }
0x166: {  	[hbm4b:s31+s3] =	stream.linear.scatter [tilespmem:s13], [sflag:$0x5], $0x80, $0x38;
	[tilespmem:$0x16C00] =	vst v63  }
0x167: {  	s13 =	sadd.s32 $0xE598, s6;
	s31 =	sadd.s32 $0x30, s11  }
0x168: {  	[hbm4b:s31+s3] =	stream.linear.scatter [tilespmem:s13], [sflag:$0x5], $0x80, $0x38;
	[tilespmem:$0x16C00] =	vst v63  }
0x169: {  	s13 =	sadd.s32 $0xE620, s6;
	s31 =	sadd.s32 $0x40, s11  }
0x16a: {  	[hbm4b:s31+s3] =	stream.linear.scatter [tilespmem:s13], [sflag:$0x5], $0x80, $0x38;
	[tilespmem:$0x16C00] =	vst v63  }
.Ltmp3:
0x16b: {  	s13 =	sadd.s32 $0xE6A8, s6;
	s31 =	sadd.s32 $0x50, s11;
	(pc) =	sbr.rel @p1 .LBB2_5-.Ltmp3, $4  }
0x16c: {  	[hbm4b:s31+s3] =	stream.linear.scatter [tilespmem:s13], [sflag:$0x5], $0x80, $0x38;
	[tilespmem:$0x16C00] =	vst v63  }
0x16d: {  	s13 =	sadd.s32 $0xE730, s6;
	s31 =	sadd.s32 $0x60, s11;
	s6 =	sadd.s32 $0xE7B8, s6  }
0x16e: {  	[hbm4b:s31+s3] =	stream.linear.scatter [tilespmem:s13], [sflag:$0x5], $0x80, $0x38;
	[tilespmem:$0x16C00] =	vst v63  }
0x16f: {  	s31 =	sadd.s32 $0x70, s11;
	s11 =	sadd.s32 $0x4000, s11;
	s13 =	smov.u32 s8  }
0x170: {  	[hbm4b:s31+s3] =	stream.linear.scatter [tilespmem:s6], [sflag:$0x5], $0x80, $0x38;
	[tilespmem:$0x16C00] =	vst v63  }
0x171: {  	s9 =	sadd.s32 $0xE400, s0  }
0x172: {  	[hbm4b:s11+s3] =	stream.linear.scatter [tilespmem:s9], [sflag:$0x5], $0x80, $0x38;
	[tilespmem:$0x16C00] =	vst v63  }
0x173: {  	s13 =	sadd.s32 $0xE488, s0;
	s8 =	sadd.s32 $0x10, s11  }
0x174: {  	[hbm4b:s8+s3] =	stream.linear.scatter [tilespmem:s13], [sflag:$0x5], $0x80, $0x38;
	[tilespmem:$0x16C00] =	vst v63  }
0x175: {  	s9 =	sadd.s32 $0xE510, s0;
	s13 =	sadd.s32 $0x20, s11  }
0x176: {  	[hbm4b:s13+s3] =	stream.linear.scatter [tilespmem:s9], [sflag:$0x5], $0x80, $0x38;
	[tilespmem:$0x16C00] =	vst v63  }
0x177: {  	s9 =	sadd.s32 $0xE598, s0;
	s13 =	sadd.s32 $0x30, s11  }
0x178: {  	[hbm4b:s13+s3] =	stream.linear.scatter [tilespmem:s9], [sflag:$0x5], $0x80, $0x38;
	[tilespmem:$0x16C00] =	vst v63  }
0x179: {  	s31 =	sor.u32 $0x3, s1;
	s9 =	sadd.s32 $0xE620, s0;
	s13 =	sadd.s32 $0x40, s11  }
0x17a: {  	[hbm4b:s13+s3] =	stream.linear.scatter [tilespmem:s9], [sflag:$0x5], $0x80, $0x38;
	[tilespmem:$0x16C00] =	vst v63  }
0x17b: {  	s6 =	simm.s32 $0x0;
	s9 =	sadd.s32 $0xE6A8, s0;
	s13 =	sadd.s32 $0x50, s11  }
0x17c: {  	[hbm4b:s13+s3] =	stream.linear.scatter [tilespmem:s9], [sflag:$0x5], $0x80, $0x38;
	[tilespmem:$0x16C00] =	vst v63  }
0x17d: {  	v0 =	vmov s6;
	s6 =	simm.s32 $0xB;
	s9 =	sadd.s32 $0xE730, s0;
	s13 =	sadd.s32 $0x60, s11  }
0x17e: {  	[hbm4b:s13+s3] =	stream.linear.scatter [tilespmem:s9], [sflag:$0x5], $0x80, $0x38;
	[tilespmem:$0x16C00] =	vst v63  }
0x17f: {  	v35 =	vmov s6;
	s6 =	simm.s32 $0xF;
	s11 =	sadd.s32 $0x70, s11;
	s9 =	sadd.s32 $0xE7B8, s0  }
0x180: {  	[hbm4b:s11+s3] =	stream.linear.scatter [tilespmem:s9], [sflag:$0x5], $0x80, $0x38;
	[tilespmem:$0x16C00] =	vst v63  }
0x181: {  	v0 =	vshrl.u32 v0, $0x3;
	v38 =	vmov s6;
	s8 =	simm.s32 $0x1;
	s13 =	sshll.u32 s31, $0x7;
	s11 =	simm.s32 $0x3  }
0x182: {  	v38 =	vshrl.u32 v38, $0x3;
	v2 =	vmov s8;
	s8 =	simm.s32 $0xC;
	s0 =	sand.u32 $0x3FFFFF80, s13;
	v4 =	vmov s11;
	s11 =	simm.s32 $0x6  }
0x183: {  	v0 =	vshll.u32 v0, v1;
	v38 =	vshll.u32 v38, v1;
	[tilespmem:s17], [sflag:$0x4] =	stream.indirect.gather [hbm4b:s5+s10], $0x40, s0, s10, $0xb8;
	[tilespmem:$0x16C00] =	vst v63  }
0x184: {  	v36 =	vmov s8;
	v2 =	vshrl.u32 v2, $0x3;
	s13 =	simm.s32 $0x4;
	v7 =	vmov s11;
	s11 =	simm.s32 $0x9  }
0x185: {  	v48 =	vbroadcast v38, $0x0;
	s9 =	simm.s32 $0x2;
	v5 =	vmov s13;
	s13 =	simm.s32 $0x7;
	v33 =	vmov s11;
	s11 =	simm.s32 @!p0 $0x6  }
0x186: {  	v36 =	vshrl.u32 v36, $0x3;
	v3 =	vmov s9;
	s9 =	simm.s32 $0x5;
	v8 =	vmov s13;
	s13 =	simm.s32 $0xA;
	_ =	swait.ge @!p0 [sflag:s11], $0x2000  }
0x187: {  	v5 =	vshrl.u32 v5, $0x3;
	v6 =	vmov s9;
	v34 =	vmov s13;
	[sflag:s11] =	ssyncset.done @!p0 $0x0  }
0x188: {  	s9 =	simm.s32 $0x8;
	s13 =	simm.s32 $0xE;
	v3 =	vshrl.u32 v3, $0x3;
	v4 =	vshrl.u32 v4, $0x3;
	v8 =	vshrl.u32 v8, $0x3;
	[sflag:s11] =	ssyncadd.s32 @!p0 $0xFFFFE000  }
0x189: {  	v9 =	vmov s9;
	s9 =	simm.s32 $0xD;
	v44 =	vmov s13;
	v6 =	vshrl.u32 v6, $0x3;
	_ =	swait.ge [sflag:s18], $0x2000  }
0x18a: {  	v7 =	vshrl.u32 v7, $0x3;
	v34 =	vshrl.u32 v34, $0x3;
	v37 =	vmov s9;
	[sflag:s18] =	ssyncset.done $0x0  }
0x18b: {  	s0 =	simm.s32 $0x8600;
	v39 =	vshrl.u32 v33, $0x3;
	v33 =	vbroadcast v0, $0x0;
	v0 =	vshll.u32 v2, v1;
	[sflag:s18] =	ssyncadd.s32 $0xFFFFE000  }
0x18c: {  	v47 =	vbroadcast v0, $0x0;
	v0 =	vshll.u32 v3, v1;
	v3 =	vadd.s32 v20, v48;
	v2 =	vld [tilespmem:s0+$0x1C0]  }
0x18d: {  	v42 =	vadd.s32 v28, v33;
	v46 =	vbroadcast v0, $0x0;
	v0 =	vshll.u32 v4, v1;
	v38 =	vld [tilespmem:s0+$0xFFFFFE00]  }
0x18e: {  	v43 =	vadd.s32 v32, v47;
	v45 =	vbroadcast v0, $0x0;
	v0 =	vshll.u32 v5, v1;
	v4 =	vld [tilespmem:s0+$0xFFFFFE40]  }
0x18f: {  	v9 =	vshrl.u32 v9, $0x3;
	v49 =	vadd.s32 v21, v46;
	v40 =	vbroadcast v0, $0x0;
	v62 =	vld [tilespmem:s0+$0xFFFFFE80]  }
0x190: {  	v6 =	vshll.u32 v6, v1;
	v60 =	vshll.u32 v7, v1;
	v50 =	vadd.s32 v27, v45;
	v58 =	vld [tilespmem:s0+$0xFFFFFEC0]  }
0x191: {  	v34 =	vshll.u32 v34, v1;
	v41 =	vbroadcast v6, $0x0;
	v51 =	vld [tilespmem:s0+$0xFFFFFF00];
	v52 =	vadd.s32 v17, v40;
	[tilespmem:v3+s19+$0x0] =	vst.idx.msk $0xffff, v2  }
0x192: {  	v6 =	vadd.s32 v24, v48;
	[tilespmem:v42+s19+$0x0] =	vst.idx.msk $0xffff, v38;
	v38 =	vbroadcast v60, $0x0;
	v2 =	vshll.u32 v8, v1;
	v3 =	vld [tilespmem:s0+$0x1D0]  }
0x193: {  	v7 =	vadd.s32 v25, v41;
	[tilespmem:v43+s19+$0x0] =	vst.idx.msk $0xffff, v4;
	v4 =	vld [tilespmem:s0+$0xFFFFFF40];
	v42 =	vbroadcast v2, $0x0;
	v2 =	vshll.u32 v9, v1  }
0x194: {  	[tilespmem:v49+s19+$0x0] =	vst.idx.msk $0xffff, v62;
	v62 =	vld [tilespmem:s0+$0xFFFFFF80];
	v8 =	vadd.s32 v13, v38;
	v43 =	vbroadcast v2, $0x0;
	v2 =	vshll.u32 v39, v1  }
0x195: {  	v0 =	vshrl.u32 v35, $0x3;
	[tilespmem:v50+s19+$0x0] =	vst.idx.msk $0xffff, v58;
	v9 =	vld [tilespmem:s0+$0xFFFFFFC0];
	v58 =	vadd.s32 v20, v42;
	v39 =	vbroadcast v2, $0x0  }
0x196: {  	v0 =	vshll.u32 v0, v1;
	[tilespmem:v52+s19+$0x0] =	vst.idx.msk $0xffff, v51;
	v2 =	vshrl.u32 v37, $0x3;
	v37 =	vld [tilespmem:s0+$0x0];
	v50 =	vadd.s32 v28, v43  }
0x197: {  	v51 =	vshrl.u32 v44, $0x3;
	v60 =	vld [tilespmem:s0+$0x40];
	v44 =	vbroadcast v34, $0x0;
	v53 =	vadd.s32 v32, v39;
	[tilespmem:v6+s19+$0x0] =	vst.idx.msk $0xffff, v3  }
0x198: {  	v34 =	vbroadcast v0, $0x0;
	v0 =	vshll.u32 v36, v1;
	[tilespmem:v7+s19+$0x0] =	vst.idx.msk $0xffff, v4;
	v4 =	vadd.s32 v54, v48;
	v3 =	vld [tilespmem:s0+$0x1E0]  }
0x199: {  	v5 =	vld [tilespmem:s0+$0x80];
	v35 =	vbroadcast v0, $0x0;
	v0 =	vshll.u32 v2, v1;
	[tilespmem:v8+s19+$0x0] =	vst.idx.msk $0xffff, v62;
	v62 =	vadd.s32 v21, v44  }
0x19a: {  	v2 =	vld [tilespmem:s0+$0xC0];
	v36 =	vbroadcast v0, $0x0;
	[tilespmem:v58+s19+$0x0] =	vst.idx.msk $0xffff, v9;
	v58 =	vadd.s32 v27, v34  }
0x19b: {  	v0 =	vshll.u32 v51, v1;
	v8 =	vld [tilespmem:s0+$0x100];
	v9 =	vadd.s32 v17, v35;
	[tilespmem:v50+s19+$0x0] =	vst.idx.msk $0xffff, v37  }
0x19c: {  	v49 =	vadd.s32 v25, v36;
	v37 =	vbroadcast v0, $0x0;
	v0 =	vld [tilespmem:s0+$0x140];
	[tilespmem:v53+s19+$0x0] =	vst.idx.msk $0xffff, v60  }
0x19d: {  	v52 =	vld [tilespmem:s0+$0xFFFFFE50];
	v53 =	vadd.s32 v10, v47;
	[tilespmem:v4+s19+$0x0] =	vst.idx.msk $0xffff, v3  }
0x19e: {  	v50 =	vld [tilespmem:s0+$0x180];
	v60 =	vadd.s32 v13, v37;
	[tilespmem:v62+s19+$0x0] =	vst.idx.msk $0xffff, v5  }
0x19f: {  	v62 =	vadd.s32 v61, v48;
	v3 =	vld [tilespmem:s0+$0x1F0];
	[tilespmem:v58+s19+$0x0] =	vst.idx.msk $0xffff, v2  }
0x1a0: {  	v2 =	vld [tilespmem:s0+$0xFFFFFE90];
	v58 =	vadd.s32 v14, v46;
	[tilespmem:v9+s19+$0x0] =	vst.idx.msk $0xffff, v8  }
0x1a1: {  	v8 =	vld [tilespmem:s0+$0xFFFFFED0];
	v9 =	vadd.s32 v18, v45;
	[tilespmem:v49+s19+$0x0] =	vst.idx.msk $0xffff, v0  }
0x1a2: {  	v48 =	vadd.s32 v22, v40;
	v0 =	vld [tilespmem:s0+$0xFFFFFF10];
	[tilespmem:v53+s19+$0x0] =	vst.idx.msk $0xffff, v52  }
0x1a3: {  	v49 =	vld [tilespmem:s0+$0xFFFFFF50];
	[tilespmem:v60+s19+$0x0] =	vst.idx.msk $0xffff, v50;
	v60 =	vadd.s32 v26, v41  }
0x1a4: {  	[tilespmem:v62+s19+$0x0] =	vst.idx.msk $0xffff, v3;
	v3 =	vld [tilespmem:s0+$0xFFFFFF90];
	v62 =	vadd.s32 v63, v38  }
0x1a5: {  	v52 =	vadd.s32 v24, v42;
	[tilespmem:v58+s19+$0x0] =	vst.idx.msk $0xffff, v2;
	v2 =	vld [tilespmem:s0+$0xFFFFFFD0]  }
0x1a6: {  	v53 =	vld [tilespmem:s0+$0x10];
	[tilespmem:v9+s19+$0x0] =	vst.idx.msk $0xffff, v8;
	v58 =	vadd.s32 v29, v43  }
0x1a7: {  	v8 =	vadd.s32 v10, v39;
	[tilespmem:v48+s19+$0x0] =	vst.idx.msk $0xffff, v0;
	v0 =	vld [tilespmem:s0+$0x50]  }
0x1a8: {  	v9 =	vld [tilespmem:s0+$0x90];
	[tilespmem:v60+s19+$0x0] =	vst.idx.msk $0xffff, v49;
	v60 =	vadd.s32 v14, v44  }
0x1a9: {  	v50 =	vadd.s32 v29, v33;
	v49 =	vld [tilespmem:s0+$0xFFFFFE10];
	[tilespmem:v62+s19+$0x0] =	vst.idx.msk $0xffff, v3  }
0x1aa: {  	v3 =	vld [tilespmem:s0+$0xD0];
	v62 =	vadd.s32 v18, v34;
	[tilespmem:v52+s19+$0x0] =	vst.idx.msk $0xffff, v2  }
0x1ab: {  	v2 =	vld [tilespmem:s0+$0x110];
	v52 =	vadd.s32 v22, v35;
	[tilespmem:v58+s19+$0x0] =	vst.idx.msk $0xffff, v53  }
0x1ac: {  	v53 =	vld [tilespmem:s0+$0x150];
	v58 =	vadd.s32 v26, v36;
	[tilespmem:v8+s19+$0x0] =	vst.idx.msk $0xffff, v0  }
0x1ad: {  	v0 =	vld [tilespmem:s0+$0x190];
	v8 =	vadd.s32 v63, v37;
	[tilespmem:v60+s19+$0x0] =	vst.idx.msk $0xffff, v9  }
0x1ae: {  	v9 =	vld [tilespmem:s0+$0xFFFFFE60];
	v60 =	vadd.s32 v23, v47;
	[tilespmem:v50+s19+$0x0] =	vst.idx.msk $0xffff, v49  }
0x1af: {  	[tilespmem:v62+s19+$0x0] =	vst.idx.msk $0xffff, v3;
	v3 =	vld [tilespmem:s0+$0xFFFFFEA0];
	v62 =	vadd.s32 v56, v46  }
0x1b0: {  	[tilespmem:v52+s19+$0x0] =	vst.idx.msk $0xffff, v2;
	v2 =	vld [tilespmem:s0+$0xFFFFFEE0];
	v52 =	vadd.s32 v57, v45  }
0x1b1: {  	[tilespmem:v58+s19+$0x0] =	vst.idx.msk $0xffff, v53;
	v53 =	vld [tilespmem:s0+$0xFFFFFF20];
	v58 =	vadd.s32 v16, v40  }
0x1b2: {  	[tilespmem:v8+s19+$0x0] =	vst.idx.msk $0xffff, v0;
	v0 =	vld [tilespmem:s0+$0xFFFFFF60];
	v8 =	vadd.s32 v15, v41  }
0x1b3: {  	[tilespmem:v60+s19+$0x0] =	vst.idx.msk $0xffff, v9;
	v9 =	vld [tilespmem:s0+$0xFFFFFFA0];
	v60 =	vadd.s32 v55, v38  }
0x1b4: {  	[tilespmem:v62+s19+$0x0] =	vst.idx.msk $0xffff, v3;
	v3 =	vld [tilespmem:s0+$0xFFFFFFE0];
	v62 =	vadd.s32 v54, v42  }
0x1b5: {  	[tilespmem:v52+s19+$0x0] =	vst.idx.msk $0xffff, v2;
	v2 =	vld [tilespmem:s0+$0x20];
	v52 =	vadd.s32 v30, v43  }
0x1b6: {  	[tilespmem:v58+s19+$0x0] =	vst.idx.msk $0xffff, v53;
	v53 =	vld [tilespmem:s0+$0x60];
	v54 =	vadd.s32 v23, v39  }
0x1b7: {  	[tilespmem:v8+s19+$0x0] =	vst.idx.msk $0xffff, v0;
	v0 =	vld [tilespmem:s0+$0xA0];
	v8 =	vadd.s32 v56, v44  }
0x1b8: {  	v57 =	vadd.s32 v57, v34;
	[tilespmem:v60+s19+$0x0] =	vst.idx.msk $0xffff, v9;
	v9 =	vld [tilespmem:s0+$0xE0]  }
0x1b9: {  	v4 =	vadd.s32 v16, v35;
	[tilespmem:v62+s19+$0x0] =	vst.idx.msk $0xffff, v3;
	v3 =	vld [tilespmem:s0+$0x120]  }
0x1ba: {  	v5 =	vadd.s32 v15, v36;
	[tilespmem:v52+s19+$0x0] =	vst.idx.msk $0xffff, v2;
	v2 =	vld [tilespmem:s0+$0x160]  }
0x1bb: {  	[tilespmem:v54+s19+$0x0] =	vst.idx.msk $0xffff, v53  }
0x1bc: {  	[tilespmem:v8+s19+$0x0] =	vst.idx.msk $0xffff, v0  }
0x1bd: {  	v6 =	vld [tilespmem:s0+$0x1A0];
	[tilespmem:v57+s19+$0x0] =	vst.idx.msk $0xffff, v9  }
0x1be: {  	v7 =	vadd.s32 v55, v37;
	v52 =	vld [tilespmem:s0+$0xFFFFFE20];
	[tilespmem:v4+s19+$0x0] =	vst.idx.msk $0xffff, v3  }
0x1bf: {  	s8 =	simm.s32 $0x10;
	v21 =	vmovc v15;
	v18 =	vmov v20;
	v47 =	vadd.s32 v12, v47;
	v15 =	vmov v63;
	v20 =	vld [tilespmem:$0x1FE50];
	[tilespmem:v5+s19+$0x0] =	vst.idx.msk $0xffff, v2  }
0x1c0: {  	v63 =	vadd.s32 v12, v39;
	v58 =	vmov s8;
	v23 =	vmovc v16;
	v16 =	vmovc v59;
	v54 =	vadd.s32 v30, v33;
	v24 =	vld [tilespmem:$0x1FE60]  }
0x1c1: {  	s9 =	simm.s32 $0x11;
	s11 =	simm.s32 $0x12;
	v55 =	vld [tilespmem:s0+$0xFFFFFE70];
	v49 =	vshrl.u32 v58, $0x3;
	v44 =	vadd.s32 v16, v44;
	v60 =	vadd.s32 v59, v46  }
0x1c2: {  	s13 =	simm.s32 $0x13;
	v56 =	vld [tilespmem:s0+$0xFFFFFEB0];
	v59 =	vadd.s32 v19, v38;
	v53 =	vmov s9;
	s9 =	simm.s32 $0x15;
	v0 =	vmov s11  }
0x1c3: {  	s8 =	simm.s32 $0x14;
	v8 =	vmov s13;
	v62 =	vmov s9;
	s13 =	simm.s32 $0x17;
	[tilespmem:v7+s19+$0x0] =	vst.idx.msk $0xffff, v6;
	v6 =	vld [tilespmem:s0+$0xFFFFFF70];
	v7 =	vadd.s32 v11, v41  }
0x1c4: {  	s11 =	simm.s32 $0x16;
	v46 =	vmov s13;
	s13 =	simm.s32 $0x1B;
	v9 =	vmov s8;
	v4 =	vld [tilespmem:s0+$0xFFFFFEF0];
	v58 =	vadd.s32 v20, v45  }
0x1c5: {  	s8 =	simm.s32 $0x18;
	v50 =	vmov s13;
	v3 =	vmov s11;
	v2 =	vld [tilespmem:s0+$0xFFFFFF30];
	[tilespmem:v54+s19+$0x0] =	vst.idx.msk $0xffff, v52;
	v5 =	vadd.s32 v24, v40  }
0x1c6: {  	v57 =	vld [tilespmem:s0+$0x30];
	v51 =	vmov s8;
	s8 =	simm.s32 $0x1C;
	v38 =	vshrl.u32 v9, $0x3;
	v39 =	vshrl.u32 v3, $0x3;
	[tilespmem:v47+s19+$0x0] =	vst.idx.msk $0xffff, v55  }
0x1c7: {  	v41 =	vmov s8;
	v55 =	vld [tilespmem:s0+$0xFFFFFFB0];
	v52 =	vshll.u32 v49, v1;
	[tilespmem:v60+s19+$0x0] =	vst.idx.msk $0xffff, v56;
	v60 =	vadd.s32 v61, v42  }
0x1c8: {  	v27 =	vmovc v61;
	s9 =	simm.s32 $0x19;
	s11 =	simm.s32 $0x1A;
	v56 =	vld [tilespmem:s0+$0xFFFFFFF0];
	v54 =	vshrl.u32 v53, $0x3;
	v53 =	vshrl.u32 v0, $0x3;
	v61 =	vadd.s32 v31, v43;
	[tilespmem:v7+s19+$0x0] =	vst.idx.msk $0xffff, v6  }
0x1c9: {  	s13 =	sadd.s32 s1, s4;
	v42 =	vshrl.u32 v62, $0x3;
	v62 =	vld [tilespmem:s0+$0xB0];
	v45 =	vmov s9;
	s9 =	simm.s32 $0x1D;
	v40 =	vmov s11;
	s11 =	simm.s32 $0x1E;
	[tilespmem:v58+s19+$0x0] =	vst.idx.msk $0xffff, v4  }
0x1ca: {  	s6 =	simm.s32 $0x1F;
	v43 =	vshrl.u32 v8, $0x3;
	v48 =	vmov s9;
	v49 =	vmov s11;
	s11 =	sadd.s32 $0x1, s13;
	s13 =	simm.s32 $0x20;
	v58 =	vld [tilespmem:s0+$0x70];
	[tilespmem:v5+s19+$0x0] =	vst.idx.msk $0xffff, v2  }
.LBB2_7:
0x1cb: {  	v3 =	vld [tilespmem:s0+$0xF0]  }
0x1cc: {  	v6 =	vld [tilespmem:s0+$0x130]  }
0x1cd: {  	v9 =	vld [tilespmem:s0+$0x170]  }
0x1ce: {  	v0 =	vshrl.u32 v46, $0x3;
	v47 =	vld [tilespmem:s0+$0xFFFFFE30]  }
0x1cf: {  	v2 =	vmov s6;
	v4 =	vadd.s32 v20, v34;
	v5 =	vshrl.u32 v51, $0x3;
	[tilespmem:v63+s19+$0x0] =	vst.idx.msk $0xffff, v58;
	v63 =	vld [tilespmem:s0+$0x1B0]  }
0x1d0: {  	v7 =	vadd.s32 v24, v35;
	v8 =	vshrl.u32 v45, $0x3;
	v35 =	vshrl.u32 v40, $0x3;
	[tilespmem:v59+s19+$0x0] =	vst.idx.msk $0xffff, v55;
	v55 =	vld [tilespmem:$0x1FEA0]  }
0x1d1: {  	v37 =	vadd.s32 v19, v37;
	v51 =	vadd.s32 v31, v33;
	v33 =	vbroadcast v52, $0x0;
	[tilespmem:v60+s19+$0x0] =	vst.idx.msk $0xffff, v56;
	v56 =	vld [tilespmem:$0x1FEC0]  }
0x1d2: {  	v38 =	vshll.u32 v38, v1;
	v2 =	vshrl.u32 v2, $0x3;
	[tilespmem:v61+s19+$0x0] =	vst.idx.msk $0xffff, v57;
	v57 =	vshll.u32 v54, v1;
	s0 =	sadd.s32 $0x400, s0;
	v54 =	vld [tilespmem:$0x1FF50]  }
0x1d3: {  	v42 =	vshll.u32 v42, v1;
	v38 =	vbroadcast v38, $0x0;
	v2 =	vshll.u32 v2, v1;
	[tilespmem:v44+s19+$0x0] =	vst.idx.msk $0xffff, v62;
	v44 =	vld [tilespmem:s0+$0x1C0]  }
0x1d4: {  	v0 =	vshll.u32 v0, v1;
	v2 =	vbroadcast v2, $0x0;
	v61 =	vadd.s32 v11, v36;
	[tilespmem:v4+s19+$0x0] =	vst.idx.msk $0xffff, v3;
	v3 =	vld [tilespmem:s0+$0xFFFFFE00]  }
0x1d5: {  	v58 =	vshll.u32 v53, v1;
	v59 =	vshll.u32 v43, v1;
	v53 =	vshrl.u32 v41, $0x3;
	[tilespmem:v7+s19+$0x0] =	vst.idx.msk $0xffff, v6;
	v6 =	vld [tilespmem:s0+$0xFFFFFE40]  }
0x1d6: {  	v41 =	vbroadcast v42, $0x0;
	v42 =	vbroadcast v0, $0x0;
	v52 =	vadd.s32 v18, v2;
	v62 =	vld [tilespmem:s0+$0xFFFFFEC0]  }
0x1d7: {  	v0 =	vshll.u32 v5, v1;
	v45 =	vbroadcast v57, $0x0;
	v4 =	vadd.s32 v28, v33;
	v57 =	vld [tilespmem:s0+$0xFFFFFF00]  }
0x1d8: {  	v46 =	vbroadcast v58, $0x0;
	v40 =	vbroadcast v59, $0x0;
	[tilespmem:v51+s19+$0x0] =	vst.idx.msk $0xffff, v47;
	v58 =	vadd.s32 v17, v38;
	v59 =	vld [tilespmem:s0+$0xFFFFFF40]  }
0x1d9: {  	v43 =	vbroadcast v0, $0x0;
	v0 =	vshll.u32 v8, v1;
	v8 =	vld [tilespmem:s0+$0xFFFFFFC0];
	v60 =	vadd.s32 v32, v45;
	[tilespmem:v61+s19+$0x0] =	vst.idx.msk $0xffff, v9  }
0x1da: {  	v9 =	vld [tilespmem:s0+$0xFFFFFE80];
	v61 =	vadd.s32 v55, v46;
	[tilespmem:v37+s19+$0x0] =	vst.idx.msk $0xffff, v63  }
0x1db: {  	v51 =	vld [tilespmem:$0x1FE90];
	v36 =	vadd.s32 v18, v42;
	[tilespmem:v52+s19+$0x0] =	vst.idx.msk $0xffff, v44  }
0x1dc: {  	v50 =	vshrl.u32 v50, $0x3;
	v39 =	vshll.u32 v39, v1;
	v63 =	vadd.s32 v56, v40;
	v37 =	vld [tilespmem:s0+$0x0];
	[tilespmem:v4+s19+$0x0] =	vst.idx.msk $0xffff, v3  }
0x1dd: {  	v39 =	vbroadcast v39, $0x0;
	v4 =	vadd.s32 v54, v2;
	[tilespmem:v58+s19+$0x0] =	vst.idx.msk $0xffff, v57;
	v58 =	vshll.u32 v50, v1;
	v3 =	vld [tilespmem:s0+$0x1D0]  }
0x1de: {  	v52 =	vld [tilespmem:$0x1FEB0];
	v34 =	vbroadcast v58, $0x0;
	[tilespmem:v60+s19+$0x0] =	vst.idx.msk $0xffff, v6;
	v60 =	vadd.s32 v25, v41  }
0x1df: {  	v44 =	vbroadcast v0, $0x0;
	[tilespmem:v61+s19+$0x0] =	vst.idx.msk $0xffff, v9;
	v61 =	vld [tilespmem:s0+$0xFFFFFF80];
	v9 =	vadd.s32 v13, v39  }
0x1e0: {  	v0 =	vshrl.u32 v48, $0x3;
	v48 =	vadd.s32 v28, v43;
	[tilespmem:v36+s19+$0x0] =	vst.idx.msk $0xffff, v8;
	v8 =	vadd.s32 v56, v34;
	v56 =	vld [tilespmem:s0+$0x180]  }
0x1e1: {  	v57 =	vadd.s32 v32, v44;
	[tilespmem:v63+s19+$0x0] =	vst.idx.msk $0xffff, v62;
	v62 =	vshll.u32 v35, v1;
	v63 =	vld [tilespmem:s0+$0x40]  }
0x1e2: {  	v47 =	vbroadcast v62, $0x0;
	[tilespmem:v4+s19+$0x0] =	vst.idx.msk $0xffff, v3;
	v3 =	vshll.u32 v53, v1;
	v53 =	vld [tilespmem:$0x1FF60]  }
0x1e3: {  	v0 =	vshll.u32 v0, v1;
	[tilespmem:v60+s19+$0x0] =	vst.idx.msk $0xffff, v59;
	v35 =	vbroadcast v3, $0x0;
	v3 =	vld [tilespmem:s0+$0xC0]  }
0x1e4: {  	v49 =	vshrl.u32 v49, $0x3;
	v36 =	vbroadcast v0, $0x0;
	v60 =	vld [tilespmem:s0+$0x80];
	[tilespmem:v9+s19+$0x0] =	vst.idx.msk $0xffff, v61;
	v61 =	vadd.s32 v55, v47  }
0x1e5: {  	v0 =	vshll.u32 v49, v1;
	[tilespmem:v48+s19+$0x0] =	vst.idx.msk $0xffff, v37;
	v9 =	vld [tilespmem:s0+$0x100];
	v62 =	vadd.s32 v17, v35  }
0x1e6: {  	v37 =	vbroadcast v0, $0x0;
	v0 =	vld [tilespmem:s0+$0x140];
	[tilespmem:v57+s19+$0x0] =	vst.idx.msk $0xffff, v63;
	v63 =	vadd.s32 v25, v36  }
0x1e7: {  	v58 =	vld [tilespmem:s0+$0xFFFFFE50]  }
0x1e8: {  	v4 =	vld [tilespmem:s0+$0x1E0];
	v59 =	vadd.s32 v53, v2;
	[tilespmem:v8+s19+$0x0] =	vst.idx.msk $0xffff, v3  }
0x1e9: {  	v57 =	vadd.s32 v13, v37;
	v3 =	vld [tilespmem:s0+$0xFFFFFE90];
	[tilespmem:v61+s19+$0x0] =	vst.idx.msk $0xffff, v60  }
0x1ea: {  	v60 =	vadd.s32 v14, v46;
	[tilespmem:v62+s19+$0x0] =	vst.idx.msk $0xffff, v9;
	v61 =	vld [tilespmem:$0x1FFB0]  }
0x1eb: {  	[tilespmem:v63+s19+$0x0] =	vst.idx.msk $0xffff, v0;
	v0 =	vld [tilespmem:s0+$0xFFFFFF10];
	v62 =	vadd.s32 v22, v38  }
0x1ec: {  	v55 =	vadd.s32 v26, v41;
	v63 =	vld [tilespmem:s0+$0xFFFFFF50]  }
0x1ed: {  	v8 =	vld [tilespmem:s0+$0xFFFFFED0];
	[tilespmem:v59+s19+$0x0] =	vst.idx.msk $0xffff, v4;
	v59 =	vadd.s32 v10, v45  }
0x1ee: {  	v2 =	vadd.s32 v27, v2;
	[tilespmem:v57+s19+$0x0] =	vst.idx.msk $0xffff, v56;
	v4 =	vld [tilespmem:s0+$0x1F0]  }
0x1ef: {  	v57 =	vadd.s32 v54, v42;
	v54 =	vld [tilespmem:$0x1FED0];
	v9 =	vadd.s32 v61, v40;
	[tilespmem:v60+s19+$0x0] =	vst.idx.msk $0xffff, v3  }
0x1f0: {  	v3 =	vld [tilespmem:s0+$0xFFFFFFD0];
	[tilespmem:v62+s19+$0x0] =	vst.idx.msk $0xffff, v0  }
0x1f1: {  	v0 =	vld [tilespmem:s0+$0x50];
	[tilespmem:v55+s19+$0x0] =	vst.idx.msk $0xffff, v63  }
0x1f2: {  	[tilespmem:v59+s19+$0x0] =	vst.idx.msk $0xffff, v58;
	v58 =	vld [tilespmem:s0+$0x10];
	v59 =	vadd.s32 v29, v43  }
0x1f3: {  	v56 =	vadd.s32 v15, v39;
	[tilespmem:v2+s19+$0x0] =	vst.idx.msk $0xffff, v4;
	v2 =	vld [tilespmem:s0+$0xFFFFFF90]  }
0x1f4: {  	v63 =	vld [tilespmem:s0+$0x150];
	[tilespmem:v9+s19+$0x0] =	vst.idx.msk $0xffff, v8;
	v8 =	vadd.s32 v10, v44  }
0x1f5: {  	v60 =	vadd.s32 v14, v47;
	v9 =	vld [tilespmem:s0+$0x90]  }
0x1f6: {  	v62 =	vadd.s32 v22, v35;
	[tilespmem:v57+s19+$0x0] =	vst.idx.msk $0xffff, v3;
	v3 =	vld [tilespmem:s0+$0x110]  }
0x1f7: {  	v57 =	vadd.s32 v26, v36;
	[tilespmem:v59+s19+$0x0] =	vst.idx.msk $0xffff, v58;
	v58 =	vld [tilespmem:s0+$0xFFFFFE10]  }
0x1f8: {  	v59 =	vadd.s32 v29, v33;
	[tilespmem:v56+s19+$0x0] =	vst.idx.msk $0xffff, v2;
	v2 =	vld [tilespmem:s0+$0xD0]  }
0x1f9: {  	v61 =	vadd.s32 v61, v34;
	v56 =	vld [tilespmem:$0x1FF30];
	[tilespmem:v8+s19+$0x0] =	vst.idx.msk $0xffff, v0  }
0x1fa: {  	v0 =	vld [tilespmem:s0+$0x190];
	v8 =	vadd.s32 v15, v37;
	[tilespmem:v60+s19+$0x0] =	vst.idx.msk $0xffff, v9  }
0x1fb: {  	v9 =	vld [tilespmem:s0+$0xFFFFFE60];
	v60 =	vadd.s32 v51, v45;
	[tilespmem:v62+s19+$0x0] =	vst.idx.msk $0xffff, v3  }
0x1fc: {  	v3 =	vld [tilespmem:s0+$0xFFFFFEE0];
	v62 =	vadd.s32 v54, v40;
	[tilespmem:v57+s19+$0x0] =	vst.idx.msk $0xffff, v63  }
0x1fd: {  	v55 =	vadd.s32 v23, v38;
	v63 =	vld [tilespmem:s0+$0xFFFFFF20];
	[tilespmem:v59+s19+$0x0] =	vst.idx.msk $0xffff, v58  }
0x1fe: {  	[tilespmem:v61+s19+$0x0] =	vst.idx.msk $0xffff, v2;
	v2 =	vld [tilespmem:s0+$0xFFFFFEA0];
	v61 =	vadd.s32 v52, v46  }
0x1ff: {  	[tilespmem:v8+s19+$0x0] =	vst.idx.msk $0xffff, v0;
	v0 =	vld [tilespmem:s0+$0xFFFFFF60];
	v8 =	vadd.s32 v21, v41  }
0x200: {  	v57 =	vadd.s32 v56, v39;
	[tilespmem:v60+s19+$0x0] =	vst.idx.msk $0xffff, v9;
	v9 =	vld [tilespmem:s0+$0xFFFFFFA0]  }
0x201: {  	v59 =	vadd.s32 v30, v43;
	[tilespmem:v62+s19+$0x0] =	vst.idx.msk $0xffff, v3;
	v3 =	vld [tilespmem:s0+$0x20]  }
0x202: {  	v7 =	vadd.s32 v56, v37;
	[tilespmem:v55+s19+$0x0] =	vst.idx.msk $0xffff, v63;
	v6 =	vld [tilespmem:s0+$0x1A0]  }
0x203: {  	v58 =	vadd.s32 v53, v42;
	[tilespmem:v61+s19+$0x0] =	vst.idx.msk $0xffff, v2;
	v2 =	vld [tilespmem:s0+$0xFFFFFFE0]  }
0x204: {  	v60 =	vld [tilespmem:s0+$0x60];
	v61 =	vadd.s32 v51, v44;
	[tilespmem:v8+s19+$0x0] =	vst.idx.msk $0xffff, v0  }
0x205: {  	v0 =	vld [tilespmem:s0+$0xA0];
	v8 =	vadd.s32 v52, v47;
	[tilespmem:v57+s19+$0x0] =	vst.idx.msk $0xffff, v9  }
0x206: {  	v62 =	vadd.s32 v54, v34;
	v9 =	vld [tilespmem:s0+$0xE0];
	[tilespmem:v59+s19+$0x0] =	vst.idx.msk $0xffff, v3  }
0x207: {  	v5 =	vadd.s32 v21, v36;
	v3 =	vld [tilespmem:s0+$0x160];
	[tilespmem:v7+s19+$0x0] =	vst.idx.msk $0xffff, v6  }
0x208: {  	v4 =	vadd.s32 v23, v35;
	v63 =	vmov s13;
	v54 =	vadd.s32 v30, v33;
	v52 =	vld [tilespmem:s0+$0xFFFFFE20];
	[tilespmem:v58+s19+$0x0] =	vst.idx.msk $0xffff, v2  }
0x209: {  	v56 =	vadd.s32 v12, v45;
	v49 =	vshrl.u32 v63, $0x3;
	v63 =	vadd.s32 v12, v44;
	v2 =	vld [tilespmem:s0+$0x120];
	[tilespmem:v61+s19+$0x0] =	vst.idx.msk $0xffff, v60  }
0x20a: {  	s8 =	sadd.s32 $0x1, s13;
	v55 =	vld [tilespmem:s0+$0xFFFFFE70];
	v44 =	vadd.s32 v16, v47;
	v59 =	vadd.s32 v19, v39;
	[tilespmem:v8+s19+$0x0] =	vst.idx.msk $0xffff, v0  }
0x20b: {  	s9 =	sadd.s32 $0x2, s13;
	v53 =	vmov s8;
	v6 =	vld [tilespmem:s0+$0xFFFFFF70];
	v7 =	vadd.s32 v11, v41;
	v58 =	vadd.s32 v16, v46;
	[tilespmem:v62+s19+$0x0] =	vst.idx.msk $0xffff, v9  }
0x20c: {  	s8 =	sadd.s32 $0x3, s13;
	v57 =	vld [tilespmem:s0+$0xFFFFFEB0];
	v61 =	vadd.s32 v20, v40;
	v60 =	vadd.s32 v27, v42;
	v0 =	vmov s9;
	[tilespmem:v5+s19+$0x0] =	vst.idx.msk $0xffff, v3  }
0x20d: {  	v8 =	vmov s8;
	s8 =	sadd.s32 $0x4, s13;
	s9 =	sadd.s32 $0x5, s13;
	v3 =	vld [tilespmem:s0+$0xFFFFFF30];
	v5 =	vadd.s32 v24, v38;
	[tilespmem:v54+s19+$0x0] =	vst.idx.msk $0xffff, v52;
	v52 =	vshll.u32 v49, v1  }
0x20e: {  	p1 =	slt.u32 s13, $0x70;
	v54 =	vshrl.u32 v53, $0x3;
	v9 =	vmov s8;
	v62 =	vmov s9;
	s8 =	sadd.s32 $0x6, s13;
	s9 =	sadd.s32 $0x7, s13;
	[tilespmem:v4+s19+$0x0] =	vst.idx.msk $0xffff, v2;
	v4 =	vld [tilespmem:s0+$0xFFFFFEF0]  }
.Ltmp4:
0x20f: {  	[tilespmem:v56+s19+$0x0] =	vst.idx.msk $0xffff, v55;
	v55 =	vld [tilespmem:s0+$0xFFFFFFB0];
	v53 =	vshrl.u32 v0, $0x3;
	v46 =	vmov s9;
	s9 =	sadd.s32 $0x9, s13;
	v2 =	vmov s8;
	s8 =	sadd.s32 $0x8, s13;
	(pc) =	sbr.rel @p1 .LBB2_7-.Ltmp4, $4  }
0x210: {  	v56 =	vld [tilespmem:s0+$0xFFFFFFF0];
	[tilespmem:v7+s19+$0x0] =	vst.idx.msk $0xffff, v6;
	v38 =	vshrl.u32 v9, $0x3;
	v45 =	vmov s9;
	s9 =	sadd.s32 $0xB, s13;
	v51 =	vmov s8;
	s8 =	sadd.s32 $0xA, s13  }
0x211: {  	v42 =	vshrl.u32 v62, $0x3;
	v62 =	vld [tilespmem:s0+$0xB0];
	[tilespmem:v58+s19+$0x0] =	vst.idx.msk $0xffff, v57;
	v50 =	vmov s9;
	s9 =	sadd.s32 $0xD, s13;
	v40 =	vmov s8;
	s8 =	sadd.s32 $0xC, s13  }
0x212: {  	v57 =	vld [tilespmem:s0+$0x30];
	v39 =	vshrl.u32 v2, $0x3;
	v48 =	vmov s9;
	s9 =	sadd.s32 $0xE, s13;
	[tilespmem:v5+s19+$0x0] =	vst.idx.msk $0xffff, v3;
	v41 =	vmov s8  }
0x213: {  	s6 =	sadd.s32 $0xF, s13;
	v58 =	vld [tilespmem:s0+$0x70];
	s13 =	sadd.s32 $0x10, s13;
	v49 =	vmov s9;
	[tilespmem:v61+s19+$0x0] =	vst.idx.msk $0xffff, v4;
	v61 =	vadd.s32 v31, v43;
	v43 =	vshrl.u32 v8, $0x3  }
0x214: {  	_ =	sdelay $0x3  }
0x215: {  	v2 =	vmov s6;
	[tilespmem:v59+s19+$0x0] =	vst.idx.msk $0xffff, v55;
	v3 =	vld [tilespmem:s0+$0xF0];
	v4 =	vadd.s32 v20, v34  }
0x216: {  	v6 =	vld [tilespmem:s0+$0x130];
	v7 =	vadd.s32 v24, v35;
	v2 =	vshrl.u32 v2, $0x3;
	[tilespmem:v60+s19+$0x0] =	vst.idx.msk $0xffff, v56  }
0x217: {  	v9 =	vld [tilespmem:s0+$0x170];
	v2 =	vshll.u32 v2, v1;
	[tilespmem:v61+s19+$0x0] =	vst.idx.msk $0xffff, v57;
	v61 =	vadd.s32 v11, v36  }
0x218: {  	v47 =	vadd.s32 v19, v37;
	v2 =	vbroadcast v2, $0x0;
	[tilespmem:v63+s19+$0x0] =	vst.idx.msk $0xffff, v58;
	v63 =	vld [tilespmem:s0+$0x1B0]  }
0x219: {  	v5 =	vshrl.u32 v51, $0x3;
	v34 =	vbroadcast v52, $0x0;
	v51 =	vld [tilespmem:s0+$0xFFFFFE30];
	v52 =	vadd.s32 v31, v33;
	s8 =	sadd.s32 $0x400, s0;
	[tilespmem:v44+s19+$0x0] =	vst.idx.msk $0xffff, v62  }
0x21a: {  	v37 =	vshll.u32 v53, v1;
	v44 =	vld [tilespmem:s8+$0x1C0];
	v53 =	vadd.s32 v18, v2;
	[tilespmem:v4+s19+$0x0] =	vst.idx.msk $0xffff, v3  }
0x21b: {  	v3 =	vld [tilespmem:s8+$0xFFFFFE00];
	v4 =	vadd.s32 v28, v34;
	[tilespmem:v7+s19+$0x0] =	vst.idx.msk $0xffff, v6  }
0x21c: {  	[tilespmem:v61+s19+$0x0] =	vst.idx.msk $0xffff, v9  }
0x21d: {  	v58 =	vld [tilespmem:$0x1FEA0];
	[tilespmem:v47+s19+$0x0] =	vst.idx.msk $0xffff, v63  }
0x21e: {  	v36 =	vshll.u32 v54, v1;
	v60 =	vld [tilespmem:$0x1FEC0];
	[tilespmem:v52+s19+$0x0] =	vst.idx.msk $0xffff, v51  }
0x21f: {  	v59 =	vshll.u32 v42, v1;
	v33 =	vbroadcast v36, $0x0;
	[tilespmem:v53+s19+$0x0] =	vst.idx.msk $0xffff, v44  }
0x220: {  	v55 =	vshll.u32 v38, v1;
	v38 =	vbroadcast v59, $0x0;
	v6 =	vld [tilespmem:s8+$0xFFFFFE40];
	[tilespmem:v4+s19+$0x0] =	vst.idx.msk $0xffff, v3  }
0x221: {  	v35 =	vbroadcast v37, $0x0;
	v37 =	vbroadcast v55, $0x0;
	v7 =	vadd.s32 v32, v33;
	v57 =	vld [tilespmem:$0x1FF50]  }
0x222: {  	v54 =	vshll.u32 v43, v1;
	v62 =	vadd.s32 v25, v38;
	v61 =	vld [tilespmem:s8+$0xFFFFFF40]  }
0x223: {  	v36 =	vbroadcast v54, $0x0;
	v51 =	vld [tilespmem:s8+$0xFFFFFF00];
	v52 =	vadd.s32 v17, v37  }
0x224: {  	v9 =	vld [tilespmem:s8+$0xFFFFFE80];
	v43 =	vadd.s32 v58, v35  }
0x225: {  	v8 =	vshrl.u32 v45, $0x3;
	v45 =	vshrl.u32 v50, $0x3;
	v47 =	vld [tilespmem:s8+$0xFFFFFEC0];
	v50 =	vadd.s32 v60, v36  }
0x226: {  	v0 =	vshrl.u32 v46, $0x3;
	v39 =	vshll.u32 v39, v1;
	v3 =	vld [tilespmem:s8+$0x1D0];
	[tilespmem:v7+s19+$0x0] =	vst.idx.msk $0xffff, v6;
	v4 =	vadd.s32 v57, v2  }
0x227: {  	v46 =	vshrl.u32 v40, $0x3;
	v39 =	vbroadcast v39, $0x0;
	v0 =	vshll.u32 v0, v1;
	[tilespmem:v62+s19+$0x0] =	vst.idx.msk $0xffff, v61  }
0x228: {  	v56 =	vshll.u32 v46, v1;
	v40 =	vbroadcast v0, $0x0;
	v0 =	vshll.u32 v5, v1;
	[tilespmem:v52+s19+$0x0] =	vst.idx.msk $0xffff, v51  }
0x229: {  	v54 =	vshrl.u32 v41, $0x3;
	v41 =	vbroadcast v0, $0x0;
	v63 =	vld [tilespmem:s8+$0xFFFFFF80];
	[tilespmem:v43+s19+$0x0] =	vst.idx.msk $0xffff, v9;
	v9 =	vadd.s32 v13, v39  }
0x22a: {  	v0 =	vshll.u32 v8, v1;
	v8 =	vld [tilespmem:s8+$0xFFFFFFC0];
	[tilespmem:v50+s19+$0x0] =	vst.idx.msk $0xffff, v47;
	v47 =	vadd.s32 v18, v40  }
0x22b: {  	v42 =	vbroadcast v0, $0x0;
	v0 =	vshrl.u32 v48, $0x3;
	v48 =	vld [tilespmem:s8+$0x0];
	v50 =	vadd.s32 v28, v41;
	[tilespmem:v4+s19+$0x0] =	vst.idx.msk $0xffff, v3  }
0x22c: {  	v59 =	vshll.u32 v45, v1;
	v43 =	vbroadcast v56, $0x0;
	v56 =	vld [tilespmem:$0x1FF60]  }
0x22d: {  	v44 =	vbroadcast v59, $0x0;
	v51 =	vld [tilespmem:s8+$0x40];
	v52 =	vadd.s32 v32, v42;
	v3 =	vshll.u32 v54, v1  }
0x22e: {  	v62 =	vld [tilespmem:s8+$0x80];
	v45 =	vbroadcast v3, $0x0;
	[tilespmem:v9+s19+$0x0] =	vst.idx.msk $0xffff, v63;
	v63 =	vadd.s32 v58, v43  }
0x22f: {  	v3 =	vld [tilespmem:s8+$0xC0];
	[tilespmem:v47+s19+$0x0] =	vst.idx.msk $0xffff, v8;
	v8 =	vadd.s32 v60, v44  }
0x230: {  	v9 =	vld [tilespmem:s8+$0x100];
	[tilespmem:v50+s19+$0x0] =	vst.idx.msk $0xffff, v48;
	v48 =	vadd.s32 v17, v45  }
0x231: {  	v4 =	vld [tilespmem:s8+$0x1E0];
	v61 =	vadd.s32 v56, v2  }
0x232: {  	[tilespmem:v52+s19+$0x0] =	vst.idx.msk $0xffff, v51  }
0x233: {  	v49 =	vshrl.u32 v49, $0x3;
	v0 =	vshll.u32 v0, v1;
	[tilespmem:v63+s19+$0x0] =	vst.idx.msk $0xffff, v62  }
0x234: {  	v46 =	vbroadcast v0, $0x0;
	v0 =	vshll.u32 v49, v1;
	[tilespmem:v8+s19+$0x0] =	vst.idx.msk $0xffff, v3  }
0x235: {  	v47 =	vbroadcast v0, $0x0;
	v0 =	vld [tilespmem:s8+$0x140];
	[tilespmem:v48+s19+$0x0] =	vst.idx.msk $0xffff, v9  }
0x236: {  	v49 =	vadd.s32 v25, v46;
	v50 =	vld [tilespmem:s8+$0x180];
	[tilespmem:v61+s19+$0x0] =	vst.idx.msk $0xffff, v4  }
0x237: {  	v59 =	vadd.s32 v13, v47;
	v52 =	vld [tilespmem:$0x1FFB0]  }
0x238: {  	v63 =	vadd.s32 v14, v35;
	v3 =	vld [tilespmem:s8+$0xFFFFFE90]  }
0x239: {  	v62 =	vadd.s32 v10, v33;
	v61 =	vld [tilespmem:s8+$0xFFFFFE50]  }
0x23a: {  	v2 =	vadd.s32 v27, v2;
	v4 =	vld [tilespmem:s8+$0x1F0]  }
0x23b: {  	v48 =	vadd.s32 v22, v37;
	[tilespmem:v49+s19+$0x0] =	vst.idx.msk $0xffff, v0;
	v0 =	vld [tilespmem:s8+$0xFFFFFF10]  }
0x23c: {  	v8 =	vld [tilespmem:s8+$0xFFFFFED0];
	[tilespmem:v59+s19+$0x0] =	vst.idx.msk $0xffff, v50;
	v9 =	vadd.s32 v52, v36  }
0x23d: {  	v55 =	vadd.s32 v26, v38;
	v54 =	vld [tilespmem:s8+$0xFFFFFF50];
	[tilespmem:v63+s19+$0x0] =	vst.idx.msk $0xffff, v3  }
0x23e: {  	v3 =	vld [tilespmem:s8+$0xFFFFFFD0];
	[tilespmem:v62+s19+$0x0] =	vst.idx.msk $0xffff, v61;
	v61 =	vadd.s32 v57, v40  }
0x23f: {  	v59 =	vadd.s32 v15, v39;
	[tilespmem:v2+s19+$0x0] =	vst.idx.msk $0xffff, v4;
	v2 =	vld [tilespmem:s8+$0xFFFFFF90]  }
0x240: {  	v63 =	vadd.s32 v29, v41;
	v62 =	vld [tilespmem:s8+$0x10];
	[tilespmem:v48+s19+$0x0] =	vst.idx.msk $0xffff, v0  }
0x241: {  	v0 =	vld [tilespmem:s8+$0x50];
	[tilespmem:v9+s19+$0x0] =	vst.idx.msk $0xffff, v8;
	v8 =	vadd.s32 v10, v42  }
0x242: {  	[tilespmem:v55+s19+$0x0] =	vst.idx.msk $0xffff, v54;
	v54 =	vadd.s32 v14, v43;
	v9 =	vld [tilespmem:s8+$0x90]  }
0x243: {  	[tilespmem:v61+s19+$0x0] =	vst.idx.msk $0xffff, v3  }
0x244: {  	v55 =	vadd.s32 v52, v44;
	[tilespmem:v59+s19+$0x0] =	vst.idx.msk $0xffff, v2;
	v2 =	vld [tilespmem:s8+$0xD0]  }
0x245: {  	[tilespmem:v63+s19+$0x0] =	vst.idx.msk $0xffff, v62  }
0x246: {  	v49 =	vld [tilespmem:s8+$0xFFFFFE10];
	[tilespmem:v8+s19+$0x0] =	vst.idx.msk $0xffff, v0  }
0x247: {  	v5 =	vadd.s32 v22, v45;
	v3 =	vld [tilespmem:s8+$0x110];
	[tilespmem:v54+s19+$0x0] =	vst.idx.msk $0xffff, v9  }
0x248: {  	v51 =	vld [tilespmem:$0x1FE90]  }
0x249: {  	v6 =	vld [tilespmem:s8+$0x150];
	[tilespmem:v55+s19+$0x0] =	vst.idx.msk $0xffff, v2  }
0x24a: {  	v59 =	vadd.s32 v26, v46;
	v61 =	vld [tilespmem:$0x1FEB0]  }
0x24b: {  	v50 =	vadd.s32 v29, v34;
	v0 =	vld [tilespmem:s8+$0x190]  }
0x24c: {  	v8 =	vadd.s32 v15, v47;
	v9 =	vld [tilespmem:s8+$0xFFFFFE60];
	[tilespmem:v5+s19+$0x0] =	vst.idx.msk $0xffff, v3  }
0x24d: {  	v62 =	vld [tilespmem:$0x1FED0];
	v54 =	vadd.s32 v51, v33;
	_ =	sdelay $0x1  }
0x24e: {  	v2 =	vld [tilespmem:s8+$0xFFFFFEA0];
	[tilespmem:v59+s19+$0x0] =	vst.idx.msk $0xffff, v6;
	v55 =	vadd.s32 v61, v35  }
0x24f: {  	v3 =	vld [tilespmem:s8+$0xFFFFFEE0];
	[tilespmem:v50+s19+$0x0] =	vst.idx.msk $0xffff, v49  }
0x250: {  	[tilespmem:v8+s19+$0x0] =	vst.idx.msk $0xffff, v0;
	v0 =	vld [tilespmem:s8+$0xFFFFFF60];
	v8 =	vadd.s32 v21, v38  }
0x251: {  	v59 =	vld [tilespmem:s8+$0xFFFFFF20];
	v5 =	vadd.s32 v62, v36;
	[tilespmem:v54+s19+$0x0] =	vst.idx.msk $0xffff, v9  }
0x252: {  	v53 =	vmov v25;
	v63 =	vadd.s32 v23, v37;
	v25 =	vld [tilespmem:$0x1FF30]  }
0x253: {  	[tilespmem:v55+s19+$0x0] =	vst.idx.msk $0xffff, v2;
	v2 =	vld [tilespmem:s8+$0xFFFFFFE0];
	v55 =	vadd.s32 v56, v40  }
0x254: {  	v6 =	vld [tilespmem:s8+$0x60];
	v7 =	vadd.s32 v51, v42  }
0x255: {  	[tilespmem:v8+s19+$0x0] =	vst.idx.msk $0xffff, v0;
	v0 =	vld [tilespmem:s8+$0xA0];
	v8 =	vadd.s32 v61, v43  }
0x256: {  	[tilespmem:v5+s19+$0x0] =	vst.idx.msk $0xffff, v3;
	v3 =	vld [tilespmem:s8+$0x20];
	v5 =	vadd.s32 v30, v41  }
0x257: {  	v9 =	vld [tilespmem:s8+$0xFFFFFFA0];
	[tilespmem:v63+s19+$0x0] =	vst.idx.msk $0xffff, v59;
	v54 =	vadd.s32 v25, v39  }
0x258: {  	v63 =	vadd.s32 v23, v45;
	[tilespmem:v55+s19+$0x0] =	vst.idx.msk $0xffff, v2;
	v2 =	vld [tilespmem:s8+$0x120]  }
0x259: {  	[tilespmem:v7+s19+$0x0] =	vst.idx.msk $0xffff, v6;
	v6 =	vld [tilespmem:s8+$0x1A0];
	v7 =	vadd.s32 v25, v47  }
0x25a: {  	[tilespmem:v8+s19+$0x0] =	vst.idx.msk $0xffff, v0;
	v0 =	vld [tilespmem:s8+$0xFFFFFE70];
	v8 =	vadd.s32 v12, v33  }
0x25b: {  	[tilespmem:v5+s19+$0x0] =	vst.idx.msk $0xffff, v3;
	v3 =	vld [tilespmem:s8+$0x160];
	v5 =	vadd.s32 v21, v46  }
0x25c: {  	v59 =	vadd.s32 v62, v44;
	[tilespmem:v54+s19+$0x0] =	vst.idx.msk $0xffff, v9;
	v9 =	vld [tilespmem:s8+$0xE0]  }
0x25d: {  	v49 =	vld [tilespmem:s8+$0xFFFFFE20];
	v54 =	vadd.s32 v30, v34;
	[tilespmem:v63+s19+$0x0] =	vst.idx.msk $0xffff, v2  }
0x25e: {  	v2 =	vld [tilespmem:s8+$0xFFFFFEF0];
	v63 =	vadd.s32 v20, v36;
	[tilespmem:v7+s19+$0x0] =	vst.idx.msk $0xffff, v6  }
0x25f: {  	v38 =	vadd.s32 v11, v38;
	v36 =	vadd.s32 v24, v37;
	v37 =	vld [tilespmem:s8+$0xFFFFFF70];
	[tilespmem:v8+s19+$0x0] =	vst.idx.msk $0xffff, v0  }
0x260: {  	[tilespmem:v5+s19+$0x0] =	vst.idx.msk $0xffff, v3;
	v3 =	vld [tilespmem:s8+$0xFFFFFF30]  }
0x261: {  	[tilespmem:v59+s19+$0x0] =	vst.idx.msk $0xffff, v9;
	v9 =	vld [tilespmem:s8+$0xFFFFFEB0];
	v59 =	vadd.s32 v16, v35  }
0x262: {  	v8 =	vadd.s32 v19, v39;
	v0 =	vld [tilespmem:s8+$0xFFFFFFB0];
	[tilespmem:v54+s19+$0x0] =	vst.idx.msk $0xffff, v49  }
0x263: {  	v41 =	vadd.s32 v31, v41;
	[tilespmem:v63+s19+$0x0] =	vst.idx.msk $0xffff, v2;
	v2 =	vld [tilespmem:s8+$0x30]  }
0x264: {  	v48 =	vld [tilespmem:s8+$0xB0];
	[tilespmem:v38+s19+$0x0] =	vst.idx.msk $0xffff, v37;
	v49 =	vadd.s32 v16, v43  }
0x265: {  	v42 =	vadd.s32 v12, v42;
	[tilespmem:v36+s19+$0x0] =	vst.idx.msk $0xffff, v3;
	v3 =	vld [tilespmem:s8+$0x70]  }
0x266: {  	v40 =	vadd.s32 v27, v40;
	[tilespmem:v59+s19+$0x0] =	vst.idx.msk $0xffff, v9;
	v9 =	vld [tilespmem:s8+$0xFFFFFFF0]  }
0x267: {  	[tilespmem:v8+s19+$0x0] =	vst.idx.msk $0xffff, v0;
	v0 =	vld [tilespmem:s8+$0xF0];
	v8 =	vadd.s32 v20, v44  }
0x268: {  	v34 =	vadd.s32 v31, v34;
	v63 =	vld [tilespmem:s8+$0xFFFFFE30];
	[tilespmem:v41+s19+$0x0] =	vst.idx.msk $0xffff, v2  }
0x269: {  	v54 =	vadd.s32 v11, v46;
	v2 =	vld [tilespmem:s8+$0x170];
	[tilespmem:v49+s19+$0x0] =	vst.idx.msk $0xffff, v48  }
0x26a: {  	v59 =	vadd.s32 v19, v47;
	[tilespmem:v42+s19+$0x0] =	vst.idx.msk $0xffff, v3;
	v3 =	vld [tilespmem:s8+$0x1B0]  }
0x26b: {  	v50 =	vadd.s32 v24, v45;
	[tilespmem:v40+s19+$0x0] =	vst.idx.msk $0xffff, v9;
	v9 =	vld [tilespmem:s8+$0x130]  }
0x26c: {  	[tilespmem:v8+s19+$0x0] =	vst.idx.msk $0xffff, v0  }
0x26d: {  	s9 =	sshll.u32 s11, $0x7;
	[tilespmem:v34+s19+$0x0] =	vst.idx.msk $0xffff, v63  }
0x26e: {  	s13 =	sshll.u32 s11, $0xA;
	s0 =	sand.u32 $0x3E80, s9;
	[tilespmem:v54+s19+$0x0] =	vst.idx.msk $0xffff, v2  }
0x26f: {  	s6 =	sand.u32 $0xFFE0000, s13;
	s0 =	sadd.s32 s2, s0;
	[tilespmem:v59+s19+$0x0] =	vst.idx.msk $0xffff, v3  }
0x270: {  	s11 =	sadd.s32 s6, s0;
	s6 =	simm.s32 $0x10600;
	[tilespmem:v50+s19+$0x0] =	vst.idx.msk $0xffff, v9  }
0x271: {  	[hbm4b:s11+s3] =	stream.linear.scatter [tilespmem:s6], [sflag:$0x6], $0x80, $0x38;
	[tilespmem:$0x16C00] =	vst v63  }
0x272: {  	s8 =	simm.s32 $0x10688;
	s6 =	sadd.s32 $0x10, s11  }
0x273: {  	[hbm4b:s6+s3] =	stream.linear.scatter [tilespmem:s8], [sflag:$0x6], $0x80, $0x38;
	[tilespmem:$0x16C00] =	vst v63  }
0x274: {  	s9 =	simm.s32 $0x10710;
	s13 =	sadd.s32 $0x20, s11  }
0x275: {  	[hbm4b:s13+s3] =	stream.linear.scatter [tilespmem:s9], [sflag:$0x6], $0x80, $0x38;
	[tilespmem:$0x16C00] =	vst v63  }
0x276: {  	s6 =	simm.s32 $0x10798;
	s8 =	sadd.s32 $0x30, s11  }
0x277: {  	[hbm4b:s8+s3] =	stream.linear.scatter [tilespmem:s6], [sflag:$0x6], $0x80, $0x38;
	[tilespmem:$0x16C00] =	vst v63  }
0x278: {  	s9 =	simm.s32 $0x10820;
	s13 =	sadd.s32 $0x40, s11  }
0x279: {  	[hbm4b:s13+s3] =	stream.linear.scatter [tilespmem:s9], [sflag:$0x6], $0x80, $0x38;
	[tilespmem:$0x16C00] =	vst v63  }
0x27a: {  	s0 =	simm.s32 $0x440;
	s6 =	simm.s32 $0x108A8;
	s8 =	sadd.s32 $0x50, s11  }
0x27b: {  	[hbm4b:s8+s3] =	stream.linear.scatter [tilespmem:s6], [sflag:$0x6], $0x80, $0x38;
	[tilespmem:$0x16C00] =	vst v63  }
0x27c: {  	v55 =	vmov v23;
	v23 =	vmov v21;
	v21 =	vmov v18;
	s9 =	simm.s32 $0x10930;
	s13 =	sadd.s32 $0x60, s11;
	s6 =	simm.s32 $0x109B8  }
0x27d: {  	v18 =	vmovc v52;
	v24 =	vmovc v15;
	v39 =	vmov v25;
	v15 =	vmov v32;
	v25 =	vmov v51;
	[hbm4b:s13+s3] =	stream.linear.scatter [tilespmem:s9], [sflag:$0x6], $0x80, $0x38;
	[tilespmem:$0x16C00] =	vst v63  }
0x27e: {  	v11 =	vmovc v29;
	v20 =	vmovc v56;
	v19 =	vmov v58;
	v63 =	vmov v17;
	v54 =	vmov v57;
	s8 =	sadd.s32 $0x70, s11;
	s11 =	sadd.s32 $0x4000, s11;
	s13 =	simm.s32 $0x2200  }
.LBB2_9:
0x27f: {  	[hbm4b:s8+s3] =	stream.linear.scatter [tilespmem:s6], [sflag:$0x6], $0x80, $0x38;
	[tilespmem:$0x16C00] =	vst v63  }
0x280: {  	s6 =	smov.u32 s0;
	s0 =	smov.u32 s13  }
0x281: {  	s9 =	sadd.s32 $0x1100, s13;
	s0 =	sshra.s32 s0, $0x2;
	s8 =	sadd.s32 $0x10600, s6  }
0x282: {  	[hbm4b:s11+s3] =	stream.linear.scatter [tilespmem:s8], [sflag:$0x6], $0x80, $0x38;
	[tilespmem:$0x16C00] =	vst v63  }
0x283: {  	p1 =	sne.s32 s13, $0x7700;
	s13 =	sadd.s32 $0x10, s11;
	s8 =	sadd.s32 $0x10688, s6  }
0x284: {  	[hbm4b:s13+s3] =	stream.linear.scatter [tilespmem:s8], [sflag:$0x6], $0x80, $0x38;
	[tilespmem:$0x16C00] =	vst v63  }
0x285: {  	s8 =	sadd.s32 $0x10710, s6;
	s13 =	sadd.s32 $0x20, s11  }
0x286: {  	[hbm4b:s13+s3] =	stream.linear.scatter [tilespmem:s8], [sflag:$0x6], $0x80, $0x38;
	[tilespmem:$0x16C00] =	vst v63  }
0x287: {  	s8 =	sadd.s32 $0x10798, s6;
	s13 =	sadd.s32 $0x30, s11  }
0x288: {  	[hbm4b:s13+s3] =	stream.linear.scatter [tilespmem:s8], [sflag:$0x6], $0x80, $0x38;
	[tilespmem:$0x16C00] =	vst v63  }
0x289: {  	s8 =	sadd.s32 $0x10820, s6;
	s13 =	sadd.s32 $0x40, s11  }
0x28a: {  	[hbm4b:s13+s3] =	stream.linear.scatter [tilespmem:s8], [sflag:$0x6], $0x80, $0x38;
	[tilespmem:$0x16C00] =	vst v63  }
.Ltmp5:
0x28b: {  	s8 =	sadd.s32 $0x108A8, s6;
	s13 =	sadd.s32 $0x50, s11;
	(pc) =	sbr.rel @p1 .LBB2_9-.Ltmp5, $4  }
0x28c: {  	[hbm4b:s13+s3] =	stream.linear.scatter [tilespmem:s8], [sflag:$0x6], $0x80, $0x38;
	[tilespmem:$0x16C00] =	vst v63  }
0x28d: {  	s8 =	sadd.s32 $0x10930, s6;
	s13 =	sadd.s32 $0x60, s11;
	s6 =	sadd.s32 $0x109B8, s6  }
0x28e: {  	[hbm4b:s13+s3] =	stream.linear.scatter [tilespmem:s8], [sflag:$0x6], $0x80, $0x38;
	[tilespmem:$0x16C00] =	vst v63  }
0x28f: {  	s8 =	sadd.s32 $0x70, s11;
	s11 =	sadd.s32 $0x4000, s11;
	s13 =	smov.u32 s9  }
0x290: {  	[hbm4b:s8+s3] =	stream.linear.scatter [tilespmem:s6], [sflag:$0x6], $0x80, $0x38;
	[tilespmem:$0x16C00] =	vst v63  }
0x291: {  	s8 =	sadd.s32 $0x10600, s0  }
0x292: {  	[hbm4b:s11+s3] =	stream.linear.scatter [tilespmem:s8], [sflag:$0x6], $0x80, $0x38;
	[tilespmem:$0x16C00] =	vst v63  }
0x293: {  	s9 =	sadd.s32 $0x10688, s0;
	s13 =	sadd.s32 $0x10, s11  }
0x294: {  	[hbm4b:s13+s3] =	stream.linear.scatter [tilespmem:s9], [sflag:$0x6], $0x80, $0x38;
	[tilespmem:$0x16C00] =	vst v63  }
0x295: {  	s9 =	sadd.s32 $0x10710, s0;
	s13 =	sadd.s32 $0x20, s11  }
0x296: {  	[hbm4b:s13+s3] =	stream.linear.scatter [tilespmem:s9], [sflag:$0x6], $0x80, $0x38;
	[tilespmem:$0x16C00] =	vst v63  }
0x297: {  	s9 =	sadd.s32 $0x10798, s0;
	s13 =	sadd.s32 $0x30, s11  }
0x298: {  	[hbm4b:s13+s3] =	stream.linear.scatter [tilespmem:s9], [sflag:$0x6], $0x80, $0x38;
	[tilespmem:$0x16C00] =	vst v63  }
0x299: {  	p1 =	seq.s32 s30, $0x31;
	s9 =	sadd.s32 $0x10820, s0;
	s13 =	sadd.s32 $0x40, s11  }
0x29a: {  	[hbm4b:s13+s3] =	stream.linear.scatter [tilespmem:s9], [sflag:$0x6], $0x80, $0x38;
	[tilespmem:$0x16C00] =	vst v63  }
0x29b: {  	p2 =	seq.s32 @!p1 s30, $0x0;
	s9 =	sadd.s32 $0x108A8, s0;
	s13 =	sadd.s32 $0x50, s11  }
0x29c: {  	[hbm4b:s13+s3] =	stream.linear.scatter [tilespmem:s9], [sflag:$0x6], $0x80, $0x38;
	[tilespmem:$0x16C00] =	vst v63  }
0x29d: {  	p2 =	por p1, !p2;
	s9 =	sadd.s32 $0x10930, s0;
	s13 =	sadd.s32 $0x60, s11  }
0x29e: {  	[hbm4b:s13+s3] =	stream.linear.scatter [tilespmem:s9], [sflag:$0x6], $0x80, $0x38;
	[tilespmem:$0x16C00] =	vst v63  }
0x29f: {  	s9 =	sadd.s32 $0x109B8, s0;
	s13 =	sadd.s32 $0x70, s11;
	s0 =	sshll.u32 @!p1 s30, $0x9  }
0x2a0: {  	[hbm4b:s13+s3] =	stream.linear.scatter [tilespmem:s9], [sflag:$0x6], $0x80, $0x38;
	[tilespmem:$0x16C00] =	vst v63  }
.Ltmp6:
0x2a1: {  	s0 =	sand.u32 @!p1 $0x3FFFFE00, s0;
	(pc) =	sbr.rel @!p2 .LBB2_12-.Ltmp6, $4  }
0x2a2: {  	s6 =	simm.s32 @!p1 $0x80;
	s8 =	simm.s32 @!p1 $0x6400;
	s0 =	sadd.s32 @!p1 $0x200, s0  }
0x2a3: {  	[tilespmem:s8], [sflag:$0x1] =	stream.indirect.gather @!p1 [hbm4b:s5+s6], $0x40, s0, s6, $0xb8;
	[tilespmem:$0x16C00] =	vst v63  }
0x2a4: {  	s0 =	sadd.s32 @!p1 s1, s4  }
0x2a5: {  	s1 =	sadd.s32 @!p1 $0x2, s0  }
0x2a6: {  	_ =	swait.ge [sflag:s28], $0x2000  }
0x2a7: {  	[sflag:s28] =	ssyncset.done $0x0  }
0x2a8: {  	s1 =	smov.u32 @p1 s7;
	[sflag:s28] =	ssyncadd.s32 $0xFFFFE000  }
.LBB2_12:
0x2a9: {  	s0 =	simm.s32 $0x0  }
0x2aa: {  	s11 =	simm.s32 $0x1;
	s13 =	simm.s32 $0x2;
	s6 =	simm.s32 $0x3;
	v0 =	vmov s0  }
0x2ab: {  	s8 =	simm.s32 $0x4;
	s9 =	simm.s32 $0x5;
	v2 =	vmov s11;
	v3 =	vmov s13;
	v4 =	vmov s6  }
0x2ac: {  	v5 =	vmov s8;
	s11 =	simm.s32 $0x6;
	s13 =	simm.s32 $0x7;
	v6 =	vmov s9;
	s9 =	simm.s32 $0x8;
	v0 =	vshrl.u32 v0, $0x3  }
0x2ad: {  	s6 =	simm.s32 $0xB;
	v7 =	vmov s11;
	v8 =	vmov s13;
	v9 =	vmov s9  }
0x2ae: {  	v35 =	vmov s6;
	v2 =	vshrl.u32 v2, $0x3;
	v3 =	vshrl.u32 v3, $0x3  }
0x2af: {  	s11 =	simm.s32 $0x9;
	s13 =	simm.s32 $0xA;
	s9 =	simm.s32 $0xC;
	v4 =	vshrl.u32 v4, $0x3;
	v5 =	vshrl.u32 v5, $0x3;
	v6 =	vshrl.u32 v6, $0x3  }
0x2b0: {  	s6 =	simm.s32 $0xF;
	v33 =	vmov s11;
	v34 =	vmov s13;
	v36 =	vmov s9  }
0x2b1: {  	v0 =	vshll.u32 v0, v1;
	v38 =	vmov s6;
	v7 =	vshrl.u32 v7, $0x3  }
0x2b2: {  	s11 =	simm.s32 $0xD;
	v8 =	vshrl.u32 v8, $0x3;
	v9 =	vshrl.u32 v9, $0x3;
	v6 =	vshll.u32 v6, v1  }
0x2b3: {  	_ =	swait.ge [sflag:s20], $0x2000;
	v37 =	vmov s11;
	v38 =	vshrl.u32 v38, $0x3;
	v43 =	vshrl.u32 v33, $0x3  }
0x2b4: {  	[sflag:s20] =	ssyncset.done $0x0;
	v33 =	vbroadcast v0, $0x0;
	v0 =	vshll.u32 v2, v1;
	v38 =	vshll.u32 v38, v1  }
0x2b5: {  	s0 =	simm.s32 $0xA600;
	[sflag:s20] =	ssyncadd.s32 $0xFFFFE000;
	v47 =	vbroadcast v0, $0x0;
	v0 =	vshll.u32 v3, v1;
	v48 =	vbroadcast v38, $0x0  }
0x2b6: {  	v38 =	vld [tilespmem:s0+$0xFFFFFE00];
	v41 =	vadd.s32 v28, v33;
	v46 =	vbroadcast v0, $0x0;
	v0 =	vshll.u32 v4, v1  }
0x2b7: {  	s13 =	simm.s32 $0xE;
	v2 =	vld [tilespmem:s0+$0x1C0];
	v45 =	vbroadcast v0, $0x0;
	v0 =	vshll.u32 v5, v1;
	v3 =	vadd.s32 v21, v48  }
0x2b8: {  	v44 =	vmov s13;
	v4 =	vld [tilespmem:s0+$0xFFFFFE40];
	v42 =	vadd.s32 v15, v47;
	v57 =	vbroadcast v0, $0x0  }
0x2b9: {  	v34 =	vshrl.u32 v34, $0x3;
	v36 =	vshrl.u32 v36, $0x3;
	v40 =	vbroadcast v6, $0x0  }
0x2ba: {  	v51 =	vld [tilespmem:s0+$0xFFFFFF00];
	v56 =	vshll.u32 v7, v1;
	v34 =	vshll.u32 v34, v1;
	v52 =	vadd.s32 v63, v57  }
0x2bb: {  	v58 =	vadd.s32 v53, v40;
	v5 =	vld [tilespmem:s0+$0xFFFFFE80];
	v49 =	vadd.s32 v19, v46;
	v0 =	vshrl.u32 v35, $0x3;
	[tilespmem:v41+s21+$0x0] =	vst.idx.msk $0xffff, v38  }
0x2bc: {  	v35 =	vld [tilespmem:s0+$0xFFFFFEC0];
	v50 =	vadd.s32 v60, v45;
	v38 =	vbroadcast v56, $0x0;
	[tilespmem:v3+s21+$0x0] =	vst.idx.msk $0xffff, v2;
	v2 =	vshll.u32 v8, v1  }
0x2bd: {  	v6 =	vadd.s32 v54, v48;
	[tilespmem:v42+s21+$0x0] =	vst.idx.msk $0xffff, v4;
	v4 =	vld [tilespmem:s0+$0xFFFFFF40];
	v41 =	vbroadcast v2, $0x0;
	v2 =	vshll.u32 v9, v1  }
0x2be: {  	v59 =	vld [tilespmem:s0+$0xFFFFFF80];
	v0 =	vshll.u32 v0, v1;
	v8 =	vadd.s32 v13, v38;
	v42 =	vbroadcast v2, $0x0  }
0x2bf: {  	v3 =	vld [tilespmem:s0+$0x1D0];
	v2 =	vshll.u32 v43, v1;
	[tilespmem:v52+s21+$0x0] =	vst.idx.msk $0xffff, v51;
	v51 =	vshrl.u32 v44, $0x3;
	v44 =	vbroadcast v34, $0x0  }
0x2c0: {  	[tilespmem:v49+s21+$0x0] =	vst.idx.msk $0xffff, v5;
	v9 =	vld [tilespmem:s0+$0xFFFFFFC0];
	v34 =	vbroadcast v0, $0x0;
	v0 =	vshll.u32 v36, v1;
	v49 =	vadd.s32 v21, v41  }
0x2c1: {  	[tilespmem:v50+s21+$0x0] =	vst.idx.msk $0xffff, v35;
	v43 =	vbroadcast v2, $0x0;
	v2 =	vshrl.u32 v37, $0x3;
	v37 =	vld [tilespmem:s0+$0x0];
	v50 =	vadd.s32 v28, v42  }
0x2c2: {  	v35 =	vbroadcast v0, $0x0;
	[tilespmem:v58+s21+$0x0] =	vst.idx.msk $0xffff, v4;
	v0 =	vshll.u32 v2, v1;
	v2 =	vld [tilespmem:s0+$0xC0];
	v7 =	vadd.s32 v60, v34  }
0x2c3: {  	v58 =	vld [tilespmem:s0+$0x80];
	[tilespmem:v8+s21+$0x0] =	vst.idx.msk $0xffff, v59;
	v59 =	vadd.s32 v19, v44  }
0x2c4: {  	v52 =	vld [tilespmem:s0+$0x40];
	v56 =	vadd.s32 v15, v43;
	[tilespmem:v6+s21+$0x0] =	vst.idx.msk $0xffff, v3  }
0x2c5: {  	v4 =	vadd.s32 v20, v48;
	v36 =	vbroadcast v0, $0x0;
	v3 =	vld [tilespmem:s0+$0x1E0];
	[tilespmem:v49+s21+$0x0] =	vst.idx.msk $0xffff, v9  }
0x2c6: {  	v31 =	vmov v53;
	v0 =	vshll.u32 v51, v1;
	v8 =	vld [tilespmem:s0+$0x100];
	v9 =	vadd.s32 v63, v35;
	[tilespmem:v50+s21+$0x0] =	vst.idx.msk $0xffff, v37  }
0x2c7: {  	v49 =	vadd.s32 v31, v36;
	v37 =	vbroadcast v0, $0x0;
	v0 =	vld [tilespmem:s0+$0x140];
	[tilespmem:v7+s21+$0x0] =	vst.idx.msk $0xffff, v2  }
0x2c8: {  	v32 =	vadd.s32 v10, v47;
	[tilespmem:v59+s21+$0x0] =	vst.idx.msk $0xffff, v58;
	v59 =	vld [tilespmem:s0+$0xFFFFFE50]  }
0x2c9: {  	v2 =	vld [tilespmem:s0+$0xFFFFFE90];
	[tilespmem:v56+s21+$0x0] =	vst.idx.msk $0xffff, v52;
	v52 =	vadd.s32 v14, v46  }
0x2ca: {  	v50 =	vld [tilespmem:s0+$0x180];
	v56 =	vadd.s32 v13, v37;
	[tilespmem:v4+s21+$0x0] =	vst.idx.msk $0xffff, v3  }
0x2cb: {  	v58 =	vadd.s32 v27, v48;
	v3 =	vld [tilespmem:s0+$0x1F0];
	[tilespmem:v9+s21+$0x0] =	vst.idx.msk $0xffff, v8  }
0x2cc: {  	v8 =	vld [tilespmem:s0+$0xFFFFFED0];
	v9 =	vadd.s32 v18, v45;
	[tilespmem:v49+s21+$0x0] =	vst.idx.msk $0xffff, v0  }
0x2cd: {  	v48 =	vadd.s32 v22, v57;
	v0 =	vld [tilespmem:s0+$0xFFFFFF10];
	[tilespmem:v32+s21+$0x0] =	vst.idx.msk $0xffff, v59  }
0x2ce: {  	[tilespmem:v52+s21+$0x0] =	vst.idx.msk $0xffff, v2;
	v32 =	vld [tilespmem:s0+$0x10];
	v52 =	vadd.s32 v11, v42  }
0x2cf: {  	v53 =	vld [tilespmem:s0+$0xFFFFFF50];
	[tilespmem:v56+s21+$0x0] =	vst.idx.msk $0xffff, v50;
	v56 =	vadd.s32 v26, v40  }
0x2d0: {  	[tilespmem:v58+s21+$0x0] =	vst.idx.msk $0xffff, v3;
	v3 =	vld [tilespmem:s0+$0xFFFFFF90];
	v58 =	vadd.s32 v24, v38  }
0x2d1: {  	v2 =	vld [tilespmem:s0+$0xFFFFFFD0];
	v59 =	vadd.s32 v54, v41;
	[tilespmem:v9+s21+$0x0] =	vst.idx.msk $0xffff, v8  }
0x2d2: {  	v8 =	vadd.s32 v10, v43;
	[tilespmem:v48+s21+$0x0] =	vst.idx.msk $0xffff, v0;
	v0 =	vld [tilespmem:s0+$0x50]  }
0x2d3: {  	[tilespmem:v52+s21+$0x0] =	vst.idx.msk $0xffff, v32;
	v32 =	vld [tilespmem:s0+$0xFFFFFE10];
	v52 =	vadd.s32 v11, v33  }
0x2d4: {  	v9 =	vld [tilespmem:s0+$0x90];
	[tilespmem:v56+s21+$0x0] =	vst.idx.msk $0xffff, v53;
	v53 =	vadd.s32 v14, v44  }
0x2d5: {  	v54 =	vadd.s32 v18, v34;
	[tilespmem:v58+s21+$0x0] =	vst.idx.msk $0xffff, v3;
	v3 =	vld [tilespmem:s0+$0xD0]  }
0x2d6: {  	[tilespmem:v59+s21+$0x0] =	vst.idx.msk $0xffff, v2;
	v2 =	vld [tilespmem:s0+$0x110];
	v56 =	vadd.s32 v22, v35  }
0x2d7: {  	v59 =	vadd.s32 v26, v36;
	v58 =	vld [tilespmem:s0+$0x150];
	[tilespmem:v8+s21+$0x0] =	vst.idx.msk $0xffff, v0  }
0x2d8: {  	v0 =	vld [tilespmem:s0+$0x190];
	v8 =	vadd.s32 v24, v37;
	[tilespmem:v52+s21+$0x0] =	vst.idx.msk $0xffff, v32  }
0x2d9: {  	[tilespmem:v53+s21+$0x0] =	vst.idx.msk $0xffff, v9;
	v9 =	vld [tilespmem:s0+$0xFFFFFE60];
	v53 =	vadd.s32 v25, v47  }
0x2da: {  	[tilespmem:v54+s21+$0x0] =	vst.idx.msk $0xffff, v3;
	v3 =	vld [tilespmem:s0+$0xFFFFFEA0];
	v54 =	vadd.s32 v61, v46  }
0x2db: {  	[tilespmem:v56+s21+$0x0] =	vst.idx.msk $0xffff, v2;
	v2 =	vld [tilespmem:s0+$0xFFFFFEE0];
	v56 =	vadd.s32 v62, v45  }
0x2dc: {  	[tilespmem:v59+s21+$0x0] =	vst.idx.msk $0xffff, v58;
	v58 =	vld [tilespmem:s0+$0xFFFFFF20];
	v59 =	vadd.s32 v55, v57  }
0x2dd: {  	[tilespmem:v8+s21+$0x0] =	vst.idx.msk $0xffff, v0;
	v0 =	vld [tilespmem:s0+$0xFFFFFF60];
	v8 =	vadd.s32 v23, v40  }
0x2de: {  	v52 =	vadd.s32 v39, v38;
	[tilespmem:v53+s21+$0x0] =	vst.idx.msk $0xffff, v9;
	v9 =	vld [tilespmem:s0+$0xFFFFFFA0]  }
0x2df: {  	v53 =	vadd.s32 v20, v41;
	[tilespmem:v54+s21+$0x0] =	vst.idx.msk $0xffff, v3;
	v3 =	vld [tilespmem:s0+$0xFFFFFFE0]  }
0x2e0: {  	[tilespmem:v56+s21+$0x0] =	vst.idx.msk $0xffff, v2;
	v2 =	vld [tilespmem:s0+$0x20];
	v54 =	vadd.s32 v30, v42  }
0x2e1: {  	v56 =	vld [tilespmem:s0+$0x60];
	[tilespmem:v59+s21+$0x0] =	vst.idx.msk $0xffff, v58;
	v58 =	vadd.s32 v25, v43  }
0x2e2: {  	[tilespmem:v8+s21+$0x0] =	vst.idx.msk $0xffff, v0;
	v0 =	vld [tilespmem:s0+$0xA0];
	v8 =	vadd.s32 v61, v44  }
0x2e3: {  	v48 =	vadd.s32 v62, v34;
	[tilespmem:v52+s21+$0x0] =	vst.idx.msk $0xffff, v9;
	v9 =	vld [tilespmem:s0+$0xE0]  }
0x2e4: {  	v4 =	vadd.s32 v55, v35;
	[tilespmem:v53+s21+$0x0] =	vst.idx.msk $0xffff, v3;
	v3 =	vld [tilespmem:s0+$0x120]  }
0x2e5: {  	v5 =	vadd.s32 v23, v36;
	[tilespmem:v54+s21+$0x0] =	vst.idx.msk $0xffff, v2;
	v2 =	vld [tilespmem:s0+$0x160]  }
0x2e6: {  	v7 =	vadd.s32 v39, v37;
	v6 =	vld [tilespmem:s0+$0x1A0];
	[tilespmem:v58+s21+$0x0] =	vst.idx.msk $0xffff, v56  }
0x2e7: {  	v51 =	vld [tilespmem:s0+$0xFFFFFE20];
	v54 =	vadd.s32 v30, v33;
	[tilespmem:v8+s21+$0x0] =	vst.idx.msk $0xffff, v0  }
0x2e8: {  	s8 =	simm.s32 $0x10;
	[tilespmem:v48+s21+$0x0] =	vst.idx.msk $0xffff, v9  }
0x2e9: {  	v59 =	vmov s8;
	[tilespmem:v4+s21+$0x0] =	vst.idx.msk $0xffff, v3  }
0x2ea: {  	v17 =	vmov v16;
	v49 =	vshrl.u32 v59, $0x3;
	v59 =	vadd.s32 v16, v46;
	v16 =	vld [tilespmem:$0x1FE50];
	[tilespmem:v5+s21+$0x0] =	vst.idx.msk $0xffff, v2  }
0x2eb: {  	v13 =	vmov v30;
	v30 =	vld [tilespmem:$0x1FE60];
	[tilespmem:v7+s21+$0x0] =	vst.idx.msk $0xffff, v6  }
0x2ec: {  	v56 =	vld [tilespmem:s0+$0xFFFFFE70];
	[tilespmem:v54+s21+$0x0] =	vst.idx.msk $0xffff, v51  }
0x2ed: {  	v47 =	vadd.s32 v12, v47;
	v26 =	vld [tilespmem:$0x1FF20]  }
0x2ee: {  	v58 =	vld [tilespmem:s0+$0xFFFFFEB0]  }
0x2ef: {  	v10 =	vmovc v12;
	v8 =	vmov v25;
	v25 =	vmov v62;
	v4 =	vld [tilespmem:s0+$0xFFFFFEF0];
	v62 =	vadd.s32 v16, v45  }
0x2f0: {  	s13 =	simm.s32 $0x13;
	v21 =	vmovc v61;
	v61 =	vadd.s32 v27, v41;
	v27 =	vmov v63;
	v63 =	vadd.s32 v10, v43;
	v43 =	vld [tilespmem:s0+$0xB0]  }
0x2f1: {  	s9 =	simm.s32 $0x11;
	v32 =	vmov v23;
	v23 =	vmov s13;
	s13 =	simm.s32 $0x17;
	v2 =	vld [tilespmem:s0+$0xFFFFFF30];
	v5 =	vadd.s32 v30, v57  }
0x2f2: {  	v29 =	vmovc v55;
	v55 =	vmov s9;
	s9 =	simm.s32 $0x15;
	v52 =	vmov s13;
	s13 =	simm.s32 $0x1B;
	v6 =	vld [tilespmem:s0+$0xFFFFFF70];
	[tilespmem:v47+s21+$0x0] =	vst.idx.msk $0xffff, v56;
	v7 =	vadd.s32 v26, v40  }
0x2f3: {  	s11 =	simm.s32 $0x12;
	v11 =	vmov v28;
	v39 =	vmov s9;
	s8 =	simm.s32 $0x14;
	v50 =	vmov s13;
	v28 =	vld [tilespmem:$0x1FF40];
	[tilespmem:v59+s21+$0x0] =	vst.idx.msk $0xffff, v58  }
0x2f4: {  	v41 =	vshrl.u32 v39, $0x3;
	v0 =	vmov s11;
	s11 =	simm.s32 $0x16;
	v9 =	vmov s8;
	v58 =	vld [tilespmem:s0+$0xFFFFFFF0];
	[tilespmem:v62+s21+$0x0] =	vst.idx.msk $0xffff, v4  }
0x2f5: {  	v12 =	vmovc v14;
	v14 =	vmovc v18;
	s8 =	simm.s32 $0x18;
	v3 =	vmov s11;
	s11 =	simm.s32 $0x1A;
	v56 =	vshrl.u32 v55, $0x3;
	v55 =	vshrl.u32 v0, $0x3;
	v0 =	vld [tilespmem:$0x1FE20]  }
0x2f6: {  	v18 =	vmovc v22;
	v22 =	vmovc v60;
	s9 =	simm.s32 $0x19;
	v44 =	vadd.s32 v17, v44;
	v53 =	vmov s8;
	v46 =	vmov s11;
	s11 =	simm.s32 $0x1D;
	v59 =	vld [tilespmem:s0+$0x30];
	[tilespmem:v5+s21+$0x0] =	vst.idx.msk $0xffff, v2  }
0x2f7: {  	v24 =	vmovc v14;
	s13 =	simm.s32 $0x1E;
	v39 =	vshrl.u32 v3, $0x3;
	v48 =	vmov s11;
	v45 =	vmov s9;
	s9 =	simm.s32 $0x1C;
	v57 =	vld [tilespmem:s0+$0xFFFFFFB0];
	[tilespmem:v7+s21+$0x0] =	vst.idx.msk $0xffff, v6  }
0x2f8: {  	v20 =	vmovc v12;
	v54 =	vshll.u32 v49, v1;
	v49 =	vmov s13;
	v51 =	vmov s9;
	v26 =	vmovc v16;
	v16 =	vld [tilespmem:$0x1FF90]  }
0x2f9: {  	v40 =	vshrl.u32 v23, $0x3;
	v23 =	vmovc v22;
	v22 =	vmovc v17;
	v17 =	vmov v8;
	v60 =	vadd.s32 v28, v38;
	v12 =	vld [tilespmem:$0x1FE00]  }
0x2fa: {  	s6 =	simm.s32 $0x1F;
	s11 =	simm.s32 $0x20;
	v38 =	vshrl.u32 v9, $0x3;
	v28 =	vmovc v18;
	v18 =	vmovc v10;
	v62 =	vadd.s32 v0, v42;
	v42 =	vld [tilespmem:s0+$0x70];
	v14 =	vmov v0  }
.LBB2_13:
0x2fb: {  	v3 =	vld [tilespmem:s0+$0xF0]  }
0x2fc: {  	v6 =	vld [tilespmem:s0+$0x130]  }
0x2fd: {  	v9 =	vld [tilespmem:s0+$0x170]  }
0x2fe: {  	v47 =	vld [tilespmem:s0+$0xFFFFFE30]  }
0x2ff: {  	v5 =	vshrl.u32 v53, $0x3;
	v53 =	vld [tilespmem:$0x1FF80]  }
0x300: {  	v10 =	vld [tilespmem:$0x1FF50]  }
0x301: {  	[tilespmem:v61+s21+$0x0] =	vst.idx.msk $0xffff, v58;
	v61 =	vld [tilespmem:$0x1FF20]  }
0x302: {  	v0 =	vshrl.u32 v52, $0x3;
	v52 =	vld [tilespmem:$0x1FFD0]  }
0x303: {  	v4 =	vadd.s32 v26, v34;
	[tilespmem:v60+s21+$0x0] =	vst.idx.msk $0xffff, v57;
	v60 =	vld [tilespmem:$0x1FF40]  }
0x304: {  	v2 =	vmov s6;
	[tilespmem:v62+s21+$0x0] =	vst.idx.msk $0xffff, v59;
	v59 =	vshll.u32 v55, v1;
	v55 =	vld [tilespmem:$0x1FFF0]  }
0x305: {  	v2 =	vshrl.u32 v2, $0x3;
	v58 =	vadd.s32 v14, v33;
	v33 =	vbroadcast v54, $0x0;
	v54 =	vld [tilespmem:$0x1FF60]  }
0x306: {  	v7 =	vadd.s32 v30, v35;
	v2 =	vshll.u32 v2, v1;
	v34 =	vadd.s32 v61, v36;
	v36 =	vld [tilespmem:s0+$0x1B0];
	s0 =	sadd.s32 $0x400, s0  }
0x307: {  	v2 =	vbroadcast v2, $0x0;
	[tilespmem:v44+s21+$0x0] =	vst.idx.msk $0xffff, v43;
	v43 =	vld [tilespmem:s0+$0x1C0]  }
0x308: {  	v8 =	vshrl.u32 v45, $0x3;
	v57 =	vshll.u32 v56, v1;
	[tilespmem:v4+s21+$0x0] =	vst.idx.msk $0xffff, v3;
	v37 =	vadd.s32 v60, v37;
	v3 =	vld [tilespmem:s0+$0xFFFFFE00]  }
0x309: {  	v38 =	vshll.u32 v38, v1;
	[tilespmem:v63+s21+$0x0] =	vst.idx.msk $0xffff, v42;
	v45 =	vbroadcast v57, $0x0;
	v44 =	vadd.s32 v53, v2;
	v62 =	vld [tilespmem:s0+$0xFFFFFE40]  }
0x30a: {  	v35 =	vshrl.u32 v46, $0x3;
	v38 =	vbroadcast v38, $0x0;
	v4 =	vadd.s32 v11, v33;
	[tilespmem:v58+s21+$0x0] =	vst.idx.msk $0xffff, v47;
	v58 =	vld [tilespmem:s0+$0xFFFFFF00]  }
0x30b: {  	v40 =	vshll.u32 v40, v1;
	v46 =	vbroadcast v59, $0x0;
	[tilespmem:v7+s21+$0x0] =	vst.idx.msk $0xffff, v6;
	v63 =	vadd.s32 v15, v45;
	v6 =	vld [tilespmem:s0+$0xFFFFFF40]  }
0x30c: {  	v41 =	vshll.u32 v41, v1;
	v40 =	vbroadcast v40, $0x0;
	v59 =	vadd.s32 v27, v38;
	[tilespmem:v34+s21+$0x0] =	vst.idx.msk $0xffff, v9;
	v9 =	vld [tilespmem:s0+$0xFFFFFE80]  }
0x30d: {  	v41 =	vbroadcast v41, $0x0;
	v0 =	vshll.u32 v0, v1;
	v56 =	vadd.s32 v19, v46;
	[tilespmem:v37+s21+$0x0] =	vst.idx.msk $0xffff, v36;
	v36 =	vld [tilespmem:s0+$0xFFFFFEC0]  }
0x30e: {  	v42 =	vbroadcast v0, $0x0;
	v0 =	vshll.u32 v5, v1;
	v57 =	vadd.s32 v23, v40;
	v37 =	vld [tilespmem:s0+$0x0];
	[tilespmem:v44+s21+$0x0] =	vst.idx.msk $0xffff, v43  }
0x30f: {  	v39 =	vshll.u32 v39, v1;
	[tilespmem:v4+s21+$0x0] =	vst.idx.msk $0xffff, v3;
	v4 =	vadd.s32 v10, v2;
	v43 =	vbroadcast v0, $0x0;
	v3 =	vld [tilespmem:s0+$0x1D0]  }
0x310: {  	v39 =	vbroadcast v39, $0x0;
	[tilespmem:v63+s21+$0x0] =	vst.idx.msk $0xffff, v62;
	v62 =	vadd.s32 v31, v41;
	v63 =	vld [tilespmem:s0+$0xFFFFFF80];
	v0 =	vshll.u32 v8, v1  }
0x311: {  	v8 =	vld [tilespmem:s0+$0xFFFFFFC0];
	[tilespmem:v59+s21+$0x0] =	vst.idx.msk $0xffff, v58;
	v44 =	vbroadcast v0, $0x0;
	v0 =	vshrl.u32 v48, $0x3;
	v48 =	vadd.s32 v11, v43  }
0x312: {  	v5 =	vld [tilespmem:s0+$0xFFFFFE50];
	[tilespmem:v56+s21+$0x0] =	vst.idx.msk $0xffff, v9;
	v9 =	vadd.s32 v55, v39  }
0x313: {  	v50 =	vshrl.u32 v50, $0x3;
	v58 =	vadd.s32 v15, v44;
	[tilespmem:v57+s21+$0x0] =	vst.idx.msk $0xffff, v36;
	v36 =	vadd.s32 v53, v42;
	v57 =	vld [tilespmem:s0+$0x40]  }
0x314: {  	v51 =	vshrl.u32 v51, $0x3;
	v56 =	vshll.u32 v35, v1;
	v53 =	vadd.s32 v10, v42;
	v10 =	vld [tilespmem:$0x1FF30];
	[tilespmem:v4+s21+$0x0] =	vst.idx.msk $0xffff, v3  }
0x315: {  	v59 =	vshll.u32 v50, v1;
	v47 =	vbroadcast v56, $0x0;
	[tilespmem:v62+s21+$0x0] =	vst.idx.msk $0xffff, v6;
	v3 =	vshll.u32 v51, v1;
	v4 =	vld [tilespmem:s0+$0x1E0]  }
0x316: {  	v34 =	vbroadcast v59, $0x0;
	v62 =	vadd.s32 v54, v2;
	v35 =	vbroadcast v3, $0x0;
	v3 =	vld [tilespmem:s0+$0xC0];
	[tilespmem:v48+s21+$0x0] =	vst.idx.msk $0xffff, v37  }
0x317: {  	v49 =	vshrl.u32 v49, $0x3;
	v0 =	vshll.u32 v0, v1;
	v56 =	vadd.s32 v19, v47;
	[tilespmem:v9+s21+$0x0] =	vst.idx.msk $0xffff, v63;
	v63 =	vld [tilespmem:s0+$0x80]  }
0x318: {  	[tilespmem:v36+s21+$0x0] =	vst.idx.msk $0xffff, v8;
	v8 =	vadd.s32 v23, v34;
	v36 =	vbroadcast v0, $0x0;
	v0 =	vshll.u32 v49, v1;
	v9 =	vld [tilespmem:s0+$0x100]  }
0x319: {  	v48 =	vadd.s32 v27, v35;
	[tilespmem:v58+s21+$0x0] =	vst.idx.msk $0xffff, v57;
	v58 =	vld [tilespmem:s0+$0x180];
	v37 =	vbroadcast v0, $0x0  }
0x31a: {  	v0 =	vld [tilespmem:s0+$0x140];
	v57 =	vadd.s32 v31, v36  }
0x31b: {  	v59 =	vadd.s32 v55, v37;
	[tilespmem:v62+s21+$0x0] =	vst.idx.msk $0xffff, v4;
	v62 =	vld [tilespmem:$0x1FF70]  }
0x31c: {  	v51 =	vld [tilespmem:$0x1FFE0];
	[tilespmem:v56+s21+$0x0] =	vst.idx.msk $0xffff, v63;
	v63 =	vadd.s32 v16, v45  }
0x31d: {  	[tilespmem:v8+s21+$0x0] =	vst.idx.msk $0xffff, v3;
	v3 =	vld [tilespmem:s0+$0xFFFFFE90];
	v56 =	vadd.s32 v20, v46  }
0x31e: {  	[tilespmem:v48+s21+$0x0] =	vst.idx.msk $0xffff, v9;
	v8 =	vld [tilespmem:s0+$0xFFFFFED0];
	v9 =	vadd.s32 v24, v40  }
0x31f: {  	[tilespmem:v57+s21+$0x0] =	vst.idx.msk $0xffff, v0;
	v0 =	vld [tilespmem:s0+$0xFFFFFF10];
	v57 =	vadd.s32 v28, v38  }
0x320: {  	v4 =	vld [tilespmem:s0+$0x1F0];
	v2 =	vadd.s32 v62, v2;
	[tilespmem:v59+s21+$0x0] =	vst.idx.msk $0xffff, v58  }
0x321: {  	v58 =	vld [tilespmem:s0+$0xFFFFFF50];
	v59 =	vadd.s32 v52, v41;
	[tilespmem:v63+s21+$0x0] =	vst.idx.msk $0xffff, v5  }
0x322: {  	[tilespmem:v56+s21+$0x0] =	vst.idx.msk $0xffff, v3;
	v3 =	vld [tilespmem:s0+$0xFFFFFFD0]  }
0x323: {  	v55 =	vld [tilespmem:s0+$0x10];
	[tilespmem:v9+s21+$0x0] =	vst.idx.msk $0xffff, v8;
	v56 =	vadd.s32 v12, v43  }
0x324: {  	v8 =	vadd.s32 v16, v44;
	[tilespmem:v57+s21+$0x0] =	vst.idx.msk $0xffff, v0;
	v0 =	vld [tilespmem:s0+$0x50]  }
0x325: {  	v9 =	vld [tilespmem:s0+$0x90];
	v57 =	vadd.s32 v20, v47;
	[tilespmem:v2+s21+$0x0] =	vst.idx.msk $0xffff, v4  }
0x326: {  	v63 =	vadd.s32 v51, v39;
	v2 =	vld [tilespmem:s0+$0xFFFFFF90];
	[tilespmem:v59+s21+$0x0] =	vst.idx.msk $0xffff, v58  }
0x327: {  	v59 =	vadd.s32 v28, v35;
	[tilespmem:v53+s21+$0x0] =	vst.idx.msk $0xffff, v3;
	v3 =	vld [tilespmem:s0+$0x110]  }
0x328: {  	[tilespmem:v56+s21+$0x0] =	vst.idx.msk $0xffff, v55;
	v55 =	vld [tilespmem:s0+$0xFFFFFE10];
	v56 =	vadd.s32 v12, v33  }
0x329: {  	[tilespmem:v8+s21+$0x0] =	vst.idx.msk $0xffff, v0;
	v0 =	vld [tilespmem:s0+$0x190];
	v8 =	vadd.s32 v51, v37  }
0x32a: {  	[tilespmem:v57+s21+$0x0] =	vst.idx.msk $0xffff, v9;
	v9 =	vld [tilespmem:s0+$0xFFFFFE60];
	v57 =	vadd.s32 v17, v45  }
0x32b: {  	v58 =	vadd.s32 v24, v34;
	[tilespmem:v63+s21+$0x0] =	vst.idx.msk $0xffff, v2;
	v2 =	vld [tilespmem:s0+$0xD0]  }
0x32c: {  	v53 =	vadd.s32 v52, v36;
	v63 =	vld [tilespmem:s0+$0x150];
	[tilespmem:v59+s21+$0x0] =	vst.idx.msk $0xffff, v3  }
0x32d: {  	v3 =	vld [tilespmem:s0+$0xFFFFFEE0];
	v59 =	vadd.s32 v25, v40;
	[tilespmem:v56+s21+$0x0] =	vst.idx.msk $0xffff, v55  }
0x32e: {  	v55 =	vadd.s32 v54, v42;
	v54 =	vadd.s32 v13, v33;
	v51 =	vld [tilespmem:s0+$0xFFFFFE20];
	[tilespmem:v8+s21+$0x0] =	vst.idx.msk $0xffff, v0  }
0x32f: {  	v0 =	vld [tilespmem:s0+$0xFFFFFF60];
	v8 =	vadd.s32 v32, v41;
	[tilespmem:v57+s21+$0x0] =	vst.idx.msk $0xffff, v9  }
0x330: {  	[tilespmem:v58+s21+$0x0] =	vst.idx.msk $0xffff, v2;
	v2 =	vld [tilespmem:s0+$0xFFFFFEA0];
	v58 =	vadd.s32 v21, v46  }
0x331: {  	v52 =	vadd.s32 v29, v38;
	[tilespmem:v53+s21+$0x0] =	vst.idx.msk $0xffff, v63;
	v63 =	vld [tilespmem:s0+$0xFFFFFF20]  }
0x332: {  	v9 =	vld [tilespmem:s0+$0xFFFFFFA0];
	v53 =	vadd.s32 v10, v39;
	[tilespmem:v59+s21+$0x0] =	vst.idx.msk $0xffff, v3  }
0x333: {  	v7 =	vadd.s32 v10, v37;
	v6 =	vld [tilespmem:s0+$0x1A0];
	[tilespmem:v54+s21+$0x0] =	vst.idx.msk $0xffff, v51  }
0x334: {  	v56 =	vadd.s32 v13, v43;
	v3 =	vld [tilespmem:s0+$0x20];
	[tilespmem:v8+s21+$0x0] =	vst.idx.msk $0xffff, v0  }
0x335: {  	[tilespmem:v58+s21+$0x0] =	vst.idx.msk $0xffff, v2;
	v2 =	vld [tilespmem:s0+$0xFFFFFFE0]  }
0x336: {  	v0 =	vld [tilespmem:s0+$0xA0];
	v8 =	vadd.s32 v21, v47;
	[tilespmem:v52+s21+$0x0] =	vst.idx.msk $0xffff, v63  }
0x337: {  	v57 =	vld [tilespmem:s0+$0x60];
	v58 =	vadd.s32 v17, v44;
	[tilespmem:v53+s21+$0x0] =	vst.idx.msk $0xffff, v9  }
0x338: {  	v48 =	vadd.s32 v25, v34;
	v9 =	vld [tilespmem:s0+$0xE0];
	[tilespmem:v7+s21+$0x0] =	vst.idx.msk $0xffff, v6  }
0x339: {  	v60 =	vadd.s32 v60, v39;
	v5 =	vadd.s32 v32, v36;
	[tilespmem:v56+s21+$0x0] =	vst.idx.msk $0xffff, v3;
	v3 =	vld [tilespmem:s0+$0x160]  }
0x33a: {  	v4 =	vadd.s32 v29, v35;
	v40 =	vadd.s32 v26, v40;
	v59 =	vmov s11;
	[tilespmem:v55+s21+$0x0] =	vst.idx.msk $0xffff, v2;
	v2 =	vld [tilespmem:s0+$0x120]  }
0x33b: {  	s13 =	sadd.s32 $0x2, s11;
	v49 =	vshrl.u32 v59, $0x3;
	v59 =	vadd.s32 v22, v46;
	v63 =	vadd.s32 v18, v45;
	v56 =	vld [tilespmem:s0+$0xFFFFFE70];
	[tilespmem:v8+s21+$0x0] =	vst.idx.msk $0xffff, v0  }
0x33c: {  	s9 =	sadd.s32 $0x1, s11;
	s8 =	sadd.s32 $0x3, s11;
	v54 =	vshll.u32 v49, v1;
	v6 =	vld [tilespmem:s0+$0xFFFFFF70];
	v7 =	vadd.s32 v61, v41;
	v0 =	vmov s13;
	[tilespmem:v58+s21+$0x0] =	vst.idx.msk $0xffff, v57  }
0x33d: {  	v61 =	vadd.s32 v62, v42;
	v8 =	vmov s8;
	s13 =	sadd.s32 $0x5, s11;
	s8 =	sadd.s32 $0xC, s11;
	v55 =	vmov s9;
	[tilespmem:v48+s21+$0x0] =	vst.idx.msk $0xffff, v9;
	v58 =	vld [tilespmem:s0+$0xFFFFFEB0]  }
0x33e: {  	s9 =	sadd.s32 $0x4, s11;
	v10 =	vmov s13;
	s13 =	sadd.s32 $0x7, s11;
	v51 =	vmov s8;
	[tilespmem:v5+s21+$0x0] =	vst.idx.msk $0xffff, v3;
	v3 =	vld [tilespmem:s0+$0xFFFFFF30];
	v5 =	vadd.s32 v30, v38  }
0x33f: {  	p2 =	slt.u32 s11, $0x70;
	v62 =	vadd.s32 v14, v43;
	v9 =	vmov s9;
	v52 =	vmov s13;
	s13 =	sadd.s32 $0x9, s11;
	[tilespmem:v4+s21+$0x0] =	vst.idx.msk $0xffff, v2;
	v4 =	vld [tilespmem:s0+$0xFFFFFEF0]  }
.Ltmp7:
0x340: {  	v57 =	vld [tilespmem:s0+$0xFFFFFFB0];
	s9 =	sadd.s32 $0x6, s11;
	v41 =	vshrl.u32 v10, $0x3;
	v45 =	vmov s13;
	[tilespmem:v63+s21+$0x0] =	vst.idx.msk $0xffff, v56;
	v56 =	vshrl.u32 v55, $0x3;
	(pc) =	sbr.rel @p2 .LBB2_13-.Ltmp7, $4  }
0x341: {  	[tilespmem:v7+s21+$0x0] =	vst.idx.msk $0xffff, v6;
	v43 =	vld [tilespmem:s0+$0xB0];
	s13 =	sadd.s32 $0xB, s11;
	v55 =	vshrl.u32 v0, $0x3;
	v38 =	vshrl.u32 v9, $0x3;
	v2 =	vmov s9;
	s9 =	sadd.s32 $0x8, s11  }
0x342: {  	v42 =	vld [tilespmem:s0+$0x70];
	v63 =	vadd.s32 v18, v44;
	v50 =	vmov s13;
	s13 =	sadd.s32 $0xE, s11;
	[tilespmem:v59+s21+$0x0] =	vst.idx.msk $0xffff, v58;
	v53 =	vmov s9;
	s9 =	sadd.s32 $0xA, s11  }
0x343: {  	v44 =	vadd.s32 v22, v47;
	v49 =	vmov s13;
	v58 =	vld [tilespmem:s0+$0xFFFFFFF0];
	v46 =	vmov s9;
	s9 =	sadd.s32 $0xD, s11;
	[tilespmem:v5+s21+$0x0] =	vst.idx.msk $0xffff, v3  }
0x344: {  	s6 =	sadd.s32 $0xF, s11;
	v59 =	vld [tilespmem:s0+$0x30];
	v39 =	vshrl.u32 v2, $0x3;
	s11 =	sadd.s32 $0x10, s11;
	v48 =	vmov s9;
	[tilespmem:v40+s21+$0x0] =	vst.idx.msk $0xffff, v4;
	v40 =	vshrl.u32 v8, $0x3  }
0x345: {  	_ =	sdelay $0x3  }
0x346: {  	[tilespmem:v60+s21+$0x0] =	vst.idx.msk $0xffff, v57  }
0x347: {  	[tilespmem:v61+s21+$0x0] =	vst.idx.msk $0xffff, v58  }
0x348: {  	[tilespmem:v62+s21+$0x0] =	vst.idx.msk $0xffff, v59  }
0x349: {  	v57 =	vld [tilespmem:$0x1FF20];
	[tilespmem:v63+s21+$0x0] =	vst.idx.msk $0xffff, v42  }
0x34a: {  	v60 =	vld [tilespmem:$0x1FF40];
	_ =	sdelay $0x2  }
0x34b: {  	v3 =	vld [tilespmem:s0+$0xF0]  }
0x34c: {  	v2 =	vmov s6;
	v4 =	vadd.s32 v26, v34;
	v6 =	vld [tilespmem:s0+$0x130];
	[tilespmem:v44+s21+$0x0] =	vst.idx.msk $0xffff, v43  }
0x34d: {  	v7 =	vadd.s32 v30, v35;
	v58 =	vadd.s32 v60, v37;
	v37 =	vshll.u32 v55, v1;
	v55 =	vld [tilespmem:$0x1FF80]  }
0x34e: {  	v0 =	vshrl.u32 v52, $0x3;
	v47 =	vld [tilespmem:s0+$0xFFFFFE30];
	v52 =	vadd.s32 v14, v33;
	v2 =	vshrl.u32 v2, $0x3  }
0x34f: {  	v9 =	vld [tilespmem:s0+$0x170];
	v34 =	vbroadcast v54, $0x0;
	v2 =	vshll.u32 v2, v1;
	v10 =	vadd.s32 v57, v36  }
0x350: {  	s9 =	sadd.s32 $0x400, s0;
	v2 =	vbroadcast v2, $0x0;
	v42 =	vld [tilespmem:s0+$0x1B0]  }
0x351: {  	v36 =	vshll.u32 v56, v1;
	v56 =	vadd.s32 v11, v34;
	[tilespmem:v4+s21+$0x0] =	vst.idx.msk $0xffff, v3;
	v3 =	vld [tilespmem:s9+$0xFFFFFE00]  }
0x352: {  	v43 =	vld [tilespmem:s9+$0x1C0];
	[tilespmem:v7+s21+$0x0] =	vst.idx.msk $0xffff, v6;
	v44 =	vadd.s32 v55, v2  }
0x353: {  	[tilespmem:v52+s21+$0x0] =	vst.idx.msk $0xffff, v47  }
0x354: {  	v33 =	vbroadcast v36, $0x0;
	[tilespmem:v10+s21+$0x0] =	vst.idx.msk $0xffff, v9  }
0x355: {  	v35 =	vbroadcast v37, $0x0;
	[tilespmem:v58+s21+$0x0] =	vst.idx.msk $0xffff, v42  }
0x356: {  	v6 =	vld [tilespmem:s9+$0xFFFFFE40];
	v7 =	vadd.s32 v15, v33;
	[tilespmem:v56+s21+$0x0] =	vst.idx.msk $0xffff, v3  }
0x357: {  	v59 =	vshll.u32 v40, v1;
	v62 =	vld [tilespmem:s9+$0xFFFFFE80];
	v63 =	vadd.s32 v19, v35;
	[tilespmem:v44+s21+$0x0] =	vst.idx.msk $0xffff, v43  }
0x358: {  	v61 =	vshll.u32 v38, v1;
	v36 =	vbroadcast v59, $0x0;
	v54 =	vld [tilespmem:$0x1FF50]  }
0x359: {  	v8 =	vshrl.u32 v45, $0x3;
	v47 =	vld [tilespmem:s9+$0xFFFFFF00];
	v37 =	vbroadcast v61, $0x0;
	v58 =	vshll.u32 v41, v1  }
0x35a: {  	v45 =	vshrl.u32 v46, $0x3;
	v46 =	vadd.s32 v23, v36;
	v42 =	vld [tilespmem:s9+$0xFFFFFEC0];
	v38 =	vbroadcast v58, $0x0  }
0x35b: {  	v59 =	vadd.s32 v27, v37;
	v3 =	vld [tilespmem:s9+$0x1D0];
	[tilespmem:v7+s21+$0x0] =	vst.idx.msk $0xffff, v6  }
0x35c: {  	v6 =	vld [tilespmem:s9+$0xFFFFFF40];
	v7 =	vadd.s32 v31, v38;
	[tilespmem:v63+s21+$0x0] =	vst.idx.msk $0xffff, v62  }
0x35d: {  	v62 =	vld [tilespmem:$0x1FFF0];
	v4 =	vadd.s32 v54, v2;
	_ =	sdelay $0x1  }
0x35e: {  	v5 =	vshrl.u32 v53, $0x3;
	v39 =	vshll.u32 v39, v1;
	v0 =	vshll.u32 v0, v1;
	[tilespmem:v46+s21+$0x0] =	vst.idx.msk $0xffff, v42  }
0x35f: {  	v39 =	vbroadcast v39, $0x0;
	v40 =	vbroadcast v0, $0x0;
	v0 =	vshll.u32 v5, v1;
	[tilespmem:v59+s21+$0x0] =	vst.idx.msk $0xffff, v47  }
0x360: {  	v41 =	vbroadcast v0, $0x0;
	[tilespmem:v7+s21+$0x0] =	vst.idx.msk $0xffff, v6  }
0x361: {  	v0 =	vshll.u32 v8, v1;
	v58 =	vld [tilespmem:s9+$0xFFFFFF80];
	v63 =	vadd.s32 v62, v39;
	[tilespmem:v4+s21+$0x0] =	vst.idx.msk $0xffff, v3  }
0x362: {  	v42 =	vbroadcast v0, $0x0;
	v0 =	vshrl.u32 v48, $0x3;
	v48 =	vadd.s32 v11, v41;
	v11 =	vld [tilespmem:$0x1FF60]  }
0x363: {  	v8 =	vld [tilespmem:s9+$0xFFFFFFC0];
	v10 =	vadd.s32 v55, v40;
	v46 =	vshll.u32 v45, v1  }
0x364: {  	v47 =	vld [tilespmem:s9+$0x0];
	v43 =	vbroadcast v46, $0x0  }
0x365: {  	v50 =	vshrl.u32 v50, $0x3;
	v52 =	vld [tilespmem:s9+$0x40];
	v56 =	vadd.s32 v15, v42  }
0x366: {  	v51 =	vshrl.u32 v51, $0x3;
	v59 =	vshll.u32 v50, v1;
	[tilespmem:v63+s21+$0x0] =	vst.idx.msk $0xffff, v58;
	v63 =	vld [tilespmem:s9+$0x80];
	v58 =	vadd.s32 v19, v43  }
0x367: {  	v44 =	vbroadcast v59, $0x0;
	v3 =	vshll.u32 v51, v1;
	v4 =	vld [tilespmem:s9+$0x1E0];
	v61 =	vadd.s32 v11, v2  }
0x368: {  	v49 =	vshrl.u32 v49, $0x3;
	v0 =	vshll.u32 v0, v1;
	v45 =	vbroadcast v3, $0x0;
	[tilespmem:v10+s21+$0x0] =	vst.idx.msk $0xffff, v8  }
0x369: {  	v46 =	vbroadcast v0, $0x0;
	v0 =	vshll.u32 v49, v1;
	v59 =	vadd.s32 v23, v44;
	v3 =	vld [tilespmem:s9+$0xC0];
	[tilespmem:v48+s21+$0x0] =	vst.idx.msk $0xffff, v47  }
0x36a: {  	v9 =	vld [tilespmem:s9+$0x100];
	v47 =	vbroadcast v0, $0x0;
	[tilespmem:v56+s21+$0x0] =	vst.idx.msk $0xffff, v52;
	v10 =	vadd.s32 v27, v45  }
0x36b: {  	v0 =	vld [tilespmem:s9+$0x140];
	v52 =	vadd.s32 v31, v46;
	[tilespmem:v58+s21+$0x0] =	vst.idx.msk $0xffff, v63  }
0x36c: {  	v53 =	vld [tilespmem:s9+$0x180];
	v56 =	vadd.s32 v62, v47;
	[tilespmem:v61+s21+$0x0] =	vst.idx.msk $0xffff, v4  }
0x36d: {  	v61 =	vld [tilespmem:$0x1FF70]  }
0x36e: {  	[tilespmem:v59+s21+$0x0] =	vst.idx.msk $0xffff, v3  }
0x36f: {  	[tilespmem:v10+s21+$0x0] =	vst.idx.msk $0xffff, v9  }
0x370: {  	v5 =	vld [tilespmem:s9+$0xFFFFFE50];
	[tilespmem:v52+s21+$0x0] =	vst.idx.msk $0xffff, v0  }
0x371: {  	v58 =	vadd.s32 v16, v33;
	v4 =	vld [tilespmem:s9+$0x1F0];
	[tilespmem:v56+s21+$0x0] =	vst.idx.msk $0xffff, v53  }
0x372: {  	v19 =	vld [tilespmem:$0x1FFD0];
	v2 =	vadd.s32 v61, v2;
	_ =	sdelay $0x1  }
0x373: {  	v3 =	vld [tilespmem:s9+$0xFFFFFE90];
	v59 =	vadd.s32 v20, v35  }
0x374: {  	v8 =	vld [tilespmem:s9+$0xFFFFFED0];
	v63 =	vadd.s32 v24, v36  }
0x375: {  	v0 =	vld [tilespmem:s9+$0xFFFFFF10];
	v52 =	vadd.s32 v28, v37;
	[tilespmem:v58+s21+$0x0] =	vst.idx.msk $0xffff, v5  }
0x376: {  	v53 =	vld [tilespmem:s9+$0xFFFFFF50];
	v56 =	vadd.s32 v19, v38;
	[tilespmem:v2+s21+$0x0] =	vst.idx.msk $0xffff, v4  }
0x377: {  	v15 =	vld [tilespmem:$0x1FFE0]  }
0x378: {  	[tilespmem:v59+s21+$0x0] =	vst.idx.msk $0xffff, v3;
	v3 =	vld [tilespmem:s9+$0xFFFFFFD0];
	v59 =	vadd.s32 v54, v40  }
0x379: {  	v50 =	vadd.s32 v12, v41;
	[tilespmem:v63+s21+$0x0] =	vst.idx.msk $0xffff, v8;
	v63 =	vld [tilespmem:s9+$0x10]  }
0x37a: {  	v51 =	vadd.s32 v16, v42;
	[tilespmem:v52+s21+$0x0] =	vst.idx.msk $0xffff, v0;
	v0 =	vld [tilespmem:s9+$0x50]  }
0x37b: {  	[tilespmem:v56+s21+$0x0] =	vst.idx.msk $0xffff, v53;
	v52 =	vld [tilespmem:s9+$0x90];
	v53 =	vadd.s32 v20, v43  }
0x37c: {  	v2 =	vld [tilespmem:s9+$0xFFFFFF90];
	v58 =	vadd.s32 v15, v39  }
0x37d: {  	v49 =	vadd.s32 v12, v34;
	v48 =	vld [tilespmem:s9+$0xFFFFFE10];
	[tilespmem:v59+s21+$0x0] =	vst.idx.msk $0xffff, v3  }
0x37e: {  	[tilespmem:v50+s21+$0x0] =	vst.idx.msk $0xffff, v63;
	v59 =	vld [tilespmem:s9+$0x150];
	v63 =	vadd.s32 v19, v46  }
0x37f: {  	[tilespmem:v51+s21+$0x0] =	vst.idx.msk $0xffff, v0;
	v0 =	vld [tilespmem:s9+$0x190];
	v8 =	vadd.s32 v15, v47  }
0x380: {  	[tilespmem:v53+s21+$0x0] =	vst.idx.msk $0xffff, v52;
	v52 =	vld [tilespmem:s9+$0xFFFFFE60];
	v53 =	vadd.s32 v17, v33  }
0x381: {  	v56 =	vadd.s32 v24, v44;
	[tilespmem:v58+s21+$0x0] =	vst.idx.msk $0xffff, v2;
	v2 =	vld [tilespmem:s9+$0xD0]  }
0x382: {  	[tilespmem:v49+s21+$0x0] =	vst.idx.msk $0xffff, v48;
	v3 =	vld [tilespmem:s9+$0x110];
	v58 =	vadd.s32 v28, v45  }
0x383: {  	[tilespmem:v63+s21+$0x0] =	vst.idx.msk $0xffff, v59;
	v59 =	vld [tilespmem:s9+$0xFFFFFF20];
	v63 =	vadd.s32 v29, v37  }
0x384: {  	v49 =	vadd.s32 v32, v38;
	[tilespmem:v8+s21+$0x0] =	vst.idx.msk $0xffff, v0;
	v0 =	vld [tilespmem:s9+$0xFFFFFF60]  }
0x385: {  	[tilespmem:v53+s21+$0x0] =	vst.idx.msk $0xffff, v52  }
0x386: {  	[tilespmem:v56+s21+$0x0] =	vst.idx.msk $0xffff, v2;
	v2 =	vld [tilespmem:s9+$0xFFFFFEA0];
	v56 =	vadd.s32 v21, v35  }
0x387: {  	[tilespmem:v58+s21+$0x0] =	vst.idx.msk $0xffff, v3;
	v3 =	vld [tilespmem:s9+$0xFFFFFEE0];
	v58 =	vadd.s32 v25, v36  }
0x388: {  	v12 =	vld [tilespmem:$0x1FF30];
	[tilespmem:v63+s21+$0x0] =	vst.idx.msk $0xffff, v59  }
0x389: {  	[tilespmem:v49+s21+$0x0] =	vst.idx.msk $0xffff, v0;
	v0 =	vld [tilespmem:s9+$0xA0];
	v59 =	vadd.s32 v21, v43  }
0x38a: {  	v9 =	vld [tilespmem:s9+$0xE0];
	v63 =	vadd.s32 v25, v44  }
0x38b: {  	v52 =	vadd.s32 v11, v40;
	[tilespmem:v56+s21+$0x0] =	vst.idx.msk $0xffff, v2;
	v2 =	vld [tilespmem:s9+$0xFFFFFFE0]  }
0x38c: {  	v53 =	vadd.s32 v13, v41;
	[tilespmem:v58+s21+$0x0] =	vst.idx.msk $0xffff, v3;
	v3 =	vld [tilespmem:s9+$0x20]  }
0x38d: {  	v56 =	vld [tilespmem:s9+$0x60];
	v58 =	vadd.s32 v17, v42  }
0x38e: {  	v50 =	vld [tilespmem:s9+$0xFFFFFFA0];
	v51 =	vadd.s32 v12, v39;
	[tilespmem:v59+s21+$0x0] =	vst.idx.msk $0xffff, v0  }
0x38f: {  	v0 =	vld [tilespmem:s9+$0xFFFFFE70];
	v59 =	vadd.s32 v18, v33;
	[tilespmem:v63+s21+$0x0] =	vst.idx.msk $0xffff, v9  }
0x390: {  	v4 =	vadd.s32 v29, v45;
	[tilespmem:v52+s21+$0x0] =	vst.idx.msk $0xffff, v2;
	v2 =	vld [tilespmem:s9+$0x120]  }
0x391: {  	[tilespmem:v53+s21+$0x0] =	vst.idx.msk $0xffff, v3;
	v3 =	vld [tilespmem:s9+$0x160];
	v52 =	vadd.s32 v32, v46  }
0x392: {  	[tilespmem:v58+s21+$0x0] =	vst.idx.msk $0xffff, v56;
	v53 =	vld [tilespmem:s9+$0x1A0];
	v56 =	vadd.s32 v12, v47  }
0x393: {  	v48 =	vld [tilespmem:s9+$0xFFFFFE20];
	v58 =	vadd.s32 v13, v34;
	[tilespmem:v51+s21+$0x0] =	vst.idx.msk $0xffff, v50  }
0x394: {  	v63 =	vld [tilespmem:s9+$0xFFFFFEB0];
	v33 =	vadd.s32 v26, v36;
	v32 =	vadd.s32 v22, v35;
	[tilespmem:v59+s21+$0x0] =	vst.idx.msk $0xffff, v0  }
0x395: {  	v36 =	vld [tilespmem:s9+$0xFFFFFF70];
	v35 =	vadd.s32 v30, v37;
	v37 =	vadd.s32 v57, v38;
	[tilespmem:v4+s21+$0x0] =	vst.idx.msk $0xffff, v2  }
0x396: {  	v2 =	vld [tilespmem:s9+$0xFFFFFEF0];
	[tilespmem:v52+s21+$0x0] =	vst.idx.msk $0xffff, v3  }
0x397: {  	v3 =	vld [tilespmem:s9+$0xFFFFFF30];
	[tilespmem:v56+s21+$0x0] =	vst.idx.msk $0xffff, v53  }
0x398: {  	v40 =	vadd.s32 v61, v40;
	v38 =	vadd.s32 v60, v39;
	v39 =	vld [tilespmem:s9+$0xFFFFFFF0];
	[tilespmem:v58+s21+$0x0] =	vst.idx.msk $0xffff, v48  }
0x399: {  	v50 =	vld [tilespmem:s9+$0xB0];
	v51 =	vadd.s32 v22, v43;
	[tilespmem:v32+s21+$0x0] =	vst.idx.msk $0xffff, v63  }
0x39a: {  	v0 =	vld [tilespmem:s9+$0xFFFFFFB0];
	[tilespmem:v37+s21+$0x0] =	vst.idx.msk $0xffff, v36  }
0x39b: {  	v48 =	vadd.s32 v14, v41;
	[tilespmem:v33+s21+$0x0] =	vst.idx.msk $0xffff, v2;
	v2 =	vld [tilespmem:s9+$0x30]  }
0x39c: {  	v49 =	vadd.s32 v18, v42;
	[tilespmem:v35+s21+$0x0] =	vst.idx.msk $0xffff, v3;
	v3 =	vld [tilespmem:s9+$0x70]  }
0x39d: {  	v56 =	vadd.s32 v30, v45;
	[tilespmem:v40+s21+$0x0] =	vst.idx.msk $0xffff, v39;
	v53 =	vld [tilespmem:s9+$0x130]  }
0x39e: {  	v34 =	vadd.s32 v14, v34;
	v63 =	vld [tilespmem:s9+$0xFFFFFE30];
	[tilespmem:v51+s21+$0x0] =	vst.idx.msk $0xffff, v50  }
0x39f: {  	v52 =	vadd.s32 v26, v44;
	[tilespmem:v38+s21+$0x0] =	vst.idx.msk $0xffff, v0;
	v0 =	vld [tilespmem:s9+$0xF0]  }
0x3a0: {  	v58 =	vadd.s32 v57, v46;
	[tilespmem:v48+s21+$0x0] =	vst.idx.msk $0xffff, v2;
	v2 =	vld [tilespmem:s9+$0x170]  }
0x3a1: {  	v59 =	vadd.s32 v60, v47;
	[tilespmem:v49+s21+$0x0] =	vst.idx.msk $0xffff, v3;
	v3 =	vld [tilespmem:s9+$0x1B0]  }
0x3a2: {  	[tilespmem:v56+s21+$0x0] =	vst.idx.msk $0xffff, v53  }
0x3a3: {  	s11 =	sshll.u32 s1, $0x7;
	[tilespmem:v34+s21+$0x0] =	vst.idx.msk $0xffff, v63  }
0x3a4: {  	s13 =	sshll.u32 s1, $0xA;
	s0 =	sand.u32 $0x3F00, s11;
	[tilespmem:v52+s21+$0x0] =	vst.idx.msk $0xffff, v0  }
0x3a5: {  	s1 =	sand.u32 $0xFFE0000, s13;
	s0 =	sadd.s32 s2, s0;
	[tilespmem:v58+s21+$0x0] =	vst.idx.msk $0xffff, v2  }
0x3a6: {  	s6 =	simm.s32 $0x12800;
	s1 =	sadd.s32 s1, s0;
	[tilespmem:v59+s21+$0x0] =	vst.idx.msk $0xffff, v3  }
0x3a7: {  	[hbm4b:s1+s3] =	stream.linear.scatter [tilespmem:s6], [sflag:$0x7], $0x80, $0x38;
	[tilespmem:$0x16C00] =	vst v63  }
0x3a8: {  	s8 =	simm.s32 $0x12888;
	s9 =	sadd.s32 $0x10, s1  }
0x3a9: {  	[hbm4b:s9+s3] =	stream.linear.scatter [tilespmem:s8], [sflag:$0x7], $0x80, $0x38;
	[tilespmem:$0x16C00] =	vst v63  }
0x3aa: {  	s11 =	simm.s32 $0x12910;
	s13 =	sadd.s32 $0x20, s1  }
0x3ab: {  	[hbm4b:s13+s3] =	stream.linear.scatter [tilespmem:s11], [sflag:$0x7], $0x80, $0x38;
	[tilespmem:$0x16C00] =	vst v63  }
0x3ac: {  	s8 =	simm.s32 $0x12998;
	s9 =	sadd.s32 $0x30, s1  }
0x3ad: {  	[hbm4b:s9+s3] =	stream.linear.scatter [tilespmem:s8], [sflag:$0x7], $0x80, $0x38;
	[tilespmem:$0x16C00] =	vst v63  }
0x3ae: {  	s11 =	simm.s32 $0x12A20;
	s13 =	sadd.s32 $0x40, s1  }
0x3af: {  	[hbm4b:s13+s3] =	stream.linear.scatter [tilespmem:s11], [sflag:$0x7], $0x80, $0x38;
	[tilespmem:$0x16C00] =	vst v63  }
0x3b0: {  	s0 =	simm.s32 $0x440;
	s8 =	simm.s32 $0x12AA8;
	s9 =	sadd.s32 $0x50, s1  }
0x3b1: {  	[hbm4b:s9+s3] =	stream.linear.scatter [tilespmem:s8], [sflag:$0x7], $0x80, $0x38;
	[tilespmem:$0x16C00] =	vst v63  }
0x3b2: {  	s6 =	simm.s32 $0x12BB8;
	s11 =	simm.s32 $0x12B30;
	s13 =	sadd.s32 $0x60, s1  }
0x3b3: {  	v18 =	vmov v12;
	v13 =	vmov v15;
	[hbm4b:s13+s3] =	stream.linear.scatter [tilespmem:s11], [sflag:$0x7], $0x80, $0x38;
	[tilespmem:$0x16C00] =	vst v63  }
0x3b4: {  	v22 =	vmovc v55;
	v32 =	vmovc v19;
	v14 =	vmov v57;
	v26 =	vmov v54;
	v30 =	vmov v11;
	s8 =	sadd.s32 $0x70, s1;
	s1 =	sadd.s32 $0x4000, s1;
	s11 =	simm.s32 $0x2200  }
.LBB2_15:
0x3b5: {  	[hbm4b:s8+s3] =	stream.linear.scatter [tilespmem:s6], [sflag:$0x7], $0x80, $0x38;
	[tilespmem:$0x16C00] =	vst v63  }
0x3b6: {  	s6 =	smov.u32 s0;
	s0 =	smov.u32 s11  }
0x3b7: {  	s9 =	sadd.s32 $0x1100, s11;
	s0 =	sshra.s32 s0, $0x2;
	s8 =	sadd.s32 $0x12800, s6  }
0x3b8: {  	[hbm4b:s1+s3] =	stream.linear.scatter [tilespmem:s8], [sflag:$0x7], $0x80, $0x38;
	[tilespmem:$0x16C00] =	vst v63  }
0x3b9: {  	p2 =	sne.s32 s11, $0x7700;
	s11 =	sadd.s32 $0x10, s1;
	s8 =	sadd.s32 $0x12888, s6  }
0x3ba: {  	[hbm4b:s11+s3] =	stream.linear.scatter [tilespmem:s8], [sflag:$0x7], $0x80, $0x38;
	[tilespmem:$0x16C00] =	vst v63  }
0x3bb: {  	s8 =	sadd.s32 $0x12910, s6;
	s11 =	sadd.s32 $0x20, s1  }
0x3bc: {  	[hbm4b:s11+s3] =	stream.linear.scatter [tilespmem:s8], [sflag:$0x7], $0x80, $0x38;
	[tilespmem:$0x16C00] =	vst v63  }
0x3bd: {  	s8 =	sadd.s32 $0x12998, s6;
	s11 =	sadd.s32 $0x30, s1  }
0x3be: {  	[hbm4b:s11+s3] =	stream.linear.scatter [tilespmem:s8], [sflag:$0x7], $0x80, $0x38;
	[tilespmem:$0x16C00] =	vst v63  }
0x3bf: {  	s8 =	sadd.s32 $0x12A20, s6;
	s11 =	sadd.s32 $0x40, s1  }
0x3c0: {  	[hbm4b:s11+s3] =	stream.linear.scatter [tilespmem:s8], [sflag:$0x7], $0x80, $0x38;
	[tilespmem:$0x16C00] =	vst v63  }
.Ltmp8:
0x3c1: {  	s8 =	sadd.s32 $0x12AA8, s6;
	s11 =	sadd.s32 $0x50, s1;
	(pc) =	sbr.rel @p2 .LBB2_15-.Ltmp8, $4  }
0x3c2: {  	[hbm4b:s11+s3] =	stream.linear.scatter [tilespmem:s8], [sflag:$0x7], $0x80, $0x38;
	[tilespmem:$0x16C00] =	vst v63  }
0x3c3: {  	s8 =	sadd.s32 $0x12B30, s6;
	s11 =	sadd.s32 $0x60, s1;
	s6 =	sadd.s32 $0x12BB8, s6  }
0x3c4: {  	[hbm4b:s11+s3] =	stream.linear.scatter [tilespmem:s8], [sflag:$0x7], $0x80, $0x38;
	[tilespmem:$0x16C00] =	vst v63  }
0x3c5: {  	s8 =	sadd.s32 $0x70, s1;
	s1 =	sadd.s32 $0x4000, s1;
	s11 =	smov.u32 s9  }
0x3c6: {  	[hbm4b:s8+s3] =	stream.linear.scatter [tilespmem:s6], [sflag:$0x7], $0x80, $0x38;
	[tilespmem:$0x16C00] =	vst v63  }
0x3c7: {  	s9 =	sadd.s32 $0x12800, s0  }
0x3c8: {  	[hbm4b:s1+s3] =	stream.linear.scatter [tilespmem:s9], [sflag:$0x7], $0x80, $0x38;
	[tilespmem:$0x16C00] =	vst v63  }
0x3c9: {  	s11 =	sadd.s32 $0x12888, s0;
	s13 =	sadd.s32 $0x10, s1  }
0x3ca: {  	[hbm4b:s13+s3] =	stream.linear.scatter [tilespmem:s11], [sflag:$0x7], $0x80, $0x38;
	[tilespmem:$0x16C00] =	vst v63  }
0x3cb: {  	s8 =	sadd.s32 $0x12910, s0;
	s9 =	sadd.s32 $0x20, s1  }
0x3cc: {  	[hbm4b:s9+s3] =	stream.linear.scatter [tilespmem:s8], [sflag:$0x7], $0x80, $0x38;
	[tilespmem:$0x16C00] =	vst v63  }
0x3cd: {  	s11 =	sadd.s32 $0x12998, s0;
	s13 =	sadd.s32 $0x30, s1  }
0x3ce: {  	[hbm4b:s13+s3] =	stream.linear.scatter [tilespmem:s11], [sflag:$0x7], $0x80, $0x38;
	[tilespmem:$0x16C00] =	vst v63  }
0x3cf: {  	s8 =	sadd.s32 $0x12A20, s0;
	s9 =	sadd.s32 $0x40, s1  }
0x3d0: {  	[hbm4b:s9+s3] =	stream.linear.scatter [tilespmem:s8], [sflag:$0x7], $0x80, $0x38;
	[tilespmem:$0x16C00] =	vst v63  }
0x3d1: {  	p2 =	sne.s32 s30, $0x31;
	s11 =	sadd.s32 $0x12AA8, s0;
	s13 =	sadd.s32 $0x50, s1  }
0x3d2: {  	[hbm4b:s13+s3] =	stream.linear.scatter [tilespmem:s11], [sflag:$0x7], $0x80, $0x38;
	[tilespmem:$0x16C00] =	vst v63  }
.Ltmp9:
0x3d3: {  	_ = 	snop;
	(pc) =	sbr.rel @p2 .LBB2_18-.Ltmp9, $4  }
0x3d4: {  	s8 =	sadd.s32 $0x12B30, s0;
	s9 =	sadd.s32 $0x60, s1  }
0x3d5: {  	[hbm4b:s9+s3] =	stream.linear.scatter [tilespmem:s8], [sflag:$0x7], $0x80, $0x38;
	[tilespmem:$0x16C00] =	vst v63  }
0x3d6: {  	s11 =	sadd.s32 $0x12BB8, s0;
	s13 =	sadd.s32 $0x70, s1;
	s1 =	sadd.s32 s4, s31  }
0x3d7: {  	[hbm4b:s13+s3] =	stream.linear.scatter [tilespmem:s11], [sflag:$0x7], $0x80, $0x38;
	[tilespmem:$0x16C00] =	vst v63  }
.Ltmp10:
0x3d8: {  	v15 =	vld [tilespmem:$0x1FE80];
	(pc) =	sbr.rel .LBB2_19-.Ltmp10, $4  }
0x3d9: {  	v19 =	vld [tilespmem:$0x1FEA0]  }
0x3da: {  	v23 =	vld [tilespmem:$0x1FEC0]  }
0x3db: {  	v27 =	vld [tilespmem:$0x1FEE0]  }
0x3dc: {  	v31 =	vld [tilespmem:$0x1FF00]  }
.LBB2_18:
.Ltmp11:
0x3dd: {  	v15 =	vld [tilespmem:$0x1FE80];
	(pc) =	sbr.rel @p0 .LBB2_20-.Ltmp11, $4  }
0x3de: {  	s0 =	sshll.u32 s30, $0x9;
	v19 =	vld [tilespmem:$0x1FEA0]  }
0x3df: {  	v23 =	vld [tilespmem:$0x1FEC0];
	s0 =	sand.u32 $0x3FFFFE00, s0  }
0x3e0: {  	v27 =	vld [tilespmem:$0x1FEE0];
	s0 =	sadd.s32 $0x280, s0  }
0x3e1: {  	v31 =	vld [tilespmem:$0x1FF00];
	[tilespmem:s12], [sflag:$0x2] =	stream.indirect.gather [hbm4b:s5+s10], $0x40, s0, s10, $0xb8  }
.LBB2_19:
0x3e2: {  	_ =	swait.ge [sflag:s22], $0x2000  }
0x3e3: {  	[sflag:s22] =	ssyncset.done $0x0  }
0x3e4: {  	[sflag:s22] =	ssyncadd.s32 $0xFFFFE000  }
.LBB2_20:
0x3e5: {  	s0 =	simm.s32 $0x0;
	s13 =	simm.s32 $0x1  }
0x3e6: {  	s31 =	simm.s32 $0x2;
	s6 =	simm.s32 $0x3;
	s8 =	simm.s32 $0x4;
	v0 =	vmov s0;
	v2 =	vmov s13  }
0x3e7: {  	s9 =	simm.s32 $0x7;
	s11 =	simm.s32 $0x8;
	v3 =	vmov s31;
	v4 =	vmov s6;
	v5 =	vmov s8  }
0x3e8: {  	s6 =	simm.s32 $0x5;
	s8 =	simm.s32 $0x6;
	v8 =	vmov s9;
	s13 =	simm.s32 $0x9;
	v9 =	vmov s11;
	v0 =	vshrl.u32 v0, $0x3  }
0x3e9: {  	s31 =	simm.s32 $0xA;
	s9 =	simm.s32 $0xD;
	v6 =	vmov s6;
	v7 =	vmov s8;
	v10 =	vmov s13  }
0x3ea: {  	v33 =	vmov s31;
	v36 =	vmov s9;
	v2 =	vshrl.u32 v2, $0x3  }
0x3eb: {  	_ =	swait.ge [sflag:s23], $0x2000;
	s6 =	simm.s32 $0xB;
	v3 =	vshrl.u32 v3, $0x3;
	v4 =	vshrl.u32 v4, $0x3;
	v5 =	vshrl.u32 v5, $0x3  }
0x3ec: {  	v11 =	vld [tilespmem:$0x1FE70];
	s8 =	simm.s32 $0xC;
	s13 =	simm.s32 $0xF;
	v8 =	vshrl.u32 v8, $0x3;
	v9 =	vshrl.u32 v9, $0x3;
	v34 =	vmov s6  }
0x3ed: {  	v35 =	vmov s8;
	v0 =	vshll.u32 v0, v1;
	v38 =	vmov s13  }
0x3ee: {  	v6 =	vshrl.u32 v6, $0x3;
	v7 =	vshrl.u32 v7, $0x3;
	v44 =	vshrl.u32 v33, $0x3  }
0x3ef: {  	[sflag:s23] =	ssyncset.done $0x0;
	v38 =	vshrl.u32 v38, $0x3;
	v33 =	vbroadcast v0, $0x0;
	v0 =	vshll.u32 v2, v1  }
0x3f0: {  	s0 =	simm.s32 $0xC600;
	[sflag:s23] =	ssyncadd.s32 $0xFFFFE000;
	v10 =	vshrl.u32 v10, $0x3;
	v38 =	vshll.u32 v38, v1;
	v47 =	vbroadcast v0, $0x0  }
0x3f1: {  	v63 =	vld [tilespmem:s0+$0xFFFFFE00];
	v0 =	vshll.u32 v3, v1;
	v48 =	vbroadcast v38, $0x0;
	v41 =	vadd.s32 v11, v33  }
0x3f2: {  	v54 =	vld [tilespmem:s0+$0xFFFFFE40];
	v46 =	vbroadcast v0, $0x0;
	v0 =	vshll.u32 v4, v1;
	v42 =	vadd.s32 v15, v47  }
0x3f3: {  	v2 =	vld [tilespmem:s0+$0x1C0];
	v6 =	vshll.u32 v6, v1;
	v45 =	vbroadcast v0, $0x0;
	v3 =	vadd.s32 v22, v48  }
0x3f4: {  	v55 =	vld [tilespmem:s0+$0xFFFFFE80];
	v40 =	vbroadcast v6, $0x0;
	v0 =	vshll.u32 v5, v1;
	v43 =	vadd.s32 v19, v46  }
0x3f5: {  	v56 =	vld [tilespmem:s0+$0xFFFFFEC0];
	v35 =	vshrl.u32 v35, $0x3;
	v39 =	vbroadcast v0, $0x0;
	v49 =	vadd.s32 v23, v45  }
0x3f6: {  	v57 =	vshll.u32 v7, v1;
	v59 =	vadd.s32 v31, v40;
	v0 =	vshrl.u32 v34, $0x3;
	[tilespmem:v41+s24+$0x0] =	vst.idx.msk $0xffff, v63  }
0x3f7: {  	v50 =	vld [tilespmem:s0+$0xFFFFFF00];
	v38 =	vbroadcast v57, $0x0;
	v0 =	vshll.u32 v0, v1;
	v51 =	vadd.s32 v27, v39;
	[tilespmem:v42+s24+$0x0] =	vst.idx.msk $0xffff, v54  }
0x3f8: {  	v58 =	vld [tilespmem:s0+$0xFFFFFF40];
	v34 =	vbroadcast v0, $0x0;
	v0 =	vshll.u32 v35, v1;
	[tilespmem:v3+s24+$0x0] =	vst.idx.msk $0xffff, v2;
	v2 =	vshll.u32 v8, v1  }
0x3f9: {  	v63 =	vld [tilespmem:s0+$0xFFFFFF80];
	[tilespmem:v43+s24+$0x0] =	vst.idx.msk $0xffff, v55;
	v8 =	vadd.s32 v62, v38;
	v41 =	vbroadcast v2, $0x0;
	v2 =	vshll.u32 v9, v1  }
0x3fa: {  	v6 =	vadd.s32 v26, v48;
	v35 =	vbroadcast v0, $0x0;
	v3 =	vld [tilespmem:s0+$0x1D0];
	[tilespmem:v49+s24+$0x0] =	vst.idx.msk $0xffff, v56;
	v42 =	vbroadcast v2, $0x0  }
0x3fb: {  	v9 =	vld [tilespmem:s0+$0xFFFFFFC0];
	v56 =	vshll.u32 v44, v1;
	v2 =	vshll.u32 v10, v1;
	v10 =	vadd.s32 v22, v41  }
0x3fc: {  	v49 =	vld [tilespmem:s0+$0x0];
	[tilespmem:v51+s24+$0x0] =	vst.idx.msk $0xffff, v50;
	v43 =	vbroadcast v2, $0x0;
	v2 =	vshrl.u32 v36, $0x3;
	v50 =	vadd.s32 v11, v42  }
0x3fd: {  	s11 =	simm.s32 $0xE;
	[tilespmem:v59+s24+$0x0] =	vst.idx.msk $0xffff, v58;
	v53 =	vadd.s32 v23, v34;
	v44 =	vbroadcast v56, $0x0;
	v0 =	vshll.u32 v2, v1;
	v2 =	vld [tilespmem:s0+$0xC0]  }
0x3fe: {  	v37 =	vmov s11;
	v57 =	vld [tilespmem:s0+$0x40];
	v52 =	vadd.s32 v15, v43;
	[tilespmem:v8+s24+$0x0] =	vst.idx.msk $0xffff, v63  }
0x3ff: {  	v37 =	vshrl.u32 v37, $0x3;
	v59 =	vld [tilespmem:s0+$0x80];
	v63 =	vadd.s32 v19, v44;
	[tilespmem:v6+s24+$0x0] =	vst.idx.msk $0xffff, v3  }
0x400: {  	v58 =	vadd.s32 v30, v48;
	v36 =	vbroadcast v0, $0x0;
	v0 =	vshll.u32 v37, v1;
	v3 =	vld [tilespmem:s0+$0x1E0];
	[tilespmem:v10+s24+$0x0] =	vst.idx.msk $0xffff, v9  }
0x401: {  	v8 =	vld [tilespmem:s0+$0x100];
	v37 =	vbroadcast v0, $0x0;
	v9 =	vadd.s32 v27, v35;
	[tilespmem:v50+s24+$0x0] =	vst.idx.msk $0xffff, v49  }
0x402: {  	v0 =	vld [tilespmem:s0+$0x140];
	v10 =	vadd.s32 v31, v36;
	[tilespmem:v53+s24+$0x0] =	vst.idx.msk $0xffff, v2  }
0x403: {  	v54 =	vld [tilespmem:s0+$0x180];
	v55 =	vadd.s32 v62, v37;
	[tilespmem:v52+s24+$0x0] =	vst.idx.msk $0xffff, v57  }
0x404: {  	v2 =	vld [tilespmem:s0+$0xFFFFFE90];
	[tilespmem:v63+s24+$0x0] =	vst.idx.msk $0xffff, v59;
	v59 =	vadd.s32 v20, v46  }
0x405: {  	v57 =	vld [tilespmem:s0+$0xFFFFFE50];
	[tilespmem:v58+s24+$0x0] =	vst.idx.msk $0xffff, v3;
	v58 =	vadd.s32 v16, v47  }
0x406: {  	v56 =	vadd.s32 v61, v48;
	v3 =	vld [tilespmem:s0+$0x1F0];
	[tilespmem:v9+s24+$0x0] =	vst.idx.msk $0xffff, v8  }
0x407: {  	v8 =	vld [tilespmem:s0+$0xFFFFFED0];
	v9 =	vadd.s32 v24, v45;
	[tilespmem:v10+s24+$0x0] =	vst.idx.msk $0xffff, v0  }
0x408: {  	[tilespmem:v55+s24+$0x0] =	vst.idx.msk $0xffff, v54  }
0x409: {  	[tilespmem:v59+s24+$0x0] =	vst.idx.msk $0xffff, v2  }
0x40a: {  	[tilespmem:v58+s24+$0x0] =	vst.idx.msk $0xffff, v57  }
0x40b: {  	v0 =	vld [tilespmem:s0+$0xFFFFFF10];
	v10 =	vadd.s32 v28, v39;
	[tilespmem:v56+s24+$0x0] =	vst.idx.msk $0xffff, v3  }
0x40c: {  	v63 =	vld [tilespmem:s0+$0xFFFFFF50];
	[tilespmem:v9+s24+$0x0] =	vst.idx.msk $0xffff, v8  }
0x40d: {  	v52 =	vadd.s32 v32, v40;
	v12 =	vld [tilespmem:$0x1FE00]  }
0x40e: {  	v53 =	vadd.s32 v13, v38;
	v3 =	vld [tilespmem:s0+$0xFFFFFF90]  }
0x40f: {  	v54 =	vadd.s32 v26, v41;
	v2 =	vld [tilespmem:s0+$0xFFFFFFD0]  }
0x410: {  	v8 =	vadd.s32 v16, v43;
	[tilespmem:v10+s24+$0x0] =	vst.idx.msk $0xffff, v0;
	v0 =	vld [tilespmem:s0+$0x50]  }
0x411: {  	v9 =	vld [tilespmem:s0+$0x90];
	v10 =	vadd.s32 v20, v44  }
0x412: {  	v55 =	vld [tilespmem:s0+$0x10];
	[tilespmem:v52+s24+$0x0] =	vst.idx.msk $0xffff, v63;
	v56 =	vadd.s32 v12, v42  }
0x413: {  	v57 =	vadd.s32 v24, v34;
	[tilespmem:v53+s24+$0x0] =	vst.idx.msk $0xffff, v3;
	v3 =	vld [tilespmem:s0+$0xD0]  }
0x414: {  	v58 =	vadd.s32 v28, v35;
	[tilespmem:v54+s24+$0x0] =	vst.idx.msk $0xffff, v2;
	v2 =	vld [tilespmem:s0+$0x110]  }
0x415: {  	v59 =	vld [tilespmem:s0+$0x150];
	[tilespmem:v8+s24+$0x0] =	vst.idx.msk $0xffff, v0  }
0x416: {  	v63 =	vadd.s32 v32, v36;
	v32 =	vld [tilespmem:s0+$0xFFFFFE10];
	[tilespmem:v10+s24+$0x0] =	vst.idx.msk $0xffff, v9  }
0x417: {  	v0 =	vld [tilespmem:s0+$0x190];
	[tilespmem:v56+s24+$0x0] =	vst.idx.msk $0xffff, v55  }
0x418: {  	v8 =	vadd.s32 v13, v37;
	v17 =	vld [tilespmem:$0x1FE90];
	[tilespmem:v57+s24+$0x0] =	vst.idx.msk $0xffff, v3  }
0x419: {  	v52 =	vadd.s32 v12, v33;
	v21 =	vld [tilespmem:$0x1FEB0];
	[tilespmem:v58+s24+$0x0] =	vst.idx.msk $0xffff, v2  }
0x41a: {  	v25 =	vld [tilespmem:$0x1FED0]  }
0x41b: {  	v9 =	vld [tilespmem:s0+$0xFFFFFE60]  }
0x41c: {  	v3 =	vld [tilespmem:s0+$0xFFFFFEA0];
	[tilespmem:v63+s24+$0x0] =	vst.idx.msk $0xffff, v59  }
0x41d: {  	v29 =	vld [tilespmem:$0x1FEF0];
	[tilespmem:v8+s24+$0x0] =	vst.idx.msk $0xffff, v0;
	v10 =	vadd.s32 v17, v47  }
0x41e: {  	v2 =	vld [tilespmem:s0+$0xFFFFFEE0];
	[tilespmem:v52+s24+$0x0] =	vst.idx.msk $0xffff, v32;
	v53 =	vadd.s32 v21, v46  }
0x41f: {  	v12 =	vld [tilespmem:$0x1FF10];
	v54 =	vadd.s32 v25, v45;
	_ =	sdelay $0x2  }
0x420: {  	[tilespmem:v10+s24+$0x0] =	vst.idx.msk $0xffff, v9  }
0x421: {  	v55 =	vld [tilespmem:s0+$0xFFFFFF20];
	[tilespmem:v53+s24+$0x0] =	vst.idx.msk $0xffff, v3  }
0x422: {  	v0 =	vld [tilespmem:s0+$0xFFFFFF60];
	v8 =	vadd.s32 v12, v40;
	[tilespmem:v54+s24+$0x0] =	vst.idx.msk $0xffff, v2  }
0x423: {  	v24 =	vmov v13;
	v56 =	vadd.s32 v29, v39;
	v13 =	vld [tilespmem:$0x1FE10]  }
0x424: {  	v9 =	vld [tilespmem:s0+$0xFFFFFFA0];
	v10 =	vadd.s32 v18, v38  }
0x425: {  	v57 =	vadd.s32 v30, v41;
	v3 =	vld [tilespmem:s0+$0xFFFFFFE0]  }
0x426: {  	v59 =	vld [tilespmem:s0+$0x60];
	v63 =	vadd.s32 v17, v43  }
0x427: {  	[tilespmem:v8+s24+$0x0] =	vst.idx.msk $0xffff, v0;
	v0 =	vld [tilespmem:s0+$0xA0];
	v8 =	vadd.s32 v21, v44  }
0x428: {  	v2 =	vld [tilespmem:s0+$0x20];
	[tilespmem:v56+s24+$0x0] =	vst.idx.msk $0xffff, v55;
	v58 =	vadd.s32 v13, v42  }
0x429: {  	[tilespmem:v10+s24+$0x0] =	vst.idx.msk $0xffff, v9;
	v9 =	vld [tilespmem:s0+$0xE0];
	v10 =	vadd.s32 v25, v34  }
0x42a: {  	v4 =	vadd.s32 v29, v35;
	[tilespmem:v57+s24+$0x0] =	vst.idx.msk $0xffff, v3;
	v3 =	vld [tilespmem:s0+$0x120]  }
0x42b: {  	[tilespmem:v63+s24+$0x0] =	vst.idx.msk $0xffff, v59  }
0x42c: {  	[tilespmem:v8+s24+$0x0] =	vst.idx.msk $0xffff, v0  }
0x42d: {  	[tilespmem:v58+s24+$0x0] =	vst.idx.msk $0xffff, v2;
	v2 =	vld [tilespmem:s0+$0x160]  }
0x42e: {  	v63 =	vld [tilespmem:$0x1FE30];
	[tilespmem:v10+s24+$0x0] =	vst.idx.msk $0xffff, v9  }
0x42f: {  	v28 =	vmov v22;
	v22 =	vld [tilespmem:$0x1FE40];
	[tilespmem:v4+s24+$0x0] =	vst.idx.msk $0xffff, v3  }
0x430: {  	v5 =	vadd.s32 v12, v36;
	v26 =	vld [tilespmem:$0x1FE50]  }
0x431: {  	v7 =	vadd.s32 v18, v37;
	v6 =	vld [tilespmem:s0+$0x1A0]  }
0x432: {  	v48 =	vld [tilespmem:s0+$0xFFFFFE20];
	v51 =	vadd.s32 v13, v33  }
0x433: {  	s31 =	simm.s32 $0x10;
	v54 =	vld [tilespmem:s0+$0xFFFFFE70];
	v47 =	vadd.s32 v63, v47  }
0x434: {  	v32 =	vmov s31;
	v56 =	vld [tilespmem:s0+$0xFFFFFEB0];
	v58 =	vadd.s32 v22, v46  }
0x435: {  	v4 =	vld [tilespmem:s0+$0xFFFFFEF0];
	[tilespmem:v5+s24+$0x0] =	vst.idx.msk $0xffff, v2;
	v59 =	vadd.s32 v26, v45  }
0x436: {  	v30 =	vld [tilespmem:$0x1FE60];
	[tilespmem:v7+s24+$0x0] =	vst.idx.msk $0xffff, v6  }
0x437: {  	s9 =	simm.s32 $0x12;
	s11 =	simm.s32 $0x13;
	s8 =	simm.s32 $0x11;
	v49 =	vshrl.u32 v32, $0x3;
	v32 =	vmov v60;
	v60 =	vadd.s32 v60, v38;
	[tilespmem:v51+s24+$0x0] =	vst.idx.msk $0xffff, v48  }
0x438: {  	s13 =	simm.s32 $0x14;
	v55 =	vmov s8;
	v0 =	vmov s9;
	v8 =	vmov s11;
	s11 =	simm.s32 $0x17;
	[tilespmem:v47+s24+$0x0] =	vst.idx.msk $0xffff, v54  }
0x439: {  	s31 =	simm.s32 $0x15;
	v18 =	vmovc v61;
	v61 =	vadd.s32 v61, v41;
	s9 =	simm.s32 $0x16;
	v52 =	vmov s11;
	v9 =	vmov s13;
	v2 =	vld [tilespmem:s0+$0xFFFFFF30];
	[tilespmem:v58+s24+$0x0] =	vst.idx.msk $0xffff, v56  }
0x43a: {  	v10 =	vmov s31;
	s13 =	simm.s32 $0x18;
	v3 =	vmov s9;
	v6 =	vld [tilespmem:s0+$0xFFFFFF70];
	v7 =	vadd.s32 v14, v40;
	[tilespmem:v59+s24+$0x0] =	vst.idx.msk $0xffff, v4  }
0x43b: {  	v16 =	vmovc v14;
	s11 =	simm.s32 $0x1C;
	v53 =	vmov s13;
	s9 =	simm.s32 $0x1B;
	v38 =	vshrl.u32 v9, $0x3;
	v39 =	vadd.s32 v30, v39;
	v14 =	vld [tilespmem:$0x1FE20]  }
0x43c: {  	v57 =	vld [tilespmem:s0+$0xFFFFFFB0];
	s13 =	simm.s32 $0x1D;
	v41 =	vshrl.u32 v10, $0x3;
	v50 =	vmov s9;
	v51 =	vmov s11  }
0x43d: {  	s8 =	simm.s32 $0x1A;
	s31 =	simm.s32 $0x19;
	v48 =	vmov s13;
	v40 =	vshrl.u32 v8, $0x3;
	v63 =	vadd.s32 v63, v43;
	v43 =	vld [tilespmem:s0+$0xB0]  }
0x43e: {  	v46 =	vmov s8;
	v44 =	vadd.s32 v22, v44;
	v45 =	vmov s31;
	s31 =	simm.s32 $0x1E;
	v58 =	vld [tilespmem:s0+$0xFFFFFFF0]  }
0x43f: {  	v54 =	vshll.u32 v49, v1;
	v49 =	vmov s31;
	v56 =	vshrl.u32 v55, $0x3;
	v59 =	vld [tilespmem:s0+$0x30];
	[tilespmem:v7+s24+$0x0] =	vst.idx.msk $0xffff, v6  }
0x440: {  	s6 =	simm.s32 $0x1F;
	v20 =	vmovc v62;
	s11 =	simm.s32 $0x20;
	v55 =	vshrl.u32 v0, $0x3;
	[tilespmem:v39+s24+$0x0] =	vst.idx.msk $0xffff, v2;
	v39 =	vshrl.u32 v3, $0x3;
	v62 =	vadd.s32 v14, v42;
	v42 =	vld [tilespmem:s0+$0x70]  }
.LBB2_21:
0x441: {  	v3 =	vld [tilespmem:s0+$0xF0]  }
0x442: {  	v6 =	vld [tilespmem:s0+$0x130]  }
0x443: {  	v0 =	vshrl.u32 v52, $0x3;
	v4 =	vadd.s32 v26, v34;
	v9 =	vld [tilespmem:s0+$0x170]  }
0x444: {  	v5 =	vshrl.u32 v53, $0x3;
	v7 =	vadd.s32 v30, v35;
	v52 =	vld [tilespmem:s0+$0xFFFFFE30];
	v53 =	vshll.u32 v55, v1;
	[tilespmem:v60+s24+$0x0] =	vst.idx.msk $0xffff, v57  }
0x445: {  	v10 =	vadd.s32 v16, v36;
	v34 =	vshrl.u32 v46, $0x3;
	v46 =	vbroadcast v53, $0x0;
	v53 =	vld [tilespmem:$0x1FFB0];
	[tilespmem:v61+s24+$0x0] =	vst.idx.msk $0xffff, v58  }
0x446: {  	v2 =	vmov s6;
	[tilespmem:v62+s24+$0x0] =	vst.idx.msk $0xffff, v59;
	v61 =	vld [tilespmem:s0+$0x1B0];
	s0 =	sadd.s32 $0x400, s0  }
0x447: {  	v47 =	vadd.s32 v14, v33;
	v33 =	vbroadcast v54, $0x0;
	v2 =	vshrl.u32 v2, $0x3;
	[tilespmem:v63+s24+$0x0] =	vst.idx.msk $0xffff, v42;
	v54 =	vld [tilespmem:s0+$0x1C0]  }
0x448: {  	v0 =	vshll.u32 v0, v1;
	v2 =	vshll.u32 v2, v1;
	[tilespmem:v4+s24+$0x0] =	vst.idx.msk $0xffff, v3;
	v3 =	vld [tilespmem:s0+$0xFFFFFE00]  }
0x449: {  	v2 =	vbroadcast v2, $0x0;
	v62 =	vadd.s32 v32, v37;
	v63 =	vshll.u32 v56, v1;
	[tilespmem:v7+s24+$0x0] =	vst.idx.msk $0xffff, v6;
	v6 =	vld [tilespmem:s0+$0xFFFFFE40]  }
0x44a: {  	v8 =	vshrl.u32 v45, $0x3;
	v56 =	vadd.s32 v11, v33;
	v57 =	vshll.u32 v40, v1;
	[tilespmem:v10+s24+$0x0] =	vst.idx.msk $0xffff, v9;
	v9 =	vld [tilespmem:s0+$0xFFFFFE80]  }
0x44b: {  	v59 =	vshll.u32 v38, v1;
	v37 =	vshrl.u32 v50, $0x3;
	v55 =	vadd.s32 v28, v2;
	v60 =	vld [tilespmem:s0+$0xFFFFFEC0]  }
0x44c: {  	v42 =	vbroadcast v0, $0x0;
	v0 =	vshll.u32 v5, v1;
	v45 =	vbroadcast v63, $0x0;
	v5 =	vld [tilespmem:s0+$0xFFFFFF80]  }
0x44d: {  	[tilespmem:v44+s24+$0x0] =	vst.idx.msk $0xffff, v43;
	v10 =	vadd.s32 v19, v46;
	v43 =	vbroadcast v0, $0x0;
	v0 =	vshll.u32 v8, v1;
	v8 =	vld [tilespmem:s0+$0xFFFFFFC0]  }
0x44e: {  	v50 =	vshrl.u32 v51, $0x3;
	v40 =	vbroadcast v57, $0x0;
	[tilespmem:v47+s24+$0x0] =	vst.idx.msk $0xffff, v52;
	v52 =	vld [tilespmem:$0x1FFA0];
	v58 =	vadd.s32 v15, v45  }
0x44f: {  	v44 =	vbroadcast v0, $0x0;
	v0 =	vshrl.u32 v48, $0x3;
	v48 =	vld [tilespmem:s0+$0x0];
	v51 =	vadd.s32 v11, v43;
	[tilespmem:v62+s24+$0x0] =	vst.idx.msk $0xffff, v61  }
0x450: {  	v39 =	vshll.u32 v39, v1;
	v38 =	vbroadcast v59, $0x0;
	v61 =	vadd.s32 v23, v40;
	v62 =	vld [tilespmem:s0+$0xFFFFFF00];
	[tilespmem:v55+s24+$0x0] =	vst.idx.msk $0xffff, v54  }
0x451: {  	v41 =	vshll.u32 v41, v1;
	v39 =	vbroadcast v39, $0x0;
	[tilespmem:v56+s24+$0x0] =	vst.idx.msk $0xffff, v3;
	v55 =	vld [tilespmem:$0x1FF50]  }
0x452: {  	v41 =	vbroadcast v41, $0x0;
	v63 =	vadd.s32 v27, v38;
	[tilespmem:v10+s24+$0x0] =	vst.idx.msk $0xffff, v9;
	v56 =	vld [tilespmem:$0x1FF60]  }
0x453: {  	v9 =	vadd.s32 v20, v39;
	[tilespmem:v58+s24+$0x0] =	vst.idx.msk $0xffff, v6;
	v58 =	vld [tilespmem:s0+$0xFFFFFF40]  }
0x454: {  	v59 =	vadd.s32 v31, v41;
	[tilespmem:v51+s24+$0x0] =	vst.idx.msk $0xffff, v48;
	v51 =	vld [tilespmem:$0x1FF90]  }
0x455: {  	[tilespmem:v61+s24+$0x0] =	vst.idx.msk $0xffff, v60;
	v60 =	vld [tilespmem:s0+$0x40];
	v61 =	vadd.s32 v15, v44  }
0x456: {  	v49 =	vshrl.u32 v49, $0x3;
	v0 =	vshll.u32 v0, v1;
	v3 =	vld [tilespmem:s0+$0x1D0];
	v57 =	vadd.s32 v55, v2  }
0x457: {  	v34 =	vshll.u32 v34, v1;
	v36 =	vbroadcast v0, $0x0;
	v0 =	vshll.u32 v49, v1;
	v54 =	vld [tilespmem:s0+$0x80];
	[tilespmem:v63+s24+$0x0] =	vst.idx.msk $0xffff, v62  }
0x458: {  	v10 =	vadd.s32 v28, v42;
	v62 =	vshll.u32 v37, v1;
	v37 =	vbroadcast v0, $0x0;
	v0 =	vld [tilespmem:s0+$0x140];
	[tilespmem:v9+s24+$0x0] =	vst.idx.msk $0xffff, v5  }
0x459: {  	v47 =	vbroadcast v34, $0x0;
	v9 =	vld [tilespmem:s0+$0x100];
	[tilespmem:v59+s24+$0x0] =	vst.idx.msk $0xffff, v58;
	v58 =	vadd.s32 v31, v36  }
0x45a: {  	v34 =	vbroadcast v62, $0x0;
	v62 =	vadd.s32 v51, v45;
	[tilespmem:v61+s24+$0x0] =	vst.idx.msk $0xffff, v60;
	v61 =	vld [tilespmem:s0+$0xFFFFFE50]  }
0x45b: {  	v59 =	vld [tilespmem:s0+$0x180];
	[tilespmem:v57+s24+$0x0] =	vst.idx.msk $0xffff, v3;
	v57 =	vadd.s32 v19, v47  }
0x45c: {  	v63 =	vadd.s32 v56, v2;
	v3 =	vshll.u32 v50, v1;
	v4 =	vld [tilespmem:s0+$0x1E0]  }
0x45d: {  	[tilespmem:v10+s24+$0x0] =	vst.idx.msk $0xffff, v8;
	v8 =	vadd.s32 v23, v34;
	v35 =	vbroadcast v3, $0x0;
	v3 =	vld [tilespmem:s0+$0xC0]  }
0x45e: {  	v50 =	vld [tilespmem:$0x1FFD0];
	[tilespmem:v58+s24+$0x0] =	vst.idx.msk $0xffff, v0  }
0x45f: {  	v0 =	vld [tilespmem:s0+$0xFFFFFF10];
	[tilespmem:v62+s24+$0x0] =	vst.idx.msk $0xffff, v61  }
0x460: {  	v10 =	vadd.s32 v27, v35;
	v62 =	vld [tilespmem:$0x1FE00];
	[tilespmem:v57+s24+$0x0] =	vst.idx.msk $0xffff, v54  }
0x461: {  	v60 =	vadd.s32 v20, v37;
	v54 =	vld [tilespmem:$0x1FFC0];
	[tilespmem:v63+s24+$0x0] =	vst.idx.msk $0xffff, v4  }
0x462: {  	[tilespmem:v8+s24+$0x0] =	vst.idx.msk $0xffff, v3;
	v3 =	vld [tilespmem:s0+$0xFFFFFE90];
	v63 =	vadd.s32 v52, v46  }
0x463: {  	v57 =	vld [tilespmem:s0+$0xFFFFFF50];
	v58 =	vadd.s32 v50, v41  }
0x464: {  	v2 =	vadd.s32 v18, v2;
	v4 =	vld [tilespmem:s0+$0x1F0]  }
0x465: {  	v8 =	vld [tilespmem:s0+$0xFFFFFED0];
	[tilespmem:v10+s24+$0x0] =	vst.idx.msk $0xffff, v9;
	v9 =	vadd.s32 v53, v40  }
0x466: {  	[tilespmem:v60+s24+$0x0] =	vst.idx.msk $0xffff, v59;
	v61 =	vld [tilespmem:s0+$0x10];
	v10 =	vadd.s32 v54, v38  }
0x467: {  	v60 =	vadd.s32 v55, v42;
	[tilespmem:v63+s24+$0x0] =	vst.idx.msk $0xffff, v3;
	v3 =	vld [tilespmem:s0+$0xFFFFFFD0]  }
0x468: {  	v55 =	vld [tilespmem:$0x1FF30];
	[tilespmem:v58+s24+$0x0] =	vst.idx.msk $0xffff, v57;
	v63 =	vadd.s32 v62, v43  }
0x469: {  	[tilespmem:v2+s24+$0x0] =	vst.idx.msk $0xffff, v4;
	v2 =	vld [tilespmem:s0+$0xFFFFFF90]  }
0x46a: {  	v59 =	vadd.s32 v24, v39;
	[tilespmem:v9+s24+$0x0] =	vst.idx.msk $0xffff, v8;
	v9 =	vld [tilespmem:s0+$0x90]  }
0x46b: {  	v8 =	vadd.s32 v51, v44;
	[tilespmem:v10+s24+$0x0] =	vst.idx.msk $0xffff, v0;
	v0 =	vld [tilespmem:s0+$0x50]  }
0x46c: {  	v10 =	vadd.s32 v52, v47;
	[tilespmem:v60+s24+$0x0] =	vst.idx.msk $0xffff, v3;
	v3 =	vld [tilespmem:s0+$0x110]  }
0x46d: {  	v58 =	vadd.s32 v54, v35;
	[tilespmem:v63+s24+$0x0] =	vst.idx.msk $0xffff, v61;
	v61 =	vld [tilespmem:s0+$0xFFFFFE10]  }
0x46e: {  	v57 =	vadd.s32 v53, v34;
	v62 =	vadd.s32 v62, v33;
	v53 =	vld [tilespmem:s0+$0xFFFFFF20]  }
0x46f: {  	[tilespmem:v59+s24+$0x0] =	vst.idx.msk $0xffff, v2;
	v2 =	vld [tilespmem:s0+$0xD0]  }
0x470: {  	v60 =	vadd.s32 v50, v36;
	v59 =	vld [tilespmem:s0+$0x150];
	[tilespmem:v8+s24+$0x0] =	vst.idx.msk $0xffff, v0  }
0x471: {  	v0 =	vld [tilespmem:s0+$0x190];
	[tilespmem:v10+s24+$0x0] =	vst.idx.msk $0xffff, v9  }
0x472: {  	v8 =	vadd.s32 v24, v37;
	v9 =	vld [tilespmem:s0+$0xFFFFFE60];
	[tilespmem:v58+s24+$0x0] =	vst.idx.msk $0xffff, v3  }
0x473: {  	v10 =	vadd.s32 v17, v45;
	v3 =	vld [tilespmem:s0+$0xFFFFFEE0];
	[tilespmem:v62+s24+$0x0] =	vst.idx.msk $0xffff, v61  }
0x474: {  	v52 =	vadd.s32 v25, v40;
	[tilespmem:v57+s24+$0x0] =	vst.idx.msk $0xffff, v2;
	v2 =	vld [tilespmem:s0+$0xFFFFFEA0]  }
0x475: {  	v54 =	vadd.s32 v29, v38;
	[tilespmem:v60+s24+$0x0] =	vst.idx.msk $0xffff, v59;
	v59 =	vld [tilespmem:s0+$0x60]  }
0x476: {  	v63 =	vadd.s32 v21, v46;
	v48 =	vld [tilespmem:s0+$0xFFFFFE20]  }
0x477: {  	v60 =	vadd.s32 v17, v44;
	[tilespmem:v8+s24+$0x0] =	vst.idx.msk $0xffff, v0;
	v0 =	vld [tilespmem:s0+$0xFFFFFF60]  }
0x478: {  	v51 =	vadd.s32 v13, v33;
	[tilespmem:v10+s24+$0x0] =	vst.idx.msk $0xffff, v9;
	v9 =	vld [tilespmem:s0+$0xFFFFFFA0]  }
0x479: {  	v8 =	vadd.s32 v12, v41;
	[tilespmem:v52+s24+$0x0] =	vst.idx.msk $0xffff, v3;
	v3 =	vld [tilespmem:s0+$0x20]  }
0x47a: {  	[tilespmem:v54+s24+$0x0] =	vst.idx.msk $0xffff, v53;
	v10 =	vadd.s32 v55, v39;
	v6 =	vld [tilespmem:s0+$0x1A0]  }
0x47b: {  	v58 =	vadd.s32 v13, v43;
	v54 =	vld [tilespmem:s0+$0xFFFFFE70];
	[tilespmem:v63+s24+$0x0] =	vst.idx.msk $0xffff, v2  }
0x47c: {  	v57 =	vadd.s32 v56, v42;
	v2 =	vld [tilespmem:s0+$0xFFFFFFE0];
	[tilespmem:v60+s24+$0x0] =	vst.idx.msk $0xffff, v59  }
0x47d: {  	v7 =	vadd.s32 v55, v37;
	v63 =	vld [tilespmem:$0x1FE30];
	[tilespmem:v51+s24+$0x0] =	vst.idx.msk $0xffff, v48  }
0x47e: {  	[tilespmem:v8+s24+$0x0] =	vst.idx.msk $0xffff, v0;
	v0 =	vld [tilespmem:s0+$0xA0];
	v8 =	vadd.s32 v21, v47  }
0x47f: {  	[tilespmem:v10+s24+$0x0] =	vst.idx.msk $0xffff, v9;
	v9 =	vld [tilespmem:s0+$0xE0];
	v10 =	vadd.s32 v25, v34  }
0x480: {  	v5 =	vadd.s32 v12, v36;
	v61 =	vmov s11;
	[tilespmem:v58+s24+$0x0] =	vst.idx.msk $0xffff, v3;
	v3 =	vld [tilespmem:s0+$0x160]  }
0x481: {  	s13 =	sadd.s32 $0x1, s11;
	v4 =	vadd.s32 v29, v35;
	v40 =	vadd.s32 v26, v40;
	v49 =	vshrl.u32 v61, $0x3;
	[tilespmem:v57+s24+$0x0] =	vst.idx.msk $0xffff, v2;
	v2 =	vld [tilespmem:s0+$0x120]  }
0x482: {  	v61 =	vadd.s32 v18, v42;
	v55 =	vmov s13;
	v59 =	vadd.s32 v22, v46;
	v58 =	vld [tilespmem:s0+$0xFFFFFEB0];
	[tilespmem:v7+s24+$0x0] =	vst.idx.msk $0xffff, v6  }
0x483: {  	s31 =	sadd.s32 $0x2, s11;
	v56 =	vshrl.u32 v55, $0x3;
	v60 =	vadd.s32 v32, v39;
	v6 =	vld [tilespmem:s0+$0xFFFFFF70];
	v7 =	vadd.s32 v16, v41;
	[tilespmem:v8+s24+$0x0] =	vst.idx.msk $0xffff, v0  }
0x484: {  	s8 =	sadd.s32 $0x3, s11;
	s9 =	sadd.s32 $0x5, s11;
	v42 =	vld [tilespmem:s0+$0x70];
	v62 =	vadd.s32 v63, v45;
	v63 =	vadd.s32 v63, v44;
	v0 =	vmov s31;
	[tilespmem:v10+s24+$0x0] =	vst.idx.msk $0xffff, v9  }
0x485: {  	v8 =	vmov s8;
	s8 =	sadd.s32 $0x4, s11;
	v10 =	vmov s9;
	s31 =	sadd.s32 $0x7, s11;
	[tilespmem:v5+s24+$0x0] =	vst.idx.msk $0xffff, v3;
	v3 =	vld [tilespmem:s0+$0xFFFFFF30];
	v5 =	vadd.s32 v30, v38  }
0x486: {  	p0 =	slt.u32 s11, $0x70;
	s13 =	sadd.s32 $0x6, s11;
	v44 =	vadd.s32 v22, v47;
	s9 =	sadd.s32 $0x9, s11;
	v9 =	vmov s8;
	v52 =	vmov s31;
	[tilespmem:v4+s24+$0x0] =	vst.idx.msk $0xffff, v2;
	v4 =	vld [tilespmem:s0+$0xFFFFFEF0]  }
.Ltmp12:
0x487: {  	v57 =	vld [tilespmem:s0+$0xFFFFFFB0];
	s8 =	sadd.s32 $0x8, s11;
	v45 =	vmov s9;
	s31 =	sadd.s32 $0xB, s11;
	[tilespmem:v59+s24+$0x0] =	vst.idx.msk $0xffff, v58;
	v55 =	vshrl.u32 v0, $0x3;
	v41 =	vshrl.u32 v10, $0x3;
	(pc) =	sbr.rel @p0 .LBB2_21-.Ltmp12, $4  }
0x488: {  	s9 =	sadd.s32 $0xC, s11;
	[tilespmem:v7+s24+$0x0] =	vst.idx.msk $0xffff, v6;
	v2 =	vmov s13;
	v53 =	vmov s8;
	v50 =	vmov s31  }
0x489: {  	v58 =	vld [tilespmem:s0+$0xFFFFFFF0];
	s13 =	sadd.s32 $0xA, s11;
	v51 =	vmov s9;
	s31 =	sadd.s32 $0xE, s11;
	[tilespmem:v62+s24+$0x0] =	vst.idx.msk $0xffff, v54;
	v54 =	vshll.u32 v49, v1;
	v62 =	vadd.s32 v14, v43  }
0x48a: {  	v59 =	vld [tilespmem:s0+$0x30];
	v38 =	vshrl.u32 v9, $0x3;
	v46 =	vmov s13;
	s13 =	sadd.s32 $0xD, s11;
	v49 =	vmov s31;
	[tilespmem:v5+s24+$0x0] =	vst.idx.msk $0xffff, v3  }
0x48b: {  	s6 =	sadd.s32 $0xF, s11;
	v43 =	vld [tilespmem:s0+$0xB0];
	v39 =	vshrl.u32 v2, $0x3;
	s11 =	sadd.s32 $0x10, s11;
	v48 =	vmov s13;
	[tilespmem:v40+s24+$0x0] =	vst.idx.msk $0xffff, v4;
	v40 =	vshrl.u32 v8, $0x3  }
0x48c: {  	_ =	sdelay $0x3  }
0x48d: {  	v2 =	vmov s6;
	[tilespmem:v60+s24+$0x0] =	vst.idx.msk $0xffff, v57;
	v3 =	vld [tilespmem:s0+$0xF0];
	v4 =	vadd.s32 v26, v34  }
0x48e: {  	v6 =	vld [tilespmem:s0+$0x130];
	v7 =	vadd.s32 v30, v35;
	[tilespmem:v63+s24+$0x0] =	vst.idx.msk $0xffff, v42;
	v2 =	vshrl.u32 v2, $0x3  }
0x48f: {  	v9 =	vld [tilespmem:s0+$0x170];
	v10 =	vadd.s32 v16, v36;
	[tilespmem:v61+s24+$0x0] =	vst.idx.msk $0xffff, v58;
	v2 =	vshll.u32 v2, v1  }
0x490: {  	v47 =	vld [tilespmem:s0+$0xFFFFFE30];
	v57 =	vadd.s32 v14, v33;
	[tilespmem:v62+s24+$0x0] =	vst.idx.msk $0xffff, v59;
	v2 =	vbroadcast v2, $0x0  }
0x491: {  	v63 =	vadd.s32 v32, v37;
	v34 =	vbroadcast v54, $0x0;
	s9 =	sadd.s32 $0x400, s0;
	v62 =	vld [tilespmem:s0+$0x1B0];
	[tilespmem:v44+s24+$0x0] =	vst.idx.msk $0xffff, v43  }
0x492: {  	v43 =	vld [tilespmem:s9+$0x1C0];
	v59 =	vadd.s32 v28, v2;
	[tilespmem:v4+s24+$0x0] =	vst.idx.msk $0xffff, v3  }
0x493: {  	v3 =	vld [tilespmem:s9+$0xFFFFFE00];
	v4 =	vadd.s32 v11, v34;
	[tilespmem:v7+s24+$0x0] =	vst.idx.msk $0xffff, v6  }
0x494: {  	[tilespmem:v10+s24+$0x0] =	vst.idx.msk $0xffff, v9  }
0x495: {  	v56 =	vshll.u32 v56, v1;
	[tilespmem:v57+s24+$0x0] =	vst.idx.msk $0xffff, v47  }
0x496: {  	v33 =	vbroadcast v56, $0x0;
	[tilespmem:v63+s24+$0x0] =	vst.idx.msk $0xffff, v62  }
0x497: {  	v58 =	vshll.u32 v55, v1;
	[tilespmem:v59+s24+$0x0] =	vst.idx.msk $0xffff, v43  }
0x498: {  	v61 =	vshll.u32 v38, v1;
	v35 =	vbroadcast v58, $0x0;
	v6 =	vld [tilespmem:s9+$0xFFFFFE40];
	v7 =	vadd.s32 v15, v33;
	[tilespmem:v4+s24+$0x0] =	vst.idx.msk $0xffff, v3  }
0x499: {  	v60 =	vshll.u32 v40, v1;
	v37 =	vbroadcast v61, $0x0;
	v54 =	vld [tilespmem:$0x1FF50]  }
0x49a: {  	v36 =	vbroadcast v60, $0x0;
	v56 =	vshll.u32 v41, v1;
	v9 =	vld [tilespmem:s9+$0xFFFFFE80];
	v10 =	vadd.s32 v19, v35  }
0x49b: {  	v38 =	vbroadcast v56, $0x0;
	v57 =	vld [tilespmem:s9+$0xFFFFFF00];
	v58 =	vadd.s32 v27, v37  }
0x49c: {  	v62 =	vld [tilespmem:s9+$0xFFFFFEC0];
	v63 =	vadd.s32 v23, v36  }
0x49d: {  	[tilespmem:v7+s24+$0x0] =	vst.idx.msk $0xffff, v6;
	v6 =	vld [tilespmem:s9+$0xFFFFFF40];
	v7 =	vadd.s32 v31, v38  }
0x49e: {  	v3 =	vld [tilespmem:s9+$0x1D0];
	v4 =	vadd.s32 v54, v2  }
0x49f: {  	[tilespmem:v10+s24+$0x0] =	vst.idx.msk $0xffff, v9  }
0x4a0: {  	v0 =	vshrl.u32 v52, $0x3;
	v39 =	vshll.u32 v39, v1;
	[tilespmem:v58+s24+$0x0] =	vst.idx.msk $0xffff, v57  }
0x4a1: {  	v5 =	vshrl.u32 v53, $0x3;
	v8 =	vshrl.u32 v45, $0x3;
	v39 =	vbroadcast v39, $0x0;
	[tilespmem:v63+s24+$0x0] =	vst.idx.msk $0xffff, v62  }
0x4a2: {  	v45 =	vshrl.u32 v46, $0x3;
	v51 =	vshrl.u32 v51, $0x3;
	v0 =	vshll.u32 v0, v1;
	[tilespmem:v7+s24+$0x0] =	vst.idx.msk $0xffff, v6  }
0x4a3: {  	v40 =	vbroadcast v0, $0x0;
	v0 =	vshll.u32 v5, v1;
	v5 =	vld [tilespmem:s9+$0xFFFFFF80];
	v9 =	vadd.s32 v20, v39;
	[tilespmem:v4+s24+$0x0] =	vst.idx.msk $0xffff, v3  }
0x4a4: {  	v41 =	vbroadcast v0, $0x0;
	v0 =	vshll.u32 v8, v1;
	v3 =	vshll.u32 v51, v1;
	v51 =	vld [tilespmem:$0x1FF60]  }
0x4a5: {  	v8 =	vld [tilespmem:s9+$0xFFFFFFC0];
	v61 =	vshll.u32 v45, v1;
	v42 =	vbroadcast v0, $0x0;
	v10 =	vadd.s32 v28, v40  }
0x4a6: {  	v50 =	vshrl.u32 v50, $0x3;
	v60 =	vadd.s32 v11, v41;
	v59 =	vld [tilespmem:s9+$0x0];
	v43 =	vbroadcast v61, $0x0  }
0x4a7: {  	v50 =	vshll.u32 v50, v1;
	v62 =	vld [tilespmem:s9+$0x40];
	v63 =	vadd.s32 v15, v42  }
0x4a8: {  	v44 =	vbroadcast v50, $0x0;
	v7 =	vadd.s32 v19, v43;
	[tilespmem:v9+s24+$0x0] =	vst.idx.msk $0xffff, v5;
	v5 =	vld [tilespmem:s9+$0x80]  }
0x4a9: {  	v4 =	vld [tilespmem:s9+$0x1E0];
	v45 =	vbroadcast v3, $0x0;
	v6 =	vadd.s32 v51, v2  }
0x4aa: {  	v0 =	vshrl.u32 v48, $0x3;
	[tilespmem:v10+s24+$0x0] =	vst.idx.msk $0xffff, v8;
	v3 =	vld [tilespmem:s9+$0xC0];
	v8 =	vadd.s32 v23, v44  }
0x4ab: {  	v0 =	vshll.u32 v0, v1;
	[tilespmem:v60+s24+$0x0] =	vst.idx.msk $0xffff, v59;
	v9 =	vld [tilespmem:s9+$0x100];
	v10 =	vadd.s32 v27, v45  }
0x4ac: {  	v49 =	vshrl.u32 v49, $0x3;
	v46 =	vbroadcast v0, $0x0;
	[tilespmem:v63+s24+$0x0] =	vst.idx.msk $0xffff, v62  }
0x4ad: {  	v55 =	vld [tilespmem:s9+$0x180];
	v0 =	vshll.u32 v49, v1;
	[tilespmem:v7+s24+$0x0] =	vst.idx.msk $0xffff, v5  }
0x4ae: {  	v47 =	vbroadcast v0, $0x0;
	v0 =	vld [tilespmem:s9+$0x140];
	v53 =	vadd.s32 v31, v46;
	[tilespmem:v6+s24+$0x0] =	vst.idx.msk $0xffff, v4  }
0x4af: {  	v11 =	vld [tilespmem:$0x1FF90];
	[tilespmem:v8+s24+$0x0] =	vst.idx.msk $0xffff, v3  }
0x4b0: {  	v15 =	vld [tilespmem:$0x1FFA0];
	[tilespmem:v10+s24+$0x0] =	vst.idx.msk $0xffff, v9  }
0x4b1: {  	v56 =	vadd.s32 v20, v47;
	v62 =	vld [tilespmem:$0x1FFB0]  }
0x4b2: {  	v5 =	vld [tilespmem:s9+$0xFFFFFE50]  }
0x4b3: {  	v2 =	vadd.s32 v18, v2;
	v4 =	vld [tilespmem:s9+$0x1F0];
	[tilespmem:v53+s24+$0x0] =	vst.idx.msk $0xffff, v0  }
0x4b4: {  	v23 =	vld [tilespmem:$0x1FFC0];
	v6 =	vadd.s32 v11, v33  }
0x4b5: {  	v3 =	vld [tilespmem:s9+$0xFFFFFE90];
	v7 =	vadd.s32 v15, v35  }
0x4b6: {  	v8 =	vld [tilespmem:s9+$0xFFFFFED0];
	[tilespmem:v56+s24+$0x0] =	vst.idx.msk $0xffff, v55;
	v9 =	vadd.s32 v62, v36  }
0x4b7: {  	v27 =	vld [tilespmem:$0x1FFD0]  }
0x4b8: {  	[tilespmem:v2+s24+$0x0] =	vst.idx.msk $0xffff, v4  }
0x4b9: {  	v0 =	vld [tilespmem:s9+$0xFFFFFF10];
	v10 =	vadd.s32 v23, v37;
	[tilespmem:v6+s24+$0x0] =	vst.idx.msk $0xffff, v5  }
0x4ba: {  	v57 =	vld [tilespmem:s9+$0xFFFFFF50];
	[tilespmem:v7+s24+$0x0] =	vst.idx.msk $0xffff, v3  }
0x4bb: {  	v2 =	vld [tilespmem:s9+$0xFFFFFF90];
	v4 =	vadd.s32 v24, v39;
	[tilespmem:v9+s24+$0x0] =	vst.idx.msk $0xffff, v8  }
0x4bc: {  	v58 =	vadd.s32 v27, v38;
	v31 =	vld [tilespmem:$0x1FE00]  }
0x4bd: {  	v5 =	vadd.s32 v54, v40;
	v3 =	vld [tilespmem:s9+$0xFFFFFFD0]  }
0x4be: {  	v8 =	vadd.s32 v11, v42;
	[tilespmem:v10+s24+$0x0] =	vst.idx.msk $0xffff, v0;
	v0 =	vld [tilespmem:s9+$0x50]  }
0x4bf: {  	v9 =	vld [tilespmem:s9+$0x90];
	v10 =	vadd.s32 v15, v43  }
0x4c0: {  	[tilespmem:v4+s24+$0x0] =	vst.idx.msk $0xffff, v2;
	v2 =	vld [tilespmem:s9+$0xD0];
	v4 =	vadd.s32 v62, v44  }
0x4c1: {  	v6 =	vld [tilespmem:s9+$0x10];
	[tilespmem:v58+s24+$0x0] =	vst.idx.msk $0xffff, v57;
	v7 =	vadd.s32 v31, v41  }
0x4c2: {  	[tilespmem:v5+s24+$0x0] =	vst.idx.msk $0xffff, v3;
	v3 =	vld [tilespmem:s9+$0x110];
	v5 =	vadd.s32 v23, v45  }
0x4c3: {  	[tilespmem:v8+s24+$0x0] =	vst.idx.msk $0xffff, v0;
	v0 =	vld [tilespmem:s9+$0x190];
	v8 =	vadd.s32 v24, v47  }
0x4c4: {  	v59 =	vld [tilespmem:s9+$0xFFFFFE10];
	v60 =	vadd.s32 v31, v34;
	[tilespmem:v10+s24+$0x0] =	vst.idx.msk $0xffff, v9  }
0x4c5: {  	v9 =	vld [tilespmem:s9+$0xFFFFFE60];
	v10 =	vadd.s32 v17, v33;
	[tilespmem:v4+s24+$0x0] =	vst.idx.msk $0xffff, v2  }
0x4c6: {  	[tilespmem:v7+s24+$0x0] =	vst.idx.msk $0xffff, v6;
	v6 =	vld [tilespmem:s9+$0x150];
	v7 =	vadd.s32 v27, v46  }
0x4c7: {  	[tilespmem:v5+s24+$0x0] =	vst.idx.msk $0xffff, v3  }
0x4c8: {  	v2 =	vld [tilespmem:s9+$0xFFFFFEA0];
	v4 =	vadd.s32 v21, v35;
	[tilespmem:v8+s24+$0x0] =	vst.idx.msk $0xffff, v0  }
0x4c9: {  	v3 =	vld [tilespmem:s9+$0xFFFFFEE0];
	v5 =	vadd.s32 v25, v36;
	[tilespmem:v60+s24+$0x0] =	vst.idx.msk $0xffff, v59  }
0x4ca: {  	v0 =	vld [tilespmem:s9+$0xFFFFFF60];
	v8 =	vadd.s32 v12, v38;
	[tilespmem:v10+s24+$0x0] =	vst.idx.msk $0xffff, v9  }
0x4cb: {  	[tilespmem:v7+s24+$0x0] =	vst.idx.msk $0xffff, v6;
	v6 =	vld [tilespmem:s9+$0xFFFFFF20];
	v7 =	vadd.s32 v29, v37  }
0x4cc: {  	v50 =	vld [tilespmem:$0x1FF30]  }
0x4cd: {  	[tilespmem:v4+s24+$0x0] =	vst.idx.msk $0xffff, v2;
	v2 =	vld [tilespmem:s9+$0xFFFFFFE0];
	v4 =	vadd.s32 v51, v40  }
0x4ce: {  	[tilespmem:v5+s24+$0x0] =	vst.idx.msk $0xffff, v3;
	v3 =	vld [tilespmem:s9+$0x20];
	v5 =	vadd.s32 v13, v41  }
0x4cf: {  	[tilespmem:v8+s24+$0x0] =	vst.idx.msk $0xffff, v0;
	v0 =	vld [tilespmem:s9+$0xA0];
	v8 =	vadd.s32 v21, v43  }
0x4d0: {  	[tilespmem:v7+s24+$0x0] =	vst.idx.msk $0xffff, v6;
	v6 =	vld [tilespmem:s9+$0x60];
	v7 =	vadd.s32 v17, v42  }
0x4d1: {  	v9 =	vld [tilespmem:s9+$0xFFFFFFA0];
	v10 =	vadd.s32 v50, v39  }
0x4d2: {  	[tilespmem:v4+s24+$0x0] =	vst.idx.msk $0xffff, v2;
	v2 =	vld [tilespmem:s9+$0x120];
	v4 =	vadd.s32 v29, v45  }
0x4d3: {  	[tilespmem:v5+s24+$0x0] =	vst.idx.msk $0xffff, v3;
	v3 =	vld [tilespmem:s9+$0x160];
	v5 =	vadd.s32 v12, v46  }
0x4d4: {  	v61 =	vadd.s32 v13, v34;
	v48 =	vld [tilespmem:s9+$0xFFFFFE20];
	[tilespmem:v8+s24+$0x0] =	vst.idx.msk $0xffff, v0  }
0x4d5: {  	[tilespmem:v7+s24+$0x0] =	vst.idx.msk $0xffff, v6;
	v6 =	vld [tilespmem:s9+$0x1A0]  }
0x4d6: {  	[tilespmem:v10+s24+$0x0] =	vst.idx.msk $0xffff, v9;
	v9 =	vld [tilespmem:s9+$0xE0];
	v10 =	vadd.s32 v25, v44  }
0x4d7: {  	v7 =	vadd.s32 v50, v47;
	v12 =	vld [tilespmem:$0x1FE30];
	[tilespmem:v4+s24+$0x0] =	vst.idx.msk $0xffff, v2  }
0x4d8: {  	v2 =	vld [tilespmem:s9+$0xFFFFFEF0];
	v4 =	vadd.s32 v26, v36;
	[tilespmem:v5+s24+$0x0] =	vst.idx.msk $0xffff, v3  }
0x4d9: {  	v3 =	vld [tilespmem:s9+$0xFFFFFF30];
	v5 =	vadd.s32 v30, v37;
	[tilespmem:v61+s24+$0x0] =	vst.idx.msk $0xffff, v48  }
0x4da: {  	v34 =	vadd.s32 v14, v34;
	v63 =	vld [tilespmem:s9+$0xFFFFFE30]  }
0x4db: {  	[tilespmem:v10+s24+$0x0] =	vst.idx.msk $0xffff, v9;
	v9 =	vld [tilespmem:s9+$0xFFFFFEB0];
	v10 =	vadd.s32 v22, v35  }
0x4dc: {  	v0 =	vld [tilespmem:s9+$0xFFFFFE70];
	[tilespmem:v7+s24+$0x0] =	vst.idx.msk $0xffff, v6;
	v8 =	vadd.s32 v12, v33  }
0x4dd: {  	v6 =	vld [tilespmem:s9+$0xFFFFFF70];
	v7 =	vadd.s32 v16, v38;
	[tilespmem:v4+s24+$0x0] =	vst.idx.msk $0xffff, v2  }
0x4de: {  	v2 =	vld [tilespmem:s9+$0x30];
	v4 =	vadd.s32 v14, v41;
	[tilespmem:v5+s24+$0x0] =	vst.idx.msk $0xffff, v3  }
0x4df: {  	v3 =	vld [tilespmem:s9+$0x70];
	v5 =	vadd.s32 v12, v42;
	[tilespmem:v34+s24+$0x0] =	vst.idx.msk $0xffff, v63  }
0x4e0: {  	[tilespmem:v10+s24+$0x0] =	vst.idx.msk $0xffff, v9;
	v9 =	vld [tilespmem:s9+$0xFFFFFFF0];
	v10 =	vadd.s32 v18, v40  }
0x4e1: {  	[tilespmem:v8+s24+$0x0] =	vst.idx.msk $0xffff, v0;
	v0 =	vld [tilespmem:s9+$0xFFFFFFB0];
	v8 =	vadd.s32 v32, v39  }
0x4e2: {  	[tilespmem:v7+s24+$0x0] =	vst.idx.msk $0xffff, v6;
	v6 =	vld [tilespmem:s9+$0xB0];
	v7 =	vadd.s32 v22, v43  }
0x4e3: {  	[tilespmem:v4+s24+$0x0] =	vst.idx.msk $0xffff, v2;
	v2 =	vld [tilespmem:s9+$0x170];
	v4 =	vadd.s32 v16, v46  }
0x4e4: {  	[tilespmem:v5+s24+$0x0] =	vst.idx.msk $0xffff, v3;
	v3 =	vld [tilespmem:s9+$0x1B0];
	v5 =	vadd.s32 v32, v47  }
0x4e5: {  	[tilespmem:v10+s24+$0x0] =	vst.idx.msk $0xffff, v9;
	v9 =	vld [tilespmem:s9+$0x130];
	v10 =	vadd.s32 v30, v45  }
0x4e6: {  	[tilespmem:v8+s24+$0x0] =	vst.idx.msk $0xffff, v0;
	v0 =	vld [tilespmem:s9+$0xF0];
	v8 =	vadd.s32 v26, v44  }
0x4e7: {  	[tilespmem:v7+s24+$0x0] =	vst.idx.msk $0xffff, v6  }
0x4e8: {  	s11 =	sshll.u32 s1, $0x7;
	[tilespmem:v4+s24+$0x0] =	vst.idx.msk $0xffff, v2  }
0x4e9: {  	s13 =	sshll.u32 s1, $0xA;
	s0 =	sand.u32 $0x3F80, s11;
	[tilespmem:v5+s24+$0x0] =	vst.idx.msk $0xffff, v3  }
0x4ea: {  	s1 =	sand.u32 $0xFFE0000, s13;
	s0 =	sadd.s32 s2, s0;
	[tilespmem:v10+s24+$0x0] =	vst.idx.msk $0xffff, v9  }
0x4eb: {  	s31 =	simm.s32 $0x14A00;
	s1 =	sadd.s32 s1, s0;
	[tilespmem:v8+s24+$0x0] =	vst.idx.msk $0xffff, v0  }
0x4ec: {  	[hbm4b:s1+s3] =	stream.linear.scatter [tilespmem:s31], [sflag:$0x8], $0x80, $0x38;
	[tilespmem:$0x16C00] =	vst v63  }
0x4ed: {  	s6 =	simm.s32 $0x14A88;
	s8 =	sadd.s32 $0x10, s1  }
0x4ee: {  	[hbm4b:s8+s3] =	stream.linear.scatter [tilespmem:s6], [sflag:$0x8], $0x80, $0x38;
	[tilespmem:$0x16C00] =	vst v63  }
0x4ef: {  	s13 =	simm.s32 $0x14B98;
	s11 =	sadd.s32 $0x20, s1;
	s9 =	simm.s32 $0x14B10  }
0x4f0: {  	[hbm4b:s11+s3] =	stream.linear.scatter [tilespmem:s9], [sflag:$0x8], $0x80, $0x38;
	[tilespmem:$0x16C00] =	vst v63  }
0x4f1: {  	s0 =	simm.s32 $0x440;
	s31 =	sadd.s32 $0x30, s1;
	s6 =	simm.s32 $0x14C20  }
0x4f2: {  	[hbm4b:s31+s3] =	stream.linear.scatter [tilespmem:s13], [sflag:$0x8], $0x80, $0x38;
	[tilespmem:$0x16C00] =	vst v63  }
0x4f3: {  	s8 =	sadd.s32 $0x40, s1;
	s9 =	simm.s32 $0x14CA8;
	s11 =	sadd.s32 $0x50, s1  }
0x4f4: {  	[hbm4b:s8+s3] =	stream.linear.scatter [tilespmem:s6], [sflag:$0x8], $0x80, $0x38;
	[tilespmem:$0x16C00] =	vst v63  }
0x4f5: {  	s13 =	simm.s32 $0x14D30;
	s31 =	sadd.s32 $0x60, s1;
	s6 =	simm.s32 $0x14DB8  }
0x4f6: {  	v19 =	vmov v30;
	v13 =	vmov v20;
	[hbm4b:s11+s3] =	stream.linear.scatter [tilespmem:s9], [sflag:$0x8], $0x80, $0x38;
	[tilespmem:$0x16C00] =	vst v63  }
0x4f7: {  	v21 =	vmovc v28;
	v29 =	vmovc v31;
	v63 =	vmov v24;
	v7 =	vmov v14;
	v14 =	vmov v15;
	s8 =	sadd.s32 $0x70, s1;
	s1 =	sadd.s32 $0x4000, s1;
	s11 =	simm.s32 $0x2200  }
0x4f8: {  	v10 =	vmovc v11;
	v11 =	vmovc v26;
	v26 =	vmov v27;
	v8 =	vmov v22;
	v22 =	vmov v23;
	[hbm4b:s31+s3] =	stream.linear.scatter [tilespmem:s13], [sflag:$0x8], $0x80, $0x38;
	[tilespmem:$0x16C00] =	vst v63  }
.LBB2_23:
0x4f9: {  	[hbm4b:s8+s3] =	stream.linear.scatter [tilespmem:s6], [sflag:$0x8], $0x80, $0x38;
	[tilespmem:$0x16C00] =	vst v63  }
0x4fa: {  	s6 =	smov.u32 s0;
	s0 =	smov.u32 s11  }
0x4fb: {  	s9 =	sadd.s32 $0x1100, s11;
	s0 =	sshra.s32 s0, $0x2;
	s8 =	sadd.s32 $0x14A00, s6  }
0x4fc: {  	[hbm4b:s1+s3] =	stream.linear.scatter [tilespmem:s8], [sflag:$0x8], $0x80, $0x38;
	[tilespmem:$0x16C00] =	vst v63  }
0x4fd: {  	p0 =	sne.s32 s11, $0x7700;
	s11 =	sadd.s32 $0x10, s1;
	s8 =	sadd.s32 $0x14A88, s6  }
0x4fe: {  	[hbm4b:s11+s3] =	stream.linear.scatter [tilespmem:s8], [sflag:$0x8], $0x80, $0x38;
	[tilespmem:$0x16C00] =	vst v63  }
0x4ff: {  	s8 =	sadd.s32 $0x14B10, s6;
	s11 =	sadd.s32 $0x20, s1  }
0x500: {  	[hbm4b:s11+s3] =	stream.linear.scatter [tilespmem:s8], [sflag:$0x8], $0x80, $0x38;
	[tilespmem:$0x16C00] =	vst v63  }
0x501: {  	s8 =	sadd.s32 $0x14B98, s6;
	s11 =	sadd.s32 $0x30, s1  }
0x502: {  	[hbm4b:s11+s3] =	stream.linear.scatter [tilespmem:s8], [sflag:$0x8], $0x80, $0x38;
	[tilespmem:$0x16C00] =	vst v63  }
0x503: {  	s8 =	sadd.s32 $0x14C20, s6;
	s11 =	sadd.s32 $0x40, s1  }
0x504: {  	[hbm4b:s11+s3] =	stream.linear.scatter [tilespmem:s8], [sflag:$0x8], $0x80, $0x38;
	[tilespmem:$0x16C00] =	vst v63  }
.Ltmp13:
0x505: {  	s8 =	sadd.s32 $0x14CA8, s6;
	s11 =	sadd.s32 $0x50, s1;
	(pc) =	sbr.rel @p0 .LBB2_23-.Ltmp13, $4  }
0x506: {  	[hbm4b:s11+s3] =	stream.linear.scatter [tilespmem:s8], [sflag:$0x8], $0x80, $0x38;
	[tilespmem:$0x16C00] =	vst v63  }
0x507: {  	s8 =	sadd.s32 $0x14D30, s6;
	s11 =	sadd.s32 $0x60, s1;
	s6 =	sadd.s32 $0x14DB8, s6  }
0x508: {  	[hbm4b:s11+s3] =	stream.linear.scatter [tilespmem:s8], [sflag:$0x8], $0x80, $0x38;
	[tilespmem:$0x16C00] =	vst v63  }
0x509: {  	s8 =	sadd.s32 $0x70, s1;
	s1 =	sadd.s32 $0x4000, s1;
	s11 =	smov.u32 s9  }
0x50a: {  	[hbm4b:s8+s3] =	stream.linear.scatter [tilespmem:s6], [sflag:$0x8], $0x80, $0x38;
	[tilespmem:$0x16C00] =	vst v63  }
0x50b: {  	s11 =	sadd.s32 $0x14A00, s0  }
0x50c: {  	[hbm4b:s1+s3] =	stream.linear.scatter [tilespmem:s11], [sflag:$0x8], $0x80, $0x38;
	[tilespmem:$0x16C00] =	vst v63  }
0x50d: {  	s13 =	sadd.s32 $0x14A88, s0;
	s31 =	sadd.s32 $0x10, s1  }
0x50e: {  	[hbm4b:s31+s3] =	stream.linear.scatter [tilespmem:s13], [sflag:$0x8], $0x80, $0x38;
	[tilespmem:$0x16C00] =	vst v63  }
0x50f: {  	s9 =	sadd.s32 $0x14B10, s0;
	s11 =	sadd.s32 $0x20, s1  }
0x510: {  	[hbm4b:s11+s3] =	stream.linear.scatter [tilespmem:s9], [sflag:$0x8], $0x80, $0x38;
	[tilespmem:$0x16C00] =	vst v63  }
0x511: {  	s13 =	sadd.s32 $0x14B98, s0;
	s31 =	sadd.s32 $0x30, s1  }
0x512: {  	[hbm4b:s31+s3] =	stream.linear.scatter [tilespmem:s13], [sflag:$0x8], $0x80, $0x38;
	[tilespmem:$0x16C00] =	vst v63  }
0x513: {  	s9 =	sadd.s32 $0x14C20, s0;
	s11 =	sadd.s32 $0x40, s1  }
0x514: {  	[hbm4b:s11+s3] =	stream.linear.scatter [tilespmem:s9], [sflag:$0x8], $0x80, $0x38;
	[tilespmem:$0x16C00] =	vst v63  }
0x515: {  	s13 =	sadd.s32 $0x14CA8, s0;
	s31 =	sadd.s32 $0x50, s1  }
0x516: {  	[hbm4b:s31+s3] =	stream.linear.scatter [tilespmem:s13], [sflag:$0x8], $0x80, $0x38;
	[tilespmem:$0x16C00] =	vst v63  }
.Ltmp14:
0x517: {  	_ = 	snop;
	(pc) =	sbr.rel @p1 .LBB2_26-.Ltmp14, $4  }
0x518: {  	s9 =	sadd.s32 $0x14D30, s0;
	s11 =	sadd.s32 $0x60, s1  }
0x519: {  	[hbm4b:s11+s3] =	stream.linear.scatter [tilespmem:s9], [sflag:$0x8], $0x80, $0x38;
	[tilespmem:$0x16C00] =	vst v63  }
0x51a: {  	s13 =	sadd.s32 $0x14DB8, s0;
	s31 =	sadd.s32 $0x70, s1  }
0x51b: {  	[hbm4b:s31+s3] =	stream.linear.scatter [tilespmem:s13], [sflag:$0x8], $0x80, $0x38;
	[tilespmem:$0x16C00] =	vst v63  }
0x51c: {  	v28 =	vld [tilespmem:$0x1FE70]  }
0x51d: {  	v30 =	vld [tilespmem:$0x1FE10]  }
0x51e: {  	v32 =	vld [tilespmem:$0x1FE80]  }
0x51f: {  	v23 =	vld [tilespmem:$0x1FE90]  }
0x520: {  	v20 =	vld [tilespmem:$0x1FEA0]  }
0x521: {  	v25 =	vld [tilespmem:$0x1FEB0]  }
0x522: {  	v27 =	vld [tilespmem:$0x1FEC0]  }
.Ltmp15:
0x523: {  	v17 =	vld [tilespmem:$0x1FED0];
	(pc) =	sbr.rel .LBB2_2-.Ltmp15, $4  }
0x524: {  	s0 =	sshll.u32 s30, $0x9;
	v16 =	vld [tilespmem:$0x1FEE0]  }
0x525: {  	v24 =	vld [tilespmem:$0x1FEF0];
	s0 =	sand.u32 $0x3FFFFE00, s0  }
0x526: {  	s30 =	sadd.s32 $0x1, s30;
	v18 =	vld [tilespmem:$0x1FF00];
	s0 =	sadd.s32 $0x300, s0  }
0x527: {  	v31 =	vld [tilespmem:$0x1FF10];
	[tilespmem:s14], [sflag:$0x3] =	stream.indirect.gather [hbm4b:s5+s10], $0x40, s0, s10, $0xb8  }
.LBB2_27:
0x528: {  	_ =	sfence.sel $0x180000  }
0x529: {  	[bflag:$0x0] =	sbarrier.arrive $0xFFFF  }
0x52a: {  	_ =	strace $0x9000004A  }
0x52b: {  	s0 =	stileid.u32;
	[bflag:$0x2] =	sbarrier.arrive $0xFFFF  }
0x52c: {  	p0 =	sne.s32 s0, $0x0;
	s0 =	rddreg [dreg:$0x2]  }
0x52d: {  	s0 =	sadd.s32 @!p0 $0x100000, s0  }
0x52e: {  	[sflag:s0] =	ssyncadd.tile.s32 @!p0 $0x1;
	_ =	shalt  }
.Lfunc_end2:
_tile_overlayer_lowered:
.L_overlay_start_2:
0x52f: {  	(tag) =	ssettag $0x2  }
0x530: {  	s0 =	rddreg [dreg:$0x0];
	s2 =	stileid.u32  }
0x531: {  	s1 =	rddreg [dreg:$0x1];
	p0 =	sne.s32 s2, $0x0  }
0x532: {  	s3 =	rddreg [dreg:$0x2];
	[bflag:$0x3] =	sbarrier.arrive $0xFFFF;
	s2 =	simm.s32 @!p0 $0x1C09  }
0x533: {  	[timem:s3], [sflag:s2] =	dma.local @!p0 [hbm:s0], s1  }
0x534: {  	s0 =	simm.s32 @!p0 $0x9  }
0x535: {  	_ =	swait.ge @!p0 [sflag:s0], s1  }
0x536: {  	s1 =	ssub.s32 @!p0 $0x0, s1;
	[sflag:s0] =	ssyncset.done @!p0 $0x0  }
0x537: {  	[sflag:s0] =	ssyncadd.s32 @!p0 s1  }
0x538: {  	[bflag:$0x3] =	sbarrier.arrive $0xFFFF  }
0x539: {  	_ =	shalt  }

// kernel: sparse-core-data-format-call.cloned.1.call-start
scs
called_computation_lowered:
.L_overlay_start_0:
0x0: {  	s2 =	sld [smem:$0x3FD9]  }
0x1: {  	s3 =	sld [smem:$0x3FFE];
	_ =	sdelay $0x1  }
0x2: {  	s1 =	srdreg.scid  }
0x3: {  	s0 =	sand.u32 $0x1, s1  }
0x4: {  	s18 =	sshll.u32 s0, $0xA;
	s2 =	sadd.s32 s3, s2  }
0x5: {  	s2 =	sadd.s32 s2, s18  }
0x6: {  	[smem:$0x3FC6] =	sst s2  }
0x7: {  	_ = 	snop  }
0x8: {  	s2 =	sld [smem:$0x3FC8];
	(tm) =	ssettm $0x1  }
0x9: {  	s19 =	sld [smem:$0x3FFB];
	_ =	sdelay $0x3  }
0xa: {  	_ =	strace s19  }
0xb: {  	s3 =	sld [smem:$0x3FFC];
	_ =	sdelay $0x3  }
0xc: {  	_ =	strace s3  }
0xd: {  	s3 =	sld [smem:$0x3FFD];
	_ =	sdelay $0x3  }
0xe: {  	_ =	strace s3  }
0xf: {  	_ =	strace $0x8FFFFFFF  }
0x10: {  	s20 =	sld [smem:$0x3FDB];
	_ =	sdelay $0x1  }
0x11: {  	s4 =	simm.s32 $_scs_section_size  }
0x12: {  	s5 =	simm.s32 $_size__tile_overlayer_lowered;
	s6 =	simm.s32 $_tile_overlayer_lowered  }
0x13: {  	s23 =	simm.s32 $0x1BFF;
	s22 =	sshll.u32 s6, $0x1;
	s3 =	sadd.s32 s4, s20  }
0x14: {  	s7 =	simm.s32 $0x0;
	s21 =	sshll.u32 s5, $0x1;
	s5 =	sadd.s32 s22, s3  }
0x15: {  	[timem:s7], [sflag:s23] =	dma.local [hbm:s5], s21  }
0x16: {  	_ =	swait.ge [sflag:s23], s21  }
0x17: {  	s4 =	ssub.s32 $0x0, s21;
	[sflag:s23] =	ssyncset.done $0x0  }
0x18: {  	[sflag:s23] =	ssyncadd.s32 s4;
	_ =	sdelay $0x1  }
0x19: {  	s24 =	simm.s32 $0x1B8B  }
0x1a: {  	_ =	swait.ge [sflag:s24], $0x1  }
0x1b: {  	[sflag:s24] =	ssyncset.done $0x0  }
0x1c: {  	s26 =	simm.s32 $0x1B8E;
	s25 =	sld [smem:$0x3FFE];
	[sflag:s24] =	ssyncadd.s32 $0xFFFFFFFF  }
0x1d: {  	s27 =	simm.s32 $execute0_lowered;
	[smem:$0x3FD2] =	sst s26  }
0x1e: {  	s5 =	sshll.u32 s27, $0x1;
	_ =	strace $0x80000046;
	[dreg:$0x1] =	wrdreg $0xFFFFFFFF  }
0x1f: {  	s28 =	simm.s32 $_size_execute0_lowered;
	s3 =	sadd.s32 s3, s5;
	[dreg:$0x0] =	wrdreg $0x0  }
0x20: {  	s5 =	sshll.u32 s28, $0x1;
	[dreg:$0x2] =	wrdreg s3  }
0x21: {  	[dreg:$0x3] =	wrdreg s5  }
0x22: {  	[dreg:$0x4] =	wrdreg $0xC0  }
0x23: {  	_ =	task [dreg:s7], $0x5FFFF  }
0x24: {  	[dreg:$0x1] =	wrdreg $0xFFFFFFFF  }
0x25: {  	[dreg:$0x0] =	wrdreg $0x60  }
0x26: {  	[dreg:$0x2] =	wrdreg s2  }
0x27: {  	[dreg:$0x3] =	wrdreg s25  }
0x28: {  	[dreg:$0x4] =	wrdreg $0x9  }
0x29: {  	_ =	task.clear_ibuf [dreg:s7], $0x5FFFF;
	_ =	strace $0x90000046  }
0x2a: {  	s29 =	simm.s32 $0x9;
	_ =	strace $0x80000048  }
0x2b: {  	_ =	swait.ge [sflag:s29], $0x1  }
0x2c: {  	[sflag:s29] =	ssyncadd.s32 $0xFFFFFFFF  }
0x2d: {  	_ =	strace $0x90000048  }
0x2e: {  	_ =	sfence  }
0x2f: {  	s30 =	sld [smem:$0x0];
	_ =	sdelay $0x2  }
0x30: {  	s31 =	sshll.u32 s1, $0xD;
	s1 =	sshrl.u32 s1, $0x2  }
0x31: {  	s3 =	sand.u32 $0x4000, s31;
	s1 =	sadd.s32 s1, s30  }
0x32: {  	s0 =	sor.u32 s3, s0;
	s1 =	sshll.u32 s1, $0x11  }
0x33: {  	s0 =	sor.u32 s1, s0  }
0x34: {  	s0 =	sadd.s32 $0x8F2B, s0  }
0x35: {  	[sflag:s0] =	ssyncadd.remote.s32 $0x1  }
0x36: {  	_ =	sfence.sel $0xFFFF  }
0x37: {  	[dreg:$0x0] =	wrdreg $0xFFFFFFFF;
	(pc) =	sbr.abs _section_cstart, $3  }
0x38: {  	[dreg:$0x1] =	wrdreg $0xFFFFFFFF  }
0x39: {  	_ =	task.clear_ibuf [dreg:s7], $0x2FFFF;
	_ =	strace $0x9FFFFFFF  }
0x3a: {  	(tm) =	ssettm $0x7FFFFFFF  }
0x3b: {  	_ =	shalt  }
tec
execute0_lowered:
.L_overlay_start_1:
0x0: {  	(tag) =	ssettag $0x1  }
0x1: {  	s0 =	srdreg.scid;
	s2 =	rddreg [dreg:$0x0]  }
0x2: {  	s5 =	rddreg [dreg:$0x1];
	s1 =	stileid.u32  }
0x3: {  	s4 =	simm.s32 $0x1;
	s6 =	simm.s32 $0x2;
	s15 =	simm.s32 $0x0  }
0x4: {  	p0 =	por $0x0, $0x0;
	s8 =	simm.s32 $0x80;
	s0 =	sshll.u32 s0, $0x4  }
0x5: {  	s14 =	simm.s32 $0x0;
	s9 =	simm.s32 $0x0;
	s3 =	sand.u32 $0x10, s0  }
.Ltmp0:
0x6: {  	s10 =	simm.s32 $0x0;
	s3 =	sor.u32 s1, s3;
	(pc) =	sbr.rel .LBB1_1-.Ltmp0, $4  }
0x7: {  	s0 =	rddreg [dreg:$0x2];
	_ =	strace $0x80000047;
	s3 =	sshll.u32 s3, $0x7  }
0x8: {  	s12 =	simm.s32 $0x0;
	[sflag:s4] =	ssyncpa.u1 $0x0;
	s7 =	ssub.s32 $0xF4200, s3  }
0x9: {  	s13 =	simm.s32 $0x0;
	[sflag:s6] =	ssyncpa.u1 $0x0;
	s6 =	sshrl.u32 s7, $0xC  }
0xa: {  	s5 =	sadd.s32 $0xA00, s5;
	s11 =	smov.u32 s3;
	s7 =	sadd.s32 $0x2, s6  }
.LBB1_5:
0xb: {  	p1 =	slt.u32 s13, $0x2  }
0xc: {  	s17 =	smov.u32 s15;
	p2 =	sgt.s32 @!p1 s15, $0xF41C0;
	s16 =	sshra.s32 @!p1 s15, $0x1F  }
0xd: {  	p3 =	sgt.s32 @!p1 s14, $0x40;
	s18 =	sshra.s32 @!p1 s14, $0x1F;
	p2 =	por !p2, p1  }
0xe: {  	s15 =	sand.u32 @!p1 s16, s15;
	p3 =	por !p3, p1;
	s16 =	smov.u32 s14  }
0xf: {  	s14 =	sand.u32 @!p1 s18, s14;
	s17 =	simm.s32 @p2 $0xF41C0;
	s16 =	simm.s32 @p3 $0x40  }
0x10: {  	s15 =	ssub.s32 @!p1 s17, s15;
	s14 =	ssub.s32 @!p1 s16, s14  }
0x11: {  	s18 =	smov.u32 s12;
	s16 =	sadd.s32 @!p1 $0xFFF0BE40, s15;
	s17 =	sadd.s32 @!p1 $0xFFFFFFC0, s14  }
0x12: {  	s15 =	ssub.s32 @!p1 $0xF4240, s15;
	p2 =	sgt.s32 @!p1 s16, $0x7F;
	p3 =	sgt.s32 @!p1 s17, $0x3F  }
0x13: {  	s14 =	ssub.s32 @!p1 $0x80, s14;
	p2 =	por !p2, p1;
	p3 =	por !p3, p1  }
0x14: {  	s16 =	sadd.s32 $0x1000, s11;
	s15 =	simm.s32 @!p2 $0x0;
	s14 =	simm.s32 @!p3 $0x0  }
0x15: {  	p2 =	sgt.s32 s16, $0xF423F;
	s14 =	smul.u32 @!p1 s14, s15;
	s15 =	sadd.s32 $0x40, s12  }
0x16: {  	s18 =	smov.u32 @p2 s15  }
0x17: {  	s16 =	smov.u32 @p2 s3;
	p2 =	sgt.s32 s18, $0x3F  }
0x18: {  	s18 =	simm.s32 @p2 $0x0;
	p2 =	sne.s32 s13, s7  }
.Ltmp1:
0x19: {  	p0 =	por !p0, !p0;
	s17 =	simm.s32 @!p1 $0x2;
	(pc) =	sbr.rel @!p2 .LBB1_6-.Ltmp1, $4  }
0x1a: {  	s15 =	smov.u32 s9;
	s9 =	smov.u32 s11;
	s14 =	sand.u32 @!p1 $0x3FFFFFFF, s14  }
0x1b: {  	s11 =	smov.u32 s16;
	_ =	swait.ge @!p1 [sflag:s17], s14;
	s19 =	ssub.s32 @!p1 $0x0, s14  }
0x1c: {  	s14 =	smov.u32 s10;
	s13 =	sadd.s32 $0x1, s13;
	[sflag:s17] =	ssyncset.done @!p1 $0x0  }
0x1d: {  	s10 =	smov.u32 s12;
	s12 =	smov.u32 s18;
	[sflag:s17] =	ssyncadd.s32 @!p1 s19  }
.LBB1_1:
0x1e: {  	p1 =	sgt.u32 s13, s6  }
0x1f: {  	s16 =	sshrl.u32 @!p1 s12, $0x3  }
0x20: {  	s17 =	sshll.u32 @!p1 s11, $0x3;
	s16 =	smul.u32 @!p1 $0x7A1400, s16  }
0x21: {  	s18 =	sshll.u32 @!p1 s12, $0x7;
	s17 =	sand.u32 @!p1 $0xFFFFFC00, s17  }
0x22: {  	s16 =	sadd.s32 @!p1 s16, s17;
	s17 =	sand.u32 @!p1 $0x380, s18  }
0x23: {  	s18 =	sand.u32 @!p1 $0x7F, s11;
	s16 =	sor.u32 @!p1 s17, s16  }
0x24: {  	s17 =	sor.u32 @!p1 s18, s16  }
0x25: {  	s18 =	smulhi.u32 @!p1 $0x218D6287, s17;
	_ =	sdelay $0x1  }
0x26: {  	s16 =	smulhi.u32 @!p1 $0x218D6287, s16;
	s18 =	sshrl.u32 @!p1 s18, $0x11  }
0x27: {  	s18 =	smul.u32 @!p1 $0xF4280, s18  }
0x28: {  	s19 =	sxor.u32 @!p1 $0xFFFFFFFF, s13;
	s16 =	sshrl.u32 @!p1 s16, $0x11  }
0x29: {  	s19 =	sshll.u32 @!p1 s19, $0xD;
	s16 =	sand.u32 @!p1 $0x3F, s16;
	s17 =	ssub.s32 @!p1 s17, s18  }
0x2a: {  	s16 =	smul.u32 @!p1 $0x1E850, s16;
	s18 =	sshrl.u32 @!p1 s17, $0x3;
	s17 =	sand.u32 @!p1 $0x7, s17  }
0x2b: {  	s19 =	sand.u32 @!p1 $0x2000, s19;
	s18 =	sadd.s32 @!p1 s2, s18;
	s17 =	sshll.u32 @!p1 s17, $0x12  }
0x2c: {  	s16 =	sadd.s32 @!p1 s16, s18;
	s17 =	sor.u32 @!p1 $0x400, s17;
	s18 =	simm.s32 @!p1 $0x7A1400  }
0x2d: {  	[tilespmem:s19], [sflag:$0x1] =	stream.strided.gather @!p1 [hbm4b:s16+s17], $0x2000, s18, s17, $0x38;
	[tilespmem:$0x8100] =	vst v63  }
0x2e: {  	p1 =	seq.s32 s13, $0x0  }
0x2f: {  	p2 =	sge.u32 @!p1 s13, s7  }
0x30: {  	p1 =	por p1, p2  }
.Ltmp2:
0x31: {  	_ = 	snop;
	(pc) =	sbr.rel @p1 .LBB1_5-.Ltmp2, $1  }
0x32: {  	_ =	sdelay $0x3  }
0x33: {  	s16 =	simm.s32 $0x1  }
0x34: {  	_ =	swait.ge [sflag:s4], $0x2000;
	s16 =	simm.s32 @!p0 $0x0  }
0x35: {  	[sflag:s4] =	ssyncset.done $0x0;
	s17 =	sshll.u32 s16, $0xD  }
0x36: {  	[sflag:s4] =	ssyncadd.s32 $0xFFFFE000;
	s17 =	sor.u32 $0x40, s17  }
0x37: {  	s16 =	smul.u32 $0x8200, s16;
	v0 =	vld [tilespmem:s17+$0x30]  }
0x38: {  	v1 =	vld [tilespmem:s17+$0xFFFFFFD0]  }
0x39: {  	s16 =	sshrl.u32 s16, $0x2;
	v5 =	vld [tilespmem:s17+$0xFFFFFFE0]  }
0x3a: {  	v6 =	vld [tilespmem:s17+$0xFFFFFFF0];
	s19 =	sor.u32 $0x4000, s16  }
0x3b: {  	s31 =	sand.u32 $0x1, s13;
	v4 =	vld [tilespmem:s17+$0x0];
	s18 =	sadd.s32 $0x0, s19  }
0x3c: {  	v3 =	vld [tilespmem:s17+$0x10];
	s16 =	smul.u32 $0x8200, s31;
	[tilespmem:s18+$0x1C70 ss:$0x41] =	vst.msk $0xffff, v0  }
0x3d: {  	v2 =	vld [tilespmem:s17+$0x20];
	[tilespmem:s18+$0x410 ss:$0x41] =	vst.msk $0xffff, v1  }
0x3e: {  	s16 =	sshrl.u32 s16, $0x2;
	v1 =	vld [tilespmem:s17+$0xFFFFFFC0];
	[tilespmem:s18+$0x820 ss:$0x41] =	vst.msk $0xffff, v5;
	s17 =	sadd.s32 $0x80, s17  }
0x3f: {  	s20 =	simm.s32 $0x4;
	s21 =	simm.s32 $0x8;
	s16 =	sor.u32 $0x4000, s16;
	[tilespmem:s18+$0xC30 ss:$0x41] =	vst.msk $0xffff, v6;
	v0 =	vld [tilespmem:s17+$0x30]  }
.LBB1_3:
0x40: {  	p1 =	sne.s32 s21, $0xFC;
	v5 =	vld [tilespmem:s17+$0xFFFFFFD0];
	[tilespmem:s18+$0x1040 ss:$0x41] =	vst.msk $0xffff, v4  }
0x41: {  	v6 =	vld [tilespmem:s17+$0xFFFFFFE0];
	[tilespmem:s18+$0x1450 ss:$0x41] =	vst.msk $0xffff, v3  }
0x42: {  	s22 =	sshra.s32 s20, $0x2;
	s20 =	smov.u32 s21;
	v7 =	vld [tilespmem:s17+$0xFFFFFFF0];
	[tilespmem:s18+$0x1860 ss:$0x41] =	vst.msk $0xffff, v2  }
.Ltmp3:
0x43: {  	v4 =	vld [tilespmem:s17+$0x0];
	[tilespmem:s18+$0x0 ss:$0x41] =	vst.msk $0xffff, v1;
	s18 =	sadd.s32 s22, s19;
	(pc) =	sbr.rel @p1 .LBB1_3-.Ltmp3, $4  }
0x44: {  	v3 =	vld [tilespmem:s17+$0x10];
	[tilespmem:s18+$0x1C70 ss:$0x41] =	vst.msk $0xffff, v0  }
0x45: {  	[tilespmem:s18+$0x410 ss:$0x41] =	vst.msk $0xffff, v5;
	v2 =	vld [tilespmem:s17+$0x20]  }
0x46: {  	v1 =	vld [tilespmem:s17+$0xFFFFFFC0];
	[tilespmem:s18+$0x820 ss:$0x41] =	vst.msk $0xffff, v6;
	s17 =	sadd.s32 $0x80, s17  }
0x47: {  	s21 =	sadd.s32 $0x4, s21;
	v0 =	vld [tilespmem:s17+$0x30];
	[tilespmem:s18+$0xC30 ss:$0x41] =	vst.msk $0xffff, v7  }
0x48: {  	s21 =	sshll.u32 s9, $0x7;
	s22 =	sshll.u32 s10, $0x3;
	s20 =	sshra.s32 s20, $0x2  }
0x49: {  	p1 =	sgt.s32 s9, $0xF41C0;
	s30 =	sshra.s32 s9, $0x1F;
	s25 =	sshra.s32 s10, $0x1F  }
0x4a: {  	v5 =	vld [tilespmem:s17+$0xFFFFFFD0];
	s28 =	sshrl.u32 s10, $0x3;
	s23 =	sand.u32 $0xFFFFFC00, s21;
	s22 =	sand.u32 $0xFFFFFC00, s22  }
0x4b: {  	[tilespmem:s18+$0x1040 ss:$0x41] =	vst.msk $0xffff, v4;
	v58 =	vld [tilespmem:s17+$0xFFFFFFE0];
	s21 =	sand.u32 $0x380, s21;
	s19 =	sadd.s32 s20, s19;
	s22 =	sadd.s32 s22, s23  }
0x4c: {  	v59 =	vld [tilespmem:s17+$0xFFFFFFF0];
	[tilespmem:s18+$0x1450 ss:$0x41] =	vst.msk $0xffff, v3;
	s29 =	sor.u32 s21, s22;
	s21 =	smov.u32 s9;
	s22 =	sand.u32 s30, s9  }
0x4d: {  	v60 =	vld [tilespmem:s17+$0x0];
	[tilespmem:s18+$0x1860 ss:$0x41] =	vst.msk $0xffff, v2;
	s30 =	sand.u32 $0x7, s10;
	s20 =	sshrl.u32 s29, $0x7;
	s21 =	simm.s32 @!p1 $0xF41C0  }
0x4e: {  	v61 =	vld [tilespmem:s17+$0x10];
	[tilespmem:s18+$0x0 ss:$0x41] =	vst.msk $0xffff, v1;
	p1 =	sgt.s32 s10, $0x40;
	s24 =	ssub.s32 s21, s22;
	s21 =	smov.u32 s10  }
0x4f: {  	v62 =	vld [tilespmem:s17+$0x20];
	[tilespmem:s19+$0x1C70 ss:$0x41] =	vst.msk $0xffff, v0;
	s31 =	smulhi.u32 $0x218DEF5, s20;
	s22 =	sand.u32 s25, s10;
	s21 =	simm.s32 @!p1 $0x40  }
0x50: {  	v63 =	vld [tilespmem:s17+$0xFFFFFFC0];
	[tilespmem:s19+$0x410 ss:$0x41] =	vst.msk $0xffff, v5;
	s26 =	sadd.s32 $0xFFF0BE40, s24;
	s17 =	ssub.s32 $0xF4240, s24;
	s21 =	ssub.s32 s21, s22  }
0x51: {  	[tilespmem:s19+$0x820 ss:$0x41] =	vst.msk $0xffff, v58;
	s23 =	sshrl.u32 s31, $0xD;
	p1 =	sgt.s32 s26, $0x7F;
	s27 =	sadd.s32 $0xFFFFFFC0, s21  }
0x52: {  	[tilespmem:s19+$0xC30 ss:$0x41] =	vst.msk $0xffff, v59;
	s23 =	smul.u32 $0xF4240, s23;
	s18 =	ssub.s32 $0x80, s21;
	p2 =	sgt.s32 s27, $0x3F  }
.Ltmp4:
0x53: {  	[tilespmem:s19+$0x1040 ss:$0x41] =	vst.msk $0xffff, v60;
	s17 =	simm.s32 @p1 $0x0;
	s18 =	simm.s32 @p2 $0x0;
	(pc) =	sbr.rel .LBB1_5-.Ltmp4, $4  }
0x54: {  	s29 =	sand.u32 $0xF, s28;
	[tilespmem:s19+$0x1450 ss:$0x41] =	vst.msk $0xffff, v61;
	s20 =	ssub.s32 s20, s23;
	s17 =	smul.u32 s18, s17  }
0x55: {  	[tilespmem:s19+$0x1860 ss:$0x41] =	vst.msk $0xffff, v62;
	s21 =	sshll.u32 s30, $0x12;
	s20 =	sshll.u32 s20, $0x4;
	s18 =	sadd.s32 s5, s29  }
0x56: {  	[tilespmem:s19+$0x0 ss:$0x41] =	vst.msk $0xffff, v63;
	s31 =	sor.u32 $0x40, s21;
	s18 =	sadd.s32 s20, s18;
	s17 =	sand.u32 $0x3FFFFFFF, s17  }
0x57: {  	[hbm4b:s18+s31] =	stream.strided.scatter [tilespmem:s16], [sflag:$0x2], s17, s8, s31, $0x18;
	[tilespmem:$0x8100] =	vst v63  }
.LBB1_6:
0x58: {  	_ =	sfence.sel $0x180000  }
0x59: {  	s2 =	simm.s32 $0x1;
	[bflag:$0x0] =	sbarrier.arrive $0xFFFF  }
0x5a: {  	s31 =	simm.s32 $0x2;
	[sflag:s2] =	ssyncpa.u1 $0x1  }
0x5b: {  	[sflag:s31] =	ssyncpa.u1 $0x1  }
0x5c: {  	p0 =	sne.s32 s1, $0x0;
	_ =	strace $0x90000047  }
0x5d: {  	s0 =	sadd.s32 @!p0 $0x100000, s0;
	[bflag:$0x2] =	sbarrier.arrive $0xFFFF  }
0x5e: {  	[sflag:s0] =	ssyncadd.tile.s32 @!p0 $0x1;
	_ =	shalt  }
.Lfunc_end1:
_tile_overlayer_lowered:
.L_overlay_start_2:
0x5f: {  	(tag) =	ssettag $0x2  }
0x60: {  	s0 =	rddreg [dreg:$0x0];
	s2 =	stileid.u32  }
0x61: {  	s1 =	rddreg [dreg:$0x1];
	p0 =	sne.s32 s2, $0x0  }
0x62: {  	s3 =	rddreg [dreg:$0x2];
	[bflag:$0x3] =	sbarrier.arrive $0xFFFF;
	s2 =	simm.s32 @!p0 $0x1C01  }
0x63: {  	[timem:s3], [sflag:s2] =	dma.local @!p0 [hbm:s0], s1  }
0x64: {  	s0 =	simm.s32 @!p0 $0x1  }
0x65: {  	_ =	swait.ge @!p0 [sflag:s0], s1  }
0x66: {  	s1 =	ssub.s32 @!p0 $0x0, s1;
	[sflag:s0] =	ssyncset.done @!p0 $0x0  }
0x67: {  	[sflag:s0] =	ssyncadd.s32 @!p0 s1  }
0x68: {  	[bflag:$0x3] =	sbarrier.arrive $0xFFFF  }
0x69: {  	_ =	shalt  }

</sc_bundles>
